<compile_context>
chip_gen: v7x
topology: tpu7x:2x2x1
jax: 0.10.2.dev20260603
libtpu: 0.0.44.dev20260713+nightly
codegen_flags: <defaults>
</compile_context>

<pallas_src>
import functools
import jax
import jax.numpy as jnp
import numpy as np
from jax import lax
from jax.experimental import pallas as pl
from jax.experimental.pallas import tpu as pltpu
from jax.experimental.pallas import tpu_sc as plsc

N_ROWS = 96
ROW_LEN = 512 * 512
K_LO = 5243
K_HI = 256900

NC = 2
NS = 16
NW = NC * NS
ROWS_PER_W = N_ROWS // NW

CHUNK = 16384
NCH_A = (ROW_LEN // 2) // CHUNK
NCH_B = ROW_LEN // CHUNK
NBUF = 2
UNROLL = 4

NB0 = 16384
CAP = 32768

_MIN_I32 = np.int32(-2147483648)


def _zero(hist, nwords):
    z = jnp.zeros((16,), jnp.int32)

    def body(i, carry):
        for u in range(UNROLL):
            hist[pl.ds((i * UNROLL + u) * 16, 16)] = z
        return carry

    lax.fori_loop(0, nwords // (16 * UNROLL), body, 0)


def _find2(hist, nbins, k_a, k_b):
    iota = lax.iota(jnp.int32, 16)

    def body(i, c):
        tot, bin_a, r_a, c_a, bin_b, r_b, c_b = c
        v = hist[pl.ds(i * 16, 16)]
        cs = plsc.cumsum(v)
        vt = jnp.sum(v)
        excl = (tot + cs) - v
        newtot = tot + vt

        def pick(k, b_, r_, n_):
            hit = jnp.logical_and(tot <= k, k < newtot)
            sel = jnp.logical_and(excl <= k, k < excl + v)
            lane = jnp.sum(jnp.where(sel, iota, 0))
            rr = jnp.sum(jnp.where(sel, k - excl, 0))
            cc = jnp.sum(jnp.where(sel, v, 0))
            return (jnp.where(hit, i * 16 + lane, b_),
                    jnp.where(hit, rr, r_),
                    jnp.where(hit, cc, n_))

        bin_a, r_a, c_a = pick(k_a, bin_a, r_a, c_a)
        bin_b, r_b, c_b = pick(k_b, bin_b, r_b, c_b)
        return (newtot, bin_a, r_a, c_a, bin_b, r_b, c_b)

    z = jnp.int32(0)
    c = lax.fori_loop(0, nbins // 16, body, (z,) * 7)
    return c[1], c[2], c[3], c[4], c[5], c[6]


def _find1(hist, base, nbins, k):
    iota = lax.iota(jnp.int32, 16)

    def body(i, c):
        tot, bin_, r_ = c
        v = hist[pl.ds(base + i * 16, 16)]
        cs = plsc.cumsum(v)
        vt = jnp.sum(v)
        excl = (tot + cs) - v
        newtot = tot + vt
        hit = jnp.logical_and(tot <= k, k < newtot)
        sel = jnp.logical_and(excl <= k, k < excl + v)
        lane = jnp.sum(jnp.where(sel, iota, 0))
        rr = jnp.sum(jnp.where(sel, k - excl, 0))
        return (newtot,
                jnp.where(hit, i * 16 + lane, bin_),
                jnp.where(hit, rr, r_))

    z = jnp.int32(0)
    c = lax.fori_loop(0, nbins // 16, body, (z, z, z))
    return c[1], c[2]


def _sel_body(hpk_hbm, key_hbm, out_hbm, bufs, h_big, cb_lo, cb_hi, orow,
              sem0, sem1):
    wid = lax.axis_index("s") * NC + lax.axis_index("c")
    iota = lax.iota(jnp.int32, 16)
    ones = jnp.ones((16,), jnp.int32)
    sems = (sem0, sem1)

    def stream(src, base, n_chunks, carry0, update):

        def dma_start(ci, b):
            pltpu.make_async_copy(
                src.at[pl.ds(base + ci * CHUNK, CHUNK)],
                bufs.at[b], sems[b]).start()

        def dma_wait(b):
            pltpu.make_async_copy(
                src.at[pl.ds(base, CHUNK)], bufs.at[b], sems[b]).wait()

        def process(b, carry):
            def inner(i, c):
                for u in range(UNROLL):
                    v = bufs[b, pl.ds((i * UNROLL + u) * 16, 16)]
                    c = update(v, c, u)
                return c

            return lax.fori_loop(0, CHUNK // (16 * UNROLL), inner, carry)

        for b in range(NBUF - 1):
            dma_start(b, b)

        def g_body(g, carry):
            for b in range(NBUF):
                ci = g * NBUF + b
                dma_start(jnp.minimum(ci + NBUF - 1, n_chunks - 1),
                          (b + NBUF - 1) % NBUF)
                dma_wait(b)
                carry = process(b, carry)
            return carry

        carry = lax.fori_loop(0, n_chunks // NBUF, g_body, carry0)
        for b in range(NBUF - 1):
            dma_wait(b)
        return carry

    def do_row(j, carry):
        row = wid * ROWS_PER_W + j
        base_a = row * (ROW_LEN // 2)
        base_b = row * ROW_LEN

        _zero(h_big, NB0)

        def upd_a(v, c, u):
            d_lo = jnp.bitwise_and(v, jnp.int32(0xFFFF))
            d_hi = lax.shift_right_logical(v, 16)
            plsc.addupdate_scatter(h_big, [d_lo], ones)
            plsc.addupdate_scatter(h_big, [d_hi], ones)
            return c

        stream(hpk_hbm, base_a, NCH_A, 0, upd_a)

        b0_lo, r_lo, c_lo, b0_hi, r_hi, c_hi = _find2(
            h_big, NB0, jnp.int32(K_LO), jnp.int32(K_HI))

        def upd_b(v, c, u):
            ofs_l, ofs_h = c
            hi = lax.shift_right_logical(v, 18)
            val = jnp.bitwise_and(v, jnp.int32(0x3FFFF))
            ml = hi == b0_lo
            mh = hi == b0_hi
            plsc.store_compressed(cb_lo.at[pl.ds(ofs_l, 16)], val, mask=ml)
            plsc.store_compressed(cb_hi.at[pl.ds(ofs_h, 16)], val, mask=mh)
            pl_ = plsc.all_reduce_population_count(ml)[0]
            ph_ = plsc.all_reduce_population_count(mh)[0]
            return (jnp.minimum(ofs_l + pl_, jnp.int32(CAP)),
                    jnp.minimum(ofs_h + ph_, jnp.int32(CAP)))

        stream(key_hbm, base_b, NCH_B, (jnp.int32(0), jnp.int32(0)), upd_b)

        def mini(cbuf, m, r):
            _zero(h_big, 1024)
            nv = lax.div(m + 15, jnp.int32(16))

            def p1(i, c):
                v = cbuf[pl.ds(i * 16, 16)]
                lm = (iota + i * 16) < m
                d = lax.shift_right_logical(v, 9)
                plsc.addupdate_scatter(h_big, [d], ones, mask=lm)
                return c

            lax.fori_loop(0, nv, p1, 0)
            b1, r2 = _find1(h_big, 0, 512, r)

            def p2(i, c):
                v = cbuf[pl.ds(i * 16, 16)]
                lm = (iota + i * 16) < m
                mid = lax.shift_right_logical(v, 9)
                d2 = jnp.bitwise_and(v, jnp.int32(0x1FF)) + jnp.int32(512)
                plsc.addupdate_scatter(
                    h_big, [d2], ones,
                    mask=jnp.logical_and(lm, mid == b1))
                return c

            lax.fori_loop(0, nv, p2, 0)
            b2, _ = _find1(h_big, 512, 512, r2)
            return jnp.bitwise_or(lax.shift_left(b1, 9), b2)

        def fallback(b0, r):
            _zero(h_big, 1024)

            def f1(v, c, u):
                hi = lax.shift_right_logical(v, 18)
                d = jnp.bitwise_and(lax.shift_right_logical(v, 9),
                                    jnp.int32(0x1FF))
                plsc.addupdate_scatter(h_big, [d], ones, mask=(hi == b0))
                return c

            stream(key_hbm, base_b, NCH_B, 0, f1)
            b1, r2 = _find1(h_big, 0, 512, r)

            def f2(v, c, u):
                hi = lax.shift_right_logical(v, 18)
                mid = jnp.bitwise_and(lax.shift_right_logical(v, 9),
                                      jnp.int32(0x1FF))
                d2 = jnp.bitwise_and(v, jnp.int32(0x1FF)) + jnp.int32(512)
                plsc.addupdate_scatter(
                    h_big, [d2], ones,
                    mask=jnp.logical_and(hi == b0, mid == b1))
                return c

            stream(key_hbm, base_b, NCH_B, 0, f2)
            b2, _ = _find1(h_big, 512, 512, r2)
            return jnp.bitwise_or(lax.shift_left(b1, 9), b2)

        lo18_lo = lax.cond(c_lo <= CAP,
                           lambda _: mini(cb_lo, c_lo, r_lo),
                           lambda _: fallback(b0_lo, r_lo), 0)
        lo18_hi = lax.cond(c_hi <= CAP,
                           lambda _: mini(cb_hi, c_hi, r_hi),
                           lambda _: fallback(b0_hi, r_hi), 0)

        k_lo = jnp.bitwise_or(lax.shift_left(b0_lo, 18), lo18_lo)
        k_hi = jnp.bitwise_or(lax.shift_left(b0_hi, 18), lo18_hi)

        kvec = jnp.where(iota == 0, k_lo, jnp.where(iota == 1, k_hi, 0))
        bvec = jnp.where(kvec < 0, kvec ^ _MIN_I32, ~kvec)
        fvec = plsc.bitcast(bvec, jnp.float32)
        orow[...] = fvec
        pltpu.sync_copy(orow, out_hbm.at[pl.ds(row * 16, 16)])
        return carry

    lax.fori_loop(0, ROWS_PER_W, do_row, 0)


_select = functools.partial(
    pl.kernel,
    out_type=jax.ShapeDtypeStruct((N_ROWS * 16,), jnp.float32),
    mesh=plsc.VectorSubcoreMesh(core_axis_name="c", subcore_axis_name="s"),
    scratch_types=[
        pltpu.VMEM((NBUF, CHUNK), jnp.int32),
        pltpu.VMEM((NB0,), jnp.int32),
        pltpu.VMEM((CAP + 16,), jnp.int32),
        pltpu.VMEM((CAP + 16,), jnp.int32),
        pltpu.VMEM((16,), jnp.float32),
        pltpu.SemaphoreType.DMA,
        pltpu.SemaphoreType.DMA,
    ],
    compiler_params=pltpu.CompilerParams(needs_layout_passes=False),
)(_sel_body)


def _prep_body(x_ref, key_ref, hpk_ref, mm_ref):
    xb = x_ref[...]
    b = lax.bitcast_convert_type(xb, jnp.int32)
    key = b ^ (lax.shift_right_arithmetic(b, 31) | _MIN_I32)
    key_ref[...] = key
    hi_a = lax.shift_right_logical(key[:, :256, :], 18)
    hi_b = lax.shift_right_logical(key[:, 256:, :], 18)
    hpk_ref[...] = jnp.bitwise_or(hi_a, lax.shift_left(hi_b, 16))
    l = lax.broadcasted_iota(jnp.int32, (1, 1, 128), 2)
    mm_ref[...] = jnp.where(l == 0, jnp.min(xb),
                            jnp.where(l == 1, jnp.max(xb), jnp.float32(0.0)))


def _norm_body(sc_ref, mm_ref, x_ref, o_ref):
    sc = sc_ref[...]
    mm = mm_ref[...]
    v_lo = sc[:, 0:1]
    v_hi = sc[:, 1:2]
    v_mn = mm[:, 0:1]
    v_mx = mm[:, 1:2]
    same = v_hi == v_lo
    top0 = jnp.where(same, v_mx, v_hi)
    bot0 = jnp.where(same, v_mn, v_lo)
    all_black = jnp.any(top0 == 0.0)
    all_const = jnp.any(top0 == bot0)
    top = jnp.where(all_black, jnp.float32(1.0), top0)
    bot = jnp.where(jnp.logical_and(jnp.logical_not(all_black), all_const),
                    jnp.float32(0.0), bot0)
    r = pl.program_id(0)
    rows = lax.broadcasted_iota(jnp.int32, (N_ROWS, 1), 0)
    sel = rows == r
    top_r = jnp.sum(jnp.where(sel, top, 0.0))
    bot_r = jnp.sum(jnp.where(sel, bot, 0.0))
    xb = x_ref[...]
    o_ref[...] = jnp.clip((xb - bot_r) / (top_r - bot_r), 0.0, 1.0)


@jax.jit
def kernel(x):
    key, hpk, mm = pl.pallas_call(
        _prep_body,
        grid=(N_ROWS,),
        in_specs=[pl.BlockSpec((1, 512, 512), lambda i: (i, 0, 0))],
        out_specs=[
            pl.BlockSpec((1, 512, 512), lambda i: (i, 0, 0)),
            pl.BlockSpec((1, 256, 512), lambda i: (i, 0, 0)),
            pl.BlockSpec((1, 1, 128), lambda i: (i, 0, 0)),
        ],
        out_shape=(
            jax.ShapeDtypeStruct((N_ROWS, 512, 512), jnp.int32),
            jax.ShapeDtypeStruct((N_ROWS, 256, 512), jnp.int32),
            jax.ShapeDtypeStruct((N_ROWS, 1, 128), jnp.float32),
        ),
    )(x)
    sc = _select(hpk.reshape(-1), key.reshape(-1)).reshape(N_ROWS, 16)
    sc_pad = jnp.concatenate(
        [sc, jnp.zeros((N_ROWS, 112), jnp.float32)], axis=1)
    return pl.pallas_call(
        _norm_body,
        grid=(N_ROWS,),
        in_specs=[
            pl.BlockSpec((N_ROWS, 128), lambda i: (0, 0)),
            pl.BlockSpec((N_ROWS, 128), lambda i: (0, 0)),
            pl.BlockSpec((1, 512, 512), lambda i: (i, 0, 0)),
        ],
        out_specs=pl.BlockSpec((1, 512, 512), lambda i: (i, 0, 0)),
        out_shape=jax.ShapeDtypeStruct(x.shape, jnp.float32),
    )(sc_pad, mm.reshape(N_ROWS, 128), x)

# --- scband reference (transcript-rebuilt; emitter-appended) ---
"""Pipeline reference for scband-pctile-chauhan-12781822673550 (READ-ONLY COPY).

The authoritative reference and input builder live on the scoring server;
editing this copy changes nothing except your own understanding.
"""

import jax, jax.numpy as jnp
import numpy as np

PCT = 0.02


def setup_inputs(seed: int = 0) -> dict:
    key = jax.random.key(seed)
    x = jax.random.normal(key, (96, 512, 512), dtype=jnp.float32)
    return {"x": x}


def reference(x):
    pct = PCT
    if x.shape[0] > 1:
        img = x.reshape(-1, x.shape[1] * x.shape[2])
        axis = 1
    else:
        img = x
        axis = None
    x_top_pct = jnp.quantile(img, 1.0 - pct, axis=axis, method='nearest')
    x_bottom_pct = jnp.quantile(img, pct, axis=axis, method='nearest')
    same_div = x_top_pct == x_bottom_pct
    # torch code only recomputes when same_div.any(); applying where unconditionally
    # is equivalent because where(False, a, b) == b
    x_top_pct = jnp.where(same_div, jnp.quantile(img, 1.0, axis=axis, method='nearest'), x_top_pct)
    x_bottom_pct = jnp.where(same_div, jnp.quantile(img, 0.0, axis=axis, method='nearest'), x_bottom_pct)
    all_black = jnp.any(x_top_pct == 0.0)
    all_constant = jnp.any(x_top_pct == x_bottom_pct)
    # torch: if all_black: top <- 1.0 everywhere; elif all_constant: bottom <- 0.0 everywhere
    x_top_pct = jnp.where(all_black, jnp.float32(1.0), x_top_pct)
    x_bottom_pct = jnp.where(jnp.logical_and(jnp.logical_not(all_black), all_constant), jnp.float32(0.0), x_bottom_pct)
    xp = jnp.transpose(x, (1, 2, 0))
    out = jnp.clip((xp - x_bottom_pct) / (x_top_pct - x_bottom_pct), 0.0, 1.0)
    return jnp.transpose(out, (2, 0, 1))

if __name__ == "__main__":
    import jax
    _d = setup_inputs()
    print(jax.jit(kernel)(*tuple(_d.values())))

</pallas_src>

<mosaic_0001>
#map = affine_map<(d0, d1) -> (0)>
module attributes {stable_mosaic.version = 14 : i64} {
  func.func @_sel_body(%arg0: i32, %arg1: i32, %arg2: memref<12582912xi32, #tpu.memory_space<hbm>>, %arg3: memref<25165824xi32, #tpu.memory_space<hbm>>, %arg4: memref<1536xf32, #tpu.memory_space<hbm>>, %arg5: memref<2x16384xi32, #tpu.memory_space<vmem>>, %arg6: memref<16384xi32, #tpu.memory_space<vmem>>, %arg7: memref<32784xi32, #tpu.memory_space<vmem>>, %arg8: memref<32784xi32, #tpu.memory_space<vmem>>, %arg9: memref<16xf32, #tpu.memory_space<vmem>>, %arg10: memref<!tpu.dma_semaphore, #tpu.memory_space<semaphore_mem>>, %arg11: memref<!tpu.dma_semaphore, #tpu.memory_space<semaphore_mem>>) attributes {dimension_semantics = [#tpu.dimension_semantics<core_parallel>, #tpu.dimension_semantics<subcore_parallel>], iteration_bounds = array<i64: 2, 16>, scalar_prefetch = 0 : i64, scratch_operands = 7 : i64, tpu.core_type = #tpu.core_type<sc_vector_subcore>, window_params = [{transform_indices = #map}, {transform_indices = #map}, {transform_indices = #map}]} {
    %mul3A = arith.constant 2 : i32
    %mul3A_0 = arith.muli %arg1, %mul3A : i32
    %add3A = arith.addi %mul3A_0, %arg0 : i32
    %iota3A = tpu.iota {dimensions = array<i32: 0>} : vector<16xi32>
    %broadcast_in_dim3A = arith.constant 1 : i32
    %broadcast_in_dim3A_1 = vector.broadcast %broadcast_in_dim3A : i32 to vector<16xi32>
    %scan3A = arith.constant 0 : i32
    %scan3A_2 = arith.constant 0 : i32
    %scan3A_3 = arith.constant 3 : i32
    %scan3A_4 = arith.addi %scan3A_2, %scan3A_3 : i32
    %scan3A_5 = arith.constant 1 : i32
    scf.for %scan3A_7 = %scan3A_2 to %scan3A_4 step %scan3A_5  : i32 {
      %mul3A_8 = arith.constant 3 : i32
      %mul3A_9 = arith.muli %add3A, %mul3A_8 : i32
      %add3A_10 = arith.addi %mul3A_9, %scan3A_7 : i32
      %mul3A_11 = arith.constant 131072 : i32
      %mul3A_12 = arith.muli %add3A_10, %mul3A_11 : i32
      %mul3A_13 = arith.constant 262144 : i32
      %mul3A_14 = arith.muli %add3A_10, %mul3A_13 : i32
      %broadcast_in_dim3A_15 = arith.constant 0 : i32
      %broadcast_in_dim3A_16 = vector.broadcast %broadcast_in_dim3A_15 : i32 to vector<16xi32>
      %scan3A_17 = arith.constant 0 : i32
      %scan3A_18 = arith.constant 0 : i32
      %scan3A_19 = arith.constant 256 : i32
      %scan3A_20 = arith.addi %scan3A_18, %scan3A_19 : i32
      %scan3A_21 = arith.constant 1 : i32
      scf.for %scan3A_124 = %scan3A_18 to %scan3A_20 step %scan3A_21  : i32 {
        %mul3A_125 = arith.constant 4 : i32
        %mul3A_126 = arith.muli %scan3A_124, %mul3A_125 : i32
        %add3A_127 = arith.constant 0 : i32
        %add3A_128 = arith.addi %mul3A_126, %add3A_127 : i32
        %mul3A_129 = arith.constant 16 : i32
        %mul3A_130 = arith.muli %add3A_128, %mul3A_129 : i32
        %swap3A_131 = arith.index_cast %mul3A_130 : i32 to index
        %swap3A_132 = tpu.vector_load %arg6[%swap3A_131] {strides = array<i32>} : memref<16384xi32, #tpu.memory_space<vmem>>, vector<16xi32>,
        tpu.vector_store %arg6[%swap3A_131], %broadcast_in_dim3A_16 {strides = array<i32>} : memref<16384xi32, #tpu.memory_space<vmem>>, vector<16xi32>,
        %mul3A_133 = arith.constant 4 : i32
        %mul3A_134 = arith.muli %scan3A_124, %mul3A_133 : i32
        %add3A_135 = arith.constant 1 : i32
        %add3A_136 = arith.addi %mul3A_134, %add3A_135 : i32
        %mul3A_137 = arith.constant 16 : i32
        %mul3A_138 = arith.muli %add3A_136, %mul3A_137 : i32
        %swap3A_139 = arith.index_cast %mul3A_138 : i32 to index
        %swap3A_140 = tpu.vector_load %arg6[%swap3A_139] {strides = array<i32>} : memref<16384xi32, #tpu.memory_space<vmem>>, vector<16xi32>,
        tpu.vector_store %arg6[%swap3A_139], %broadcast_in_dim3A_16 {strides = array<i32>} : memref<16384xi32, #tpu.memory_space<vmem>>, vector<16xi32>,
        %mul3A_141 = arith.constant 4 : i32
        %mul3A_142 = arith.muli %scan3A_124, %mul3A_141 : i32
        %add3A_143 = arith.constant 2 : i32
        %add3A_144 = arith.addi %mul3A_142, %add3A_143 : i32
        %mul3A_145 = arith.constant 16 : i32
        %mul3A_146 = arith.muli %add3A_144, %mul3A_145 : i32
        %swap3A_147 = arith.index_cast %mul3A_146 : i32 to index
        %swap3A_148 = tpu.vector_load %arg6[%swap3A_147] {strides = array<i32>} : memref<16384xi32, #tpu.memory_space<vmem>>, vector<16xi32>,
        tpu.vector_store %arg6[%swap3A_147], %broadcast_in_dim3A_16 {strides = array<i32>} : memref<16384xi32, #tpu.memory_space<vmem>>, vector<16xi32>,
        %mul3A_149 = arith.constant 4 : i32
        %mul3A_150 = arith.muli %scan3A_124, %mul3A_149 : i32
        %add3A_151 = arith.constant 3 : i32
        %add3A_152 = arith.addi %mul3A_150, %add3A_151 : i32
        %mul3A_153 = arith.constant 16 : i32
        %mul3A_154 = arith.muli %add3A_152, %mul3A_153 : i32
        %swap3A_155 = arith.index_cast %mul3A_154 : i32 to index
        %swap3A_156 = tpu.vector_load %arg6[%swap3A_155] {strides = array<i32>} : memref<16384xi32, #tpu.memory_space<vmem>>, vector<16xi32>,
        tpu.vector_store %arg6[%swap3A_155], %broadcast_in_dim3A_16 {strides = array<i32>} : memref<16384xi32, #tpu.memory_space<vmem>>, vector<16xi32>,
      }
      %scan3A_22 = arith.constant 256 : i32
      %add3A_23 = arith.constant 0 : i32
      %add3A_24 = arith.addi %mul3A_12, %add3A_23 : i32
      %dma_start3A = arith.constant 0 : i32
      %dma_start3A_25 = arith.constant 0 : i32
      %dma_start3A_26 = tpu.memref_slice %arg5[%dma_start3A, %dma_start3A_25] : memref<2x16384xi32, #tpu.memory_space<vmem>> -> memref<1x16384xi32, #tpu.memory_space<vmem>>
      %dma_start3A_27 = tpu.memref_squeeze %dma_start3A_26 : memref<1x16384xi32, #tpu.memory_space<vmem>> -> memref<16384xi32, #tpu.memory_space<vmem>>
      %dma_start3A_28 = tpu.memref_slice %arg2[%add3A_24] : memref<12582912xi32, #tpu.memory_space<hbm>> -> memref<16384xi32, #tpu.memory_space<hbm>>
      %dma_start3A_29 = arith.constant 0 : i32
      %dma_start3A_30 = tpu.memref_slice %arg5[%dma_start3A, %dma_start3A_29] : memref<2x16384xi32, #tpu.memory_space<vmem>> -> memref<1x16384xi32, #tpu.memory_space<vmem>>
      %dma_start3A_31 = tpu.memref_squeeze %dma_start3A_30 : memref<1x16384xi32, #tpu.memory_space<vmem>> -> memref<16384xi32, #tpu.memory_space<vmem>>
      %dma_start3A_32 = tpu.memref_slice %arg2[%add3A_24] : memref<12582912xi32, #tpu.memory_space<hbm>> -> memref<16384xi32, #tpu.memory_space<hbm>>
      tpu.enqueue_dma source(%dma_start3A_32 : memref<16384xi32, #tpu.memory_space<hbm>>) target(%dma_start3A_31 : memref<16384xi32, #tpu.memory_space<vmem>>) target_semaphore(%arg10 : memref<!tpu.dma_semaphore, #tpu.memory_space<semaphore_mem>>)
      %scan3A_33 = arith.constant 0 : i32
      %scan3A_34 = arith.constant 0 : i32
      %scan3A_35 = arith.constant 4 : i32
      %scan3A_36 = arith.addi %scan3A_34, %scan3A_35 : i32
      %scan3A_37 = arith.constant 1 : i32
      scf.for %scan3A_124 = %scan3A_34 to %scan3A_36 step %scan3A_37  : i32 {
        %mul3A_125 = arith.constant 2 : i32
        %mul3A_126 = arith.muli %scan3A_124, %mul3A_125 : i32
        %add3A_127 = arith.constant 0 : i32
        %add3A_128 = arith.addi %mul3A_126, %add3A_127 : i32
        %add3A_129 = arith.constant 2 : i32
        %add3A_130 = arith.addi %add3A_128, %add3A_129 : i32
        %sub3A = arith.constant 1 : i32
        %sub3A_131 = arith.subi %add3A_130, %sub3A : i32
        %min3A = arith.constant 7 : i32
        %min3A_132 = arith.minsi %sub3A_131, %min3A : i32
        %mul3A_133 = arith.constant 16384 : i32
        %mul3A_134 = arith.muli %min3A_132, %mul3A_133 : i32
        %add3A_135 = arith.addi %mul3A_12, %mul3A_134 : i32
        %dma_start3A_136 = arith.constant 1 : i32
        %dma_start3A_137 = arith.constant 0 : i32
        %dma_start3A_138 = tpu.memref_slice %arg5[%dma_start3A_136, %dma_start3A_137] : memref<2x16384xi32, #tpu.memory_space<vmem>> -> memref<1x16384xi32, #tpu.memory_space<vmem>>
        %dma_start3A_139 = tpu.memref_squeeze %dma_start3A_138 : memref<1x16384xi32, #tpu.memory_space<vmem>> -> memref<16384xi32, #tpu.memory_space<vmem>>
        %dma_start3A_140 = tpu.memref_slice %arg2[%add3A_135] : memref<12582912xi32, #tpu.memory_space<hbm>> -> memref<16384xi32, #tpu.memory_space<hbm>>
        %dma_start3A_141 = arith.constant 0 : i32
        %dma_start3A_142 = tpu.memref_slice %arg5[%dma_start3A_136, %dma_start3A_141] : memref<2x16384xi32, #tpu.memory_space<vmem>> -> memref<1x16384xi32, #tpu.memory_space<vmem>>
        %dma_start3A_143 = tpu.memref_squeeze %dma_start3A_142 : memref<1x16384xi32, #tpu.memory_space<vmem>> -> memref<16384xi32, #tpu.memory_space<vmem>>
        %dma_start3A_144 = tpu.memref_slice %arg2[%add3A_135] : memref<12582912xi32, #tpu.memory_space<hbm>> -> memref<16384xi32, #tpu.memory_space<hbm>>
        tpu.enqueue_dma source(%dma_start3A_144 : memref<16384xi32, #tpu.memory_space<hbm>>) target(%dma_start3A_143 : memref<16384xi32, #tpu.memory_space<vmem>>) target_semaphore(%arg11 : memref<!tpu.dma_semaphore, #tpu.memory_space<semaphore_mem>>)
        %dma_wait3A_145 = arith.constant 0 : i32
        %dma_wait3A_146 = arith.constant 0 : i32
        %dma_wait3A_147 = tpu.memref_slice %arg5[%dma_wait3A_145, %dma_wait3A_146] : memref<2x16384xi32, #tpu.memory_space<vmem>> -> memref<1x16384xi32, #tpu.memory_space<vmem>>
        %dma_wait3A_148 = tpu.memref_squeeze %dma_wait3A_147 : memref<1x16384xi32, #tpu.memory_space<vmem>> -> memref<16384xi32, #tpu.memory_space<vmem>>
        %dma_wait3A_149 = tpu.memref_slice %arg2[%mul3A_12] : memref<12582912xi32, #tpu.memory_space<hbm>> -> memref<16384xi32, #tpu.memory_space<hbm>>
        %dma_wait3A_150 = arith.constant 0 : i32
        %dma_wait3A_151 = tpu.memref_slice %arg5[%dma_wait3A_145, %dma_wait3A_150] : memref<2x16384xi32, #tpu.memory_space<vmem>> -> memref<1x16384xi32, #tpu.memory_space<vmem>>
        %dma_wait3A_152 = tpu.memref_squeeze %dma_wait3A_151 : memref<1x16384xi32, #tpu.memory_space<vmem>> -> memref<16384xi32, #tpu.memory_space<vmem>>
        %dma_wait3A_153 = tpu.memref_slice %arg2[%mul3A_12] : memref<12582912xi32, #tpu.memory_space<hbm>> -> memref<16384xi32, #tpu.memory_space<hbm>>
        tpu.wait_dma2 semaphore(%arg10 : memref<!tpu.dma_semaphore, #tpu.memory_space<semaphore_mem>>) src(%dma_wait3A_153 : memref<16384xi32, #tpu.memory_space<hbm>>) dst(%dma_wait3A_152 : memref<16384xi32, #tpu.memory_space<vmem>>)
        %scan3A_154 = arith.constant 0 : i32
        %scan3A_155 = arith.constant 256 : i32
        %scan3A_156 = arith.addi %scan3A_154, %scan3A_155 : i32
        %scan3A_157 = arith.constant 1 : i32
        scf.for %scan3A_195 = %scan3A_154 to %scan3A_156 step %scan3A_157  : i32 {
          %mul3A_196 = arith.constant 4 : i32
          %mul3A_197 = arith.muli %scan3A_195, %mul3A_196 : i32
          %add3A_198 = arith.constant 0 : i32
          %add3A_199 = arith.addi %mul3A_197, %add3A_198 : i32
          %mul3A_200 = arith.constant 16 : i32
          %mul3A_201 = arith.muli %add3A_199, %mul3A_200 : i32
          %get3A = arith.constant 0 : i32
          %get3A_202 = arith.index_cast %get3A : i32 to index
          %get3A_203 = arith.index_cast %mul3A_201 : i32 to index
          %get3A_204 = tpu.vector_load %arg5[%get3A_202, %get3A_203] {strides = array<i32>} : memref<2x16384xi32, #tpu.memory_space<vmem>>, vector<16xi32>,
          %and3A = arith.constant 65535 : i32
          %and3A_205 = vector.broadcast %and3A : i32 to vector<16xi32>
          %and3A_206 = arith.andi %get3A_204, %and3A_205 : vector<16xi32>
          %shift_right_logical3A = arith.constant 16 : i32
          %shift_right_logical3A_207 = vector.broadcast %shift_right_logical3A : i32 to vector<16xi32>
          %shift_right_logical3A_208 = arith.shrui %get3A_204, %shift_right_logical3A_207 : vector<16xi32>
          tpu.vector_store_idx %arg6[%and3A_206], %broadcast_in_dim3A_1 {add = true} : memref<16384xi32, #tpu.memory_space<vmem>>[vector<16xi32>], vector<16xi32>,
          tpu.vector_store_idx %arg6[%shift_right_logical3A_208], %broadcast_in_dim3A_1 {add = true} : memref<16384xi32, #tpu.memory_space<vmem>>[vector<16xi32>], vector<16xi32>,
          %mul3A_209 = arith.constant 4 : i32
          %mul3A_210 = arith.muli %scan3A_195, %mul3A_209 : i32
          %add3A_211 = arith.constant 1 : i32
          %add3A_212 = arith.addi %mul3A_210, %add3A_211 : i32
          %mul3A_213 = arith.constant 16 : i32
          %mul3A_214 = arith.muli %add3A_212, %mul3A_213 : i32
          %get3A_215 = arith.constant 0 : i32
          %get3A_216 = arith.index_cast %get3A_215 : i32 to index
          %get3A_217 = arith.index_cast %mul3A_214 : i32 to index
          %get3A_218 = tpu.vector_load %arg5[%get3A_216, %get3A_217] {strides = array<i32>} : memref<2x16384xi32, #tpu.memory_space<vmem>>, vector<16xi32>,
          %and3A_219 = arith.constant 65535 : i32
          %and3A_220 = vector.broadcast %and3A_219 : i32 to vector<16xi32>
          %and3A_221 = arith.andi %get3A_218, %and3A_220 : vector<16xi32>
          %shift_right_logical3A_222 = arith.constant 16 : i32
          %shift_right_logical3A_223 = vector.broadcast %shift_right_logical3A_222 : i32 to vector<16xi32>
          %shift_right_logical3A_224 = arith.shrui %get3A_218, %shift_right_logical3A_223 : vector<16xi32>
          tpu.vector_store_idx %arg6[%and3A_221], %broadcast_in_dim3A_1 {add = true} : memref<16384xi32, #tpu.memory_space<vmem>>[vector<16xi32>], vector<16xi32>,
          tpu.vector_store_idx %arg6[%shift_right_logical3A_224], %broadcast_in_dim3A_1 {add = true} : memref<16384xi32, #tpu.memory_space<vmem>>[vector<16xi32>], vector<16xi32>,
          %mul3A_225 = arith.constant 4 : i32
          %mul3A_226 = arith.muli %scan3A_195, %mul3A_225 : i32
          %add3A_227 = arith.constant 2 : i32
          %add3A_228 = arith.addi %mul3A_226, %add3A_227 : i32
          %mul3A_229 = arith.constant 16 : i32
          %mul3A_230 = arith.muli %add3A_228, %mul3A_229 : i32
          %get3A_231 = arith.constant 0 : i32
          %get3A_232 = arith.index_cast %get3A_231 : i32 to index
          %get3A_233 = arith.index_cast %mul3A_230 : i32 to index
          %get3A_234 = tpu.vector_load %arg5[%get3A_232, %get3A_233] {strides = array<i32>} : memref<2x16384xi32, #tpu.memory_space<vmem>>, vector<16xi32>,
          %and3A_235 = arith.constant 65535 : i32
          %and3A_236 = vector.broadcast %and3A_235 : i32 to vector<16xi32>
          %and3A_237 = arith.andi %get3A_234, %and3A_236 : vector<16xi32>
          %shift_right_logical3A_238 = arith.constant 16 : i32
          %shift_right_logical3A_239 = vector.broadcast %shift_right_logical3A_238 : i32 to vector<16xi32>
          %shift_right_logical3A_240 = arith.shrui %get3A_234, %shift_right_logical3A_239 : vector<16xi32>
          tpu.vector_store_idx %arg6[%and3A_237], %broadcast_in_dim3A_1 {add = true} : memref<16384xi32, #tpu.memory_space<vmem>>[vector<16xi32>], vector<16xi32>,
          tpu.vector_store_idx %arg6[%shift_right_logical3A_240], %broadcast_in_dim3A_1 {add = true} : memref<16384xi32, #tpu.memory_space<vmem>>[vector<16xi32>], vector<16xi32>,
          %mul3A_241 = arith.constant 4 : i32
          %mul3A_242 = arith.muli %scan3A_195, %mul3A_241 : i32
          %add3A_243 = arith.constant 3 : i32
          %add3A_244 = arith.addi %mul3A_242, %add3A_243 : i32
          %mul3A_245 = arith.constant 16 : i32
          %mul3A_246 = arith.muli %add3A_244, %mul3A_245 : i32
          %get3A_247 = arith.constant 0 : i32
          %get3A_248 = arith.index_cast %get3A_247 : i32 to index
          %get3A_249 = arith.index_cast %mul3A_246 : i32 to index
          %get3A_250 = tpu.vector_load %arg5[%get3A_248, %get3A_249] {strides = array<i32>} : memref<2x16384xi32, #tpu.memory_space<vmem>>, vector<16xi32>,
          %and3A_251 = arith.constant 65535 : i32
          %and3A_252 = vector.broadcast %and3A_251 : i32 to vector<16xi32>
          %and3A_253 = arith.andi %get3A_250, %and3A_252 : vector<16xi32>
          %shift_right_logical3A_254 = arith.constant 16 : i32
          %shift_right_logical3A_255 = vector.broadcast %shift_right_logical3A_254 : i32 to vector<16xi32>
          %shift_right_logical3A_256 = arith.shrui %get3A_250, %shift_right_logical3A_255 : vector<16xi32>
          tpu.vector_store_idx %arg6[%and3A_253], %broadcast_in_dim3A_1 {add = true} : memref<16384xi32, #tpu.memory_space<vmem>>[vector<16xi32>], vector<16xi32>,
          tpu.vector_store_idx %arg6[%shift_right_logical3A_256], %broadcast_in_dim3A_1 {add = true} : memref<16384xi32, #tpu.memory_space<vmem>>[vector<16xi32>], vector<16xi32>,
        }
        %scan3A_158 = arith.constant 256 : i32
        %mul3A_159 = arith.constant 2 : i32
        %mul3A_160 = arith.muli %scan3A_124, %mul3A_159 : i32
        %add3A_161 = arith.constant 1 : i32
        %add3A_162 = arith.addi %mul3A_160, %add3A_161 : i32
        %add3A_163 = arith.constant 2 : i32
        %add3A_164 = arith.addi %add3A_162, %add3A_163 : i32
        %sub3A_165 = arith.constant 1 : i32
        %sub3A_166 = arith.subi %add3A_164, %sub3A_165 : i32
        %min3A_167 = arith.constant 7 : i32
        %min3A_168 = arith.minsi %sub3A_166, %min3A_167 : i32
        %mul3A_169 = arith.constant 16384 : i32
        %mul3A_170 = arith.muli %min3A_168, %mul3A_169 : i32
        %add3A_171 = arith.addi %mul3A_12, %mul3A_170 : i32
        %dma_start3A_172 = arith.constant 0 : i32
        %dma_start3A_173 = arith.constant 0 : i32
        %dma_start3A_174 = tpu.memref_slice %arg5[%dma_start3A_172, %dma_start3A_173] : memref<2x16384xi32, #tpu.memory_space<vmem>> -> memref<1x16384xi32, #tpu.memory_space<vmem>>
        %dma_start3A_175 = tpu.memref_squeeze %dma_start3A_174 : memref<1x16384xi32, #tpu.memory_space<vmem>> -> memref<16384xi32, #tpu.memory_space<vmem>>
        %dma_start3A_176 = tpu.memref_slice %arg2[%add3A_171] : memref<12582912xi32, #tpu.memory_space<hbm>> -> memref<16384xi32, #tpu.memory_space<hbm>>
        %dma_start3A_177 = arith.constant 0 : i32
        %dma_start3A_178 = tpu.memref_slice %arg5[%dma_start3A_172, %dma_start3A_177] : memref<2x16384xi32, #tpu.memory_space<vmem>> -> memref<1x16384xi32, #tpu.memory_space<vmem>>
        %dma_start3A_179 = tpu.memref_squeeze %dma_start3A_178 : memref<1x16384xi32, #tpu.memory_space<vmem>> -> memref<16384xi32, #tpu.memory_space<vmem>>
        %dma_start3A_180 = tpu.memref_slice %arg2[%add3A_171] : memref<12582912xi32, #tpu.memory_space<hbm>> -> memref<16384xi32, #tpu.memory_space<hbm>>
        tpu.enqueue_dma source(%dma_start3A_180 : memref<16384xi32, #tpu.memory_space<hbm>>) target(%dma_start3A_179 : memref<16384xi32, #tpu.memory_space<vmem>>) target_semaphore(%arg10 : memref<!tpu.dma_semaphore, #tpu.memory_space<semaphore_mem>>)
        %dma_wait3A_181 = arith.constant 1 : i32
        %dma_wait3A_182 = arith.constant 0 : i32
        %dma_wait3A_183 = tpu.memref_slice %arg5[%dma_wait3A_181, %dma_wait3A_182] : memref<2x16384xi32, #tpu.memory_space<vmem>> -> memref<1x16384xi32, #tpu.memory_space<vmem>>
        %dma_wait3A_184 = tpu.memref_squeeze %dma_wait3A_183 : memref<1x16384xi32, #tpu.memory_space<vmem>> -> memref<16384xi32, #tpu.memory_space<vmem>>
        %dma_wait3A_185 = tpu.memref_slice %arg2[%mul3A_12] : memref<12582912xi32, #tpu.memory_space<hbm>> -> memref<16384xi32, #tpu.memory_space<hbm>>
        %dma_wait3A_186 = arith.constant 0 : i32
        %dma_wait3A_187 = tpu.memref_slice %arg5[%dma_wait3A_181, %dma_wait3A_186] : memref<2x16384xi32, #tpu.memory_space<vmem>> -> memref<1x16384xi32, #tpu.memory_space<vmem>>
        %dma_wait3A_188 = tpu.memref_squeeze %dma_wait3A_187 : memref<1x16384xi32, #tpu.memory_space<vmem>> -> memref<16384xi32, #tpu.memory_space<vmem>>
        %dma_wait3A_189 = tpu.memref_slice %arg2[%mul3A_12] : memref<12582912xi32, #tpu.memory_space<hbm>> -> memref<16384xi32, #tpu.memory_space<hbm>>
        tpu.wait_dma2 semaphore(%arg11 : memref<!tpu.dma_semaphore, #tpu.memory_space<semaphore_mem>>) src(%dma_wait3A_189 : memref<16384xi32, #tpu.memory_space<hbm>>) dst(%dma_wait3A_188 : memref<16384xi32, #tpu.memory_space<vmem>>)
        %scan3A_190 = arith.constant 0 : i32
        %scan3A_191 = arith.constant 256 : i32
        %scan3A_192 = arith.addi %scan3A_190, %scan3A_191 : i32
        %scan3A_193 = arith.constant 1 : i32
        scf.for %scan3A_195 = %scan3A_190 to %scan3A_192 step %scan3A_193  : i32 {
          %mul3A_196 = arith.constant 4 : i32
          %mul3A_197 = arith.muli %scan3A_195, %mul3A_196 : i32
          %add3A_198 = arith.constant 0 : i32
          %add3A_199 = arith.addi %mul3A_197, %add3A_198 : i32
          %mul3A_200 = arith.constant 16 : i32
          %mul3A_201 = arith.muli %add3A_199, %mul3A_200 : i32
          %get3A = arith.constant 1 : i32
          %get3A_202 = arith.index_cast %get3A : i32 to index
          %get3A_203 = arith.index_cast %mul3A_201 : i32 to index
          %get3A_204 = tpu.vector_load %arg5[%get3A_202, %get3A_203] {strides = array<i32>} : memref<2x16384xi32, #tpu.memory_space<vmem>>, vector<16xi32>,
          %and3A = arith.constant 65535 : i32
          %and3A_205 = vector.broadcast %and3A : i32 to vector<16xi32>
          %and3A_206 = arith.andi %get3A_204, %and3A_205 : vector<16xi32>
          %shift_right_logical3A = arith.constant 16 : i32
          %shift_right_logical3A_207 = vector.broadcast %shift_right_logical3A : i32 to vector<16xi32>
          %shift_right_logical3A_208 = arith.shrui %get3A_204, %shift_right_logical3A_207 : vector<16xi32>
          tpu.vector_store_idx %arg6[%and3A_206], %broadcast_in_dim3A_1 {add = true} : memref<16384xi32, #tpu.memory_space<vmem>>[vector<16xi32>], vector<16xi32>,
          tpu.vector_store_idx %arg6[%shift_right_logical3A_208], %broadcast_in_dim3A_1 {add = true} : memref<16384xi32, #tpu.memory_space<vmem>>[vector<16xi32>], vector<16xi32>,
          %mul3A_209 = arith.constant 4 : i32
          %mul3A_210 = arith.muli %scan3A_195, %mul3A_209 : i32
          %add3A_211 = arith.constant 1 : i32
          %add3A_212 = arith.addi %mul3A_210, %add3A_211 : i32
          %mul3A_213 = arith.constant 16 : i32
          %mul3A_214 = arith.muli %add3A_212, %mul3A_213 : i32
          %get3A_215 = arith.constant 1 : i32
          %get3A_216 = arith.index_cast %get3A_215 : i32 to index
          %get3A_217 = arith.index_cast %mul3A_214 : i32 to index
          %get3A_218 = tpu.vector_load %arg5[%get3A_216, %get3A_217] {strides = array<i32>} : memref<2x16384xi32, #tpu.memory_space<vmem>>, vector<16xi32>,
          %and3A_219 = arith.constant 65535 : i32
          %and3A_220 = vector.broadcast %and3A_219 : i32 to vector<16xi32>
          %and3A_221 = arith.andi %get3A_218, %and3A_220 : vector<16xi32>
          %shift_right_logical3A_222 = arith.constant 16 : i32
          %shift_right_logical3A_223 = vector.broadcast %shift_right_logical3A_222 : i32 to vector<16xi32>
          %shift_right_logical3A_224 = arith.shrui %get3A_218, %shift_right_logical3A_223 : vector<16xi32>
          tpu.vector_store_idx %arg6[%and3A_221], %broadcast_in_dim3A_1 {add = true} : memref<16384xi32, #tpu.memory_space<vmem>>[vector<16xi32>], vector<16xi32>,
          tpu.vector_store_idx %arg6[%shift_right_logical3A_224], %broadcast_in_dim3A_1 {add = true} : memref<16384xi32, #tpu.memory_space<vmem>>[vector<16xi32>], vector<16xi32>,
          %mul3A_225 = arith.constant 4 : i32
          %mul3A_226 = arith.muli %scan3A_195, %mul3A_225 : i32
          %add3A_227 = arith.constant 2 : i32
          %add3A_228 = arith.addi %mul3A_226, %add3A_227 : i32
          %mul3A_229 = arith.constant 16 : i32
          %mul3A_230 = arith.muli %add3A_228, %mul3A_229 : i32
          %get3A_231 = arith.constant 1 : i32
          %get3A_232 = arith.index_cast %get3A_231 : i32 to index
          %get3A_233 = arith.index_cast %mul3A_230 : i32 to index
          %get3A_234 = tpu.vector_load %arg5[%get3A_232, %get3A_233] {strides = array<i32>} : memref<2x16384xi32, #tpu.memory_space<vmem>>, vector<16xi32>,
          %and3A_235 = arith.constant 65535 : i32
          %and3A_236 = vector.broadcast %and3A_235 : i32 to vector<16xi32>
          %and3A_237 = arith.andi %get3A_234, %and3A_236 : vector<16xi32>
          %shift_right_logical3A_238 = arith.constant 16 : i32
          %shift_right_logical3A_239 = vector.broadcast %shift_right_logical3A_238 : i32 to vector<16xi32>
          %shift_right_logical3A_240 = arith.shrui %get3A_234, %shift_right_logical3A_239 : vector<16xi32>
          tpu.vector_store_idx %arg6[%and3A_237], %broadcast_in_dim3A_1 {add = true} : memref<16384xi32, #tpu.memory_space<vmem>>[vector<16xi32>], vector<16xi32>,
          tpu.vector_store_idx %arg6[%shift_right_logical3A_240], %broadcast_in_dim3A_1 {add = true} : memref<16384xi32, #tpu.memory_space<vmem>>[vector<16xi32>], vector<16xi32>,
          %mul3A_241 = arith.constant 4 : i32
          %mul3A_242 = arith.muli %scan3A_195, %mul3A_241 : i32
          %add3A_243 = arith.constant 3 : i32
          %add3A_244 = arith.addi %mul3A_242, %add3A_243 : i32
          %mul3A_245 = arith.constant 16 : i32
          %mul3A_246 = arith.muli %add3A_244, %mul3A_245 : i32
          %get3A_247 = arith.constant 1 : i32
          %get3A_248 = arith.index_cast %get3A_247 : i32 to index
          %get3A_249 = arith.index_cast %mul3A_246 : i32 to index
          %get3A_250 = tpu.vector_load %arg5[%get3A_248, %get3A_249] {strides = array<i32>} : memref<2x16384xi32, #tpu.memory_space<vmem>>, vector<16xi32>,
          %and3A_251 = arith.constant 65535 : i32
          %and3A_252 = vector.broadcast %and3A_251 : i32 to vector<16xi32>
          %and3A_253 = arith.andi %get3A_250, %and3A_252 : vector<16xi32>
          %shift_right_logical3A_254 = arith.constant 16 : i32
          %shift_right_logical3A_255 = vector.broadcast %shift_right_logical3A_254 : i32 to vector<16xi32>
          %shift_right_logical3A_256 = arith.shrui %get3A_250, %shift_right_logical3A_255 : vector<16xi32>
          tpu.vector_store_idx %arg6[%and3A_253], %broadcast_in_dim3A_1 {add = true} : memref<16384xi32, #tpu.memory_space<vmem>>[vector<16xi32>], vector<16xi32>,
          tpu.vector_store_idx %arg6[%shift_right_logical3A_256], %broadcast_in_dim3A_1 {add = true} : memref<16384xi32, #tpu.memory_space<vmem>>[vector<16xi32>], vector<16xi32>,
        }
        %scan3A_194 = arith.constant 256 : i32
      }
      %scan3A_38 = arith.constant 4 : i32
      %dma_wait3A = arith.constant 0 : i32
      %dma_wait3A_39 = arith.constant 0 : i32
      %dma_wait3A_40 = tpu.memref_slice %arg5[%dma_wait3A, %dma_wait3A_39] : memref<2x16384xi32, #tpu.memory_space<vmem>> -> memref<1x16384xi32, #tpu.memory_space<vmem>>
      %dma_wait3A_41 = tpu.memref_squeeze %dma_wait3A_40 : memref<1x16384xi32, #tpu.memory_space<vmem>> -> memref<16384xi32, #tpu.memory_space<vmem>>
      %dma_wait3A_42 = tpu.memref_slice %arg2[%mul3A_12] : memref<12582912xi32, #tpu.memory_space<hbm>> -> memref<16384xi32, #tpu.memory_space<hbm>>
      %dma_wait3A_43 = arith.constant 0 : i32
      %dma_wait3A_44 = tpu.memref_slice %arg5[%dma_wait3A, %dma_wait3A_43] : memref<2x16384xi32, #tpu.memory_space<vmem>> -> memref<1x16384xi32, #tpu.memory_space<vmem>>
      %dma_wait3A_45 = tpu.memref_squeeze %dma_wait3A_44 : memref<1x16384xi32, #tpu.memory_space<vmem>> -> memref<16384xi32, #tpu.memory_space<vmem>>
      %dma_wait3A_46 = tpu.memref_slice %arg2[%mul3A_12] : memref<12582912xi32, #tpu.memory_space<hbm>> -> memref<16384xi32, #tpu.memory_space<hbm>>
      tpu.wait_dma2 semaphore(%arg10 : memref<!tpu.dma_semaphore, #tpu.memory_space<semaphore_mem>>) src(%dma_wait3A_46 : memref<16384xi32, #tpu.memory_space<hbm>>) dst(%dma_wait3A_45 : memref<16384xi32, #tpu.memory_space<vmem>>)
      %iota3A_47 = tpu.iota {dimensions = array<i32: 0>} : vector<16xi32>
      %scan3A_48 = arith.constant 5243 : i32
      %scan3A_49 = arith.constant 256900 : i32
      %scan3A_50 = arith.constant 0 : i32
      %scan3A_51 = arith.constant 0 : i32
      %scan3A_52 = arith.constant 0 : i32
      %scan3A_53 = arith.constant 0 : i32
      %scan3A_54 = arith.constant 0 : i32
      %scan3A_55 = arith.constant 0 : i32
      %scan3A_56 = arith.constant 0 : i32
      %scan3A_57 = arith.constant 0 : i32
      %scan3A_58 = arith.constant 1024 : i32
      %scan3A_59 = arith.addi %scan3A_57, %scan3A_58 : i32
      %scan3A_60 = arith.constant 1 : i32
      %scan3A_61:7 = scf.for %scan3A_124 = %scan3A_57 to %scan3A_59 step %scan3A_60 iter_args(%scan3A_125 = %scan3A_50, %scan3A_126 = %scan3A_51, %scan3A_127 = %scan3A_52, %scan3A_128 = %scan3A_53, %scan3A_129 = %scan3A_54, %scan3A_130 = %scan3A_55, %scan3A_131 = %scan3A_56) -> (i32, i32, i32, i32, i32, i32, i32)  : i32 {
        %mul3A_132 = arith.constant 16 : i32
        %mul3A_133 = arith.muli %scan3A_124, %mul3A_132 : i32
        %get3A = arith.index_cast %mul3A_133 : i32 to index
        %get3A_134 = tpu.vector_load %arg6[%get3A] {strides = array<i32>} : memref<16384xi32, #tpu.memory_space<vmem>>, vector<16xi32>,
        %broadcast_in_dim3A_135 = arith.constant true
        %broadcast_in_dim3A_136 = vector.broadcast %broadcast_in_dim3A_135 : i1 to vector<16xi1>
        %masked_cumsum3A = tpu.scan <sum>, %get3A_134 masked %broadcast_in_dim3A_136 : vector<16xi32>, vector<16xi1> -> vector<16xi32>
        %reduce_sum3A = arith.constant true
        %reduce_sum3A_137 = vector.broadcast %reduce_sum3A : i1 to vector<16xi1>
        %reduce_sum3A_138 = tpu.scan <sum>, %get3A_134 masked %reduce_sum3A_137 : vector<16xi32>, vector<16xi1> -> vector<16xi32>
        %reduce_sum3A_139 = vector.extract %reduce_sum3A_138[15] : i32 from vector<16xi32>
        %add3A_140 = vector.broadcast %scan3A_125 : i32 to vector<16xi32>
        %add3A_141 = arith.addi %add3A_140, %masked_cumsum3A : vector<16xi32>
        %sub3A = arith.subi %add3A_141, %get3A_134 : vector<16xi32>
        %add3A_142 = arith.addi %scan3A_125, %reduce_sum3A_139 : i32
        %le3A_143 = arith.cmpi sle, %scan3A_125, %scan3A_48 : i32
        %lt3A_144 = arith.cmpi slt, %scan3A_48, %add3A_142 : i32
        %and3A = arith.andi %le3A_143, %lt3A_144 : i1
        %le3A_145 = vector.broadcast %scan3A_48 : i32 to vector<16xi32>
        %le3A_146 = arith.cmpi sle, %sub3A, %le3A_145 : vector<16xi32>
        %add3A_147 = arith.addi %sub3A, %get3A_134 : vector<16xi32>
        %lt3A_148 = vector.broadcast %scan3A_48 : i32 to vector<16xi32>
        %lt3A_149 = arith.cmpi slt, %lt3A_148, %add3A_147 : vector<16xi32>
        %and3A_150 = arith.andi %le3A_146, %lt3A_149 : vector<16xi1>
        %jit3A_151 = arith.constant 0 : i32
        %broadcast_in_dim3A_152 = vector.broadcast %jit3A_151 : i32 to vector<16xi32>
        %select_n3A_153 = arith.select %and3A_150, %iota3A_47, %broadcast_in_dim3A_152 : vector<16xi1>, vector<16xi32>
        %reduce_sum3A_154 = arith.constant true
        %reduce_sum3A_155 = vector.broadcast %reduce_sum3A_154 : i1 to vector<16xi1>
        %reduce_sum3A_156 = tpu.scan <sum>, %select_n3A_153 masked %reduce_sum3A_155 : vector<16xi32>, vector<16xi1> -> vector<16xi32>
        %reduce_sum3A_157 = vector.extract %reduce_sum3A_156[15] : i32 from vector<16xi32>
        %sub3A_158 = vector.broadcast %scan3A_48 : i32 to vector<16xi32>
        %sub3A_159 = arith.subi %sub3A_158, %sub3A : vector<16xi32>
        %jit3A_160 = arith.constant 0 : i32
        %broadcast_in_dim3A_161 = vector.broadcast %jit3A_160 : i32 to vector<16xi32>
        %select_n3A_162 = arith.select %and3A_150, %sub3A_159, %broadcast_in_dim3A_161 : vector<16xi1>, vector<16xi32>
        %reduce_sum3A_163 = arith.constant true
        %reduce_sum3A_164 = vector.broadcast %reduce_sum3A_163 : i1 to vector<16xi1>
        %reduce_sum3A_165 = tpu.scan <sum>, %select_n3A_162 masked %reduce_sum3A_164 : vector<16xi32>, vector<16xi1> -> vector<16xi32>
        %reduce_sum3A_166 = vector.extract %reduce_sum3A_165[15] : i32 from vector<16xi32>
        %jit3A_167 = arith.constant 0 : i32
        %broadcast_in_dim3A_168 = vector.broadcast %jit3A_167 : i32 to vector<16xi32>
        %select_n3A_169 = arith.select %and3A_150, %get3A_134, %broadcast_in_dim3A_168 : vector<16xi1>, vector<16xi32>
        %reduce_sum3A_170 = arith.constant true
        %reduce_sum3A_171 = vector.broadcast %reduce_sum3A_170 : i1 to vector<16xi1>
        %reduce_sum3A_172 = tpu.scan <sum>, %select_n3A_169 masked %reduce_sum3A_171 : vector<16xi32>, vector<16xi1> -> vector<16xi32>
        %reduce_sum3A_173 = vector.extract %reduce_sum3A_172[15] : i32 from vector<16xi32>
        %mul3A_174 = arith.constant 16 : i32
        %mul3A_175 = arith.muli %scan3A_124, %mul3A_174 : i32
        %add3A_176 = arith.addi %mul3A_175, %reduce_sum3A_157 : i32
        %select_n3A_177 = arith.select %and3A, %add3A_176, %scan3A_126 : i32
        %select_n3A_178 = arith.select %and3A, %reduce_sum3A_166, %scan3A_127 : i32
        %select_n3A_179 = arith.select %and3A, %reduce_sum3A_173, %scan3A_128 : i32
        %le3A_180 = arith.cmpi sle, %scan3A_125, %scan3A_49 : i32
        %lt3A_181 = arith.cmpi slt, %scan3A_49, %add3A_142 : i32
        %and3A_182 = arith.andi %le3A_180, %lt3A_181 : i1
        %le3A_183 = vector.broadcast %scan3A_49 : i32 to vector<16xi32>
        %le3A_184 = arith.cmpi sle, %sub3A, %le3A_183 : vector<16xi32>
        %add3A_185 = arith.addi %sub3A, %get3A_134 : vector<16xi32>
        %lt3A_186 = vector.broadcast %scan3A_49 : i32 to vector<16xi32>
        %lt3A_187 = arith.cmpi slt, %lt3A_186, %add3A_185 : vector<16xi32>
        %and3A_188 = arith.andi %le3A_184, %lt3A_187 : vector<16xi1>
        %jit3A_189 = arith.constant 0 : i32
        %broadcast_in_dim3A_190 = vector.broadcast %jit3A_189 : i32 to vector<16xi32>
        %select_n3A_191 = arith.select %and3A_188, %iota3A_47, %broadcast_in_dim3A_190 : vector<16xi1>, vector<16xi32>
        %reduce_sum3A_192 = arith.constant true
        %reduce_sum3A_193 = vector.broadcast %reduce_sum3A_192 : i1 to vector<16xi1>
        %reduce_sum3A_194 = tpu.scan <sum>, %select_n3A_191 masked %reduce_sum3A_193 : vector<16xi32>, vector<16xi1> -> vector<16xi32>
        %reduce_sum3A_195 = vector.extract %reduce_sum3A_194[15] : i32 from vector<16xi32>
        %sub3A_196 = vector.broadcast %scan3A_49 : i32 to vector<16xi32>
        %sub3A_197 = arith.subi %sub3A_196, %sub3A : vector<16xi32>
        %jit3A_198 = arith.constant 0 : i32
        %broadcast_in_dim3A_199 = vector.broadcast %jit3A_198 : i32 to vector<16xi32>
        %select_n3A_200 = arith.select %and3A_188, %sub3A_197, %broadcast_in_dim3A_199 : vector<16xi1>, vector<16xi32>
        %reduce_sum3A_201 = arith.constant true
        %reduce_sum3A_202 = vector.broadcast %reduce_sum3A_201 : i1 to vector<16xi1>
        %reduce_sum3A_203 = tpu.scan <sum>, %select_n3A_200 masked %reduce_sum3A_202 : vector<16xi32>, vector<16xi1> -> vector<16xi32>
        %reduce_sum3A_204 = vector.extract %reduce_sum3A_203[15] : i32 from vector<16xi32>
        %jit3A_205 = arith.constant 0 : i32
        %broadcast_in_dim3A_206 = vector.broadcast %jit3A_205 : i32 to vector<16xi32>
        %select_n3A_207 = arith.select %and3A_188, %get3A_134, %broadcast_in_dim3A_206 : vector<16xi1>, vector<16xi32>
        %reduce_sum3A_208 = arith.constant true
        %reduce_sum3A_209 = vector.broadcast %reduce_sum3A_208 : i1 to vector<16xi1>
        %reduce_sum3A_210 = tpu.scan <sum>, %select_n3A_207 masked %reduce_sum3A_209 : vector<16xi32>, vector<16xi1> -> vector<16xi32>
        %reduce_sum3A_211 = vector.extract %reduce_sum3A_210[15] : i32 from vector<16xi32>
        %mul3A_212 = arith.constant 16 : i32
        %mul3A_213 = arith.muli %scan3A_124, %mul3A_212 : i32
        %add3A_214 = arith.addi %mul3A_213, %reduce_sum3A_195 : i32
        %select_n3A_215 = arith.select %and3A_182, %add3A_214, %scan3A_129 : i32
        %select_n3A_216 = arith.select %and3A_182, %reduce_sum3A_204, %scan3A_130 : i32
        %select_n3A_217 = arith.select %and3A_182, %reduce_sum3A_211, %scan3A_131 : i32
        scf.yield %add3A_142, %select_n3A_177, %select_n3A_178, %select_n3A_179, %select_n3A_215, %select_n3A_216, %select_n3A_217 : i32, i32, i32, i32, i32, i32, i32
      }
      %scan3A_62 = arith.constant 1024 : i32
      %add3A_63 = arith.constant 0 : i32
      %add3A_64 = arith.addi %mul3A_14, %add3A_63 : i32
      %dma_start3A_65 = arith.constant 0 : i32
      %dma_start3A_66 = arith.constant 0 : i32
      %dma_start3A_67 = tpu.memref_slice %arg5[%dma_start3A_65, %dma_start3A_66] : memref<2x16384xi32, #tpu.memory_space<vmem>> -> memref<1x16384xi32, #tpu.memory_space<vmem>>
      %dma_start3A_68 = tpu.memref_squeeze %dma_start3A_67 : memref<1x16384xi32, #tpu.memory_space<vmem>> -> memref<16384xi32, #tpu.memory_space<vmem>>
      %dma_start3A_69 = tpu.memref_slice %arg3[%add3A_64] : memref<25165824xi32, #tpu.memory_space<hbm>> -> memref<16384xi32, #tpu.memory_space<hbm>>
      %dma_start3A_70 = arith.constant 0 : i32
      %dma_start3A_71 = tpu.memref_slice %arg5[%dma_start3A_65, %dma_start3A_70] : memref<2x16384xi32, #tpu.memory_space<vmem>> -> memref<1x16384xi32, #tpu.memory_space<vmem>>
      %dma_start3A_72 = tpu.memref_squeeze %dma_start3A_71 : memref<1x16384xi32, #tpu.memory_space<vmem>> -> memref<16384xi32, #tpu.memory_space<vmem>>
      %dma_start3A_73 = tpu.memref_slice %arg3[%add3A_64] : memref<25165824xi32, #tpu.memory_space<hbm>> -> memref<16384xi32, #tpu.memory_space<hbm>>
      tpu.enqueue_dma source(%dma_start3A_73 : memref<16384xi32, #tpu.memory_space<hbm>>) target(%dma_start3A_72 : memref<16384xi32, #tpu.memory_space<vmem>>) target_semaphore(%arg10 : memref<!tpu.dma_semaphore, #tpu.memory_space<semaphore_mem>>)
      %scan3A_74 = arith.constant 0 : i32
      %scan3A_75 = arith.constant 0 : i32
      %scan3A_76 = arith.constant 0 : i32
      %scan3A_77 = arith.constant 8 : i32
      %scan3A_78 = arith.addi %scan3A_76, %scan3A_77 : i32
      %scan3A_79 = arith.constant 1 : i32
      %scan3A_80:2 = scf.for %scan3A_124 = %scan3A_76 to %scan3A_78 step %scan3A_79 iter_args(%scan3A_125 = %scan3A_74, %scan3A_126 = %scan3A_75) -> (i32, i32)  : i32 {
        %mul3A_127 = arith.constant 2 : i32
        %mul3A_128 = arith.muli %scan3A_124, %mul3A_127 : i32
        %add3A_129 = arith.constant 0 : i32
        %add3A_130 = arith.addi %mul3A_128, %add3A_129 : i32
        %add3A_131 = arith.constant 2 : i32
        %add3A_132 = arith.addi %add3A_130, %add3A_131 : i32
        %sub3A = arith.constant 1 : i32
        %sub3A_133 = arith.subi %add3A_132, %sub3A : i32
        %min3A = arith.constant 15 : i32
        %min3A_134 = arith.minsi %sub3A_133, %min3A : i32
        %mul3A_135 = arith.constant 16384 : i32
        %mul3A_136 = arith.muli %min3A_134, %mul3A_135 : i32
        %add3A_137 = arith.addi %mul3A_14, %mul3A_136 : i32
        %dma_start3A_138 = arith.constant 1 : i32
        %dma_start3A_139 = arith.constant 0 : i32
        %dma_start3A_140 = tpu.memref_slice %arg5[%dma_start3A_138, %dma_start3A_139] : memref<2x16384xi32, #tpu.memory_space<vmem>> -> memref<1x16384xi32, #tpu.memory_space<vmem>>
        %dma_start3A_141 = tpu.memref_squeeze %dma_start3A_140 : memref<1x16384xi32, #tpu.memory_space<vmem>> -> memref<16384xi32, #tpu.memory_space<vmem>>
        %dma_start3A_142 = tpu.memref_slice %arg3[%add3A_137] : memref<25165824xi32, #tpu.memory_space<hbm>> -> memref<16384xi32, #tpu.memory_space<hbm>>
        %dma_start3A_143 = arith.constant 0 : i32
        %dma_start3A_144 = tpu.memref_slice %arg5[%dma_start3A_138, %dma_start3A_143] : memref<2x16384xi32, #tpu.memory_space<vmem>> -> memref<1x16384xi32, #tpu.memory_space<vmem>>
        %dma_start3A_145 = tpu.memref_squeeze %dma_start3A_144 : memref<1x16384xi32, #tpu.memory_space<vmem>> -> memref<16384xi32, #tpu.memory_space<vmem>>
        %dma_start3A_146 = tpu.memref_slice %arg3[%add3A_137] : memref<25165824xi32, #tpu.memory_space<hbm>> -> memref<16384xi32, #tpu.memory_space<hbm>>
        tpu.enqueue_dma source(%dma_start3A_146 : memref<16384xi32, #tpu.memory_space<hbm>>) target(%dma_start3A_145 : memref<16384xi32, #tpu.memory_space<vmem>>) target_semaphore(%arg11 : memref<!tpu.dma_semaphore, #tpu.memory_space<semaphore_mem>>)
        %dma_wait3A_147 = arith.constant 0 : i32
        %dma_wait3A_148 = arith.constant 0 : i32
        %dma_wait3A_149 = tpu.memref_slice %arg5[%dma_wait3A_147, %dma_wait3A_148] : memref<2x16384xi32, #tpu.memory_space<vmem>> -> memref<1x16384xi32, #tpu.memory_space<vmem>>
        %dma_wait3A_150 = tpu.memref_squeeze %dma_wait3A_149 : memref<1x16384xi32, #tpu.memory_space<vmem>> -> memref<16384xi32, #tpu.memory_space<vmem>>
        %dma_wait3A_151 = tpu.memref_slice %arg3[%mul3A_14] : memref<25165824xi32, #tpu.memory_space<hbm>> -> memref<16384xi32, #tpu.memory_space<hbm>>
        %dma_wait3A_152 = arith.constant 0 : i32
        %dma_wait3A_153 = tpu.memref_slice %arg5[%dma_wait3A_147, %dma_wait3A_152] : memref<2x16384xi32, #tpu.memory_space<vmem>> -> memref<1x16384xi32, #tpu.memory_space<vmem>>
        %dma_wait3A_154 = tpu.memref_squeeze %dma_wait3A_153 : memref<1x16384xi32, #tpu.memory_space<vmem>> -> memref<16384xi32, #tpu.memory_space<vmem>>
        %dma_wait3A_155 = tpu.memref_slice %arg3[%mul3A_14] : memref<25165824xi32, #tpu.memory_space<hbm>> -> memref<16384xi32, #tpu.memory_space<hbm>>
        tpu.wait_dma2 semaphore(%arg10 : memref<!tpu.dma_semaphore, #tpu.memory_space<semaphore_mem>>) src(%dma_wait3A_155 : memref<16384xi32, #tpu.memory_space<hbm>>) dst(%dma_wait3A_154 : memref<16384xi32, #tpu.memory_space<vmem>>)
        %scan3A_156 = arith.constant 0 : i32
        %scan3A_157 = arith.constant 256 : i32
        %scan3A_158 = arith.addi %scan3A_156, %scan3A_157 : i32
        %scan3A_159 = arith.constant 1 : i32
        %scan3A_160:2 = scf.for %scan3A_199 = %scan3A_156 to %scan3A_158 step %scan3A_159 iter_args(%scan3A_200 = %scan3A_125, %scan3A_201 = %scan3A_126) -> (i32, i32)  : i32 {
          %mul3A_202 = arith.constant 4 : i32
          %mul3A_203 = arith.muli %scan3A_199, %mul3A_202 : i32
          %add3A_204 = arith.constant 0 : i32
          %add3A_205 = arith.addi %mul3A_203, %add3A_204 : i32
          %mul3A_206 = arith.constant 16 : i32
          %mul3A_207 = arith.muli %add3A_205, %mul3A_206 : i32
          %get3A = arith.constant 0 : i32
          %get3A_208 = arith.index_cast %get3A : i32 to index
          %get3A_209 = arith.index_cast %mul3A_207 : i32 to index
          %get3A_210 = tpu.vector_load %arg5[%get3A_208, %get3A_209] {strides = array<i32>} : memref<2x16384xi32, #tpu.memory_space<vmem>>, vector<16xi32>,
          %shift_right_logical3A = arith.constant 18 : i32
          %shift_right_logical3A_211 = vector.broadcast %shift_right_logical3A : i32 to vector<16xi32>
          %shift_right_logical3A_212 = arith.shrui %get3A_210, %shift_right_logical3A_211 : vector<16xi32>
          %and3A = arith.constant 262143 : i32
          %and3A_213 = vector.broadcast %and3A : i32 to vector<16xi32>
          %and3A_214 = arith.andi %get3A_210, %and3A_213 : vector<16xi32>
          %eq3A_215 = vector.broadcast %scan3A_61#1 : i32 to vector<16xi32>
          %eq3A_216 = arith.cmpi eq, %shift_right_logical3A_212, %eq3A_215 : vector<16xi32>
          %eq3A_217 = vector.broadcast %scan3A_61#4 : i32 to vector<16xi32>
          %eq3A_218 = arith.cmpi eq, %shift_right_logical3A_212, %eq3A_217 : vector<16xi32>
          %swap3A_219 = arith.index_cast %scan3A_200 : i32 to index
          %swap3A_220 = tpu.vector_load %arg7[%swap3A_219] masked %eq3A_216 {strides = array<i32>} : memref<32784xi32, #tpu.memory_space<vmem>>, vector<16xi32>, vector<16xi1>
          tpu.vector_store %arg7[%swap3A_219], %and3A_214 masked %eq3A_216 {strides = array<i32>} : memref<32784xi32, #tpu.memory_space<vmem>>, vector<16xi32>, vector<16xi1>
          %swap3A_221 = arith.index_cast %scan3A_201 : i32 to index
          %swap3A_222 = tpu.vector_load %arg8[%swap3A_221] masked %eq3A_218 {strides = array<i32>} : memref<32784xi32, #tpu.memory_space<vmem>>, vector<16xi32>, vector<16xi1>
          tpu.vector_store %arg8[%swap3A_221], %and3A_214 masked %eq3A_218 {strides = array<i32>} : memref<32784xi32, #tpu.memory_space<vmem>>, vector<16xi32>, vector<16xi1>
          %all_reduce_population_count3A = tpu.all_reduce %eq3A_216 {dim = 0 : i64, kind = #tpu.reduction_kind<sum>} : vector<16xi1> -> vector<16xi32>
          %slice3A = vector.extract_strided_slice %all_reduce_population_count3A {offsets = [0], sizes = [1], strides = [1]} : vector<16xi32> to vector<1xi32>
          %squeeze3A = vector.extract %slice3A[0] : i32 from vector<1xi32>
          %all_reduce_population_count3A_223 = tpu.all_reduce %eq3A_218 {dim = 0 : i64, kind = #tpu.reduction_kind<sum>} : vector<16xi1> -> vector<16xi32>
          %slice3A_224 = vector.extract_strided_slice %all_reduce_population_count3A_223 {offsets = [0], sizes = [1], strides = [1]} : vector<16xi32> to vector<1xi32>
          %squeeze3A_225 = vector.extract %slice3A_224[0] : i32 from vector<1xi32>
          %add3A_226 = arith.addi %scan3A_200, %squeeze3A : i32
          %min3A_227 = arith.constant 32768 : i32
          %min3A_228 = arith.minsi %add3A_226, %min3A_227 : i32
          %add3A_229 = arith.addi %scan3A_201, %squeeze3A_225 : i32
          %min3A_230 = arith.constant 32768 : i32
          %min3A_231 = arith.minsi %add3A_229, %min3A_230 : i32
          %mul3A_232 = arith.constant 4 : i32
          %mul3A_233 = arith.muli %scan3A_199, %mul3A_232 : i32
          %add3A_234 = arith.constant 1 : i32
          %add3A_235 = arith.addi %mul3A_233, %add3A_234 : i32
          %mul3A_236 = arith.constant 16 : i32
          %mul3A_237 = arith.muli %add3A_235, %mul3A_236 : i32
          %get3A_238 = arith.constant 0 : i32
          %get3A_239 = arith.index_cast %get3A_238 : i32 to index
          %get3A_240 = arith.index_cast %mul3A_237 : i32 to index
          %get3A_241 = tpu.vector_load %arg5[%get3A_239, %get3A_240] {strides = array<i32>} : memref<2x16384xi32, #tpu.memory_space<vmem>>, vector<16xi32>,
          %shift_right_logical3A_242 = arith.constant 18 : i32
          %shift_right_logical3A_243 = vector.broadcast %shift_right_logical3A_242 : i32 to vector<16xi32>
          %shift_right_logical3A_244 = arith.shrui %get3A_241, %shift_right_logical3A_243 : vector<16xi32>
          %and3A_245 = arith.constant 262143 : i32
          %and3A_246 = vector.broadcast %and3A_245 : i32 to vector<16xi32>
          %and3A_247 = arith.andi %get3A_241, %and3A_246 : vector<16xi32>
          %eq3A_248 = vector.broadcast %scan3A_61#1 : i32 to vector<16xi32>
          %eq3A_249 = arith.cmpi eq, %shift_right_logical3A_244, %eq3A_248 : vector<16xi32>
          %eq3A_250 = vector.broadcast %scan3A_61#4 : i32 to vector<16xi32>
          %eq3A_251 = arith.cmpi eq, %shift_right_logical3A_244, %eq3A_250 : vector<16xi32>
          %swap3A_252 = arith.index_cast %min3A_228 : i32 to index
          %swap3A_253 = tpu.vector_load %arg7[%swap3A_252] masked %eq3A_249 {strides = array<i32>} : memref<32784xi32, #tpu.memory_space<vmem>>, vector<16xi32>, vector<16xi1>
          tpu.vector_store %arg7[%swap3A_252], %and3A_247 masked %eq3A_249 {strides = array<i32>} : memref<32784xi32, #tpu.memory_space<vmem>>, vector<16xi32>, vector<16xi1>
          %swap3A_254 = arith.index_cast %min3A_231 : i32 to index
          %swap3A_255 = tpu.vector_load %arg8[%swap3A_254] masked %eq3A_251 {strides = array<i32>} : memref<32784xi32, #tpu.memory_space<vmem>>, vector<16xi32>, vector<16xi1>
          tpu.vector_store %arg8[%swap3A_254], %and3A_247 masked %eq3A_251 {strides = array<i32>} : memref<32784xi32, #tpu.memory_space<vmem>>, vector<16xi32>, vector<16xi1>
          %all_reduce_population_count3A_256 = tpu.all_reduce %eq3A_249 {dim = 0 : i64, kind = #tpu.reduction_kind<sum>} : vector<16xi1> -> vector<16xi32>
          %slice3A_257 = vector.extract_strided_slice %all_reduce_population_count3A_256 {offsets = [0], sizes = [1], strides = [1]} : vector<16xi32> to vector<1xi32>
          %squeeze3A_258 = vector.extract %slice3A_257[0] : i32 from vector<1xi32>
          %all_reduce_population_count3A_259 = tpu.all_reduce %eq3A_251 {dim = 0 : i64, kind = #tpu.reduction_kind<sum>} : vector<16xi1> -> vector<16xi32>
          %slice3A_260 = vector.extract_strided_slice %all_reduce_population_count3A_259 {offsets = [0], sizes = [1], strides = [1]} : vector<16xi32> to vector<1xi32>
          %squeeze3A_261 = vector.extract %slice3A_260[0] : i32 from vector<1xi32>
          %add3A_262 = arith.addi %min3A_228, %squeeze3A_258 : i32
          %min3A_263 = arith.constant 32768 : i32
          %min3A_264 = arith.minsi %add3A_262, %min3A_263 : i32
          %add3A_265 = arith.addi %min3A_231, %squeeze3A_261 : i32
          %min3A_266 = arith.constant 32768 : i32
          %min3A_267 = arith.minsi %add3A_265, %min3A_266 : i32
          %mul3A_268 = arith.constant 4 : i32
          %mul3A_269 = arith.muli %scan3A_199, %mul3A_268 : i32
          %add3A_270 = arith.constant 2 : i32
          %add3A_271 = arith.addi %mul3A_269, %add3A_270 : i32
          %mul3A_272 = arith.constant 16 : i32
          %mul3A_273 = arith.muli %add3A_271, %mul3A_272 : i32
          %get3A_274 = arith.constant 0 : i32
          %get3A_275 = arith.index_cast %get3A_274 : i32 to index
          %get3A_276 = arith.index_cast %mul3A_273 : i32 to index
          %get3A_277 = tpu.vector_load %arg5[%get3A_275, %get3A_276] {strides = array<i32>} : memref<2x16384xi32, #tpu.memory_space<vmem>>, vector<16xi32>,
          %shift_right_logical3A_278 = arith.constant 18 : i32
          %shift_right_logical3A_279 = vector.broadcast %shift_right_logical3A_278 : i32 to vector<16xi32>
          %shift_right_logical3A_280 = arith.shrui %get3A_277, %shift_right_logical3A_279 : vector<16xi32>
          %and3A_281 = arith.constant 262143 : i32
          %and3A_282 = vector.broadcast %and3A_281 : i32 to vector<16xi32>
          %and3A_283 = arith.andi %get3A_277, %and3A_282 : vector<16xi32>
          %eq3A_284 = vector.broadcast %scan3A_61#1 : i32 to vector<16xi32>
          %eq3A_285 = arith.cmpi eq, %shift_right_logical3A_280, %eq3A_284 : vector<16xi32>
          %eq3A_286 = vector.broadcast %scan3A_61#4 : i32 to vector<16xi32>
          %eq3A_287 = arith.cmpi eq, %shift_right_logical3A_280, %eq3A_286 : vector<16xi32>
          %swap3A_288 = arith.index_cast %min3A_264 : i32 to index
          %swap3A_289 = tpu.vector_load %arg7[%swap3A_288] masked %eq3A_285 {strides = array<i32>} : memref<32784xi32, #tpu.memory_space<vmem>>, vector<16xi32>, vector<16xi1>
          tpu.vector_store %arg7[%swap3A_288], %and3A_283 masked %eq3A_285 {strides = array<i32>} : memref<32784xi32, #tpu.memory_space<vmem>>, vector<16xi32>, vector<16xi1>
          %swap3A_290 = arith.index_cast %min3A_267 : i32 to index
          %swap3A_291 = tpu.vector_load %arg8[%swap3A_290] masked %eq3A_287 {strides = array<i32>} : memref<32784xi32, #tpu.memory_space<vmem>>, vector<16xi32>, vector<16xi1>
          tpu.vector_store %arg8[%swap3A_290], %and3A_283 masked %eq3A_287 {strides = array<i32>} : memref<32784xi32, #tpu.memory_space<vmem>>, vector<16xi32>, vector<16xi1>
          %all_reduce_population_count3A_292 = tpu.all_reduce %eq3A_285 {dim = 0 : i64, kind = #tpu.reduction_kind<sum>} : vector<16xi1> -> vector<16xi32>
          %slice3A_293 = vector.extract_strided_slice %all_reduce_population_count3A_292 {offsets = [0], sizes = [1], strides = [1]} : vector<16xi32> to vector<1xi32>
          %squeeze3A_294 = vector.extract %slice3A_293[0] : i32 from vector<1xi32>
          %all_reduce_population_count3A_295 = tpu.all_reduce %eq3A_287 {dim = 0 : i64, kind = #tpu.reduction_kind<sum>} : vector<16xi1> -> vector<16xi32>
          %slice3A_296 = vector.extract_strided_slice %all_reduce_population_count3A_295 {offsets = [0], sizes = [1], strides = [1]} : vector<16xi32> to vector<1xi32>
          %squeeze3A_297 = vector.extract %slice3A_296[0] : i32 from vector<1xi32>
          %add3A_298 = arith.addi %min3A_264, %squeeze3A_294 : i32
          %min3A_299 = arith.constant 32768 : i32
          %min3A_300 = arith.minsi %add3A_298, %min3A_299 : i32
          %add3A_301 = arith.addi %min3A_267, %squeeze3A_297 : i32
          %min3A_302 = arith.constant 32768 : i32
          %min3A_303 = arith.minsi %add3A_301, %min3A_302 : i32
          %mul3A_304 = arith.constant 4 : i32
          %mul3A_305 = arith.muli %scan3A_199, %mul3A_304 : i32
          %add3A_306 = arith.constant 3 : i32
          %add3A_307 = arith.addi %mul3A_305, %add3A_306 : i32
          %mul3A_308 = arith.constant 16 : i32
          %mul3A_309 = arith.muli %add3A_307, %mul3A_308 : i32
          %get3A_310 = arith.constant 0 : i32
          %get3A_311 = arith.index_cast %get3A_310 : i32 to index
          %get3A_312 = arith.index_cast %mul3A_309 : i32 to index
          %get3A_313 = tpu.vector_load %arg5[%get3A_311, %get3A_312] {strides = array<i32>} : memref<2x16384xi32, #tpu.memory_space<vmem>>, vector<16xi32>,
          %shift_right_logical3A_314 = arith.constant 18 : i32
          %shift_right_logical3A_315 = vector.broadcast %shift_right_logical3A_314 : i32 to vector<16xi32>
          %shift_right_logical3A_316 = arith.shrui %get3A_313, %shift_right_logical3A_315 : vector<16xi32>
          %and3A_317 = arith.constant 262143 : i32
          %and3A_318 = vector.broadcast %and3A_317 : i32 to vector<16xi32>
          %and3A_319 = arith.andi %get3A_313, %and3A_318 : vector<16xi32>
          %eq3A_320 = vector.broadcast %scan3A_61#1 : i32 to vector<16xi32>
          %eq3A_321 = arith.cmpi eq, %shift_right_logical3A_316, %eq3A_320 : vector<16xi32>
          %eq3A_322 = vector.broadcast %scan3A_61#4 : i32 to vector<16xi32>
          %eq3A_323 = arith.cmpi eq, %shift_right_logical3A_316, %eq3A_322 : vector<16xi32>
          %swap3A_324 = arith.index_cast %min3A_300 : i32 to index
          %swap3A_325 = tpu.vector_load %arg7[%swap3A_324] masked %eq3A_321 {strides = array<i32>} : memref<32784xi32, #tpu.memory_space<vmem>>, vector<16xi32>, vector<16xi1>
          tpu.vector_store %arg7[%swap3A_324], %and3A_319 masked %eq3A_321 {strides = array<i32>} : memref<32784xi32, #tpu.memory_space<vmem>>, vector<16xi32>, vector<16xi1>
          %swap3A_326 = arith.index_cast %min3A_303 : i32 to index
          %swap3A_327 = tpu.vector_load %arg8[%swap3A_326] masked %eq3A_323 {strides = array<i32>} : memref<32784xi32, #tpu.memory_space<vmem>>, vector<16xi32>, vector<16xi1>
          tpu.vector_store %arg8[%swap3A_326], %and3A_319 masked %eq3A_323 {strides = array<i32>} : memref<32784xi32, #tpu.memory_space<vmem>>, vector<16xi32>, vector<16xi1>
          %all_reduce_population_count3A_328 = tpu.all_reduce %eq3A_321 {dim = 0 : i64, kind = #tpu.reduction_kind<sum>} : vector<16xi1> -> vector<16xi32>
          %slice3A_329 = vector.extract_strided_slice %all_reduce_population_count3A_328 {offsets = [0], sizes = [1], strides = [1]} : vector<16xi32> to vector<1xi32>
          %squeeze3A_330 = vector.extract %slice3A_329[0] : i32 from vector<1xi32>
          %all_reduce_population_count3A_331 = tpu.all_reduce %eq3A_323 {dim = 0 : i64, kind = #tpu.reduction_kind<sum>} : vector<16xi1> -> vector<16xi32>
          %slice3A_332 = vector.extract_strided_slice %all_reduce_population_count3A_331 {offsets = [0], sizes = [1], strides = [1]} : vector<16xi32> to vector<1xi32>
          %squeeze3A_333 = vector.extract %slice3A_332[0] : i32 from vector<1xi32>
          %add3A_334 = arith.addi %min3A_300, %squeeze3A_330 : i32
          %min3A_335 = arith.constant 32768 : i32
          %min3A_336 = arith.minsi %add3A_334, %min3A_335 : i32
          %add3A_337 = arith.addi %min3A_303, %squeeze3A_333 : i32
          %min3A_338 = arith.constant 32768 : i32
          %min3A_339 = arith.minsi %add3A_337, %min3A_338 : i32
          scf.yield %min3A_336, %min3A_339 : i32, i32
        }
        %scan3A_161 = arith.constant 256 : i32
        %mul3A_162 = arith.constant 2 : i32
        %mul3A_163 = arith.muli %scan3A_124, %mul3A_162 : i32
        %add3A_164 = arith.constant 1 : i32
        %add3A_165 = arith.addi %mul3A_163, %add3A_164 : i32
        %add3A_166 = arith.constant 2 : i32
        %add3A_167 = arith.addi %add3A_165, %add3A_166 : i32
        %sub3A_168 = arith.constant 1 : i32
        %sub3A_169 = arith.subi %add3A_167, %sub3A_168 : i32
        %min3A_170 = arith.constant 15 : i32
        %min3A_171 = arith.minsi %sub3A_169, %min3A_170 : i32
        %mul3A_172 = arith.constant 16384 : i32
        %mul3A_173 = arith.muli %min3A_171, %mul3A_172 : i32
        %add3A_174 = arith.addi %mul3A_14, %mul3A_173 : i32
        %dma_start3A_175 = arith.constant 0 : i32
        %dma_start3A_176 = arith.constant 0 : i32
        %dma_start3A_177 = tpu.memref_slice %arg5[%dma_start3A_175, %dma_start3A_176] : memref<2x16384xi32, #tpu.memory_space<vmem>> -> memref<1x16384xi32, #tpu.memory_space<vmem>>
        %dma_start3A_178 = tpu.memref_squeeze %dma_start3A_177 : memref<1x16384xi32, #tpu.memory_space<vmem>> -> memref<16384xi32, #tpu.memory_space<vmem>>
        %dma_start3A_179 = tpu.memref_slice %arg3[%add3A_174] : memref<25165824xi32, #tpu.memory_space<hbm>> -> memref<16384xi32, #tpu.memory_space<hbm>>
        %dma_start3A_180 = arith.constant 0 : i32
        %dma_start3A_181 = tpu.memref_slice %arg5[%dma_start3A_175, %dma_start3A_180] : memref<2x16384xi32, #tpu.memory_space<vmem>> -> memref<1x16384xi32, #tpu.memory_space<vmem>>
        %dma_start3A_182 = tpu.memref_squeeze %dma_start3A_181 : memref<1x16384xi32, #tpu.memory_space<vmem>> -> memref<16384xi32, #tpu.memory_space<vmem>>
        %dma_start3A_183 = tpu.memref_slice %arg3[%add3A_174] : memref<25165824xi32, #tpu.memory_space<hbm>> -> memref<16384xi32, #tpu.memory_space<hbm>>
        tpu.enqueue_dma source(%dma_start3A_183 : memref<16384xi32, #tpu.memory_space<hbm>>) target(%dma_start3A_182 : memref<16384xi32, #tpu.memory_space<vmem>>) target_semaphore(%arg10 : memref<!tpu.dma_semaphore, #tpu.memory_space<semaphore_mem>>)
        %dma_wait3A_184 = arith.constant 1 : i32
        %dma_wait3A_185 = arith.constant 0 : i32
        %dma_wait3A_186 = tpu.memref_slice %arg5[%dma_wait3A_184, %dma_wait3A_185] : memref<2x16384xi32, #tpu.memory_space<vmem>> -> memref<1x16384xi32, #tpu.memory_space<vmem>>
        %dma_wait3A_187 = tpu.memref_squeeze %dma_wait3A_186 : memref<1x16384xi32, #tpu.memory_space<vmem>> -> memref<16384xi32, #tpu.memory_space<vmem>>
        %dma_wait3A_188 = tpu.memref_slice %arg3[%mul3A_14] : memref<25165824xi32, #tpu.memory_space<hbm>> -> memref<16384xi32, #tpu.memory_space<hbm>>
        %dma_wait3A_189 = arith.constant 0 : i32
        %dma_wait3A_190 = tpu.memref_slice %arg5[%dma_wait3A_184, %dma_wait3A_189] : memref<2x16384xi32, #tpu.memory_space<vmem>> -> memref<1x16384xi32, #tpu.memory_space<vmem>>
        %dma_wait3A_191 = tpu.memref_squeeze %dma_wait3A_190 : memref<1x16384xi32, #tpu.memory_space<vmem>> -> memref<16384xi32, #tpu.memory_space<vmem>>
        %dma_wait3A_192 = tpu.memref_slice %arg3[%mul3A_14] : memref<25165824xi32, #tpu.memory_space<hbm>> -> memref<16384xi32, #tpu.memory_space<hbm>>
        tpu.wait_dma2 semaphore(%arg11 : memref<!tpu.dma_semaphore, #tpu.memory_space<semaphore_mem>>) src(%dma_wait3A_192 : memref<16384xi32, #tpu.memory_space<hbm>>) dst(%dma_wait3A_191 : memref<16384xi32, #tpu.memory_space<vmem>>)
        %scan3A_193 = arith.constant 0 : i32
        %scan3A_194 = arith.constant 256 : i32
        %scan3A_195 = arith.addi %scan3A_193, %scan3A_194 : i32
        %scan3A_196 = arith.constant 1 : i32
        %scan3A_197:2 = scf.for %scan3A_199 = %scan3A_193 to %scan3A_195 step %scan3A_196 iter_args(%scan3A_200 = %scan3A_160#0, %scan3A_201 = %scan3A_160#1) -> (i32, i32)  : i32 {
          %mul3A_202 = arith.constant 4 : i32
          %mul3A_203 = arith.muli %scan3A_199, %mul3A_202 : i32
          %add3A_204 = arith.constant 0 : i32
          %add3A_205 = arith.addi %mul3A_203, %add3A_204 : i32
          %mul3A_206 = arith.constant 16 : i32
          %mul3A_207 = arith.muli %add3A_205, %mul3A_206 : i32
          %get3A = arith.constant 1 : i32
          %get3A_208 = arith.index_cast %get3A : i32 to index
          %get3A_209 = arith.index_cast %mul3A_207 : i32 to index
          %get3A_210 = tpu.vector_load %arg5[%get3A_208, %get3A_209] {strides = array<i32>} : memref<2x16384xi32, #tpu.memory_space<vmem>>, vector<16xi32>,
          %shift_right_logical3A = arith.constant 18 : i32
          %shift_right_logical3A_211 = vector.broadcast %shift_right_logical3A : i32 to vector<16xi32>
          %shift_right_logical3A_212 = arith.shrui %get3A_210, %shift_right_logical3A_211 : vector<16xi32>
          %and3A = arith.constant 262143 : i32
          %and3A_213 = vector.broadcast %and3A : i32 to vector<16xi32>
          %and3A_214 = arith.andi %get3A_210, %and3A_213 : vector<16xi32>
          %eq3A_215 = vector.broadcast %scan3A_61#1 : i32 to vector<16xi32>
          %eq3A_216 = arith.cmpi eq, %shift_right_logical3A_212, %eq3A_215 : vector<16xi32>
          %eq3A_217 = vector.broadcast %scan3A_61#4 : i32 to vector<16xi32>
          %eq3A_218 = arith.cmpi eq, %shift_right_logical3A_212, %eq3A_217 : vector<16xi32>
          %swap3A_219 = arith.index_cast %scan3A_200 : i32 to index
          %swap3A_220 = tpu.vector_load %arg7[%swap3A_219] masked %eq3A_216 {strides = array<i32>} : memref<32784xi32, #tpu.memory_space<vmem>>, vector<16xi32>, vector<16xi1>
          tpu.vector_store %arg7[%swap3A_219], %and3A_214 masked %eq3A_216 {strides = array<i32>} : memref<32784xi32, #tpu.memory_space<vmem>>, vector<16xi32>, vector<16xi1>
          %swap3A_221 = arith.index_cast %scan3A_201 : i32 to index
          %swap3A_222 = tpu.vector_load %arg8[%swap3A_221] masked %eq3A_218 {strides = array<i32>} : memref<32784xi32, #tpu.memory_space<vmem>>, vector<16xi32>, vector<16xi1>
          tpu.vector_store %arg8[%swap3A_221], %and3A_214 masked %eq3A_218 {strides = array<i32>} : memref<32784xi32, #tpu.memory_space<vmem>>, vector<16xi32>, vector<16xi1>
          %all_reduce_population_count3A = tpu.all_reduce %eq3A_216 {dim = 0 : i64, kind = #tpu.reduction_kind<sum>} : vector<16xi1> -> vector<16xi32>
          %slice3A = vector.extract_strided_slice %all_reduce_population_count3A {offsets = [0], sizes = [1], strides = [1]} : vector<16xi32> to vector<1xi32>
          %squeeze3A = vector.extract %slice3A[0] : i32 from vector<1xi32>
          %all_reduce_population_count3A_223 = tpu.all_reduce %eq3A_218 {dim = 0 : i64, kind = #tpu.reduction_kind<sum>} : vector<16xi1> -> vector<16xi32>
          %slice3A_224 = vector.extract_strided_slice %all_reduce_population_count3A_223 {offsets = [0], sizes = [1], strides = [1]} : vector<16xi32> to vector<1xi32>
          %squeeze3A_225 = vector.extract %slice3A_224[0] : i32 from vector<1xi32>
          %add3A_226 = arith.addi %scan3A_200, %squeeze3A : i32
          %min3A_227 = arith.constant 32768 : i32
          %min3A_228 = arith.minsi %add3A_226, %min3A_227 : i32
          %add3A_229 = arith.addi %scan3A_201, %squeeze3A_225 : i32
          %min3A_230 = arith.constant 32768 : i32
          %min3A_231 = arith.minsi %add3A_229, %min3A_230 : i32
          %mul3A_232 = arith.constant 4 : i32
          %mul3A_233 = arith.muli %scan3A_199, %mul3A_232 : i32
          %add3A_234 = arith.constant 1 : i32
          %add3A_235 = arith.addi %mul3A_233, %add3A_234 : i32
          %mul3A_236 = arith.constant 16 : i32
          %mul3A_237 = arith.muli %add3A_235, %mul3A_236 : i32
          %get3A_238 = arith.constant 1 : i32
          %get3A_239 = arith.index_cast %get3A_238 : i32 to index
          %get3A_240 = arith.index_cast %mul3A_237 : i32 to index
          %get3A_241 = tpu.vector_load %arg5[%get3A_239, %get3A_240] {strides = array<i32>} : memref<2x16384xi32, #tpu.memory_space<vmem>>, vector<16xi32>,
          %shift_right_logical3A_242 = arith.constant 18 : i32
          %shift_right_logical3A_243 = vector.broadcast %shift_right_logical3A_242 : i32 to vector<16xi32>
          %shift_right_logical3A_244 = arith.shrui %get3A_241, %shift_right_logical3A_243 : vector<16xi32>
          %and3A_245 = arith.constant 262143 : i32
          %and3A_246 = vector.broadcast %and3A_245 : i32 to vector<16xi32>
          %and3A_247 = arith.andi %get3A_241, %and3A_246 : vector<16xi32>
          %eq3A_248 = vector.broadcast %scan3A_61#1 : i32 to vector<16xi32>
          %eq3A_249 = arith.cmpi eq, %shift_right_logical3A_244, %eq3A_248 : vector<16xi32>
          %eq3A_250 = vector.broadcast %scan3A_61#4 : i32 to vector<16xi32>
          %eq3A_251 = arith.cmpi eq, %shift_right_logical3A_244, %eq3A_250 : vector<16xi32>
          %swap3A_252 = arith.index_cast %min3A_228 : i32 to index
          %swap3A_253 = tpu.vector_load %arg7[%swap3A_252] masked %eq3A_249 {strides = array<i32>} : memref<32784xi32, #tpu.memory_space<vmem>>, vector<16xi32>, vector<16xi1>
          tpu.vector_store %arg7[%swap3A_252], %and3A_247 masked %eq3A_249 {strides = array<i32>} : memref<32784xi32, #tpu.memory_space<vmem>>, vector<16xi32>, vector<16xi1>
          %swap3A_254 = arith.index_cast %min3A_231 : i32 to index
          %swap3A_255 = tpu.vector_load %arg8[%swap3A_254] masked %eq3A_251 {strides = array<i32>} : memref<32784xi32, #tpu.memory_space<vmem>>, vector<16xi32>, vector<16xi1>
          tpu.vector_store %arg8[%swap3A_254], %and3A_247 masked %eq3A_251 {strides = array<i32>} : memref<32784xi32, #tpu.memory_space<vmem>>, vector<16xi32>, vector<16xi1>
          %all_reduce_population_count3A_256 = tpu.all_reduce %eq3A_249 {dim = 0 : i64, kind = #tpu.reduction_kind<sum>} : vector<16xi1> -> vector<16xi32>
          %slice3A_257 = vector.extract_strided_slice %all_reduce_population_count3A_256 {offsets = [0], sizes = [1], strides = [1]} : vector<16xi32> to vector<1xi32>
          %squeeze3A_258 = vector.extract %slice3A_257[0] : i32 from vector<1xi32>
          %all_reduce_population_count3A_259 = tpu.all_reduce %eq3A_251 {dim = 0 : i64, kind = #tpu.reduction_kind<sum>} : vector<16xi1> -> vector<16xi32>
          %slice3A_260 = vector.extract_strided_slice %all_reduce_population_count3A_259 {offsets = [0], sizes = [1], strides = [1]} : vector<16xi32> to vector<1xi32>
          %squeeze3A_261 = vector.extract %slice3A_260[0] : i32 from vector<1xi32>
          %add3A_262 = arith.addi %min3A_228, %squeeze3A_258 : i32
          %min3A_263 = arith.constant 32768 : i32
          %min3A_264 = arith.minsi %add3A_262, %min3A_263 : i32
          %add3A_265 = arith.addi %min3A_231, %squeeze3A_261 : i32
          %min3A_266 = arith.constant 32768 : i32
          %min3A_267 = arith.minsi %add3A_265, %min3A_266 : i32
          %mul3A_268 = arith.constant 4 : i32
          %mul3A_269 = arith.muli %scan3A_199, %mul3A_268 : i32
          %add3A_270 = arith.constant 2 : i32
          %add3A_271 = arith.addi %mul3A_269, %add3A_270 : i32
          %mul3A_272 = arith.constant 16 : i32
          %mul3A_273 = arith.muli %add3A_271, %mul3A_272 : i32
          %get3A_274 = arith.constant 1 : i32
          %get3A_275 = arith.index_cast %get3A_274 : i32 to index
          %get3A_276 = arith.index_cast %mul3A_273 : i32 to index
          %get3A_277 = tpu.vector_load %arg5[%get3A_275, %get3A_276] {strides = array<i32>} : memref<2x16384xi32, #tpu.memory_space<vmem>>, vector<16xi32>,
          %shift_right_logical3A_278 = arith.constant 18 : i32
          %shift_right_logical3A_279 = vector.broadcast %shift_right_logical3A_278 : i32 to vector<16xi32>
          %shift_right_logical3A_280 = arith.shrui %get3A_277, %shift_right_logical3A_279 : vector<16xi32>
          %and3A_281 = arith.constant 262143 : i32
          %and3A_282 = vector.broadcast %and3A_281 : i32 to vector<16xi32>
          %and3A_283 = arith.andi %get3A_277, %and3A_282 : vector<16xi32>
          %eq3A_284 = vector.broadcast %scan3A_61#1 : i32 to vector<16xi32>
          %eq3A_285 = arith.cmpi eq, %shift_right_logical3A_280, %eq3A_284 : vector<16xi32>
          %eq3A_286 = vector.broadcast %scan3A_61#4 : i32 to vector<16xi32>
          %eq3A_287 = arith.cmpi eq, %shift_right_logical3A_280, %eq3A_286 : vector<16xi32>
          %swap3A_288 = arith.index_cast %min3A_264 : i32 to index
          %swap3A_289 = tpu.vector_load %arg7[%swap3A_288] masked %eq3A_285 {strides = array<i32>} : memref<32784xi32, #tpu.memory_space<vmem>>, vector<16xi32>, vector<16xi1>
          tpu.vector_store %arg7[%swap3A_288], %and3A_283 masked %eq3A_285 {strides = array<i32>} : memref<32784xi32, #tpu.memory_space<vmem>>, vector<16xi32>, vector<16xi1>
          %swap3A_290 = arith.index_cast %min3A_267 : i32 to index
          %swap3A_291 = tpu.vector_load %arg8[%swap3A_290] masked %eq3A_287 {strides = array<i32>} : memref<32784xi32, #tpu.memory_space<vmem>>, vector<16xi32>, vector<16xi1>
          tpu.vector_store %arg8[%swap3A_290], %and3A_283 masked %eq3A_287 {strides = array<i32>} : memref<32784xi32, #tpu.memory_space<vmem>>, vector<16xi32>, vector<16xi1>
          %all_reduce_population_count3A_292 = tpu.all_reduce %eq3A_285 {dim = 0 : i64, kind = #tpu.reduction_kind<sum>} : vector<16xi1> -> vector<16xi32>
          %slice3A_293 = vector.extract_strided_slice %all_reduce_population_count3A_292 {offsets = [0], sizes = [1], strides = [1]} : vector<16xi32> to vector<1xi32>
          %squeeze3A_294 = vector.extract %slice3A_293[0] : i32 from vector<1xi32>
          %all_reduce_population_count3A_295 = tpu.all_reduce %eq3A_287 {dim = 0 : i64, kind = #tpu.reduction_kind<sum>} : vector<16xi1> -> vector<16xi32>
          %slice3A_296 = vector.extract_strided_slice %all_reduce_population_count3A_295 {offsets = [0], sizes = [1], strides = [1]} : vector<16xi32> to vector<1xi32>
          %squeeze3A_297 = vector.extract %slice3A_296[0] : i32 from vector<1xi32>
          %add3A_298 = arith.addi %min3A_264, %squeeze3A_294 : i32
          %min3A_299 = arith.constant 32768 : i32
          %min3A_300 = arith.minsi %add3A_298, %min3A_299 : i32
          %add3A_301 = arith.addi %min3A_267, %squeeze3A_297 : i32
          %min3A_302 = arith.constant 32768 : i32
          %min3A_303 = arith.minsi %add3A_301, %min3A_302 : i32
          %mul3A_304 = arith.constant 4 : i32
          %mul3A_305 = arith.muli %scan3A_199, %mul3A_304 : i32
          %add3A_306 = arith.constant 3 : i32
          %add3A_307 = arith.addi %mul3A_305, %add3A_306 : i32
          %mul3A_308 = arith.constant 16 : i32
          %mul3A_309 = arith.muli %add3A_307, %mul3A_308 : i32
          %get3A_310 = arith.constant 1 : i32
          %get3A_311 = arith.index_cast %get3A_310 : i32 to index
          %get3A_312 = arith.index_cast %mul3A_309 : i32 to index
          %get3A_313 = tpu.vector_load %arg5[%get3A_311, %get3A_312] {strides = array<i32>} : memref<2x16384xi32, #tpu.memory_space<vmem>>, vector<16xi32>,
          %shift_right_logical3A_314 = arith.constant 18 : i32
          %shift_right_logical3A_315 = vector.broadcast %shift_right_logical3A_314 : i32 to vector<16xi32>
          %shift_right_logical3A_316 = arith.shrui %get3A_313, %shift_right_logical3A_315 : vector<16xi32>
          %and3A_317 = arith.constant 262143 : i32
          %and3A_318 = vector.broadcast %and3A_317 : i32 to vector<16xi32>
          %and3A_319 = arith.andi %get3A_313, %and3A_318 : vector<16xi32>
          %eq3A_320 = vector.broadcast %scan3A_61#1 : i32 to vector<16xi32>
          %eq3A_321 = arith.cmpi eq, %shift_right_logical3A_316, %eq3A_320 : vector<16xi32>
          %eq3A_322 = vector.broadcast %scan3A_61#4 : i32 to vector<16xi32>
          %eq3A_323 = arith.cmpi eq, %shift_right_logical3A_316, %eq3A_322 : vector<16xi32>
          %swap3A_324 = arith.index_cast %min3A_300 : i32 to index
          %swap3A_325 = tpu.vector_load %arg7[%swap3A_324] masked %eq3A_321 {strides = array<i32>} : memref<32784xi32, #tpu.memory_space<vmem>>, vector<16xi32>, vector<16xi1>
          tpu.vector_store %arg7[%swap3A_324], %and3A_319 masked %eq3A_321 {strides = array<i32>} : memref<32784xi32, #tpu.memory_space<vmem>>, vector<16xi32>, vector<16xi1>
          %swap3A_326 = arith.index_cast %min3A_303 : i32 to index
          %swap3A_327 = tpu.vector_load %arg8[%swap3A_326] masked %eq3A_323 {strides = array<i32>} : memref<32784xi32, #tpu.memory_space<vmem>>, vector<16xi32>, vector<16xi1>
          tpu.vector_store %arg8[%swap3A_326], %and3A_319 masked %eq3A_323 {strides = array<i32>} : memref<32784xi32, #tpu.memory_space<vmem>>, vector<16xi32>, vector<16xi1>
          %all_reduce_population_count3A_328 = tpu.all_reduce %eq3A_321 {dim = 0 : i64, kind = #tpu.reduction_kind<sum>} : vector<16xi1> -> vector<16xi32>
          %slice3A_329 = vector.extract_strided_slice %all_reduce_population_count3A_328 {offsets = [0], sizes = [1], strides = [1]} : vector<16xi32> to vector<1xi32>
          %squeeze3A_330 = vector.extract %slice3A_329[0] : i32 from vector<1xi32>
          %all_reduce_population_count3A_331 = tpu.all_reduce %eq3A_323 {dim = 0 : i64, kind = #tpu.reduction_kind<sum>} : vector<16xi1> -> vector<16xi32>
          %slice3A_332 = vector.extract_strided_slice %all_reduce_population_count3A_331 {offsets = [0], sizes = [1], strides = [1]} : vector<16xi32> to vector<1xi32>
          %squeeze3A_333 = vector.extract %slice3A_332[0] : i32 from vector<1xi32>
          %add3A_334 = arith.addi %min3A_300, %squeeze3A_330 : i32
          %min3A_335 = arith.constant 32768 : i32
          %min3A_336 = arith.minsi %add3A_334, %min3A_335 : i32
          %add3A_337 = arith.addi %min3A_303, %squeeze3A_333 : i32
          %min3A_338 = arith.constant 32768 : i32
          %min3A_339 = arith.minsi %add3A_337, %min3A_338 : i32
          scf.yield %min3A_336, %min3A_339 : i32, i32
        }
        %scan3A_198 = arith.constant 256 : i32
        scf.yield %scan3A_197#0, %scan3A_197#1 : i32, i32
      }
      %scan3A_81 = arith.constant 8 : i32
      %dma_wait3A_82 = arith.constant 0 : i32
      %dma_wait3A_83 = arith.constant 0 : i32
      %dma_wait3A_84 = tpu.memref_slice %arg5[%dma_wait3A_82, %dma_wait3A_83] : memref<2x16384xi32, #tpu.memory_space<vmem>> -> memref<1x16384xi32, #tpu.memory_space<vmem>>
      %dma_wait3A_85 = tpu.memref_squeeze %dma_wait3A_84 : memref<1x16384xi32, #tpu.memory_space<vmem>> -> memref<16384xi32, #tpu.memory_space<vmem>>
      %dma_wait3A_86 = tpu.memref_slice %arg3[%mul3A_14] : memref<25165824xi32, #tpu.memory_space<hbm>> -> memref<16384xi32, #tpu.memory_space<hbm>>
      %dma_wait3A_87 = arith.constant 0 : i32
      %dma_wait3A_88 = tpu.memref_slice %arg5[%dma_wait3A_82, %dma_wait3A_87] : memref<2x16384xi32, #tpu.memory_space<vmem>> -> memref<1x16384xi32, #tpu.memory_space<vmem>>
      %dma_wait3A_89 = tpu.memref_squeeze %dma_wait3A_88 : memref<1x16384xi32, #tpu.memory_space<vmem>> -> memref<16384xi32, #tpu.memory_space<vmem>>
      %dma_wait3A_90 = tpu.memref_slice %arg3[%mul3A_14] : memref<25165824xi32, #tpu.memory_space<hbm>> -> memref<16384xi32, #tpu.memory_space<hbm>>
      tpu.wait_dma2 semaphore(%arg10 : memref<!tpu.dma_semaphore, #tpu.memory_space<semaphore_mem>>) src(%dma_wait3A_90 : memref<16384xi32, #tpu.memory_space<hbm>>) dst(%dma_wait3A_89 : memref<16384xi32, #tpu.memory_space<vmem>>)
      %le3A = arith.constant 32768 : i32
      %le3A_91 = arith.cmpi sle, %scan3A_61#3, %le3A : i32
      %convert_element_type3A = arith.extui %le3A_91 : i1 to i32
      %cond3A = arith.constant 0 : i32
      %cond3A_92 = arith.constant 0 : i32
      %cond3A_93 = arith.cmpi ne, %convert_element_type3A, %cond3A_92 : i32
      %cond3A_94 = scf.if %cond3A_93 -> (i32) {
        %broadcast_in_dim3A_124 = arith.constant 0 : i32
        %broadcast_in_dim3A_125 = vector.broadcast %broadcast_in_dim3A_124 : i32 to vector<16xi32>
        %scan3A_126 = arith.constant 0 : i32
        %scan3A_127 = arith.constant 0 : i32
        %scan3A_128 = arith.constant 16 : i32
        %scan3A_129 = arith.addi %scan3A_127, %scan3A_128 : i32
        %scan3A_130 = arith.constant 1 : i32
        scf.for %scan3A_177 = %scan3A_127 to %scan3A_129 step %scan3A_130  : i32 {
          %mul3A_178 = arith.constant 4 : i32
          %mul3A_179 = arith.muli %scan3A_177, %mul3A_178 : i32
          %add3A_180 = arith.constant 0 : i32
          %add3A_181 = arith.addi %mul3A_179, %add3A_180 : i32
          %mul3A_182 = arith.constant 16 : i32
          %mul3A_183 = arith.muli %add3A_181, %mul3A_182 : i32
          %swap3A_184 = arith.index_cast %mul3A_183 : i32 to index
          %swap3A_185 = tpu.vector_load %arg6[%swap3A_184] {strides = array<i32>} : memref<16384xi32, #tpu.memory_space<vmem>>, vector<16xi32>,
          tpu.vector_store %arg6[%swap3A_184], %broadcast_in_dim3A_125 {strides = array<i32>} : memref<16384xi32, #tpu.memory_space<vmem>>, vector<16xi32>,
          %mul3A_186 = arith.constant 4 : i32
          %mul3A_187 = arith.muli %scan3A_177, %mul3A_186 : i32
          %add3A_188 = arith.constant 1 : i32
          %add3A_189 = arith.addi %mul3A_187, %add3A_188 : i32
          %mul3A_190 = arith.constant 16 : i32
          %mul3A_191 = arith.muli %add3A_189, %mul3A_190 : i32
          %swap3A_192 = arith.index_cast %mul3A_191 : i32 to index
          %swap3A_193 = tpu.vector_load %arg6[%swap3A_192] {strides = array<i32>} : memref<16384xi32, #tpu.memory_space<vmem>>, vector<16xi32>,
          tpu.vector_store %arg6[%swap3A_192], %broadcast_in_dim3A_125 {strides = array<i32>} : memref<16384xi32, #tpu.memory_space<vmem>>, vector<16xi32>,
          %mul3A_194 = arith.constant 4 : i32
          %mul3A_195 = arith.muli %scan3A_177, %mul3A_194 : i32
          %add3A_196 = arith.constant 2 : i32
          %add3A_197 = arith.addi %mul3A_195, %add3A_196 : i32
          %mul3A_198 = arith.constant 16 : i32
          %mul3A_199 = arith.muli %add3A_197, %mul3A_198 : i32
          %swap3A_200 = arith.index_cast %mul3A_199 : i32 to index
          %swap3A_201 = tpu.vector_load %arg6[%swap3A_200] {strides = array<i32>} : memref<16384xi32, #tpu.memory_space<vmem>>, vector<16xi32>,
          tpu.vector_store %arg6[%swap3A_200], %broadcast_in_dim3A_125 {strides = array<i32>} : memref<16384xi32, #tpu.memory_space<vmem>>, vector<16xi32>,
          %mul3A_202 = arith.constant 4 : i32
          %mul3A_203 = arith.muli %scan3A_177, %mul3A_202 : i32
          %add3A_204 = arith.constant 3 : i32
          %add3A_205 = arith.addi %mul3A_203, %add3A_204 : i32
          %mul3A_206 = arith.constant 16 : i32
          %mul3A_207 = arith.muli %add3A_205, %mul3A_206 : i32
          %swap3A_208 = arith.index_cast %mul3A_207 : i32 to index
          %swap3A_209 = tpu.vector_load %arg6[%swap3A_208] {strides = array<i32>} : memref<16384xi32, #tpu.memory_space<vmem>>, vector<16xi32>,
          tpu.vector_store %arg6[%swap3A_208], %broadcast_in_dim3A_125 {strides = array<i32>} : memref<16384xi32, #tpu.memory_space<vmem>>, vector<16xi32>,
        }
        %scan3A_131 = arith.constant 16 : i32
        %add3A_132 = arith.constant 15 : i32
        %add3A_133 = arith.addi %scan3A_61#3, %add3A_132 : i32
        %div3A = arith.constant 16 : i32
        %div3A_134 = arith.divsi %add3A_133, %div3A : i32
        %while3A = arith.constant 0 : i32
        %while3A_135 = arith.constant 0 : i32
        %while3A_136 = arith.subi %div3A_134, %while3A_135 : i32
        %while3A_137 = arith.addi %while3A_135, %while3A_136 : i32
        %while3A_138 = arith.constant 1 : i32
        %while3A_139 = arith.divsi %while3A_136, %while3A_138 : i32
        %while3A_140 = arith.muli %while3A_139, %while3A_138 : i32
        %while3A_141 = arith.addi %while3A_135, %while3A_140 : i32
        %while3A_142 = arith.constant 1 : i32
        scf.for %while3A_177 = %while3A_135 to %while3A_141 step %while3A_142  : i32 {
          %mul3A_178 = arith.constant 16 : i32
          %mul3A_179 = arith.muli %while3A_177, %mul3A_178 : i32
          %get3A = arith.index_cast %mul3A_179 : i32 to index
          %get3A_180 = tpu.vector_load %arg7[%get3A] {strides = array<i32>} : memref<32784xi32, #tpu.memory_space<vmem>>, vector<16xi32>,
          %mul3A_181 = arith.constant 16 : i32
          %mul3A_182 = arith.muli %while3A_177, %mul3A_181 : i32
          %add3A_183 = vector.broadcast %mul3A_182 : i32 to vector<16xi32>
          %add3A_184 = arith.addi %iota3A, %add3A_183 : vector<16xi32>
          %lt3A_185 = vector.broadcast %scan3A_61#3 : i32 to vector<16xi32>
          %lt3A_186 = arith.cmpi slt, %add3A_184, %lt3A_185 : vector<16xi32>
          %shift_right_logical3A = arith.constant 9 : i32
          %shift_right_logical3A_187 = vector.broadcast %shift_right_logical3A : i32 to vector<16xi32>
          %shift_right_logical3A_188 = arith.shrui %get3A_180, %shift_right_logical3A_187 : vector<16xi32>
          tpu.vector_store_idx %arg6[%shift_right_logical3A_188], %broadcast_in_dim3A_1 masked %lt3A_186 {add = true} : memref<16384xi32, #tpu.memory_space<vmem>>[vector<16xi32>], vector<16xi32>, vector<16xi1>
        }
        %while3A_143 = arith.constant 1 : i32
        scf.for %while3A_177 = %while3A_141 to %while3A_137 step %while3A_143  : i32 {
          %mul3A_178 = arith.constant 16 : i32
          %mul3A_179 = arith.muli %while3A_177, %mul3A_178 : i32
          %get3A = arith.index_cast %mul3A_179 : i32 to index
          %get3A_180 = tpu.vector_load %arg7[%get3A] {strides = array<i32>} : memref<32784xi32, #tpu.memory_space<vmem>>, vector<16xi32>,
          %mul3A_181 = arith.constant 16 : i32
          %mul3A_182 = arith.muli %while3A_177, %mul3A_181 : i32
          %add3A_183 = vector.broadcast %mul3A_182 : i32 to vector<16xi32>
          %add3A_184 = arith.addi %iota3A, %add3A_183 : vector<16xi32>
          %lt3A_185 = vector.broadcast %scan3A_61#3 : i32 to vector<16xi32>
          %lt3A_186 = arith.cmpi slt, %add3A_184, %lt3A_185 : vector<16xi32>
          %shift_right_logical3A = arith.constant 9 : i32
          %shift_right_logical3A_187 = vector.broadcast %shift_right_logical3A : i32 to vector<16xi32>
          %shift_right_logical3A_188 = arith.shrui %get3A_180, %shift_right_logical3A_187 : vector<16xi32>
          tpu.vector_store_idx %arg6[%shift_right_logical3A_188], %broadcast_in_dim3A_1 masked %lt3A_186 {add = true} : memref<16384xi32, #tpu.memory_space<vmem>>[vector<16xi32>], vector<16xi32>, vector<16xi1>
        }
        %iota3A_144 = tpu.iota {dimensions = array<i32: 0>} : vector<16xi32>
        %scan3A_145 = arith.constant 0 : i32
        %scan3A_146 = arith.constant 0 : i32
        %scan3A_147 = arith.constant 0 : i32
        %scan3A_148 = arith.constant 0 : i32
        %scan3A_149 = arith.constant 32 : i32
        %scan3A_150 = arith.addi %scan3A_148, %scan3A_149 : i32
        %scan3A_151 = arith.constant 1 : i32
        %scan3A_152:3 = scf.for %scan3A_177 = %scan3A_148 to %scan3A_150 step %scan3A_151 iter_args(%scan3A_178 = %scan3A_145, %scan3A_179 = %scan3A_146, %scan3A_180 = %scan3A_147) -> (i32, i32, i32)  : i32 {
          %mul3A_181 = arith.constant 16 : i32
          %mul3A_182 = arith.muli %scan3A_177, %mul3A_181 : i32
          %add3A_183 = arith.constant 0 : i32
          %add3A_184 = arith.addi %add3A_183, %mul3A_182 : i32
          %get3A = arith.index_cast %add3A_184 : i32 to index
          %get3A_185 = tpu.vector_load %arg6[%get3A] {strides = array<i32>} : memref<16384xi32, #tpu.memory_space<vmem>>, vector<16xi32>,
          %broadcast_in_dim3A_186 = arith.constant true
          %broadcast_in_dim3A_187 = vector.broadcast %broadcast_in_dim3A_186 : i1 to vector<16xi1>
          %masked_cumsum3A = tpu.scan <sum>, %get3A_185 masked %broadcast_in_dim3A_187 : vector<16xi32>, vector<16xi1> -> vector<16xi32>
          %reduce_sum3A = arith.constant true
          %reduce_sum3A_188 = vector.broadcast %reduce_sum3A : i1 to vector<16xi1>
          %reduce_sum3A_189 = tpu.scan <sum>, %get3A_185 masked %reduce_sum3A_188 : vector<16xi32>, vector<16xi1> -> vector<16xi32>
          %reduce_sum3A_190 = vector.extract %reduce_sum3A_189[15] : i32 from vector<16xi32>
          %add3A_191 = vector.broadcast %scan3A_178 : i32 to vector<16xi32>
          %add3A_192 = arith.addi %add3A_191, %masked_cumsum3A : vector<16xi32>
          %sub3A = arith.subi %add3A_192, %get3A_185 : vector<16xi32>
          %add3A_193 = arith.addi %scan3A_178, %reduce_sum3A_190 : i32
          %le3A_194 = arith.cmpi sle, %scan3A_178, %scan3A_61#2 : i32
          %lt3A_195 = arith.cmpi slt, %scan3A_61#2, %add3A_193 : i32
          %and3A = arith.andi %le3A_194, %lt3A_195 : i1
          %le3A_196 = vector.broadcast %scan3A_61#2 : i32 to vector<16xi32>
          %le3A_197 = arith.cmpi sle, %sub3A, %le3A_196 : vector<16xi32>
          %add3A_198 = arith.addi %sub3A, %get3A_185 : vector<16xi32>
          %lt3A_199 = vector.broadcast %scan3A_61#2 : i32 to vector<16xi32>
          %lt3A_200 = arith.cmpi slt, %lt3A_199, %add3A_198 : vector<16xi32>
          %and3A_201 = arith.andi %le3A_197, %lt3A_200 : vector<16xi1>
          %jit3A_202 = arith.constant 0 : i32
          %broadcast_in_dim3A_203 = vector.broadcast %jit3A_202 : i32 to vector<16xi32>
          %select_n3A_204 = arith.select %and3A_201, %iota3A_144, %broadcast_in_dim3A_203 : vector<16xi1>, vector<16xi32>
          %reduce_sum3A_205 = arith.constant true
          %reduce_sum3A_206 = vector.broadcast %reduce_sum3A_205 : i1 to vector<16xi1>
          %reduce_sum3A_207 = tpu.scan <sum>, %select_n3A_204 masked %reduce_sum3A_206 : vector<16xi32>, vector<16xi1> -> vector<16xi32>
          %reduce_sum3A_208 = vector.extract %reduce_sum3A_207[15] : i32 from vector<16xi32>
          %sub3A_209 = vector.broadcast %scan3A_61#2 : i32 to vector<16xi32>
          %sub3A_210 = arith.subi %sub3A_209, %sub3A : vector<16xi32>
          %jit3A_211 = arith.constant 0 : i32
          %broadcast_in_dim3A_212 = vector.broadcast %jit3A_211 : i32 to vector<16xi32>
          %select_n3A_213 = arith.select %and3A_201, %sub3A_210, %broadcast_in_dim3A_212 : vector<16xi1>, vector<16xi32>
          %reduce_sum3A_214 = arith.constant true
          %reduce_sum3A_215 = vector.broadcast %reduce_sum3A_214 : i1 to vector<16xi1>
          %reduce_sum3A_216 = tpu.scan <sum>, %select_n3A_213 masked %reduce_sum3A_215 : vector<16xi32>, vector<16xi1> -> vector<16xi32>
          %reduce_sum3A_217 = vector.extract %reduce_sum3A_216[15] : i32 from vector<16xi32>
          %mul3A_218 = arith.constant 16 : i32
          %mul3A_219 = arith.muli %scan3A_177, %mul3A_218 : i32
          %add3A_220 = arith.addi %mul3A_219, %reduce_sum3A_208 : i32
          %select_n3A_221 = arith.select %and3A, %add3A_220, %scan3A_179 : i32
          %select_n3A_222 = arith.select %and3A, %reduce_sum3A_217, %scan3A_180 : i32
          scf.yield %add3A_193, %select_n3A_221, %select_n3A_222 : i32, i32, i32
        }
        %scan3A_153 = arith.constant 32 : i32
        %while3A_154 = arith.constant 0 : i32
        %while3A_155 = arith.constant 0 : i32
        %while3A_156 = arith.subi %div3A_134, %while3A_155 : i32
        %while3A_157 = arith.addi %while3A_155, %while3A_156 : i32
        %while3A_158 = arith.constant 1 : i32
        %while3A_159 = arith.divsi %while3A_156, %while3A_158 : i32
        %while3A_160 = arith.muli %while3A_159, %while3A_158 : i32
        %while3A_161 = arith.addi %while3A_155, %while3A_160 : i32
        %while3A_162 = arith.constant 1 : i32
        scf.for %while3A_177 = %while3A_155 to %while3A_161 step %while3A_162  : i32 {
          %mul3A_178 = arith.constant 16 : i32
          %mul3A_179 = arith.muli %while3A_177, %mul3A_178 : i32
          %get3A = arith.index_cast %mul3A_179 : i32 to index
          %get3A_180 = tpu.vector_load %arg7[%get3A] {strides = array<i32>} : memref<32784xi32, #tpu.memory_space<vmem>>, vector<16xi32>,
          %mul3A_181 = arith.constant 16 : i32
          %mul3A_182 = arith.muli %while3A_177, %mul3A_181 : i32
          %add3A_183 = vector.broadcast %mul3A_182 : i32 to vector<16xi32>
          %add3A_184 = arith.addi %iota3A, %add3A_183 : vector<16xi32>
          %lt3A_185 = vector.broadcast %scan3A_61#3 : i32 to vector<16xi32>
          %lt3A_186 = arith.cmpi slt, %add3A_184, %lt3A_185 : vector<16xi32>
          %shift_right_logical3A = arith.constant 9 : i32
          %shift_right_logical3A_187 = vector.broadcast %shift_right_logical3A : i32 to vector<16xi32>
          %shift_right_logical3A_188 = arith.shrui %get3A_180, %shift_right_logical3A_187 : vector<16xi32>
          %and3A = arith.constant 511 : i32
          %and3A_189 = vector.broadcast %and3A : i32 to vector<16xi32>
          %and3A_190 = arith.andi %get3A_180, %and3A_189 : vector<16xi32>
          %add3A_191 = arith.constant 512 : i32
          %add3A_192 = vector.broadcast %add3A_191 : i32 to vector<16xi32>
          %add3A_193 = arith.addi %and3A_190, %add3A_192 : vector<16xi32>
          %eq3A_194 = vector.broadcast %scan3A_152#1 : i32 to vector<16xi32>
          %eq3A_195 = arith.cmpi eq, %shift_right_logical3A_188, %eq3A_194 : vector<16xi32>
          %and3A_196 = arith.andi %lt3A_186, %eq3A_195 : vector<16xi1>
          tpu.vector_store_idx %arg6[%add3A_193], %broadcast_in_dim3A_1 masked %and3A_196 {add = true} : memref<16384xi32, #tpu.memory_space<vmem>>[vector<16xi32>], vector<16xi32>, vector<16xi1>
        }
        %while3A_163 = arith.constant 1 : i32
        scf.for %while3A_177 = %while3A_161 to %while3A_157 step %while3A_163  : i32 {
          %mul3A_178 = arith.constant 16 : i32
          %mul3A_179 = arith.muli %while3A_177, %mul3A_178 : i32
          %get3A = arith.index_cast %mul3A_179 : i32 to index
          %get3A_180 = tpu.vector_load %arg7[%get3A] {strides = array<i32>} : memref<32784xi32, #tpu.memory_space<vmem>>, vector<16xi32>,
          %mul3A_181 = arith.constant 16 : i32
          %mul3A_182 = arith.muli %while3A_177, %mul3A_181 : i32
          %add3A_183 = vector.broadcast %mul3A_182 : i32 to vector<16xi32>
          %add3A_184 = arith.addi %iota3A, %add3A_183 : vector<16xi32>
          %lt3A_185 = vector.broadcast %scan3A_61#3 : i32 to vector<16xi32>
          %lt3A_186 = arith.cmpi slt, %add3A_184, %lt3A_185 : vector<16xi32>
          %shift_right_logical3A = arith.constant 9 : i32
          %shift_right_logical3A_187 = vector.broadcast %shift_right_logical3A : i32 to vector<16xi32>
          %shift_right_logical3A_188 = arith.shrui %get3A_180, %shift_right_logical3A_187 : vector<16xi32>
          %and3A = arith.constant 511 : i32
          %and3A_189 = vector.broadcast %and3A : i32 to vector<16xi32>
          %and3A_190 = arith.andi %get3A_180, %and3A_189 : vector<16xi32>
          %add3A_191 = arith.constant 512 : i32
          %add3A_192 = vector.broadcast %add3A_191 : i32 to vector<16xi32>
          %add3A_193 = arith.addi %and3A_190, %add3A_192 : vector<16xi32>
          %eq3A_194 = vector.broadcast %scan3A_152#1 : i32 to vector<16xi32>
          %eq3A_195 = arith.cmpi eq, %shift_right_logical3A_188, %eq3A_194 : vector<16xi32>
          %and3A_196 = arith.andi %lt3A_186, %eq3A_195 : vector<16xi1>
          tpu.vector_store_idx %arg6[%add3A_193], %broadcast_in_dim3A_1 masked %and3A_196 {add = true} : memref<16384xi32, #tpu.memory_space<vmem>>[vector<16xi32>], vector<16xi32>, vector<16xi1>
        }
        %iota3A_164 = tpu.iota {dimensions = array<i32: 0>} : vector<16xi32>
        %scan3A_165 = arith.constant 0 : i32
        %scan3A_166 = arith.constant 0 : i32
        %scan3A_167 = arith.constant 0 : i32
        %scan3A_168 = arith.constant 0 : i32
        %scan3A_169 = arith.constant 32 : i32
        %scan3A_170 = arith.addi %scan3A_168, %scan3A_169 : i32
        %scan3A_171 = arith.constant 1 : i32
        %scan3A_172:3 = scf.for %scan3A_177 = %scan3A_168 to %scan3A_170 step %scan3A_171 iter_args(%scan3A_178 = %scan3A_165, %scan3A_179 = %scan3A_166, %scan3A_180 = %scan3A_167) -> (i32, i32, i32)  : i32 {
          %mul3A_181 = arith.constant 16 : i32
          %mul3A_182 = arith.muli %scan3A_177, %mul3A_181 : i32
          %add3A_183 = arith.constant 512 : i32
          %add3A_184 = arith.addi %add3A_183, %mul3A_182 : i32
          %get3A = arith.index_cast %add3A_184 : i32 to index
          %get3A_185 = tpu.vector_load %arg6[%get3A] {strides = array<i32>} : memref<16384xi32, #tpu.memory_space<vmem>>, vector<16xi32>,
          %broadcast_in_dim3A_186 = arith.constant true
          %broadcast_in_dim3A_187 = vector.broadcast %broadcast_in_dim3A_186 : i1 to vector<16xi1>
          %masked_cumsum3A = tpu.scan <sum>, %get3A_185 masked %broadcast_in_dim3A_187 : vector<16xi32>, vector<16xi1> -> vector<16xi32>
          %reduce_sum3A = arith.constant true
          %reduce_sum3A_188 = vector.broadcast %reduce_sum3A : i1 to vector<16xi1>
          %reduce_sum3A_189 = tpu.scan <sum>, %get3A_185 masked %reduce_sum3A_188 : vector<16xi32>, vector<16xi1> -> vector<16xi32>
          %reduce_sum3A_190 = vector.extract %reduce_sum3A_189[15] : i32 from vector<16xi32>
          %add3A_191 = vector.broadcast %scan3A_178 : i32 to vector<16xi32>
          %add3A_192 = arith.addi %add3A_191, %masked_cumsum3A : vector<16xi32>
          %sub3A = arith.subi %add3A_192, %get3A_185 : vector<16xi32>
          %add3A_193 = arith.addi %scan3A_178, %reduce_sum3A_190 : i32
          %le3A_194 = arith.cmpi sle, %scan3A_178, %scan3A_152#2 : i32
          %lt3A_195 = arith.cmpi slt, %scan3A_152#2, %add3A_193 : i32
          %and3A = arith.andi %le3A_194, %lt3A_195 : i1
          %le3A_196 = vector.broadcast %scan3A_152#2 : i32 to vector<16xi32>
          %le3A_197 = arith.cmpi sle, %sub3A, %le3A_196 : vector<16xi32>
          %add3A_198 = arith.addi %sub3A, %get3A_185 : vector<16xi32>
          %lt3A_199 = vector.broadcast %scan3A_152#2 : i32 to vector<16xi32>
          %lt3A_200 = arith.cmpi slt, %lt3A_199, %add3A_198 : vector<16xi32>
          %and3A_201 = arith.andi %le3A_197, %lt3A_200 : vector<16xi1>
          %jit3A_202 = arith.constant 0 : i32
          %broadcast_in_dim3A_203 = vector.broadcast %jit3A_202 : i32 to vector<16xi32>
          %select_n3A_204 = arith.select %and3A_201, %iota3A_164, %broadcast_in_dim3A_203 : vector<16xi1>, vector<16xi32>
          %reduce_sum3A_205 = arith.constant true
          %reduce_sum3A_206 = vector.broadcast %reduce_sum3A_205 : i1 to vector<16xi1>
          %reduce_sum3A_207 = tpu.scan <sum>, %select_n3A_204 masked %reduce_sum3A_206 : vector<16xi32>, vector<16xi1> -> vector<16xi32>
          %reduce_sum3A_208 = vector.extract %reduce_sum3A_207[15] : i32 from vector<16xi32>
          %sub3A_209 = vector.broadcast %scan3A_152#2 : i32 to vector<16xi32>
          %sub3A_210 = arith.subi %sub3A_209, %sub3A : vector<16xi32>
          %jit3A_211 = arith.constant 0 : i32
          %broadcast_in_dim3A_212 = vector.broadcast %jit3A_211 : i32 to vector<16xi32>
          %select_n3A_213 = arith.select %and3A_201, %sub3A_210, %broadcast_in_dim3A_212 : vector<16xi1>, vector<16xi32>
          %reduce_sum3A_214 = arith.constant true
          %reduce_sum3A_215 = vector.broadcast %reduce_sum3A_214 : i1 to vector<16xi1>
          %reduce_sum3A_216 = tpu.scan <sum>, %select_n3A_213 masked %reduce_sum3A_215 : vector<16xi32>, vector<16xi1> -> vector<16xi32>
          %reduce_sum3A_217 = vector.extract %reduce_sum3A_216[15] : i32 from vector<16xi32>
          %mul3A_218 = arith.constant 16 : i32
          %mul3A_219 = arith.muli %scan3A_177, %mul3A_218 : i32
          %add3A_220 = arith.addi %mul3A_219, %reduce_sum3A_208 : i32
          %select_n3A_221 = arith.select %and3A, %add3A_220, %scan3A_179 : i32
          %select_n3A_222 = arith.select %and3A, %reduce_sum3A_217, %scan3A_180 : i32
          scf.yield %add3A_193, %select_n3A_221, %select_n3A_222 : i32, i32, i32
        }
        %scan3A_173 = arith.constant 32 : i32
        %shift_left3A_174 = arith.constant 9 : i32
        %shift_left3A_175 = arith.shli %scan3A_152#1, %shift_left3A_174 : i32
        %or3A_176 = arith.ori %shift_left3A_175, %scan3A_172#1 : i32
        scf.yield %or3A_176 : i32
      } else {
        %broadcast_in_dim3A_124 = arith.constant 0 : i32
        %broadcast_in_dim3A_125 = vector.broadcast %broadcast_in_dim3A_124 : i32 to vector<16xi32>
        %scan3A_126 = arith.constant 0 : i32
        %scan3A_127 = arith.constant 0 : i32
        %scan3A_128 = arith.constant 16 : i32
        %scan3A_129 = arith.addi %scan3A_127, %scan3A_128 : i32
        %scan3A_130 = arith.constant 1 : i32
        scf.for %scan3A_207 = %scan3A_127 to %scan3A_129 step %scan3A_130  : i32 {
          %mul3A_208 = arith.constant 4 : i32
          %mul3A_209 = arith.muli %scan3A_207, %mul3A_208 : i32
          %add3A_210 = arith.constant 0 : i32
          %add3A_211 = arith.addi %mul3A_209, %add3A_210 : i32
          %mul3A_212 = arith.constant 16 : i32
          %mul3A_213 = arith.muli %add3A_211, %mul3A_212 : i32
          %swap3A_214 = arith.index_cast %mul3A_213 : i32 to index
          %swap3A_215 = tpu.vector_load %arg6[%swap3A_214] {strides = array<i32>} : memref<16384xi32, #tpu.memory_space<vmem>>, vector<16xi32>,
          tpu.vector_store %arg6[%swap3A_214], %broadcast_in_dim3A_125 {strides = array<i32>} : memref<16384xi32, #tpu.memory_space<vmem>>, vector<16xi32>,
          %mul3A_216 = arith.constant 4 : i32
          %mul3A_217 = arith.muli %scan3A_207, %mul3A_216 : i32
          %add3A_218 = arith.constant 1 : i32
          %add3A_219 = arith.addi %mul3A_217, %add3A_218 : i32
          %mul3A_220 = arith.constant 16 : i32
          %mul3A_221 = arith.muli %add3A_219, %mul3A_220 : i32
          %swap3A_222 = arith.index_cast %mul3A_221 : i32 to index
          %swap3A_223 = tpu.vector_load %arg6[%swap3A_222] {strides = array<i32>} : memref<16384xi32, #tpu.memory_space<vmem>>, vector<16xi32>,
          tpu.vector_store %arg6[%swap3A_222], %broadcast_in_dim3A_125 {strides = array<i32>} : memref<16384xi32, #tpu.memory_space<vmem>>, vector<16xi32>,
          %mul3A_224 = arith.constant 4 : i32
          %mul3A_225 = arith.muli %scan3A_207, %mul3A_224 : i32
          %add3A_226 = arith.constant 2 : i32
          %add3A_227 = arith.addi %mul3A_225, %add3A_226 : i32
          %mul3A_228 = arith.constant 16 : i32
          %mul3A_229 = arith.muli %add3A_227, %mul3A_228 : i32
          %swap3A_230 = arith.index_cast %mul3A_229 : i32 to index
          %swap3A_231 = tpu.vector_load %arg6[%swap3A_230] {strides = array<i32>} : memref<16384xi32, #tpu.memory_space<vmem>>, vector<16xi32>,
          tpu.vector_store %arg6[%swap3A_230], %broadcast_in_dim3A_125 {strides = array<i32>} : memref<16384xi32, #tpu.memory_space<vmem>>, vector<16xi32>,
          %mul3A_232 = arith.constant 4 : i32
          %mul3A_233 = arith.muli %scan3A_207, %mul3A_232 : i32
          %add3A_234 = arith.constant 3 : i32
          %add3A_235 = arith.addi %mul3A_233, %add3A_234 : i32
          %mul3A_236 = arith.constant 16 : i32
          %mul3A_237 = arith.muli %add3A_235, %mul3A_236 : i32
          %swap3A_238 = arith.index_cast %mul3A_237 : i32 to index
          %swap3A_239 = tpu.vector_load %arg6[%swap3A_238] {strides = array<i32>} : memref<16384xi32, #tpu.memory_space<vmem>>, vector<16xi32>,
          tpu.vector_store %arg6[%swap3A_238], %broadcast_in_dim3A_125 {strides = array<i32>} : memref<16384xi32, #tpu.memory_space<vmem>>, vector<16xi32>,
        }
        %scan3A_131 = arith.constant 16 : i32
        %add3A_132 = arith.constant 0 : i32
        %add3A_133 = arith.addi %mul3A_14, %add3A_132 : i32
        %dma_start3A_134 = arith.constant 0 : i32
        %dma_start3A_135 = arith.constant 0 : i32
        %dma_start3A_136 = tpu.memref_slice %arg5[%dma_start3A_134, %dma_start3A_135] : memref<2x16384xi32, #tpu.memory_space<vmem>> -> memref<1x16384xi32, #tpu.memory_space<vmem>>
        %dma_start3A_137 = tpu.memref_squeeze %dma_start3A_136 : memref<1x16384xi32, #tpu.memory_space<vmem>> -> memref<16384xi32, #tpu.memory_space<vmem>>
        %dma_start3A_138 = tpu.memref_slice %arg3[%add3A_133] : memref<25165824xi32, #tpu.memory_space<hbm>> -> memref<16384xi32, #tpu.memory_space<hbm>>
        %dma_start3A_139 = arith.constant 0 : i32
        %dma_start3A_140 = tpu.memref_slice %arg5[%dma_start3A_134, %dma_start3A_139] : memref<2x16384xi32, #tpu.memory_space<vmem>> -> memref<1x16384xi32, #tpu.memory_space<vmem>>
        %dma_start3A_141 = tpu.memref_squeeze %dma_start3A_140 : memref<1x16384xi32, #tpu.memory_space<vmem>> -> memref<16384xi32, #tpu.memory_space<vmem>>
        %dma_start3A_142 = tpu.memref_slice %arg3[%add3A_133] : memref<25165824xi32, #tpu.memory_space<hbm>> -> memref<16384xi32, #tpu.memory_space<hbm>>
        tpu.enqueue_dma source(%dma_start3A_142 : memref<16384xi32, #tpu.memory_space<hbm>>) target(%dma_start3A_141 : memref<16384xi32, #tpu.memory_space<vmem>>) target_semaphore(%arg10 : memref<!tpu.dma_semaphore, #tpu.memory_space<semaphore_mem>>)
        %scan3A_143 = arith.constant 0 : i32
        %scan3A_144 = arith.constant 0 : i32
        %scan3A_145 = arith.constant 8 : i32
        %scan3A_146 = arith.addi %scan3A_144, %scan3A_145 : i32
        %scan3A_147 = arith.constant 1 : i32
        scf.for %scan3A_207 = %scan3A_144 to %scan3A_146 step %scan3A_147  : i32 {
          %mul3A_208 = arith.constant 2 : i32
          %mul3A_209 = arith.muli %scan3A_207, %mul3A_208 : i32
          %add3A_210 = arith.constant 0 : i32
          %add3A_211 = arith.addi %mul3A_209, %add3A_210 : i32
          %add3A_212 = arith.constant 2 : i32
          %add3A_213 = arith.addi %add3A_211, %add3A_212 : i32
          %sub3A = arith.constant 1 : i32
          %sub3A_214 = arith.subi %add3A_213, %sub3A : i32
          %min3A = arith.constant 15 : i32
          %min3A_215 = arith.minsi %sub3A_214, %min3A : i32
          %mul3A_216 = arith.constant 16384 : i32
          %mul3A_217 = arith.muli %min3A_215, %mul3A_216 : i32
          %add3A_218 = arith.addi %mul3A_14, %mul3A_217 : i32
          %dma_start3A_219 = arith.constant 1 : i32
          %dma_start3A_220 = arith.constant 0 : i32
          %dma_start3A_221 = tpu.memref_slice %arg5[%dma_start3A_219, %dma_start3A_220] : memref<2x16384xi32, #tpu.memory_space<vmem>> -> memref<1x16384xi32, #tpu.memory_space<vmem>>
          %dma_start3A_222 = tpu.memref_squeeze %dma_start3A_221 : memref<1x16384xi32, #tpu.memory_space<vmem>> -> memref<16384xi32, #tpu.memory_space<vmem>>
          %dma_start3A_223 = tpu.memref_slice %arg3[%add3A_218] : memref<25165824xi32, #tpu.memory_space<hbm>> -> memref<16384xi32, #tpu.memory_space<hbm>>
          %dma_start3A_224 = arith.constant 0 : i32
          %dma_start3A_225 = tpu.memref_slice %arg5[%dma_start3A_219, %dma_start3A_224] : memref<2x16384xi32, #tpu.memory_space<vmem>> -> memref<1x16384xi32, #tpu.memory_space<vmem>>
          %dma_start3A_226 = tpu.memref_squeeze %dma_start3A_225 : memref<1x16384xi32, #tpu.memory_space<vmem>> -> memref<16384xi32, #tpu.memory_space<vmem>>
          %dma_start3A_227 = tpu.memref_slice %arg3[%add3A_218] : memref<25165824xi32, #tpu.memory_space<hbm>> -> memref<16384xi32, #tpu.memory_space<hbm>>
          tpu.enqueue_dma source(%dma_start3A_227 : memref<16384xi32, #tpu.memory_space<hbm>>) target(%dma_start3A_226 : memref<16384xi32, #tpu.memory_space<vmem>>) target_semaphore(%arg11 : memref<!tpu.dma_semaphore, #tpu.memory_space<semaphore_mem>>)
          %dma_wait3A_228 = arith.constant 0 : i32
          %dma_wait3A_229 = arith.constant 0 : i32
          %dma_wait3A_230 = tpu.memref_slice %arg5[%dma_wait3A_228, %dma_wait3A_229] : memref<2x16384xi32, #tpu.memory_space<vmem>> -> memref<1x16384xi32, #tpu.memory_space<vmem>>
          %dma_wait3A_231 = tpu.memref_squeeze %dma_wait3A_230 : memref<1x16384xi32, #tpu.memory_space<vmem>> -> memref<16384xi32, #tpu.memory_space<vmem>>
          %dma_wait3A_232 = tpu.memref_slice %arg3[%mul3A_14] : memref<25165824xi32, #tpu.memory_space<hbm>> -> memref<16384xi32, #tpu.memory_space<hbm>>
          %dma_wait3A_233 = arith.constant 0 : i32
          %dma_wait3A_234 = tpu.memref_slice %arg5[%dma_wait3A_228, %dma_wait3A_233] : memref<2x16384xi32, #tpu.memory_space<vmem>> -> memref<1x16384xi32, #tpu.memory_space<vmem>>
          %dma_wait3A_235 = tpu.memref_squeeze %dma_wait3A_234 : memref<1x16384xi32, #tpu.memory_space<vmem>> -> memref<16384xi32, #tpu.memory_space<vmem>>
          %dma_wait3A_236 = tpu.memref_slice %arg3[%mul3A_14] : memref<25165824xi32, #tpu.memory_space<hbm>> -> memref<16384xi32, #tpu.memory_space<hbm>>
          tpu.wait_dma2 semaphore(%arg10 : memref<!tpu.dma_semaphore, #tpu.memory_space<semaphore_mem>>) src(%dma_wait3A_236 : memref<16384xi32, #tpu.memory_space<hbm>>) dst(%dma_wait3A_235 : memref<16384xi32, #tpu.memory_space<vmem>>)
          %scan3A_237 = arith.constant 0 : i32
          %scan3A_238 = arith.constant 256 : i32
          %scan3A_239 = arith.addi %scan3A_237, %scan3A_238 : i32
          %scan3A_240 = arith.constant 1 : i32
          scf.for %scan3A_278 = %scan3A_237 to %scan3A_239 step %scan3A_240  : i32 {
            %mul3A_279 = arith.constant 4 : i32
            %mul3A_280 = arith.muli %scan3A_278, %mul3A_279 : i32
            %add3A_281 = arith.constant 0 : i32
            %add3A_282 = arith.addi %mul3A_280, %add3A_281 : i32
            %mul3A_283 = arith.constant 16 : i32
            %mul3A_284 = arith.muli %add3A_282, %mul3A_283 : i32
            %get3A = arith.constant 0 : i32
            %get3A_285 = arith.index_cast %get3A : i32 to index
            %get3A_286 = arith.index_cast %mul3A_284 : i32 to index
            %get3A_287 = tpu.vector_load %arg5[%get3A_285, %get3A_286] {strides = array<i32>} : memref<2x16384xi32, #tpu.memory_space<vmem>>, vector<16xi32>,
            %shift_right_logical3A = arith.constant 18 : i32
            %shift_right_logical3A_288 = vector.broadcast %shift_right_logical3A : i32 to vector<16xi32>
            %shift_right_logical3A_289 = arith.shrui %get3A_287, %shift_right_logical3A_288 : vector<16xi32>
            %shift_right_logical3A_290 = arith.constant 9 : i32
            %shift_right_logical3A_291 = vector.broadcast %shift_right_logical3A_290 : i32 to vector<16xi32>
            %shift_right_logical3A_292 = arith.shrui %get3A_287, %shift_right_logical3A_291 : vector<16xi32>
            %and3A = arith.constant 511 : i32
            %and3A_293 = vector.broadcast %and3A : i32 to vector<16xi32>
            %and3A_294 = arith.andi %shift_right_logical3A_292, %and3A_293 : vector<16xi32>
            %eq3A_295 = vector.broadcast %scan3A_61#1 : i32 to vector<16xi32>
            %eq3A_296 = arith.cmpi eq, %shift_right_logical3A_289, %eq3A_295 : vector<16xi32>
            tpu.vector_store_idx %arg6[%and3A_294], %broadcast_in_dim3A_1 masked %eq3A_296 {add = true} : memref<16384xi32, #tpu.memory_space<vmem>>[vector<16xi32>], vector<16xi32>, vector<16xi1>
            %mul3A_297 = arith.constant 4 : i32
            %mul3A_298 = arith.muli %scan3A_278, %mul3A_297 : i32
            %add3A_299 = arith.constant 1 : i32
            %add3A_300 = arith.addi %mul3A_298, %add3A_299 : i32
            %mul3A_301 = arith.constant 16 : i32
            %mul3A_302 = arith.muli %add3A_300, %mul3A_301 : i32
            %get3A_303 = arith.constant 0 : i32
            %get3A_304 = arith.index_cast %get3A_303 : i32 to index
            %get3A_305 = arith.index_cast %mul3A_302 : i32 to index
            %get3A_306 = tpu.vector_load %arg5[%get3A_304, %get3A_305] {strides = array<i32>} : memref<2x16384xi32, #tpu.memory_space<vmem>>, vector<16xi32>,
            %shift_right_logical3A_307 = arith.constant 18 : i32
            %shift_right_logical3A_308 = vector.broadcast %shift_right_logical3A_307 : i32 to vector<16xi32>
            %shift_right_logical3A_309 = arith.shrui %get3A_306, %shift_right_logical3A_308 : vector<16xi32>
            %shift_right_logical3A_310 = arith.constant 9 : i32
            %shift_right_logical3A_311 = vector.broadcast %shift_right_logical3A_310 : i32 to vector<16xi32>
            %shift_right_logical3A_312 = arith.shrui %get3A_306, %shift_right_logical3A_311 : vector<16xi32>
            %and3A_313 = arith.constant 511 : i32
            %and3A_314 = vector.broadcast %and3A_313 : i32 to vector<16xi32>
            %and3A_315 = arith.andi %shift_right_logical3A_312, %and3A_314 : vector<16xi32>
            %eq3A_316 = vector.broadcast %scan3A_61#1 : i32 to vector<16xi32>
            %eq3A_317 = arith.cmpi eq, %shift_right_logical3A_309, %eq3A_316 : vector<16xi32>
            tpu.vector_store_idx %arg6[%and3A_315], %broadcast_in_dim3A_1 masked %eq3A_317 {add = true} : memref<16384xi32, #tpu.memory_space<vmem>>[vector<16xi32>], vector<16xi32>, vector<16xi1>
            %mul3A_318 = arith.constant 4 : i32
            %mul3A_319 = arith.muli %scan3A_278, %mul3A_318 : i32
            %add3A_320 = arith.constant 2 : i32
            %add3A_321 = arith.addi %mul3A_319, %add3A_320 : i32
            %mul3A_322 = arith.constant 16 : i32
            %mul3A_323 = arith.muli %add3A_321, %mul3A_322 : i32
            %get3A_324 = arith.constant 0 : i32
            %get3A_325 = arith.index_cast %get3A_324 : i32 to index
            %get3A_326 = arith.index_cast %mul3A_323 : i32 to index
            %get3A_327 = tpu.vector_load %arg5[%get3A_325, %get3A_326] {strides = array<i32>} : memref<2x16384xi32, #tpu.memory_space<vmem>>, vector<16xi32>,
            %shift_right_logical3A_328 = arith.constant 18 : i32
            %shift_right_logical3A_329 = vector.broadcast %shift_right_logical3A_328 : i32 to vector<16xi32>
            %shift_right_logical3A_330 = arith.shrui %get3A_327, %shift_right_logical3A_329 : vector<16xi32>
            %shift_right_logical3A_331 = arith.constant 9 : i32
            %shift_right_logical3A_332 = vector.broadcast %shift_right_logical3A_331 : i32 to vector<16xi32>
            %shift_right_logical3A_333 = arith.shrui %get3A_327, %shift_right_logical3A_332 : vector<16xi32>
            %and3A_334 = arith.constant 511 : i32
            %and3A_335 = vector.broadcast %and3A_334 : i32 to vector<16xi32>
            %and3A_336 = arith.andi %shift_right_logical3A_333, %and3A_335 : vector<16xi32>
            %eq3A_337 = vector.broadcast %scan3A_61#1 : i32 to vector<16xi32>
            %eq3A_338 = arith.cmpi eq, %shift_right_logical3A_330, %eq3A_337 : vector<16xi32>
            tpu.vector_store_idx %arg6[%and3A_336], %broadcast_in_dim3A_1 masked %eq3A_338 {add = true} : memref<16384xi32, #tpu.memory_space<vmem>>[vector<16xi32>], vector<16xi32>, vector<16xi1>
            %mul3A_339 = arith.constant 4 : i32
            %mul3A_340 = arith.muli %scan3A_278, %mul3A_339 : i32
            %add3A_341 = arith.constant 3 : i32
            %add3A_342 = arith.addi %mul3A_340, %add3A_341 : i32
            %mul3A_343 = arith.constant 16 : i32
            %mul3A_344 = arith.muli %add3A_342, %mul3A_343 : i32
            %get3A_345 = arith.constant 0 : i32
            %get3A_346 = arith.index_cast %get3A_345 : i32 to index
            %get3A_347 = arith.index_cast %mul3A_344 : i32 to index
            %get3A_348 = tpu.vector_load %arg5[%get3A_346, %get3A_347] {strides = array<i32>} : memref<2x16384xi32, #tpu.memory_space<vmem>>, vector<16xi32>,
            %shift_right_logical3A_349 = arith.constant 18 : i32
            %shift_right_logical3A_350 = vector.broadcast %shift_right_logical3A_349 : i32 to vector<16xi32>
            %shift_right_logical3A_351 = arith.shrui %get3A_348, %shift_right_logical3A_350 : vector<16xi32>
            %shift_right_logical3A_352 = arith.constant 9 : i32
            %shift_right_logical3A_353 = vector.broadcast %shift_right_logical3A_352 : i32 to vector<16xi32>
            %shift_right_logical3A_354 = arith.shrui %get3A_348, %shift_right_logical3A_353 : vector<16xi32>
            %and3A_355 = arith.constant 511 : i32
            %and3A_356 = vector.broadcast %and3A_355 : i32 to vector<16xi32>
            %and3A_357 = arith.andi %shift_right_logical3A_354, %and3A_356 : vector<16xi32>
            %eq3A_358 = vector.broadcast %scan3A_61#1 : i32 to vector<16xi32>
            %eq3A_359 = arith.cmpi eq, %shift_right_logical3A_351, %eq3A_358 : vector<16xi32>
            tpu.vector_store_idx %arg6[%and3A_357], %broadcast_in_dim3A_1 masked %eq3A_359 {add = true} : memref<16384xi32, #tpu.memory_space<vmem>>[vector<16xi32>], vector<16xi32>, vector<16xi1>
          }
          %scan3A_241 = arith.constant 256 : i32
          %mul3A_242 = arith.constant 2 : i32
          %mul3A_243 = arith.muli %scan3A_207, %mul3A_242 : i32
          %add3A_244 = arith.constant 1 : i32
          %add3A_245 = arith.addi %mul3A_243, %add3A_244 : i32
          %add3A_246 = arith.constant 2 : i32
          %add3A_247 = arith.addi %add3A_245, %add3A_246 : i32
          %sub3A_248 = arith.constant 1 : i32
          %sub3A_249 = arith.subi %add3A_247, %sub3A_248 : i32
          %min3A_250 = arith.constant 15 : i32
          %min3A_251 = arith.minsi %sub3A_249, %min3A_250 : i32
          %mul3A_252 = arith.constant 16384 : i32
          %mul3A_253 = arith.muli %min3A_251, %mul3A_252 : i32
          %add3A_254 = arith.addi %mul3A_14, %mul3A_253 : i32
          %dma_start3A_255 = arith.constant 0 : i32
          %dma_start3A_256 = arith.constant 0 : i32
          %dma_start3A_257 = tpu.memref_slice %arg5[%dma_start3A_255, %dma_start3A_256] : memref<2x16384xi32, #tpu.memory_space<vmem>> -> memref<1x16384xi32, #tpu.memory_space<vmem>>
          %dma_start3A_258 = tpu.memref_squeeze %dma_start3A_257 : memref<1x16384xi32, #tpu.memory_space<vmem>> -> memref<16384xi32, #tpu.memory_space<vmem>>
          %dma_start3A_259 = tpu.memref_slice %arg3[%add3A_254] : memref<25165824xi32, #tpu.memory_space<hbm>> -> memref<16384xi32, #tpu.memory_space<hbm>>
          %dma_start3A_260 = arith.constant 0 : i32
          %dma_start3A_261 = tpu.memref_slice %arg5[%dma_start3A_255, %dma_start3A_260] : memref<2x16384xi32, #tpu.memory_space<vmem>> -> memref<1x16384xi32, #tpu.memory_space<vmem>>
          %dma_start3A_262 = tpu.memref_squeeze %dma_start3A_261 : memref<1x16384xi32, #tpu.memory_space<vmem>> -> memref<16384xi32, #tpu.memory_space<vmem>>
          %dma_start3A_263 = tpu.memref_slice %arg3[%add3A_254] : memref<25165824xi32, #tpu.memory_space<hbm>> -> memref<16384xi32, #tpu.memory_space<hbm>>
          tpu.enqueue_dma source(%dma_start3A_263 : memref<16384xi32, #tpu.memory_space<hbm>>) target(%dma_start3A_262 : memref<16384xi32, #tpu.memory_space<vmem>>) target_semaphore(%arg10 : memref<!tpu.dma_semaphore, #tpu.memory_space<semaphore_mem>>)
          %dma_wait3A_264 = arith.constant 1 : i32
          %dma_wait3A_265 = arith.constant 0 : i32
          %dma_wait3A_266 = tpu.memref_slice %arg5[%dma_wait3A_264, %dma_wait3A_265] : memref<2x16384xi32, #tpu.memory_space<vmem>> -> memref<1x16384xi32, #tpu.memory_space<vmem>>
          %dma_wait3A_267 = tpu.memref_squeeze %dma_wait3A_266 : memref<1x16384xi32, #tpu.memory_space<vmem>> -> memref<16384xi32, #tpu.memory_space<vmem>>
          %dma_wait3A_268 = tpu.memref_slice %arg3[%mul3A_14] : memref<25165824xi32, #tpu.memory_space<hbm>> -> memref<16384xi32, #tpu.memory_space<hbm>>
          %dma_wait3A_269 = arith.constant 0 : i32
          %dma_wait3A_270 = tpu.memref_slice %arg5[%dma_wait3A_264, %dma_wait3A_269] : memref<2x16384xi32, #tpu.memory_space<vmem>> -> memref<1x16384xi32, #tpu.memory_space<vmem>>
          %dma_wait3A_271 = tpu.memref_squeeze %dma_wait3A_270 : memref<1x16384xi32, #tpu.memory_space<vmem>> -> memref<16384xi32, #tpu.memory_space<vmem>>
          %dma_wait3A_272 = tpu.memref_slice %arg3[%mul3A_14] : memref<25165824xi32, #tpu.memory_space<hbm>> -> memref<16384xi32, #tpu.memory_space<hbm>>
          tpu.wait_dma2 semaphore(%arg11 : memref<!tpu.dma_semaphore, #tpu.memory_space<semaphore_mem>>) src(%dma_wait3A_272 : memref<16384xi32, #tpu.memory_space<hbm>>) dst(%dma_wait3A_271 : memref<16384xi32, #tpu.memory_space<vmem>>)
          %scan3A_273 = arith.constant 0 : i32
          %scan3A_274 = arith.constant 256 : i32
          %scan3A_275 = arith.addi %scan3A_273, %scan3A_274 : i32
          %scan3A_276 = arith.constant 1 : i32
          scf.for %scan3A_278 = %scan3A_273 to %scan3A_275 step %scan3A_276  : i32 {
            %mul3A_279 = arith.constant 4 : i32
            %mul3A_280 = arith.muli %scan3A_278, %mul3A_279 : i32
            %add3A_281 = arith.constant 0 : i32
            %add3A_282 = arith.addi %mul3A_280, %add3A_281 : i32
            %mul3A_283 = arith.constant 16 : i32
            %mul3A_284 = arith.muli %add3A_282, %mul3A_283 : i32
            %get3A = arith.constant 1 : i32
            %get3A_285 = arith.index_cast %get3A : i32 to index
            %get3A_286 = arith.index_cast %mul3A_284 : i32 to index
            %get3A_287 = tpu.vector_load %arg5[%get3A_285, %get3A_286] {strides = array<i32>} : memref<2x16384xi32, #tpu.memory_space<vmem>>, vector<16xi32>,
            %shift_right_logical3A = arith.constant 18 : i32
            %shift_right_logical3A_288 = vector.broadcast %shift_right_logical3A : i32 to vector<16xi32>
            %shift_right_logical3A_289 = arith.shrui %get3A_287, %shift_right_logical3A_288 : vector<16xi32>
            %shift_right_logical3A_290 = arith.constant 9 : i32
            %shift_right_logical3A_291 = vector.broadcast %shift_right_logical3A_290 : i32 to vector<16xi32>
            %shift_right_logical3A_292 = arith.shrui %get3A_287, %shift_right_logical3A_291 : vector<16xi32>
            %and3A = arith.constant 511 : i32
            %and3A_293 = vector.broadcast %and3A : i32 to vector<16xi32>
            %and3A_294 = arith.andi %shift_right_logical3A_292, %and3A_293 : vector<16xi32>
            %eq3A_295 = vector.broadcast %scan3A_61#1 : i32 to vector<16xi32>
            %eq3A_296 = arith.cmpi eq, %shift_right_logical3A_289, %eq3A_295 : vector<16xi32>
            tpu.vector_store_idx %arg6[%and3A_294], %broadcast_in_dim3A_1 masked %eq3A_296 {add = true} : memref<16384xi32, #tpu.memory_space<vmem>>[vector<16xi32>], vector<16xi32>, vector<16xi1>
            %mul3A_297 = arith.constant 4 : i32
            %mul3A_298 = arith.muli %scan3A_278, %mul3A_297 : i32
            %add3A_299 = arith.constant 1 : i32
            %add3A_300 = arith.addi %mul3A_298, %add3A_299 : i32
            %mul3A_301 = arith.constant 16 : i32
            %mul3A_302 = arith.muli %add3A_300, %mul3A_301 : i32
            %get3A_303 = arith.constant 1 : i32
            %get3A_304 = arith.index_cast %get3A_303 : i32 to index
            %get3A_305 = arith.index_cast %mul3A_302 : i32 to index
            %get3A_306 = tpu.vector_load %arg5[%get3A_304, %get3A_305] {strides = array<i32>} : memref<2x16384xi32, #tpu.memory_space<vmem>>, vector<16xi32>,
            %shift_right_logical3A_307 = arith.constant 18 : i32
            %shift_right_logical3A_308 = vector.broadcast %shift_right_logical3A_307 : i32 to vector<16xi32>
            %shift_right_logical3A_309 = arith.shrui %get3A_306, %shift_right_logical3A_308 : vector<16xi32>
            %shift_right_logical3A_310 = arith.constant 9 : i32
            %shift_right_logical3A_311 = vector.broadcast %shift_right_logical3A_310 : i32 to vector<16xi32>
            %shift_right_logical3A_312 = arith.shrui %get3A_306, %shift_right_logical3A_311 : vector<16xi32>
            %and3A_313 = arith.constant 511 : i32
            %and3A_314 = vector.broadcast %and3A_313 : i32 to vector<16xi32>
            %and3A_315 = arith.andi %shift_right_logical3A_312, %and3A_314 : vector<16xi32>
            %eq3A_316 = vector.broadcast %scan3A_61#1 : i32 to vector<16xi32>
            %eq3A_317 = arith.cmpi eq, %shift_right_logical3A_309, %eq3A_316 : vector<16xi32>
            tpu.vector_store_idx %arg6[%and3A_315], %broadcast_in_dim3A_1 masked %eq3A_317 {add = true} : memref<16384xi32, #tpu.memory_space<vmem>>[vector<16xi32>], vector<16xi32>, vector<16xi1>
            %mul3A_318 = arith.constant 4 : i32
            %mul3A_319 = arith.muli %scan3A_278, %mul3A_318 : i32
            %add3A_320 = arith.constant 2 : i32
            %add3A_321 = arith.addi %mul3A_319, %add3A_320 : i32
            %mul3A_322 = arith.constant 16 : i32
            %mul3A_323 = arith.muli %add3A_321, %mul3A_322 : i32
            %get3A_324 = arith.constant 1 : i32
            %get3A_325 = arith.index_cast %get3A_324 : i32 to index
            %get3A_326 = arith.index_cast %mul3A_323 : i32 to index
            %get3A_327 = tpu.vector_load %arg5[%get3A_325, %get3A_326] {strides = array<i32>} : memref<2x16384xi32, #tpu.memory_space<vmem>>, vector<16xi32>,
            %shift_right_logical3A_328 = arith.constant 18 : i32
            %shift_right_logical3A_329 = vector.broadcast %shift_right_logical3A_328 : i32 to vector<16xi32>
            %shift_right_logical3A_330 = arith.shrui %get3A_327, %shift_right_logical3A_329 : vector<16xi32>
            %shift_right_logical3A_331 = arith.constant 9 : i32
            %shift_right_logical3A_332 = vector.broadcast %shift_right_logical3A_331 : i32 to vector<16xi32>
            %shift_right_logical3A_333 = arith.shrui %get3A_327, %shift_right_logical3A_332 : vector<16xi32>
            %and3A_334 = arith.constant 511 : i32
            %and3A_335 = vector.broadcast %and3A_334 : i32 to vector<16xi32>
            %and3A_336 = arith.andi %shift_right_logical3A_333, %and3A_335 : vector<16xi32>
            %eq3A_337 = vector.broadcast %scan3A_61#1 : i32 to vector<16xi32>
            %eq3A_338 = arith.cmpi eq, %shift_right_logical3A_330, %eq3A_337 : vector<16xi32>
            tpu.vector_store_idx %arg6[%and3A_336], %broadcast_in_dim3A_1 masked %eq3A_338 {add = true} : memref<16384xi32, #tpu.memory_space<vmem>>[vector<16xi32>], vector<16xi32>, vector<16xi1>
            %mul3A_339 = arith.constant 4 : i32
            %mul3A_340 = arith.muli %scan3A_278, %mul3A_339 : i32
            %add3A_341 = arith.constant 3 : i32
            %add3A_342 = arith.addi %mul3A_340, %add3A_341 : i32
            %mul3A_343 = arith.constant 16 : i32
            %mul3A_344 = arith.muli %add3A_342, %mul3A_343 : i32
            %get3A_345 = arith.constant 1 : i32
            %get3A_346 = arith.index_cast %get3A_345 : i32 to index
            %get3A_347 = arith.index_cast %mul3A_344 : i32 to index
            %get3A_348 = tpu.vector_load %arg5[%get3A_346, %get3A_347] {strides = array<i32>} : memref<2x16384xi32, #tpu.memory_space<vmem>>, vector<16xi32>,
            %shift_right_logical3A_349 = arith.constant 18 : i32
            %shift_right_logical3A_350 = vector.broadcast %shift_right_logical3A_349 : i32 to vector<16xi32>
            %shift_right_logical3A_351 = arith.shrui %get3A_348, %shift_right_logical3A_350 : vector<16xi32>
            %shift_right_logical3A_352 = arith.constant 9 : i32
            %shift_right_logical3A_353 = vector.broadcast %shift_right_logical3A_352 : i32 to vector<16xi32>
            %shift_right_logical3A_354 = arith.shrui %get3A_348, %shift_right_logical3A_353 : vector<16xi32>
            %and3A_355 = arith.constant 511 : i32
            %and3A_356 = vector.broadcast %and3A_355 : i32 to vector<16xi32>
            %and3A_357 = arith.andi %shift_right_logical3A_354, %and3A_356 : vector<16xi32>
            %eq3A_358 = vector.broadcast %scan3A_61#1 : i32 to vector<16xi32>
            %eq3A_359 = arith.cmpi eq, %shift_right_logical3A_351, %eq3A_358 : vector<16xi32>
            tpu.vector_store_idx %arg6[%and3A_357], %broadcast_in_dim3A_1 masked %eq3A_359 {add = true} : memref<16384xi32, #tpu.memory_space<vmem>>[vector<16xi32>], vector<16xi32>, vector<16xi1>
          }
          %scan3A_277 = arith.constant 256 : i32
        }
        %scan3A_148 = arith.constant 8 : i32
        %dma_wait3A_149 = arith.constant 0 : i32
        %dma_wait3A_150 = arith.constant 0 : i32
        %dma_wait3A_151 = tpu.memref_slice %arg5[%dma_wait3A_149, %dma_wait3A_150] : memref<2x16384xi32, #tpu.memory_space<vmem>> -> memref<1x16384xi32, #tpu.memory_space<vmem>>
        %dma_wait3A_152 = tpu.memref_squeeze %dma_wait3A_151 : memref<1x16384xi32, #tpu.memory_space<vmem>> -> memref<16384xi32, #tpu.memory_space<vmem>>
        %dma_wait3A_153 = tpu.memref_slice %arg3[%mul3A_14] : memref<25165824xi32, #tpu.memory_space<hbm>> -> memref<16384xi32, #tpu.memory_space<hbm>>
        %dma_wait3A_154 = arith.constant 0 : i32
        %dma_wait3A_155 = tpu.memref_slice %arg5[%dma_wait3A_149, %dma_wait3A_154] : memref<2x16384xi32, #tpu.memory_space<vmem>> -> memref<1x16384xi32, #tpu.memory_space<vmem>>
        %dma_wait3A_156 = tpu.memref_squeeze %dma_wait3A_155 : memref<1x16384xi32, #tpu.memory_space<vmem>> -> memref<16384xi32, #tpu.memory_space<vmem>>
        %dma_wait3A_157 = tpu.memref_slice %arg3[%mul3A_14] : memref<25165824xi32, #tpu.memory_space<hbm>> -> memref<16384xi32, #tpu.memory_space<hbm>>
        tpu.wait_dma2 semaphore(%arg10 : memref<!tpu.dma_semaphore, #tpu.memory_space<semaphore_mem>>) src(%dma_wait3A_157 : memref<16384xi32, #tpu.memory_space<hbm>>) dst(%dma_wait3A_156 : memref<16384xi32, #tpu.memory_space<vmem>>)
        %iota3A_158 = tpu.iota {dimensions = array<i32: 0>} : vector<16xi32>
        %scan3A_159 = arith.constant 0 : i32
        %scan3A_160 = arith.constant 0 : i32
        %scan3A_161 = arith.constant 0 : i32
        %scan3A_162 = arith.constant 0 : i32
        %scan3A_163 = arith.constant 32 : i32
        %scan3A_164 = arith.addi %scan3A_162, %scan3A_163 : i32
        %scan3A_165 = arith.constant 1 : i32
        %scan3A_166:3 = scf.for %scan3A_207 = %scan3A_162 to %scan3A_164 step %scan3A_165 iter_args(%scan3A_208 = %scan3A_159, %scan3A_209 = %scan3A_160, %scan3A_210 = %scan3A_161) -> (i32, i32, i32)  : i32 {
          %mul3A_211 = arith.constant 16 : i32
          %mul3A_212 = arith.muli %scan3A_207, %mul3A_211 : i32
          %add3A_213 = arith.constant 0 : i32
          %add3A_214 = arith.addi %add3A_213, %mul3A_212 : i32
          %get3A = arith.index_cast %add3A_214 : i32 to index
          %get3A_215 = tpu.vector_load %arg6[%get3A] {strides = array<i32>} : memref<16384xi32, #tpu.memory_space<vmem>>, vector<16xi32>,
          %broadcast_in_dim3A_216 = arith.constant true
          %broadcast_in_dim3A_217 = vector.broadcast %broadcast_in_dim3A_216 : i1 to vector<16xi1>
          %masked_cumsum3A = tpu.scan <sum>, %get3A_215 masked %broadcast_in_dim3A_217 : vector<16xi32>, vector<16xi1> -> vector<16xi32>
          %reduce_sum3A = arith.constant true
          %reduce_sum3A_218 = vector.broadcast %reduce_sum3A : i1 to vector<16xi1>
          %reduce_sum3A_219 = tpu.scan <sum>, %get3A_215 masked %reduce_sum3A_218 : vector<16xi32>, vector<16xi1> -> vector<16xi32>
          %reduce_sum3A_220 = vector.extract %reduce_sum3A_219[15] : i32 from vector<16xi32>
          %add3A_221 = vector.broadcast %scan3A_208 : i32 to vector<16xi32>
          %add3A_222 = arith.addi %add3A_221, %masked_cumsum3A : vector<16xi32>
          %sub3A = arith.subi %add3A_222, %get3A_215 : vector<16xi32>
          %add3A_223 = arith.addi %scan3A_208, %reduce_sum3A_220 : i32
          %le3A_224 = arith.cmpi sle, %scan3A_208, %scan3A_61#2 : i32
          %lt3A_225 = arith.cmpi slt, %scan3A_61#2, %add3A_223 : i32
          %and3A = arith.andi %le3A_224, %lt3A_225 : i1
          %le3A_226 = vector.broadcast %scan3A_61#2 : i32 to vector<16xi32>
          %le3A_227 = arith.cmpi sle, %sub3A, %le3A_226 : vector<16xi32>
          %add3A_228 = arith.addi %sub3A, %get3A_215 : vector<16xi32>
          %lt3A_229 = vector.broadcast %scan3A_61#2 : i32 to vector<16xi32>
          %lt3A_230 = arith.cmpi slt, %lt3A_229, %add3A_228 : vector<16xi32>
          %and3A_231 = arith.andi %le3A_227, %lt3A_230 : vector<16xi1>
          %jit3A_232 = arith.constant 0 : i32
          %broadcast_in_dim3A_233 = vector.broadcast %jit3A_232 : i32 to vector<16xi32>
          %select_n3A_234 = arith.select %and3A_231, %iota3A_158, %broadcast_in_dim3A_233 : vector<16xi1>, vector<16xi32>
          %reduce_sum3A_235 = arith.constant true
          %reduce_sum3A_236 = vector.broadcast %reduce_sum3A_235 : i1 to vector<16xi1>
          %reduce_sum3A_237 = tpu.scan <sum>, %select_n3A_234 masked %reduce_sum3A_236 : vector<16xi32>, vector<16xi1> -> vector<16xi32>
          %reduce_sum3A_238 = vector.extract %reduce_sum3A_237[15] : i32 from vector<16xi32>
          %sub3A_239 = vector.broadcast %scan3A_61#2 : i32 to vector<16xi32>
          %sub3A_240 = arith.subi %sub3A_239, %sub3A : vector<16xi32>
          %jit3A_241 = arith.constant 0 : i32
          %broadcast_in_dim3A_242 = vector.broadcast %jit3A_241 : i32 to vector<16xi32>
          %select_n3A_243 = arith.select %and3A_231, %sub3A_240, %broadcast_in_dim3A_242 : vector<16xi1>, vector<16xi32>
          %reduce_sum3A_244 = arith.constant true
          %reduce_sum3A_245 = vector.broadcast %reduce_sum3A_244 : i1 to vector<16xi1>
          %reduce_sum3A_246 = tpu.scan <sum>, %select_n3A_243 masked %reduce_sum3A_245 : vector<16xi32>, vector<16xi1> -> vector<16xi32>
          %reduce_sum3A_247 = vector.extract %reduce_sum3A_246[15] : i32 from vector<16xi32>
          %mul3A_248 = arith.constant 16 : i32
          %mul3A_249 = arith.muli %scan3A_207, %mul3A_248 : i32
          %add3A_250 = arith.addi %mul3A_249, %reduce_sum3A_238 : i32
          %select_n3A_251 = arith.select %and3A, %add3A_250, %scan3A_209 : i32
          %select_n3A_252 = arith.select %and3A, %reduce_sum3A_247, %scan3A_210 : i32
          scf.yield %add3A_223, %select_n3A_251, %select_n3A_252 : i32, i32, i32
        }
        %scan3A_167 = arith.constant 32 : i32
        %add3A_168 = arith.constant 0 : i32
        %add3A_169 = arith.addi %mul3A_14, %add3A_168 : i32
        %dma_start3A_170 = arith.constant 0 : i32
        %dma_start3A_171 = arith.constant 0 : i32
        %dma_start3A_172 = tpu.memref_slice %arg5[%dma_start3A_170, %dma_start3A_171] : memref<2x16384xi32, #tpu.memory_space<vmem>> -> memref<1x16384xi32, #tpu.memory_space<vmem>>
        %dma_start3A_173 = tpu.memref_squeeze %dma_start3A_172 : memref<1x16384xi32, #tpu.memory_space<vmem>> -> memref<16384xi32, #tpu.memory_space<vmem>>
        %dma_start3A_174 = tpu.memref_slice %arg3[%add3A_169] : memref<25165824xi32, #tpu.memory_space<hbm>> -> memref<16384xi32, #tpu.memory_space<hbm>>
        %dma_start3A_175 = arith.constant 0 : i32
        %dma_start3A_176 = tpu.memref_slice %arg5[%dma_start3A_170, %dma_start3A_175] : memref<2x16384xi32, #tpu.memory_space<vmem>> -> memref<1x16384xi32, #tpu.memory_space<vmem>>
        %dma_start3A_177 = tpu.memref_squeeze %dma_start3A_176 : memref<1x16384xi32, #tpu.memory_space<vmem>> -> memref<16384xi32, #tpu.memory_space<vmem>>
        %dma_start3A_178 = tpu.memref_slice %arg3[%add3A_169] : memref<25165824xi32, #tpu.memory_space<hbm>> -> memref<16384xi32, #tpu.memory_space<hbm>>
        tpu.enqueue_dma source(%dma_start3A_178 : memref<16384xi32, #tpu.memory_space<hbm>>) target(%dma_start3A_177 : memref<16384xi32, #tpu.memory_space<vmem>>) target_semaphore(%arg10 : memref<!tpu.dma_semaphore, #tpu.memory_space<semaphore_mem>>)
        %scan3A_179 = arith.constant 0 : i32
        %scan3A_180 = arith.constant 0 : i32
        %scan3A_181 = arith.constant 8 : i32
        %scan3A_182 = arith.addi %scan3A_180, %scan3A_181 : i32
        %scan3A_183 = arith.constant 1 : i32
        scf.for %scan3A_207 = %scan3A_180 to %scan3A_182 step %scan3A_183  : i32 {
          %mul3A_208 = arith.constant 2 : i32
          %mul3A_209 = arith.muli %scan3A_207, %mul3A_208 : i32
          %add3A_210 = arith.constant 0 : i32
          %add3A_211 = arith.addi %mul3A_209, %add3A_210 : i32
          %add3A_212 = arith.constant 2 : i32
          %add3A_213 = arith.addi %add3A_211, %add3A_212 : i32
          %sub3A = arith.constant 1 : i32
          %sub3A_214 = arith.subi %add3A_213, %sub3A : i32
          %min3A = arith.constant 15 : i32
          %min3A_215 = arith.minsi %sub3A_214, %min3A : i32
          %mul3A_216 = arith.constant 16384 : i32
          %mul3A_217 = arith.muli %min3A_215, %mul3A_216 : i32
          %add3A_218 = arith.addi %mul3A_14, %mul3A_217 : i32
          %dma_start3A_219 = arith.constant 1 : i32
          %dma_start3A_220 = arith.constant 0 : i32
          %dma_start3A_221 = tpu.memref_slice %arg5[%dma_start3A_219, %dma_start3A_220] : memref<2x16384xi32, #tpu.memory_space<vmem>> -> memref<1x16384xi32, #tpu.memory_space<vmem>>
          %dma_start3A_222 = tpu.memref_squeeze %dma_start3A_221 : memref<1x16384xi32, #tpu.memory_space<vmem>> -> memref<16384xi32, #tpu.memory_space<vmem>>
          %dma_start3A_223 = tpu.memref_slice %arg3[%add3A_218] : memref<25165824xi32, #tpu.memory_space<hbm>> -> memref<16384xi32, #tpu.memory_space<hbm>>
          %dma_start3A_224 = arith.constant 0 : i32
          %dma_start3A_225 = tpu.memref_slice %arg5[%dma_start3A_219, %dma_start3A_224] : memref<2x16384xi32, #tpu.memory_space<vmem>> -> memref<1x16384xi32, #tpu.memory_space<vmem>>
          %dma_start3A_226 = tpu.memref_squeeze %dma_start3A_225 : memref<1x16384xi32, #tpu.memory_space<vmem>> -> memref<16384xi32, #tpu.memory_space<vmem>>
          %dma_start3A_227 = tpu.memref_slice %arg3[%add3A_218] : memref<25165824xi32, #tpu.memory_space<hbm>> -> memref<16384xi32, #tpu.memory_space<hbm>>
          tpu.enqueue_dma source(%dma_start3A_227 : memref<16384xi32, #tpu.memory_space<hbm>>) target(%dma_start3A_226 : memref<16384xi32, #tpu.memory_space<vmem>>) target_semaphore(%arg11 : memref<!tpu.dma_semaphore, #tpu.memory_space<semaphore_mem>>)
          %dma_wait3A_228 = arith.constant 0 : i32
          %dma_wait3A_229 = arith.constant 0 : i32
          %dma_wait3A_230 = tpu.memref_slice %arg5[%dma_wait3A_228, %dma_wait3A_229] : memref<2x16384xi32, #tpu.memory_space<vmem>> -> memref<1x16384xi32, #tpu.memory_space<vmem>>
          %dma_wait3A_231 = tpu.memref_squeeze %dma_wait3A_230 : memref<1x16384xi32, #tpu.memory_space<vmem>> -> memref<16384xi32, #tpu.memory_space<vmem>>
          %dma_wait3A_232 = tpu.memref_slice %arg3[%mul3A_14] : memref<25165824xi32, #tpu.memory_space<hbm>> -> memref<16384xi32, #tpu.memory_space<hbm>>
          %dma_wait3A_233 = arith.constant 0 : i32
          %dma_wait3A_234 = tpu.memref_slice %arg5[%dma_wait3A_228, %dma_wait3A_233] : memref<2x16384xi32, #tpu.memory_space<vmem>> -> memref<1x16384xi32, #tpu.memory_space<vmem>>
          %dma_wait3A_235 = tpu.memref_squeeze %dma_wait3A_234 : memref<1x16384xi32, #tpu.memory_space<vmem>> -> memref<16384xi32, #tpu.memory_space<vmem>>
          %dma_wait3A_236 = tpu.memref_slice %arg3[%mul3A_14] : memref<25165824xi32, #tpu.memory_space<hbm>> -> memref<16384xi32, #tpu.memory_space<hbm>>
          tpu.wait_dma2 semaphore(%arg10 : memref<!tpu.dma_semaphore, #tpu.memory_space<semaphore_mem>>) src(%dma_wait3A_236 : memref<16384xi32, #tpu.memory_space<hbm>>) dst(%dma_wait3A_235 : memref<16384xi32, #tpu.memory_space<vmem>>)
          %scan3A_237 = arith.constant 0 : i32
          %scan3A_238 = arith.constant 256 : i32
          %scan3A_239 = arith.addi %scan3A_237, %scan3A_238 : i32
          %scan3A_240 = arith.constant 1 : i32
          scf.for %scan3A_278 = %scan3A_237 to %scan3A_239 step %scan3A_240  : i32 {
            %mul3A_279 = arith.constant 4 : i32
            %mul3A_280 = arith.muli %scan3A_278, %mul3A_279 : i32
            %add3A_281 = arith.constant 0 : i32
            %add3A_282 = arith.addi %mul3A_280, %add3A_281 : i32
            %mul3A_283 = arith.constant 16 : i32
            %mul3A_284 = arith.muli %add3A_282, %mul3A_283 : i32
            %get3A = arith.constant 0 : i32
            %get3A_285 = arith.index_cast %get3A : i32 to index
            %get3A_286 = arith.index_cast %mul3A_284 : i32 to index
            %get3A_287 = tpu.vector_load %arg5[%get3A_285, %get3A_286] {strides = array<i32>} : memref<2x16384xi32, #tpu.memory_space<vmem>>, vector<16xi32>,
            %shift_right_logical3A = arith.constant 18 : i32
            %shift_right_logical3A_288 = vector.broadcast %shift_right_logical3A : i32 to vector<16xi32>
            %shift_right_logical3A_289 = arith.shrui %get3A_287, %shift_right_logical3A_288 : vector<16xi32>
            %shift_right_logical3A_290 = arith.constant 9 : i32
            %shift_right_logical3A_291 = vector.broadcast %shift_right_logical3A_290 : i32 to vector<16xi32>
            %shift_right_logical3A_292 = arith.shrui %get3A_287, %shift_right_logical3A_291 : vector<16xi32>
            %and3A = arith.constant 511 : i32
            %and3A_293 = vector.broadcast %and3A : i32 to vector<16xi32>
            %and3A_294 = arith.andi %shift_right_logical3A_292, %and3A_293 : vector<16xi32>
            %and3A_295 = arith.constant 511 : i32
            %and3A_296 = vector.broadcast %and3A_295 : i32 to vector<16xi32>
            %and3A_297 = arith.andi %get3A_287, %and3A_296 : vector<16xi32>
            %add3A_298 = arith.constant 512 : i32
            %add3A_299 = vector.broadcast %add3A_298 : i32 to vector<16xi32>
            %add3A_300 = arith.addi %and3A_297, %add3A_299 : vector<16xi32>
            %eq3A_301 = vector.broadcast %scan3A_61#1 : i32 to vector<16xi32>
            %eq3A_302 = arith.cmpi eq, %shift_right_logical3A_289, %eq3A_301 : vector<16xi32>
            %eq3A_303 = vector.broadcast %scan3A_166#1 : i32 to vector<16xi32>
            %eq3A_304 = arith.cmpi eq, %and3A_294, %eq3A_303 : vector<16xi32>
            %and3A_305 = arith.andi %eq3A_302, %eq3A_304 : vector<16xi1>
            tpu.vector_store_idx %arg6[%add3A_300], %broadcast_in_dim3A_1 masked %and3A_305 {add = true} : memref<16384xi32, #tpu.memory_space<vmem>>[vector<16xi32>], vector<16xi32>, vector<16xi1>
            %mul3A_306 = arith.constant 4 : i32
            %mul3A_307 = arith.muli %scan3A_278, %mul3A_306 : i32
            %add3A_308 = arith.constant 1 : i32
            %add3A_309 = arith.addi %mul3A_307, %add3A_308 : i32
            %mul3A_310 = arith.constant 16 : i32
            %mul3A_311 = arith.muli %add3A_309, %mul3A_310 : i32
            %get3A_312 = arith.constant 0 : i32
            %get3A_313 = arith.index_cast %get3A_312 : i32 to index
            %get3A_314 = arith.index_cast %mul3A_311 : i32 to index
            %get3A_315 = tpu.vector_load %arg5[%get3A_313, %get3A_314] {strides = array<i32>} : memref<2x16384xi32, #tpu.memory_space<vmem>>, vector<16xi32>,
            %shift_right_logical3A_316 = arith.constant 18 : i32
            %shift_right_logical3A_317 = vector.broadcast %shift_right_logical3A_316 : i32 to vector<16xi32>
            %shift_right_logical3A_318 = arith.shrui %get3A_315, %shift_right_logical3A_317 : vector<16xi32>
            %shift_right_logical3A_319 = arith.constant 9 : i32
            %shift_right_logical3A_320 = vector.broadcast %shift_right_logical3A_319 : i32 to vector<16xi32>
            %shift_right_logical3A_321 = arith.shrui %get3A_315, %shift_right_logical3A_320 : vector<16xi32>
            %and3A_322 = arith.constant 511 : i32
            %and3A_323 = vector.broadcast %and3A_322 : i32 to vector<16xi32>
            %and3A_324 = arith.andi %shift_right_logical3A_321, %and3A_323 : vector<16xi32>
            %and3A_325 = arith.constant 511 : i32
            %and3A_326 = vector.broadcast %and3A_325 : i32 to vector<16xi32>
            %and3A_327 = arith.andi %get3A_315, %and3A_326 : vector<16xi32>
            %add3A_328 = arith.constant 512 : i32
            %add3A_329 = vector.broadcast %add3A_328 : i32 to vector<16xi32>
            %add3A_330 = arith.addi %and3A_327, %add3A_329 : vector<16xi32>
            %eq3A_331 = vector.broadcast %scan3A_61#1 : i32 to vector<16xi32>
            %eq3A_332 = arith.cmpi eq, %shift_right_logical3A_318, %eq3A_331 : vector<16xi32>
            %eq3A_333 = vector.broadcast %scan3A_166#1 : i32 to vector<16xi32>
            %eq3A_334 = arith.cmpi eq, %and3A_324, %eq3A_333 : vector<16xi32>
            %and3A_335 = arith.andi %eq3A_332, %eq3A_334 : vector<16xi1>
            tpu.vector_store_idx %arg6[%add3A_330], %broadcast_in_dim3A_1 masked %and3A_335 {add = true} : memref<16384xi32, #tpu.memory_space<vmem>>[vector<16xi32>], vector<16xi32>, vector<16xi1>
            %mul3A_336 = arith.constant 4 : i32
            %mul3A_337 = arith.muli %scan3A_278, %mul3A_336 : i32
            %add3A_338 = arith.constant 2 : i32
            %add3A_339 = arith.addi %mul3A_337, %add3A_338 : i32
            %mul3A_340 = arith.constant 16 : i32
            %mul3A_341 = arith.muli %add3A_339, %mul3A_340 : i32
            %get3A_342 = arith.constant 0 : i32
            %get3A_343 = arith.index_cast %get3A_342 : i32 to index
            %get3A_344 = arith.index_cast %mul3A_341 : i32 to index
            %get3A_345 = tpu.vector_load %arg5[%get3A_343, %get3A_344] {strides = array<i32>} : memref<2x16384xi32, #tpu.memory_space<vmem>>, vector<16xi32>,
            %shift_right_logical3A_346 = arith.constant 18 : i32
            %shift_right_logical3A_347 = vector.broadcast %shift_right_logical3A_346 : i32 to vector<16xi32>
            %shift_right_logical3A_348 = arith.shrui %get3A_345, %shift_right_logical3A_347 : vector<16xi32>
            %shift_right_logical3A_349 = arith.constant 9 : i32
            %shift_right_logical3A_350 = vector.broadcast %shift_right_logical3A_349 : i32 to vector<16xi32>
            %shift_right_logical3A_351 = arith.shrui %get3A_345, %shift_right_logical3A_350 : vector<16xi32>
            %and3A_352 = arith.constant 511 : i32
            %and3A_353 = vector.broadcast %and3A_352 : i32 to vector<16xi32>
            %and3A_354 = arith.andi %shift_right_logical3A_351, %and3A_353 : vector<16xi32>
            %and3A_355 = arith.constant 511 : i32
            %and3A_356 = vector.broadcast %and3A_355 : i32 to vector<16xi32>
            %and3A_357 = arith.andi %get3A_345, %and3A_356 : vector<16xi32>
            %add3A_358 = arith.constant 512 : i32
            %add3A_359 = vector.broadcast %add3A_358 : i32 to vector<16xi32>
            %add3A_360 = arith.addi %and3A_357, %add3A_359 : vector<16xi32>
            %eq3A_361 = vector.broadcast %scan3A_61#1 : i32 to vector<16xi32>
            %eq3A_362 = arith.cmpi eq, %shift_right_logical3A_348, %eq3A_361 : vector<16xi32>
            %eq3A_363 = vector.broadcast %scan3A_166#1 : i32 to vector<16xi32>
            %eq3A_364 = arith.cmpi eq, %and3A_354, %eq3A_363 : vector<16xi32>
            %and3A_365 = arith.andi %eq3A_362, %eq3A_364 : vector<16xi1>
            tpu.vector_store_idx %arg6[%add3A_360], %broadcast_in_dim3A_1 masked %and3A_365 {add = true} : memref<16384xi32, #tpu.memory_space<vmem>>[vector<16xi32>], vector<16xi32>, vector<16xi1>
            %mul3A_366 = arith.constant 4 : i32
            %mul3A_367 = arith.muli %scan3A_278, %mul3A_366 : i32
            %add3A_368 = arith.constant 3 : i32
            %add3A_369 = arith.addi %mul3A_367, %add3A_368 : i32
            %mul3A_370 = arith.constant 16 : i32
            %mul3A_371 = arith.muli %add3A_369, %mul3A_370 : i32
            %get3A_372 = arith.constant 0 : i32
            %get3A_373 = arith.index_cast %get3A_372 : i32 to index
            %get3A_374 = arith.index_cast %mul3A_371 : i32 to index
            %get3A_375 = tpu.vector_load %arg5[%get3A_373, %get3A_374] {strides = array<i32>} : memref<2x16384xi32, #tpu.memory_space<vmem>>, vector<16xi32>,
            %shift_right_logical3A_376 = arith.constant 18 : i32
            %shift_right_logical3A_377 = vector.broadcast %shift_right_logical3A_376 : i32 to vector<16xi32>
            %shift_right_logical3A_378 = arith.shrui %get3A_375, %shift_right_logical3A_377 : vector<16xi32>
            %shift_right_logical3A_379 = arith.constant 9 : i32
            %shift_right_logical3A_380 = vector.broadcast %shift_right_logical3A_379 : i32 to vector<16xi32>
            %shift_right_logical3A_381 = arith.shrui %get3A_375, %shift_right_logical3A_380 : vector<16xi32>
            %and3A_382 = arith.constant 511 : i32
            %and3A_383 = vector.broadcast %and3A_382 : i32 to vector<16xi32>
            %and3A_384 = arith.andi %shift_right_logical3A_381, %and3A_383 : vector<16xi32>
            %and3A_385 = arith.constant 511 : i32
            %and3A_386 = vector.broadcast %and3A_385 : i32 to vector<16xi32>
            %and3A_387 = arith.andi %get3A_375, %and3A_386 : vector<16xi32>
            %add3A_388 = arith.constant 512 : i32
            %add3A_389 = vector.broadcast %add3A_388 : i32 to vector<16xi32>
            %add3A_390 = arith.addi %and3A_387, %add3A_389 : vector<16xi32>
            %eq3A_391 = vector.broadcast %scan3A_61#1 : i32 to vector<16xi32>
            %eq3A_392 = arith.cmpi eq, %shift_right_logical3A_378, %eq3A_391 : vector<16xi32>
            %eq3A_393 = vector.broadcast %scan3A_166#1 : i32 to vector<16xi32>
            %eq3A_394 = arith.cmpi eq, %and3A_384, %eq3A_393 : vector<16xi32>
            %and3A_395 = arith.andi %eq3A_392, %eq3A_394 : vector<16xi1>
            tpu.vector_store_idx %arg6[%add3A_390], %broadcast_in_dim3A_1 masked %and3A_395 {add = true} : memref<16384xi32, #tpu.memory_space<vmem>>[vector<16xi32>], vector<16xi32>, vector<16xi1>
          }
          %scan3A_241 = arith.constant 256 : i32
          %mul3A_242 = arith.constant 2 : i32
          %mul3A_243 = arith.muli %scan3A_207, %mul3A_242 : i32
          %add3A_244 = arith.constant 1 : i32
          %add3A_245 = arith.addi %mul3A_243, %add3A_244 : i32
          %add3A_246 = arith.constant 2 : i32
          %add3A_247 = arith.addi %add3A_245, %add3A_246 : i32
          %sub3A_248 = arith.constant 1 : i32
          %sub3A_249 = arith.subi %add3A_247, %sub3A_248 : i32
          %min3A_250 = arith.constant 15 : i32
          %min3A_251 = arith.minsi %sub3A_249, %min3A_250 : i32
          %mul3A_252 = arith.constant 16384 : i32
          %mul3A_253 = arith.muli %min3A_251, %mul3A_252 : i32
          %add3A_254 = arith.addi %mul3A_14, %mul3A_253 : i32
          %dma_start3A_255 = arith.constant 0 : i32
          %dma_start3A_256 = arith.constant 0 : i32
          %dma_start3A_257 = tpu.memref_slice %arg5[%dma_start3A_255, %dma_start3A_256] : memref<2x16384xi32, #tpu.memory_space<vmem>> -> memref<1x16384xi32, #tpu.memory_space<vmem>>
          %dma_start3A_258 = tpu.memref_squeeze %dma_start3A_257 : memref<1x16384xi32, #tpu.memory_space<vmem>> -> memref<16384xi32, #tpu.memory_space<vmem>>
          %dma_start3A_259 = tpu.memref_slice %arg3[%add3A_254] : memref<25165824xi32, #tpu.memory_space<hbm>> -> memref<16384xi32, #tpu.memory_space<hbm>>
          %dma_start3A_260 = arith.constant 0 : i32
          %dma_start3A_261 = tpu.memref_slice %arg5[%dma_start3A_255, %dma_start3A_260] : memref<2x16384xi32, #tpu.memory_space<vmem>> -> memref<1x16384xi32, #tpu.memory_space<vmem>>
          %dma_start3A_262 = tpu.memref_squeeze %dma_start3A_261 : memref<1x16384xi32, #tpu.memory_space<vmem>> -> memref<16384xi32, #tpu.memory_space<vmem>>
          %dma_start3A_263 = tpu.memref_slice %arg3[%add3A_254] : memref<25165824xi32, #tpu.memory_space<hbm>> -> memref<16384xi32, #tpu.memory_space<hbm>>
          tpu.enqueue_dma source(%dma_start3A_263 : memref<16384xi32, #tpu.memory_space<hbm>>) target(%dma_start3A_262 : memref<16384xi32, #tpu.memory_space<vmem>>) target_semaphore(%arg10 : memref<!tpu.dma_semaphore, #tpu.memory_space<semaphore_mem>>)
          %dma_wait3A_264 = arith.constant 1 : i32
          %dma_wait3A_265 = arith.constant 0 : i32
          %dma_wait3A_266 = tpu.memref_slice %arg5[%dma_wait3A_264, %dma_wait3A_265] : memref<2x16384xi32, #tpu.memory_space<vmem>> -> memref<1x16384xi32, #tpu.memory_space<vmem>>
          %dma_wait3A_267 = tpu.memref_squeeze %dma_wait3A_266 : memref<1x16384xi32, #tpu.memory_space<vmem>> -> memref<16384xi32, #tpu.memory_space<vmem>>
          %dma_wait3A_268 = tpu.memref_slice %arg3[%mul3A_14] : memref<25165824xi32, #tpu.memory_space<hbm>> -> memref<16384xi32, #tpu.memory_space<hbm>>
          %dma_wait3A_269 = arith.constant 0 : i32
          %dma_wait3A_270 = tpu.memref_slice %arg5[%dma_wait3A_264, %dma_wait3A_269] : memref<2x16384xi32, #tpu.memory_space<vmem>> -> memref<1x16384xi32, #tpu.memory_space<vmem>>
          %dma_wait3A_271 = tpu.memref_squeeze %dma_wait3A_270 : memref<1x16384xi32, #tpu.memory_space<vmem>> -> memref<16384xi32, #tpu.memory_space<vmem>>
          %dma_wait3A_272 = tpu.memref_slice %arg3[%mul3A_14] : memref<25165824xi32, #tpu.memory_space<hbm>> -> memref<16384xi32, #tpu.memory_space<hbm>>
          tpu.wait_dma2 semaphore(%arg11 : memref<!tpu.dma_semaphore, #tpu.memory_space<semaphore_mem>>) src(%dma_wait3A_272 : memref<16384xi32, #tpu.memory_space<hbm>>) dst(%dma_wait3A_271 : memref<16384xi32, #tpu.memory_space<vmem>>)
          %scan3A_273 = arith.constant 0 : i32
          %scan3A_274 = arith.constant 256 : i32
          %scan3A_275 = arith.addi %scan3A_273, %scan3A_274 : i32
          %scan3A_276 = arith.constant 1 : i32
          scf.for %scan3A_278 = %scan3A_273 to %scan3A_275 step %scan3A_276  : i32 {
            %mul3A_279 = arith.constant 4 : i32
            %mul3A_280 = arith.muli %scan3A_278, %mul3A_279 : i32
            %add3A_281 = arith.constant 0 : i32
            %add3A_282 = arith.addi %mul3A_280, %add3A_281 : i32
            %mul3A_283 = arith.constant 16 : i32
            %mul3A_284 = arith.muli %add3A_282, %mul3A_283 : i32
            %get3A = arith.constant 1 : i32
            %get3A_285 = arith.index_cast %get3A : i32 to index
            %get3A_286 = arith.index_cast %mul3A_284 : i32 to index
            %get3A_287 = tpu.vector_load %arg5[%get3A_285, %get3A_286] {strides = array<i32>} : memref<2x16384xi32, #tpu.memory_space<vmem>>, vector<16xi32>,
            %shift_right_logical3A = arith.constant 18 : i32
            %shift_right_logical3A_288 = vector.broadcast %shift_right_logical3A : i32 to vector<16xi32>
            %shift_right_logical3A_289 = arith.shrui %get3A_287, %shift_right_logical3A_288 : vector<16xi32>
            %shift_right_logical3A_290 = arith.constant 9 : i32
            %shift_right_logical3A_291 = vector.broadcast %shift_right_logical3A_290 : i32 to vector<16xi32>
            %shift_right_logical3A_292 = arith.shrui %get3A_287, %shift_right_logical3A_291 : vector<16xi32>
            %and3A = arith.constant 511 : i32
            %and3A_293 = vector.broadcast %and3A : i32 to vector<16xi32>
            %and3A_294 = arith.andi %shift_right_logical3A_292, %and3A_293 : vector<16xi32>
            %and3A_295 = arith.constant 511 : i32
            %and3A_296 = vector.broadcast %and3A_295 : i32 to vector<16xi32>
            %and3A_297 = arith.andi %get3A_287, %and3A_296 : vector<16xi32>
            %add3A_298 = arith.constant 512 : i32
            %add3A_299 = vector.broadcast %add3A_298 : i32 to vector<16xi32>
            %add3A_300 = arith.addi %and3A_297, %add3A_299 : vector<16xi32>
            %eq3A_301 = vector.broadcast %scan3A_61#1 : i32 to vector<16xi32>
            %eq3A_302 = arith.cmpi eq, %shift_right_logical3A_289, %eq3A_301 : vector<16xi32>
            %eq3A_303 = vector.broadcast %scan3A_166#1 : i32 to vector<16xi32>
            %eq3A_304 = arith.cmpi eq, %and3A_294, %eq3A_303 : vector<16xi32>
            %and3A_305 = arith.andi %eq3A_302, %eq3A_304 : vector<16xi1>
            tpu.vector_store_idx %arg6[%add3A_300], %broadcast_in_dim3A_1 masked %and3A_305 {add = true} : memref<16384xi32, #tpu.memory_space<vmem>>[vector<16xi32>], vector<16xi32>, vector<16xi1>
            %mul3A_306 = arith.constant 4 : i32
            %mul3A_307 = arith.muli %scan3A_278, %mul3A_306 : i32
            %add3A_308 = arith.constant 1 : i32
            %add3A_309 = arith.addi %mul3A_307, %add3A_308 : i32
            %mul3A_310 = arith.constant 16 : i32
            %mul3A_311 = arith.muli %add3A_309, %mul3A_310 : i32
            %get3A_312 = arith.constant 1 : i32
            %get3A_313 = arith.index_cast %get3A_312 : i32 to index
            %get3A_314 = arith.index_cast %mul3A_311 : i32 to index
            %get3A_315 = tpu.vector_load %arg5[%get3A_313, %get3A_314] {strides = array<i32>} : memref<2x16384xi32, #tpu.memory_space<vmem>>, vector<16xi32>,
            %shift_right_logical3A_316 = arith.constant 18 : i32
            %shift_right_logical3A_317 = vector.broadcast %shift_right_logical3A_316 : i32 to vector<16xi32>
            %shift_right_logical3A_318 = arith.shrui %get3A_315, %shift_right_logical3A_317 : vector<16xi32>
            %shift_right_logical3A_319 = arith.constant 9 : i32
            %shift_right_logical3A_320 = vector.broadcast %shift_right_logical3A_319 : i32 to vector<16xi32>
            %shift_right_logical3A_321 = arith.shrui %get3A_315, %shift_right_logical3A_320 : vector<16xi32>
            %and3A_322 = arith.constant 511 : i32
            %and3A_323 = vector.broadcast %and3A_322 : i32 to vector<16xi32>
            %and3A_324 = arith.andi %shift_right_logical3A_321, %and3A_323 : vector<16xi32>
            %and3A_325 = arith.constant 511 : i32
            %and3A_326 = vector.broadcast %and3A_325 : i32 to vector<16xi32>
            %and3A_327 = arith.andi %get3A_315, %and3A_326 : vector<16xi32>
            %add3A_328 = arith.constant 512 : i32
            %add3A_329 = vector.broadcast %add3A_328 : i32 to vector<16xi32>
            %add3A_330 = arith.addi %and3A_327, %add3A_329 : vector<16xi32>
            %eq3A_331 = vector.broadcast %scan3A_61#1 : i32 to vector<16xi32>
            %eq3A_332 = arith.cmpi eq, %shift_right_logical3A_318, %eq3A_331 : vector<16xi32>
            %eq3A_333 = vector.broadcast %scan3A_166#1 : i32 to vector<16xi32>
            %eq3A_334 = arith.cmpi eq, %and3A_324, %eq3A_333 : vector<16xi32>
            %and3A_335 = arith.andi %eq3A_332, %eq3A_334 : vector<16xi1>
            tpu.vector_store_idx %arg6[%add3A_330], %broadcast_in_dim3A_1 masked %and3A_335 {add = true} : memref<16384xi32, #tpu.memory_space<vmem>>[vector<16xi32>], vector<16xi32>, vector<16xi1>
            %mul3A_336 = arith.constant 4 : i32
            %mul3A_337 = arith.muli %scan3A_278, %mul3A_336 : i32
            %add3A_338 = arith.constant 2 : i32
            %add3A_339 = arith.addi %mul3A_337, %add3A_338 : i32
            %mul3A_340 = arith.constant 16 : i32
            %mul3A_341 = arith.muli %add3A_339, %mul3A_340 : i32
            %get3A_342 = arith.constant 1 : i32
            %get3A_343 = arith.index_cast %get3A_342 : i32 to index
            %get3A_344 = arith.index_cast %mul3A_341 : i32 to index
            %get3A_345 = tpu.vector_load %arg5[%get3A_343, %get3A_344] {strides = array<i32>} : memref<2x16384xi32, #tpu.memory_space<vmem>>, vector<16xi32>,
            %shift_right_logical3A_346 = arith.constant 18 : i32
            %shift_right_logical3A_347 = vector.broadcast %shift_right_logical3A_346 : i32 to vector<16xi32>
            %shift_right_logical3A_348 = arith.shrui %get3A_345, %shift_right_logical3A_347 : vector<16xi32>
            %shift_right_logical3A_349 = arith.constant 9 : i32
            %shift_right_logical3A_350 = vector.broadcast %shift_right_logical3A_349 : i32 to vector<16xi32>
            %shift_right_logical3A_351 = arith.shrui %get3A_345, %shift_right_logical3A_350 : vector<16xi32>
            %and3A_352 = arith.constant 511 : i32
            %and3A_353 = vector.broadcast %and3A_352 : i32 to vector<16xi32>
            %and3A_354 = arith.andi %shift_right_logical3A_351, %and3A_353 : vector<16xi32>
            %and3A_355 = arith.constant 511 : i32
            %and3A_356 = vector.broadcast %and3A_355 : i32 to vector<16xi32>
            %and3A_357 = arith.andi %get3A_345, %and3A_356 : vector<16xi32>
            %add3A_358 = arith.constant 512 : i32
            %add3A_359 = vector.broadcast %add3A_358 : i32 to vector<16xi32>
            %add3A_360 = arith.addi %and3A_357, %add3A_359 : vector<16xi32>
            %eq3A_361 = vector.broadcast %scan3A_61#1 : i32 to vector<16xi32>
            %eq3A_362 = arith.cmpi eq, %shift_right_logical3A_348, %eq3A_361 : vector<16xi32>
            %eq3A_363 = vector.broadcast %scan3A_166#1 : i32 to vector<16xi32>
            %eq3A_364 = arith.cmpi eq, %and3A_354, %eq3A_363 : vector<16xi32>
            %and3A_365 = arith.andi %eq3A_362, %eq3A_364 : vector<16xi1>
            tpu.vector_store_idx %arg6[%add3A_360], %broadcast_in_dim3A_1 masked %and3A_365 {add = true} : memref<16384xi32, #tpu.memory_space<vmem>>[vector<16xi32>], vector<16xi32>, vector<16xi1>
            %mul3A_366 = arith.constant 4 : i32
            %mul3A_367 = arith.muli %scan3A_278, %mul3A_366 : i32
            %add3A_368 = arith.constant 3 : i32
            %add3A_369 = arith.addi %mul3A_367, %add3A_368 : i32
            %mul3A_370 = arith.constant 16 : i32
            %mul3A_371 = arith.muli %add3A_369, %mul3A_370 : i32
            %get3A_372 = arith.constant 1 : i32
            %get3A_373 = arith.index_cast %get3A_372 : i32 to index
            %get3A_374 = arith.index_cast %mul3A_371 : i32 to index
            %get3A_375 = tpu.vector_load %arg5[%get3A_373, %get3A_374] {strides = array<i32>} : memref<2x16384xi32, #tpu.memory_space<vmem>>, vector<16xi32>,
            %shift_right_logical3A_376 = arith.constant 18 : i32
            %shift_right_logical3A_377 = vector.broadcast %shift_right_logical3A_376 : i32 to vector<16xi32>
            %shift_right_logical3A_378 = arith.shrui %get3A_375, %shift_right_logical3A_377 : vector<16xi32>
            %shift_right_logical3A_379 = arith.constant 9 : i32
            %shift_right_logical3A_380 = vector.broadcast %shift_right_logical3A_379 : i32 to vector<16xi32>
            %shift_right_logical3A_381 = arith.shrui %get3A_375, %shift_right_logical3A_380 : vector<16xi32>
            %and3A_382 = arith.constant 511 : i32
            %and3A_383 = vector.broadcast %and3A_382 : i32 to vector<16xi32>
            %and3A_384 = arith.andi %shift_right_logical3A_381, %and3A_383 : vector<16xi32>
            %and3A_385 = arith.constant 511 : i32
            %and3A_386 = vector.broadcast %and3A_385 : i32 to vector<16xi32>
            %and3A_387 = arith.andi %get3A_375, %and3A_386 : vector<16xi32>
            %add3A_388 = arith.constant 512 : i32
            %add3A_389 = vector.broadcast %add3A_388 : i32 to vector<16xi32>
            %add3A_390 = arith.addi %and3A_387, %add3A_389 : vector<16xi32>
            %eq3A_391 = vector.broadcast %scan3A_61#1 : i32 to vector<16xi32>
            %eq3A_392 = arith.cmpi eq, %shift_right_logical3A_378, %eq3A_391 : vector<16xi32>
            %eq3A_393 = vector.broadcast %scan3A_166#1 : i32 to vector<16xi32>
            %eq3A_394 = arith.cmpi eq, %and3A_384, %eq3A_393 : vector<16xi32>
            %and3A_395 = arith.andi %eq3A_392, %eq3A_394 : vector<16xi1>
            tpu.vector_store_idx %arg6[%add3A_390], %broadcast_in_dim3A_1 masked %and3A_395 {add = true} : memref<16384xi32, #tpu.memory_space<vmem>>[vector<16xi32>], vector<16xi32>, vector<16xi1>
          }
          %scan3A_277 = arith.constant 256 : i32
        }
        %scan3A_184 = arith.constant 8 : i32
        %dma_wait3A_185 = arith.constant 0 : i32
        %dma_wait3A_186 = arith.constant 0 : i32
        %dma_wait3A_187 = tpu.memref_slice %arg5[%dma_wait3A_185, %dma_wait3A_186] : memref<2x16384xi32, #tpu.memory_space<vmem>> -> memref<1x16384xi32, #tpu.memory_space<vmem>>
        %dma_wait3A_188 = tpu.memref_squeeze %dma_wait3A_187 : memref<1x16384xi32, #tpu.memory_space<vmem>> -> memref<16384xi32, #tpu.memory_space<vmem>>
        %dma_wait3A_189 = tpu.memref_slice %arg3[%mul3A_14] : memref<25165824xi32, #tpu.memory_space<hbm>> -> memref<16384xi32, #tpu.memory_space<hbm>>
        %dma_wait3A_190 = arith.constant 0 : i32
        %dma_wait3A_191 = tpu.memref_slice %arg5[%dma_wait3A_185, %dma_wait3A_190] : memref<2x16384xi32, #tpu.memory_space<vmem>> -> memref<1x16384xi32, #tpu.memory_space<vmem>>
        %dma_wait3A_192 = tpu.memref_squeeze %dma_wait3A_191 : memref<1x16384xi32, #tpu.memory_space<vmem>> -> memref<16384xi32, #tpu.memory_space<vmem>>
        %dma_wait3A_193 = tpu.memref_slice %arg3[%mul3A_14] : memref<25165824xi32, #tpu.memory_space<hbm>> -> memref<16384xi32, #tpu.memory_space<hbm>>
        tpu.wait_dma2 semaphore(%arg10 : memref<!tpu.dma_semaphore, #tpu.memory_space<semaphore_mem>>) src(%dma_wait3A_193 : memref<16384xi32, #tpu.memory_space<hbm>>) dst(%dma_wait3A_192 : memref<16384xi32, #tpu.memory_space<vmem>>)
        %iota3A_194 = tpu.iota {dimensions = array<i32: 0>} : vector<16xi32>
        %scan3A_195 = arith.constant 0 : i32
        %scan3A_196 = arith.constant 0 : i32
        %scan3A_197 = arith.constant 0 : i32
        %scan3A_198 = arith.constant 0 : i32
        %scan3A_199 = arith.constant 32 : i32
        %scan3A_200 = arith.addi %scan3A_198, %scan3A_199 : i32
        %scan3A_201 = arith.constant 1 : i32
        %scan3A_202:3 = scf.for %scan3A_207 = %scan3A_198 to %scan3A_200 step %scan3A_201 iter_args(%scan3A_208 = %scan3A_195, %scan3A_209 = %scan3A_196, %scan3A_210 = %scan3A_197) -> (i32, i32, i32)  : i32 {
          %mul3A_211 = arith.constant 16 : i32
          %mul3A_212 = arith.muli %scan3A_207, %mul3A_211 : i32
          %add3A_213 = arith.constant 512 : i32
          %add3A_214 = arith.addi %add3A_213, %mul3A_212 : i32
          %get3A = arith.index_cast %add3A_214 : i32 to index
          %get3A_215 = tpu.vector_load %arg6[%get3A] {strides = array<i32>} : memref<16384xi32, #tpu.memory_space<vmem>>, vector<16xi32>,
          %broadcast_in_dim3A_216 = arith.constant true
          %broadcast_in_dim3A_217 = vector.broadcast %broadcast_in_dim3A_216 : i1 to vector<16xi1>
          %masked_cumsum3A = tpu.scan <sum>, %get3A_215 masked %broadcast_in_dim3A_217 : vector<16xi32>, vector<16xi1> -> vector<16xi32>
          %reduce_sum3A = arith.constant true
          %reduce_sum3A_218 = vector.broadcast %reduce_sum3A : i1 to vector<16xi1>
          %reduce_sum3A_219 = tpu.scan <sum>, %get3A_215 masked %reduce_sum3A_218 : vector<16xi32>, vector<16xi1> -> vector<16xi32>
          %reduce_sum3A_220 = vector.extract %reduce_sum3A_219[15] : i32 from vector<16xi32>
          %add3A_221 = vector.broadcast %scan3A_208 : i32 to vector<16xi32>
          %add3A_222 = arith.addi %add3A_221, %masked_cumsum3A : vector<16xi32>
          %sub3A = arith.subi %add3A_222, %get3A_215 : vector<16xi32>
          %add3A_223 = arith.addi %scan3A_208, %reduce_sum3A_220 : i32
          %le3A_224 = arith.cmpi sle, %scan3A_208, %scan3A_166#2 : i32
          %lt3A_225 = arith.cmpi slt, %scan3A_166#2, %add3A_223 : i32
          %and3A = arith.andi %le3A_224, %lt3A_225 : i1
          %le3A_226 = vector.broadcast %scan3A_166#2 : i32 to vector<16xi32>
          %le3A_227 = arith.cmpi sle, %sub3A, %le3A_226 : vector<16xi32>
          %add3A_228 = arith.addi %sub3A, %get3A_215 : vector<16xi32>
          %lt3A_229 = vector.broadcast %scan3A_166#2 : i32 to vector<16xi32>
          %lt3A_230 = arith.cmpi slt, %lt3A_229, %add3A_228 : vector<16xi32>
          %and3A_231 = arith.andi %le3A_227, %lt3A_230 : vector<16xi1>
          %jit3A_232 = arith.constant 0 : i32
          %broadcast_in_dim3A_233 = vector.broadcast %jit3A_232 : i32 to vector<16xi32>
          %select_n3A_234 = arith.select %and3A_231, %iota3A_194, %broadcast_in_dim3A_233 : vector<16xi1>, vector<16xi32>
          %reduce_sum3A_235 = arith.constant true
          %reduce_sum3A_236 = vector.broadcast %reduce_sum3A_235 : i1 to vector<16xi1>
          %reduce_sum3A_237 = tpu.scan <sum>, %select_n3A_234 masked %reduce_sum3A_236 : vector<16xi32>, vector<16xi1> -> vector<16xi32>
          %reduce_sum3A_238 = vector.extract %reduce_sum3A_237[15] : i32 from vector<16xi32>
          %sub3A_239 = vector.broadcast %scan3A_166#2 : i32 to vector<16xi32>
          %sub3A_240 = arith.subi %sub3A_239, %sub3A : vector<16xi32>
          %jit3A_241 = arith.constant 0 : i32
          %broadcast_in_dim3A_242 = vector.broadcast %jit3A_241 : i32 to vector<16xi32>
          %select_n3A_243 = arith.select %and3A_231, %sub3A_240, %broadcast_in_dim3A_242 : vector<16xi1>, vector<16xi32>
          %reduce_sum3A_244 = arith.constant true
          %reduce_sum3A_245 = vector.broadcast %reduce_sum3A_244 : i1 to vector<16xi1>
          %reduce_sum3A_246 = tpu.scan <sum>, %select_n3A_243 masked %reduce_sum3A_245 : vector<16xi32>, vector<16xi1> -> vector<16xi32>
          %reduce_sum3A_247 = vector.extract %reduce_sum3A_246[15] : i32 from vector<16xi32>
          %mul3A_248 = arith.constant 16 : i32
          %mul3A_249 = arith.muli %scan3A_207, %mul3A_248 : i32
          %add3A_250 = arith.addi %mul3A_249, %reduce_sum3A_238 : i32
          %select_n3A_251 = arith.select %and3A, %add3A_250, %scan3A_209 : i32
          %select_n3A_252 = arith.select %and3A, %reduce_sum3A_247, %scan3A_210 : i32
          scf.yield %add3A_223, %select_n3A_251, %select_n3A_252 : i32, i32, i32
        }
        %scan3A_203 = arith.constant 32 : i32
        %shift_left3A_204 = arith.constant 9 : i32
        %shift_left3A_205 = arith.shli %scan3A_166#1, %shift_left3A_204 : i32
        %or3A_206 = arith.ori %shift_left3A_205, %scan3A_202#1 : i32
        scf.yield %or3A_206 : i32
      }
      %le3A_95 = arith.constant 32768 : i32
      %le3A_96 = arith.cmpi sle, %scan3A_61#6, %le3A_95 : i32
      %convert_element_type3A_97 = arith.extui %le3A_96 : i1 to i32
      %cond3A_98 = arith.constant 0 : i32
      %cond3A_99 = arith.constant 0 : i32
      %cond3A_100 = arith.cmpi ne, %convert_element_type3A_97, %cond3A_99 : i32
      %cond3A_101 = scf.if %cond3A_100 -> (i32) {
        %broadcast_in_dim3A_124 = arith.constant 0 : i32
        %broadcast_in_dim3A_125 = vector.broadcast %broadcast_in_dim3A_124 : i32 to vector<16xi32>
        %scan3A_126 = arith.constant 0 : i32
        %scan3A_127 = arith.constant 0 : i32
        %scan3A_128 = arith.constant 16 : i32
        %scan3A_129 = arith.addi %scan3A_127, %scan3A_128 : i32
        %scan3A_130 = arith.constant 1 : i32
        scf.for %scan3A_177 = %scan3A_127 to %scan3A_129 step %scan3A_130  : i32 {
          %mul3A_178 = arith.constant 4 : i32
          %mul3A_179 = arith.muli %scan3A_177, %mul3A_178 : i32
          %add3A_180 = arith.constant 0 : i32
          %add3A_181 = arith.addi %mul3A_179, %add3A_180 : i32
          %mul3A_182 = arith.constant 16 : i32
          %mul3A_183 = arith.muli %add3A_181, %mul3A_182 : i32
          %swap3A_184 = arith.index_cast %mul3A_183 : i32 to index
          %swap3A_185 = tpu.vector_load %arg6[%swap3A_184] {strides = array<i32>} : memref<16384xi32, #tpu.memory_space<vmem>>, vector<16xi32>,
          tpu.vector_store %arg6[%swap3A_184], %broadcast_in_dim3A_125 {strides = array<i32>} : memref<16384xi32, #tpu.memory_space<vmem>>, vector<16xi32>,
          %mul3A_186 = arith.constant 4 : i32
          %mul3A_187 = arith.muli %scan3A_177, %mul3A_186 : i32
          %add3A_188 = arith.constant 1 : i32
          %add3A_189 = arith.addi %mul3A_187, %add3A_188 : i32
          %mul3A_190 = arith.constant 16 : i32
          %mul3A_191 = arith.muli %add3A_189, %mul3A_190 : i32
          %swap3A_192 = arith.index_cast %mul3A_191 : i32 to index
          %swap3A_193 = tpu.vector_load %arg6[%swap3A_192] {strides = array<i32>} : memref<16384xi32, #tpu.memory_space<vmem>>, vector<16xi32>,
          tpu.vector_store %arg6[%swap3A_192], %broadcast_in_dim3A_125 {strides = array<i32>} : memref<16384xi32, #tpu.memory_space<vmem>>, vector<16xi32>,
          %mul3A_194 = arith.constant 4 : i32
          %mul3A_195 = arith.muli %scan3A_177, %mul3A_194 : i32
          %add3A_196 = arith.constant 2 : i32
          %add3A_197 = arith.addi %mul3A_195, %add3A_196 : i32
          %mul3A_198 = arith.constant 16 : i32
          %mul3A_199 = arith.muli %add3A_197, %mul3A_198 : i32
          %swap3A_200 = arith.index_cast %mul3A_199 : i32 to index
          %swap3A_201 = tpu.vector_load %arg6[%swap3A_200] {strides = array<i32>} : memref<16384xi32, #tpu.memory_space<vmem>>, vector<16xi32>,
          tpu.vector_store %arg6[%swap3A_200], %broadcast_in_dim3A_125 {strides = array<i32>} : memref<16384xi32, #tpu.memory_space<vmem>>, vector<16xi32>,
          %mul3A_202 = arith.constant 4 : i32
          %mul3A_203 = arith.muli %scan3A_177, %mul3A_202 : i32
          %add3A_204 = arith.constant 3 : i32
          %add3A_205 = arith.addi %mul3A_203, %add3A_204 : i32
          %mul3A_206 = arith.constant 16 : i32
          %mul3A_207 = arith.muli %add3A_205, %mul3A_206 : i32
          %swap3A_208 = arith.index_cast %mul3A_207 : i32 to index
          %swap3A_209 = tpu.vector_load %arg6[%swap3A_208] {strides = array<i32>} : memref<16384xi32, #tpu.memory_space<vmem>>, vector<16xi32>,
          tpu.vector_store %arg6[%swap3A_208], %broadcast_in_dim3A_125 {strides = array<i32>} : memref<16384xi32, #tpu.memory_space<vmem>>, vector<16xi32>,
        }
        %scan3A_131 = arith.constant 16 : i32
        %add3A_132 = arith.constant 15 : i32
        %add3A_133 = arith.addi %scan3A_61#6, %add3A_132 : i32
        %div3A = arith.constant 16 : i32
        %div3A_134 = arith.divsi %add3A_133, %div3A : i32
        %while3A = arith.constant 0 : i32
        %while3A_135 = arith.constant 0 : i32
        %while3A_136 = arith.subi %div3A_134, %while3A_135 : i32
        %while3A_137 = arith.addi %while3A_135, %while3A_136 : i32
        %while3A_138 = arith.constant 1 : i32
        %while3A_139 = arith.divsi %while3A_136, %while3A_138 : i32
        %while3A_140 = arith.muli %while3A_139, %while3A_138 : i32
        %while3A_141 = arith.addi %while3A_135, %while3A_140 : i32
        %while3A_142 = arith.constant 1 : i32
        scf.for %while3A_177 = %while3A_135 to %while3A_141 step %while3A_142  : i32 {
          %mul3A_178 = arith.constant 16 : i32
          %mul3A_179 = arith.muli %while3A_177, %mul3A_178 : i32
          %get3A = arith.index_cast %mul3A_179 : i32 to index
          %get3A_180 = tpu.vector_load %arg8[%get3A] {strides = array<i32>} : memref<32784xi32, #tpu.memory_space<vmem>>, vector<16xi32>,
          %mul3A_181 = arith.constant 16 : i32
          %mul3A_182 = arith.muli %while3A_177, %mul3A_181 : i32
          %add3A_183 = vector.broadcast %mul3A_182 : i32 to vector<16xi32>
          %add3A_184 = arith.addi %iota3A, %add3A_183 : vector<16xi32>
          %lt3A_185 = vector.broadcast %scan3A_61#6 : i32 to vector<16xi32>
          %lt3A_186 = arith.cmpi slt, %add3A_184, %lt3A_185 : vector<16xi32>
          %shift_right_logical3A = arith.constant 9 : i32
          %shift_right_logical3A_187 = vector.broadcast %shift_right_logical3A : i32 to vector<16xi32>
          %shift_right_logical3A_188 = arith.shrui %get3A_180, %shift_right_logical3A_187 : vector<16xi32>
          tpu.vector_store_idx %arg6[%shift_right_logical3A_188], %broadcast_in_dim3A_1 masked %lt3A_186 {add = true} : memref<16384xi32, #tpu.memory_space<vmem>>[vector<16xi32>], vector<16xi32>, vector<16xi1>
        }
        %while3A_143 = arith.constant 1 : i32
        scf.for %while3A_177 = %while3A_141 to %while3A_137 step %while3A_143  : i32 {
          %mul3A_178 = arith.constant 16 : i32
          %mul3A_179 = arith.muli %while3A_177, %mul3A_178 : i32
          %get3A = arith.index_cast %mul3A_179 : i32 to index
          %get3A_180 = tpu.vector_load %arg8[%get3A] {strides = array<i32>} : memref<32784xi32, #tpu.memory_space<vmem>>, vector<16xi32>,
          %mul3A_181 = arith.constant 16 : i32
          %mul3A_182 = arith.muli %while3A_177, %mul3A_181 : i32
          %add3A_183 = vector.broadcast %mul3A_182 : i32 to vector<16xi32>
          %add3A_184 = arith.addi %iota3A, %add3A_183 : vector<16xi32>
          %lt3A_185 = vector.broadcast %scan3A_61#6 : i32 to vector<16xi32>
          %lt3A_186 = arith.cmpi slt, %add3A_184, %lt3A_185 : vector<16xi32>
          %shift_right_logical3A = arith.constant 9 : i32
          %shift_right_logical3A_187 = vector.broadcast %shift_right_logical3A : i32 to vector<16xi32>
          %shift_right_logical3A_188 = arith.shrui %get3A_180, %shift_right_logical3A_187 : vector<16xi32>
          tpu.vector_store_idx %arg6[%shift_right_logical3A_188], %broadcast_in_dim3A_1 masked %lt3A_186 {add = true} : memref<16384xi32, #tpu.memory_space<vmem>>[vector<16xi32>], vector<16xi32>, vector<16xi1>
        }
        %iota3A_144 = tpu.iota {dimensions = array<i32: 0>} : vector<16xi32>
        %scan3A_145 = arith.constant 0 : i32
        %scan3A_146 = arith.constant 0 : i32
        %scan3A_147 = arith.constant 0 : i32
        %scan3A_148 = arith.constant 0 : i32
        %scan3A_149 = arith.constant 32 : i32
        %scan3A_150 = arith.addi %scan3A_148, %scan3A_149 : i32
        %scan3A_151 = arith.constant 1 : i32
        %scan3A_152:3 = scf.for %scan3A_177 = %scan3A_148 to %scan3A_150 step %scan3A_151 iter_args(%scan3A_178 = %scan3A_145, %scan3A_179 = %scan3A_146, %scan3A_180 = %scan3A_147) -> (i32, i32, i32)  : i32 {
          %mul3A_181 = arith.constant 16 : i32
          %mul3A_182 = arith.muli %scan3A_177, %mul3A_181 : i32
          %add3A_183 = arith.constant 0 : i32
          %add3A_184 = arith.addi %add3A_183, %mul3A_182 : i32
          %get3A = arith.index_cast %add3A_184 : i32 to index
          %get3A_185 = tpu.vector_load %arg6[%get3A] {strides = array<i32>} : memref<16384xi32, #tpu.memory_space<vmem>>, vector<16xi32>,
          %broadcast_in_dim3A_186 = arith.constant true
          %broadcast_in_dim3A_187 = vector.broadcast %broadcast_in_dim3A_186 : i1 to vector<16xi1>
          %masked_cumsum3A = tpu.scan <sum>, %get3A_185 masked %broadcast_in_dim3A_187 : vector<16xi32>, vector<16xi1> -> vector<16xi32>
          %reduce_sum3A = arith.constant true
          %reduce_sum3A_188 = vector.broadcast %reduce_sum3A : i1 to vector<16xi1>
          %reduce_sum3A_189 = tpu.scan <sum>, %get3A_185 masked %reduce_sum3A_188 : vector<16xi32>, vector<16xi1> -> vector<16xi32>
          %reduce_sum3A_190 = vector.extract %reduce_sum3A_189[15] : i32 from vector<16xi32>
          %add3A_191 = vector.broadcast %scan3A_178 : i32 to vector<16xi32>
          %add3A_192 = arith.addi %add3A_191, %masked_cumsum3A : vector<16xi32>
          %sub3A = arith.subi %add3A_192, %get3A_185 : vector<16xi32>
          %add3A_193 = arith.addi %scan3A_178, %reduce_sum3A_190 : i32
          %le3A_194 = arith.cmpi sle, %scan3A_178, %scan3A_61#5 : i32
          %lt3A_195 = arith.cmpi slt, %scan3A_61#5, %add3A_193 : i32
          %and3A = arith.andi %le3A_194, %lt3A_195 : i1
          %le3A_196 = vector.broadcast %scan3A_61#5 : i32 to vector<16xi32>
          %le3A_197 = arith.cmpi sle, %sub3A, %le3A_196 : vector<16xi32>
          %add3A_198 = arith.addi %sub3A, %get3A_185 : vector<16xi32>
          %lt3A_199 = vector.broadcast %scan3A_61#5 : i32 to vector<16xi32>
          %lt3A_200 = arith.cmpi slt, %lt3A_199, %add3A_198 : vector<16xi32>
          %and3A_201 = arith.andi %le3A_197, %lt3A_200 : vector<16xi1>
          %jit3A_202 = arith.constant 0 : i32
          %broadcast_in_dim3A_203 = vector.broadcast %jit3A_202 : i32 to vector<16xi32>
          %select_n3A_204 = arith.select %and3A_201, %iota3A_144, %broadcast_in_dim3A_203 : vector<16xi1>, vector<16xi32>
          %reduce_sum3A_205 = arith.constant true
          %reduce_sum3A_206 = vector.broadcast %reduce_sum3A_205 : i1 to vector<16xi1>
          %reduce_sum3A_207 = tpu.scan <sum>, %select_n3A_204 masked %reduce_sum3A_206 : vector<16xi32>, vector<16xi1> -> vector<16xi32>
          %reduce_sum3A_208 = vector.extract %reduce_sum3A_207[15] : i32 from vector<16xi32>
          %sub3A_209 = vector.broadcast %scan3A_61#5 : i32 to vector<16xi32>
          %sub3A_210 = arith.subi %sub3A_209, %sub3A : vector<16xi32>
          %jit3A_211 = arith.constant 0 : i32
          %broadcast_in_dim3A_212 = vector.broadcast %jit3A_211 : i32 to vector<16xi32>
          %select_n3A_213 = arith.select %and3A_201, %sub3A_210, %broadcast_in_dim3A_212 : vector<16xi1>, vector<16xi32>
          %reduce_sum3A_214 = arith.constant true
          %reduce_sum3A_215 = vector.broadcast %reduce_sum3A_214 : i1 to vector<16xi1>
          %reduce_sum3A_216 = tpu.scan <sum>, %select_n3A_213 masked %reduce_sum3A_215 : vector<16xi32>, vector<16xi1> -> vector<16xi32>
          %reduce_sum3A_217 = vector.extract %reduce_sum3A_216[15] : i32 from vector<16xi32>
          %mul3A_218 = arith.constant 16 : i32
          %mul3A_219 = arith.muli %scan3A_177, %mul3A_218 : i32
          %add3A_220 = arith.addi %mul3A_219, %reduce_sum3A_208 : i32
          %select_n3A_221 = arith.select %and3A, %add3A_220, %scan3A_179 : i32
          %select_n3A_222 = arith.select %and3A, %reduce_sum3A_217, %scan3A_180 : i32
          scf.yield %add3A_193, %select_n3A_221, %select_n3A_222 : i32, i32, i32
        }
        %scan3A_153 = arith.constant 32 : i32
        %while3A_154 = arith.constant 0 : i32
        %while3A_155 = arith.constant 0 : i32
        %while3A_156 = arith.subi %div3A_134, %while3A_155 : i32
        %while3A_157 = arith.addi %while3A_155, %while3A_156 : i32
        %while3A_158 = arith.constant 1 : i32
        %while3A_159 = arith.divsi %while3A_156, %while3A_158 : i32
        %while3A_160 = arith.muli %while3A_159, %while3A_158 : i32
        %while3A_161 = arith.addi %while3A_155, %while3A_160 : i32
        %while3A_162 = arith.constant 1 : i32
        scf.for %while3A_177 = %while3A_155 to %while3A_161 step %while3A_162  : i32 {
          %mul3A_178 = arith.constant 16 : i32
          %mul3A_179 = arith.muli %while3A_177, %mul3A_178 : i32
          %get3A = arith.index_cast %mul3A_179 : i32 to index
          %get3A_180 = tpu.vector_load %arg8[%get3A] {strides = array<i32>} : memref<32784xi32, #tpu.memory_space<vmem>>, vector<16xi32>,
          %mul3A_181 = arith.constant 16 : i32
          %mul3A_182 = arith.muli %while3A_177, %mul3A_181 : i32
          %add3A_183 = vector.broadcast %mul3A_182 : i32 to vector<16xi32>
          %add3A_184 = arith.addi %iota3A, %add3A_183 : vector<16xi32>
          %lt3A_185 = vector.broadcast %scan3A_61#6 : i32 to vector<16xi32>
          %lt3A_186 = arith.cmpi slt, %add3A_184, %lt3A_185 : vector<16xi32>
          %shift_right_logical3A = arith.constant 9 : i32
          %shift_right_logical3A_187 = vector.broadcast %shift_right_logical3A : i32 to vector<16xi32>
          %shift_right_logical3A_188 = arith.shrui %get3A_180, %shift_right_logical3A_187 : vector<16xi32>
          %and3A = arith.constant 511 : i32
          %and3A_189 = vector.broadcast %and3A : i32 to vector<16xi32>
          %and3A_190 = arith.andi %get3A_180, %and3A_189 : vector<16xi32>
          %add3A_191 = arith.constant 512 : i32
          %add3A_192 = vector.broadcast %add3A_191 : i32 to vector<16xi32>
          %add3A_193 = arith.addi %and3A_190, %add3A_192 : vector<16xi32>
          %eq3A_194 = vector.broadcast %scan3A_152#1 : i32 to vector<16xi32>
          %eq3A_195 = arith.cmpi eq, %shift_right_logical3A_188, %eq3A_194 : vector<16xi32>
          %and3A_196 = arith.andi %lt3A_186, %eq3A_195 : vector<16xi1>
          tpu.vector_store_idx %arg6[%add3A_193], %broadcast_in_dim3A_1 masked %and3A_196 {add = true} : memref<16384xi32, #tpu.memory_space<vmem>>[vector<16xi32>], vector<16xi32>, vector<16xi1>
        }
        %while3A_163 = arith.constant 1 : i32
        scf.for %while3A_177 = %while3A_161 to %while3A_157 step %while3A_163  : i32 {
          %mul3A_178 = arith.constant 16 : i32
          %mul3A_179 = arith.muli %while3A_177, %mul3A_178 : i32
          %get3A = arith.index_cast %mul3A_179 : i32 to index
          %get3A_180 = tpu.vector_load %arg8[%get3A] {strides = array<i32>} : memref<32784xi32, #tpu.memory_space<vmem>>, vector<16xi32>,
          %mul3A_181 = arith.constant 16 : i32
          %mul3A_182 = arith.muli %while3A_177, %mul3A_181 : i32
          %add3A_183 = vector.broadcast %mul3A_182 : i32 to vector<16xi32>
          %add3A_184 = arith.addi %iota3A, %add3A_183 : vector<16xi32>
          %lt3A_185 = vector.broadcast %scan3A_61#6 : i32 to vector<16xi32>
          %lt3A_186 = arith.cmpi slt, %add3A_184, %lt3A_185 : vector<16xi32>
          %shift_right_logical3A = arith.constant 9 : i32
          %shift_right_logical3A_187 = vector.broadcast %shift_right_logical3A : i32 to vector<16xi32>
          %shift_right_logical3A_188 = arith.shrui %get3A_180, %shift_right_logical3A_187 : vector<16xi32>
          %and3A = arith.constant 511 : i32
          %and3A_189 = vector.broadcast %and3A : i32 to vector<16xi32>
          %and3A_190 = arith.andi %get3A_180, %and3A_189 : vector<16xi32>
          %add3A_191 = arith.constant 512 : i32
          %add3A_192 = vector.broadcast %add3A_191 : i32 to vector<16xi32>
          %add3A_193 = arith.addi %and3A_190, %add3A_192 : vector<16xi32>
          %eq3A_194 = vector.broadcast %scan3A_152#1 : i32 to vector<16xi32>
          %eq3A_195 = arith.cmpi eq, %shift_right_logical3A_188, %eq3A_194 : vector<16xi32>
          %and3A_196 = arith.andi %lt3A_186, %eq3A_195 : vector<16xi1>
          tpu.vector_store_idx %arg6[%add3A_193], %broadcast_in_dim3A_1 masked %and3A_196 {add = true} : memref<16384xi32, #tpu.memory_space<vmem>>[vector<16xi32>], vector<16xi32>, vector<16xi1>
        }
        %iota3A_164 = tpu.iota {dimensions = array<i32: 0>} : vector<16xi32>
        %scan3A_165 = arith.constant 0 : i32
        %scan3A_166 = arith.constant 0 : i32
        %scan3A_167 = arith.constant 0 : i32
        %scan3A_168 = arith.constant 0 : i32
        %scan3A_169 = arith.constant 32 : i32
        %scan3A_170 = arith.addi %scan3A_168, %scan3A_169 : i32
        %scan3A_171 = arith.constant 1 : i32
        %scan3A_172:3 = scf.for %scan3A_177 = %scan3A_168 to %scan3A_170 step %scan3A_171 iter_args(%scan3A_178 = %scan3A_165, %scan3A_179 = %scan3A_166, %scan3A_180 = %scan3A_167) -> (i32, i32, i32)  : i32 {
          %mul3A_181 = arith.constant 16 : i32
          %mul3A_182 = arith.muli %scan3A_177, %mul3A_181 : i32
          %add3A_183 = arith.constant 512 : i32
          %add3A_184 = arith.addi %add3A_183, %mul3A_182 : i32
          %get3A = arith.index_cast %add3A_184 : i32 to index
          %get3A_185 = tpu.vector_load %arg6[%get3A] {strides = array<i32>} : memref<16384xi32, #tpu.memory_space<vmem>>, vector<16xi32>,
          %broadcast_in_dim3A_186 = arith.constant true
          %broadcast_in_dim3A_187 = vector.broadcast %broadcast_in_dim3A_186 : i1 to vector<16xi1>
          %masked_cumsum3A = tpu.scan <sum>, %get3A_185 masked %broadcast_in_dim3A_187 : vector<16xi32>, vector<16xi1> -> vector<16xi32>
          %reduce_sum3A = arith.constant true
          %reduce_sum3A_188 = vector.broadcast %reduce_sum3A : i1 to vector<16xi1>
          %reduce_sum3A_189 = tpu.scan <sum>, %get3A_185 masked %reduce_sum3A_188 : vector<16xi32>, vector<16xi1> -> vector<16xi32>
          %reduce_sum3A_190 = vector.extract %reduce_sum3A_189[15] : i32 from vector<16xi32>
          %add3A_191 = vector.broadcast %scan3A_178 : i32 to vector<16xi32>
          %add3A_192 = arith.addi %add3A_191, %masked_cumsum3A : vector<16xi32>
          %sub3A = arith.subi %add3A_192, %get3A_185 : vector<16xi32>
          %add3A_193 = arith.addi %scan3A_178, %reduce_sum3A_190 : i32
          %le3A_194 = arith.cmpi sle, %scan3A_178, %scan3A_152#2 : i32
          %lt3A_195 = arith.cmpi slt, %scan3A_152#2, %add3A_193 : i32
          %and3A = arith.andi %le3A_194, %lt3A_195 : i1
          %le3A_196 = vector.broadcast %scan3A_152#2 : i32 to vector<16xi32>
          %le3A_197 = arith.cmpi sle, %sub3A, %le3A_196 : vector<16xi32>
          %add3A_198 = arith.addi %sub3A, %get3A_185 : vector<16xi32>
          %lt3A_199 = vector.broadcast %scan3A_152#2 : i32 to vector<16xi32>
          %lt3A_200 = arith.cmpi slt, %lt3A_199, %add3A_198 : vector<16xi32>
          %and3A_201 = arith.andi %le3A_197, %lt3A_200 : vector<16xi1>
          %jit3A_202 = arith.constant 0 : i32
          %broadcast_in_dim3A_203 = vector.broadcast %jit3A_202 : i32 to vector<16xi32>
          %select_n3A_204 = arith.select %and3A_201, %iota3A_164, %broadcast_in_dim3A_203 : vector<16xi1>, vector<16xi32>
          %reduce_sum3A_205 = arith.constant true
          %reduce_sum3A_206 = vector.broadcast %reduce_sum3A_205 : i1 to vector<16xi1>
          %reduce_sum3A_207 = tpu.scan <sum>, %select_n3A_204 masked %reduce_sum3A_206 : vector<16xi32>, vector<16xi1> -> vector<16xi32>
          %reduce_sum3A_208 = vector.extract %reduce_sum3A_207[15] : i32 from vector<16xi32>
          %sub3A_209 = vector.broadcast %scan3A_152#2 : i32 to vector<16xi32>
          %sub3A_210 = arith.subi %sub3A_209, %sub3A : vector<16xi32>
          %jit3A_211 = arith.constant 0 : i32
          %broadcast_in_dim3A_212 = vector.broadcast %jit3A_211 : i32 to vector<16xi32>
          %select_n3A_213 = arith.select %and3A_201, %sub3A_210, %broadcast_in_dim3A_212 : vector<16xi1>, vector<16xi32>
          %reduce_sum3A_214 = arith.constant true
          %reduce_sum3A_215 = vector.broadcast %reduce_sum3A_214 : i1 to vector<16xi1>
          %reduce_sum3A_216 = tpu.scan <sum>, %select_n3A_213 masked %reduce_sum3A_215 : vector<16xi32>, vector<16xi1> -> vector<16xi32>
          %reduce_sum3A_217 = vector.extract %reduce_sum3A_216[15] : i32 from vector<16xi32>
          %mul3A_218 = arith.constant 16 : i32
          %mul3A_219 = arith.muli %scan3A_177, %mul3A_218 : i32
          %add3A_220 = arith.addi %mul3A_219, %reduce_sum3A_208 : i32
          %select_n3A_221 = arith.select %and3A, %add3A_220, %scan3A_179 : i32
          %select_n3A_222 = arith.select %and3A, %reduce_sum3A_217, %scan3A_180 : i32
          scf.yield %add3A_193, %select_n3A_221, %select_n3A_222 : i32, i32, i32
        }
        %scan3A_173 = arith.constant 32 : i32
        %shift_left3A_174 = arith.constant 9 : i32
        %shift_left3A_175 = arith.shli %scan3A_152#1, %shift_left3A_174 : i32
        %or3A_176 = arith.ori %shift_left3A_175, %scan3A_172#1 : i32
        scf.yield %or3A_176 : i32
      } else {
        %broadcast_in_dim3A_124 = arith.constant 0 : i32
        %broadcast_in_dim3A_125 = vector.broadcast %broadcast_in_dim3A_124 : i32 to vector<16xi32>
        %scan3A_126 = arith.constant 0 : i32
        %scan3A_127 = arith.constant 0 : i32
        %scan3A_128 = arith.constant 16 : i32
        %scan3A_129 = arith.addi %scan3A_127, %scan3A_128 : i32
        %scan3A_130 = arith.constant 1 : i32
        scf.for %scan3A_207 = %scan3A_127 to %scan3A_129 step %scan3A_130  : i32 {
          %mul3A_208 = arith.constant 4 : i32
          %mul3A_209 = arith.muli %scan3A_207, %mul3A_208 : i32
          %add3A_210 = arith.constant 0 : i32
          %add3A_211 = arith.addi %mul3A_209, %add3A_210 : i32
          %mul3A_212 = arith.constant 16 : i32
          %mul3A_213 = arith.muli %add3A_211, %mul3A_212 : i32
          %swap3A_214 = arith.index_cast %mul3A_213 : i32 to index
          %swap3A_215 = tpu.vector_load %arg6[%swap3A_214] {strides = array<i32>} : memref<16384xi32, #tpu.memory_space<vmem>>, vector<16xi32>,
          tpu.vector_store %arg6[%swap3A_214], %broadcast_in_dim3A_125 {strides = array<i32>} : memref<16384xi32, #tpu.memory_space<vmem>>, vector<16xi32>,
          %mul3A_216 = arith.constant 4 : i32
          %mul3A_217 = arith.muli %scan3A_207, %mul3A_216 : i32
          %add3A_218 = arith.constant 1 : i32
          %add3A_219 = arith.addi %mul3A_217, %add3A_218 : i32
          %mul3A_220 = arith.constant 16 : i32
          %mul3A_221 = arith.muli %add3A_219, %mul3A_220 : i32
          %swap3A_222 = arith.index_cast %mul3A_221 : i32 to index
          %swap3A_223 = tpu.vector_load %arg6[%swap3A_222] {strides = array<i32>} : memref<16384xi32, #tpu.memory_space<vmem>>, vector<16xi32>,
          tpu.vector_store %arg6[%swap3A_222], %broadcast_in_dim3A_125 {strides = array<i32>} : memref<16384xi32, #tpu.memory_space<vmem>>, vector<16xi32>,
          %mul3A_224 = arith.constant 4 : i32
          %mul3A_225 = arith.muli %scan3A_207, %mul3A_224 : i32
          %add3A_226 = arith.constant 2 : i32
          %add3A_227 = arith.addi %mul3A_225, %add3A_226 : i32
          %mul3A_228 = arith.constant 16 : i32
          %mul3A_229 = arith.muli %add3A_227, %mul3A_228 : i32
          %swap3A_230 = arith.index_cast %mul3A_229 : i32 to index
          %swap3A_231 = tpu.vector_load %arg6[%swap3A_230] {strides = array<i32>} : memref<16384xi32, #tpu.memory_space<vmem>>, vector<16xi32>,
          tpu.vector_store %arg6[%swap3A_230], %broadcast_in_dim3A_125 {strides = array<i32>} : memref<16384xi32, #tpu.memory_space<vmem>>, vector<16xi32>,
          %mul3A_232 = arith.constant 4 : i32
          %mul3A_233 = arith.muli %scan3A_207, %mul3A_232 : i32
          %add3A_234 = arith.constant 3 : i32
          %add3A_235 = arith.addi %mul3A_233, %add3A_234 : i32
          %mul3A_236 = arith.constant 16 : i32
          %mul3A_237 = arith.muli %add3A_235, %mul3A_236 : i32
          %swap3A_238 = arith.index_cast %mul3A_237 : i32 to index
          %swap3A_239 = tpu.vector_load %arg6[%swap3A_238] {strides = array<i32>} : memref<16384xi32, #tpu.memory_space<vmem>>, vector<16xi32>,
          tpu.vector_store %arg6[%swap3A_238], %broadcast_in_dim3A_125 {strides = array<i32>} : memref<16384xi32, #tpu.memory_space<vmem>>, vector<16xi32>,
        }
        %scan3A_131 = arith.constant 16 : i32
        %add3A_132 = arith.constant 0 : i32
        %add3A_133 = arith.addi %mul3A_14, %add3A_132 : i32
        %dma_start3A_134 = arith.constant 0 : i32
        %dma_start3A_135 = arith.constant 0 : i32
        %dma_start3A_136 = tpu.memref_slice %arg5[%dma_start3A_134, %dma_start3A_135] : memref<2x16384xi32, #tpu.memory_space<vmem>> -> memref<1x16384xi32, #tpu.memory_space<vmem>>
        %dma_start3A_137 = tpu.memref_squeeze %dma_start3A_136 : memref<1x16384xi32, #tpu.memory_space<vmem>> -> memref<16384xi32, #tpu.memory_space<vmem>>
        %dma_start3A_138 = tpu.memref_slice %arg3[%add3A_133] : memref<25165824xi32, #tpu.memory_space<hbm>> -> memref<16384xi32, #tpu.memory_space<hbm>>
        %dma_start3A_139 = arith.constant 0 : i32
        %dma_start3A_140 = tpu.memref_slice %arg5[%dma_start3A_134, %dma_start3A_139] : memref<2x16384xi32, #tpu.memory_space<vmem>> -> memref<1x16384xi32, #tpu.memory_space<vmem>>
        %dma_start3A_141 = tpu.memref_squeeze %dma_start3A_140 : memref<1x16384xi32, #tpu.memory_space<vmem>> -> memref<16384xi32, #tpu.memory_space<vmem>>
        %dma_start3A_142 = tpu.memref_slice %arg3[%add3A_133] : memref<25165824xi32, #tpu.memory_space<hbm>> -> memref<16384xi32, #tpu.memory_space<hbm>>
        tpu.enqueue_dma source(%dma_start3A_142 : memref<16384xi32, #tpu.memory_space<hbm>>) target(%dma_start3A_141 : memref<16384xi32, #tpu.memory_space<vmem>>) target_semaphore(%arg10 : memref<!tpu.dma_semaphore, #tpu.memory_space<semaphore_mem>>)
        %scan3A_143 = arith.constant 0 : i32
        %scan3A_144 = arith.constant 0 : i32
        %scan3A_145 = arith.constant 8 : i32
        %scan3A_146 = arith.addi %scan3A_144, %scan3A_145 : i32
        %scan3A_147 = arith.constant 1 : i32
        scf.for %scan3A_207 = %scan3A_144 to %scan3A_146 step %scan3A_147  : i32 {
          %mul3A_208 = arith.constant 2 : i32
          %mul3A_209 = arith.muli %scan3A_207, %mul3A_208 : i32
          %add3A_210 = arith.constant 0 : i32
          %add3A_211 = arith.addi %mul3A_209, %add3A_210 : i32
          %add3A_212 = arith.constant 2 : i32
          %add3A_213 = arith.addi %add3A_211, %add3A_212 : i32
          %sub3A = arith.constant 1 : i32
          %sub3A_214 = arith.subi %add3A_213, %sub3A : i32
          %min3A = arith.constant 15 : i32
          %min3A_215 = arith.minsi %sub3A_214, %min3A : i32
          %mul3A_216 = arith.constant 16384 : i32
          %mul3A_217 = arith.muli %min3A_215, %mul3A_216 : i32
          %add3A_218 = arith.addi %mul3A_14, %mul3A_217 : i32
          %dma_start3A_219 = arith.constant 1 : i32
          %dma_start3A_220 = arith.constant 0 : i32
          %dma_start3A_221 = tpu.memref_slice %arg5[%dma_start3A_219, %dma_start3A_220] : memref<2x16384xi32, #tpu.memory_space<vmem>> -> memref<1x16384xi32, #tpu.memory_space<vmem>>
          %dma_start3A_222 = tpu.memref_squeeze %dma_start3A_221 : memref<1x16384xi32, #tpu.memory_space<vmem>> -> memref<16384xi32, #tpu.memory_space<vmem>>
          %dma_start3A_223 = tpu.memref_slice %arg3[%add3A_218] : memref<25165824xi32, #tpu.memory_space<hbm>> -> memref<16384xi32, #tpu.memory_space<hbm>>
          %dma_start3A_224 = arith.constant 0 : i32
          %dma_start3A_225 = tpu.memref_slice %arg5[%dma_start3A_219, %dma_start3A_224] : memref<2x16384xi32, #tpu.memory_space<vmem>> -> memref<1x16384xi32, #tpu.memory_space<vmem>>
          %dma_start3A_226 = tpu.memref_squeeze %dma_start3A_225 : memref<1x16384xi32, #tpu.memory_space<vmem>> -> memref<16384xi32, #tpu.memory_space<vmem>>
          %dma_start3A_227 = tpu.memref_slice %arg3[%add3A_218] : memref<25165824xi32, #tpu.memory_space<hbm>> -> memref<16384xi32, #tpu.memory_space<hbm>>
          tpu.enqueue_dma source(%dma_start3A_227 : memref<16384xi32, #tpu.memory_space<hbm>>) target(%dma_start3A_226 : memref<16384xi32, #tpu.memory_space<vmem>>) target_semaphore(%arg11 : memref<!tpu.dma_semaphore, #tpu.memory_space<semaphore_mem>>)
          %dma_wait3A_228 = arith.constant 0 : i32
          %dma_wait3A_229 = arith.constant 0 : i32
          %dma_wait3A_230 = tpu.memref_slice %arg5[%dma_wait3A_228, %dma_wait3A_229] : memref<2x16384xi32, #tpu.memory_space<vmem>> -> memref<1x16384xi32, #tpu.memory_space<vmem>>
          %dma_wait3A_231 = tpu.memref_squeeze %dma_wait3A_230 : memref<1x16384xi32, #tpu.memory_space<vmem>> -> memref<16384xi32, #tpu.memory_space<vmem>>
          %dma_wait3A_232 = tpu.memref_slice %arg3[%mul3A_14] : memref<25165824xi32, #tpu.memory_space<hbm>> -> memref<16384xi32, #tpu.memory_space<hbm>>
          %dma_wait3A_233 = arith.constant 0 : i32
          %dma_wait3A_234 = tpu.memref_slice %arg5[%dma_wait3A_228, %dma_wait3A_233] : memref<2x16384xi32, #tpu.memory_space<vmem>> -> memref<1x16384xi32, #tpu.memory_space<vmem>>
          %dma_wait3A_235 = tpu.memref_squeeze %dma_wait3A_234 : memref<1x16384xi32, #tpu.memory_space<vmem>> -> memref<16384xi32, #tpu.memory_space<vmem>>
          %dma_wait3A_236 = tpu.memref_slice %arg3[%mul3A_14] : memref<25165824xi32, #tpu.memory_space<hbm>> -> memref<16384xi32, #tpu.memory_space<hbm>>
          tpu.wait_dma2 semaphore(%arg10 : memref<!tpu.dma_semaphore, #tpu.memory_space<semaphore_mem>>) src(%dma_wait3A_236 : memref<16384xi32, #tpu.memory_space<hbm>>) dst(%dma_wait3A_235 : memref<16384xi32, #tpu.memory_space<vmem>>)
          %scan3A_237 = arith.constant 0 : i32
          %scan3A_238 = arith.constant 256 : i32
          %scan3A_239 = arith.addi %scan3A_237, %scan3A_238 : i32
          %scan3A_240 = arith.constant 1 : i32
          scf.for %scan3A_278 = %scan3A_237 to %scan3A_239 step %scan3A_240  : i32 {
            %mul3A_279 = arith.constant 4 : i32
            %mul3A_280 = arith.muli %scan3A_278, %mul3A_279 : i32
            %add3A_281 = arith.constant 0 : i32
            %add3A_282 = arith.addi %mul3A_280, %add3A_281 : i32
            %mul3A_283 = arith.constant 16 : i32
            %mul3A_284 = arith.muli %add3A_282, %mul3A_283 : i32
            %get3A = arith.constant 0 : i32
            %get3A_285 = arith.index_cast %get3A : i32 to index
            %get3A_286 = arith.index_cast %mul3A_284 : i32 to index
            %get3A_287 = tpu.vector_load %arg5[%get3A_285, %get3A_286] {strides = array<i32>} : memref<2x16384xi32, #tpu.memory_space<vmem>>, vector<16xi32>,
            %shift_right_logical3A = arith.constant 18 : i32
            %shift_right_logical3A_288 = vector.broadcast %shift_right_logical3A : i32 to vector<16xi32>
            %shift_right_logical3A_289 = arith.shrui %get3A_287, %shift_right_logical3A_288 : vector<16xi32>
            %shift_right_logical3A_290 = arith.constant 9 : i32
            %shift_right_logical3A_291 = vector.broadcast %shift_right_logical3A_290 : i32 to vector<16xi32>
            %shift_right_logical3A_292 = arith.shrui %get3A_287, %shift_right_logical3A_291 : vector<16xi32>
            %and3A = arith.constant 511 : i32
            %and3A_293 = vector.broadcast %and3A : i32 to vector<16xi32>
            %and3A_294 = arith.andi %shift_right_logical3A_292, %and3A_293 : vector<16xi32>
            %eq3A_295 = vector.broadcast %scan3A_61#4 : i32 to vector<16xi32>
            %eq3A_296 = arith.cmpi eq, %shift_right_logical3A_289, %eq3A_295 : vector<16xi32>
            tpu.vector_store_idx %arg6[%and3A_294], %broadcast_in_dim3A_1 masked %eq3A_296 {add = true} : memref<16384xi32, #tpu.memory_space<vmem>>[vector<16xi32>], vector<16xi32>, vector<16xi1>
            %mul3A_297 = arith.constant 4 : i32
            %mul3A_298 = arith.muli %scan3A_278, %mul3A_297 : i32
            %add3A_299 = arith.constant 1 : i32
            %add3A_300 = arith.addi %mul3A_298, %add3A_299 : i32
            %mul3A_301 = arith.constant 16 : i32
            %mul3A_302 = arith.muli %add3A_300, %mul3A_301 : i32
            %get3A_303 = arith.constant 0 : i32
            %get3A_304 = arith.index_cast %get3A_303 : i32 to index
            %get3A_305 = arith.index_cast %mul3A_302 : i32 to index
            %get3A_306 = tpu.vector_load %arg5[%get3A_304, %get3A_305] {strides = array<i32>} : memref<2x16384xi32, #tpu.memory_space<vmem>>, vector<16xi32>,
            %shift_right_logical3A_307 = arith.constant 18 : i32
            %shift_right_logical3A_308 = vector.broadcast %shift_right_logical3A_307 : i32 to vector<16xi32>
            %shift_right_logical3A_309 = arith.shrui %get3A_306, %shift_right_logical3A_308 : vector<16xi32>
            %shift_right_logical3A_310 = arith.constant 9 : i32
            %shift_right_logical3A_311 = vector.broadcast %shift_right_logical3A_310 : i32 to vector<16xi32>
            %shift_right_logical3A_312 = arith.shrui %get3A_306, %shift_right_logical3A_311 : vector<16xi32>
            %and3A_313 = arith.constant 511 : i32
            %and3A_314 = vector.broadcast %and3A_313 : i32 to vector<16xi32>
            %and3A_315 = arith.andi %shift_right_logical3A_312, %and3A_314 : vector<16xi32>
            %eq3A_316 = vector.broadcast %scan3A_61#4 : i32 to vector<16xi32>
            %eq3A_317 = arith.cmpi eq, %shift_right_logical3A_309, %eq3A_316 : vector<16xi32>
            tpu.vector_store_idx %arg6[%and3A_315], %broadcast_in_dim3A_1 masked %eq3A_317 {add = true} : memref<16384xi32, #tpu.memory_space<vmem>>[vector<16xi32>], vector<16xi32>, vector<16xi1>
            %mul3A_318 = arith.constant 4 : i32
            %mul3A_319 = arith.muli %scan3A_278, %mul3A_318 : i32
            %add3A_320 = arith.constant 2 : i32
            %add3A_321 = arith.addi %mul3A_319, %add3A_320 : i32
            %mul3A_322 = arith.constant 16 : i32
            %mul3A_323 = arith.muli %add3A_321, %mul3A_322 : i32
            %get3A_324 = arith.constant 0 : i32
            %get3A_325 = arith.index_cast %get3A_324 : i32 to index
            %get3A_326 = arith.index_cast %mul3A_323 : i32 to index
            %get3A_327 = tpu.vector_load %arg5[%get3A_325, %get3A_326] {strides = array<i32>} : memref<2x16384xi32, #tpu.memory_space<vmem>>, vector<16xi32>,
            %shift_right_logical3A_328 = arith.constant 18 : i32
            %shift_right_logical3A_329 = vector.broadcast %shift_right_logical3A_328 : i32 to vector<16xi32>
            %shift_right_logical3A_330 = arith.shrui %get3A_327, %shift_right_logical3A_329 : vector<16xi32>
            %shift_right_logical3A_331 = arith.constant 9 : i32
            %shift_right_logical3A_332 = vector.broadcast %shift_right_logical3A_331 : i32 to vector<16xi32>
            %shift_right_logical3A_333 = arith.shrui %get3A_327, %shift_right_logical3A_332 : vector<16xi32>
            %and3A_334 = arith.constant 511 : i32
            %and3A_335 = vector.broadcast %and3A_334 : i32 to vector<16xi32>
            %and3A_336 = arith.andi %shift_right_logical3A_333, %and3A_335 : vector<16xi32>
            %eq3A_337 = vector.broadcast %scan3A_61#4 : i32 to vector<16xi32>
            %eq3A_338 = arith.cmpi eq, %shift_right_logical3A_330, %eq3A_337 : vector<16xi32>
            tpu.vector_store_idx %arg6[%and3A_336], %broadcast_in_dim3A_1 masked %eq3A_338 {add = true} : memref<16384xi32, #tpu.memory_space<vmem>>[vector<16xi32>], vector<16xi32>, vector<16xi1>
            %mul3A_339 = arith.constant 4 : i32
            %mul3A_340 = arith.muli %scan3A_278, %mul3A_339 : i32
            %add3A_341 = arith.constant 3 : i32
            %add3A_342 = arith.addi %mul3A_340, %add3A_341 : i32
            %mul3A_343 = arith.constant 16 : i32
            %mul3A_344 = arith.muli %add3A_342, %mul3A_343 : i32
            %get3A_345 = arith.constant 0 : i32
            %get3A_346 = arith.index_cast %get3A_345 : i32 to index
            %get3A_347 = arith.index_cast %mul3A_344 : i32 to index
            %get3A_348 = tpu.vector_load %arg5[%get3A_346, %get3A_347] {strides = array<i32>} : memref<2x16384xi32, #tpu.memory_space<vmem>>, vector<16xi32>,
            %shift_right_logical3A_349 = arith.constant 18 : i32
            %shift_right_logical3A_350 = vector.broadcast %shift_right_logical3A_349 : i32 to vector<16xi32>
            %shift_right_logical3A_351 = arith.shrui %get3A_348, %shift_right_logical3A_350 : vector<16xi32>
            %shift_right_logical3A_352 = arith.constant 9 : i32
            %shift_right_logical3A_353 = vector.broadcast %shift_right_logical3A_352 : i32 to vector<16xi32>
            %shift_right_logical3A_354 = arith.shrui %get3A_348, %shift_right_logical3A_353 : vector<16xi32>
            %and3A_355 = arith.constant 511 : i32
            %and3A_356 = vector.broadcast %and3A_355 : i32 to vector<16xi32>
            %and3A_357 = arith.andi %shift_right_logical3A_354, %and3A_356 : vector<16xi32>
            %eq3A_358 = vector.broadcast %scan3A_61#4 : i32 to vector<16xi32>
            %eq3A_359 = arith.cmpi eq, %shift_right_logical3A_351, %eq3A_358 : vector<16xi32>
            tpu.vector_store_idx %arg6[%and3A_357], %broadcast_in_dim3A_1 masked %eq3A_359 {add = true} : memref<16384xi32, #tpu.memory_space<vmem>>[vector<16xi32>], vector<16xi32>, vector<16xi1>
          }
          %scan3A_241 = arith.constant 256 : i32
          %mul3A_242 = arith.constant 2 : i32
          %mul3A_243 = arith.muli %scan3A_207, %mul3A_242 : i32
          %add3A_244 = arith.constant 1 : i32
          %add3A_245 = arith.addi %mul3A_243, %add3A_244 : i32
          %add3A_246 = arith.constant 2 : i32
          %add3A_247 = arith.addi %add3A_245, %add3A_246 : i32
          %sub3A_248 = arith.constant 1 : i32
          %sub3A_249 = arith.subi %add3A_247, %sub3A_248 : i32
          %min3A_250 = arith.constant 15 : i32
          %min3A_251 = arith.minsi %sub3A_249, %min3A_250 : i32
          %mul3A_252 = arith.constant 16384 : i32
          %mul3A_253 = arith.muli %min3A_251, %mul3A_252 : i32
          %add3A_254 = arith.addi %mul3A_14, %mul3A_253 : i32
          %dma_start3A_255 = arith.constant 0 : i32
          %dma_start3A_256 = arith.constant 0 : i32
          %dma_start3A_257 = tpu.memref_slice %arg5[%dma_start3A_255, %dma_start3A_256] : memref<2x16384xi32, #tpu.memory_space<vmem>> -> memref<1x16384xi32, #tpu.memory_space<vmem>>
          %dma_start3A_258 = tpu.memref_squeeze %dma_start3A_257 : memref<1x16384xi32, #tpu.memory_space<vmem>> -> memref<16384xi32, #tpu.memory_space<vmem>>
          %dma_start3A_259 = tpu.memref_slice %arg3[%add3A_254] : memref<25165824xi32, #tpu.memory_space<hbm>> -> memref<16384xi32, #tpu.memory_space<hbm>>
          %dma_start3A_260 = arith.constant 0 : i32
          %dma_start3A_261 = tpu.memref_slice %arg5[%dma_start3A_255, %dma_start3A_260] : memref<2x16384xi32, #tpu.memory_space<vmem>> -> memref<1x16384xi32, #tpu.memory_space<vmem>>
          %dma_start3A_262 = tpu.memref_squeeze %dma_start3A_261 : memref<1x16384xi32, #tpu.memory_space<vmem>> -> memref<16384xi32, #tpu.memory_space<vmem>>
          %dma_start3A_263 = tpu.memref_slice %arg3[%add3A_254] : memref<25165824xi32, #tpu.memory_space<hbm>> -> memref<16384xi32, #tpu.memory_space<hbm>>
          tpu.enqueue_dma source(%dma_start3A_263 : memref<16384xi32, #tpu.memory_space<hbm>>) target(%dma_start3A_262 : memref<16384xi32, #tpu.memory_space<vmem>>) target_semaphore(%arg10 : memref<!tpu.dma_semaphore, #tpu.memory_space<semaphore_mem>>)
          %dma_wait3A_264 = arith.constant 1 : i32
          %dma_wait3A_265 = arith.constant 0 : i32
          %dma_wait3A_266 = tpu.memref_slice %arg5[%dma_wait3A_264, %dma_wait3A_265] : memref<2x16384xi32, #tpu.memory_space<vmem>> -> memref<1x16384xi32, #tpu.memory_space<vmem>>
          %dma_wait3A_267 = tpu.memref_squeeze %dma_wait3A_266 : memref<1x16384xi32, #tpu.memory_space<vmem>> -> memref<16384xi32, #tpu.memory_space<vmem>>
          %dma_wait3A_268 = tpu.memref_slice %arg3[%mul3A_14] : memref<25165824xi32, #tpu.memory_space<hbm>> -> memref<16384xi32, #tpu.memory_space<hbm>>
          %dma_wait3A_269 = arith.constant 0 : i32
          %dma_wait3A_270 = tpu.memref_slice %arg5[%dma_wait3A_264, %dma_wait3A_269] : memref<2x16384xi32, #tpu.memory_space<vmem>> -> memref<1x16384xi32, #tpu.memory_space<vmem>>
          %dma_wait3A_271 = tpu.memref_squeeze %dma_wait3A_270 : memref<1x16384xi32, #tpu.memory_space<vmem>> -> memref<16384xi32, #tpu.memory_space<vmem>>
          %dma_wait3A_272 = tpu.memref_slice %arg3[%mul3A_14] : memref<25165824xi32, #tpu.memory_space<hbm>> -> memref<16384xi32, #tpu.memory_space<hbm>>
          tpu.wait_dma2 semaphore(%arg11 : memref<!tpu.dma_semaphore, #tpu.memory_space<semaphore_mem>>) src(%dma_wait3A_272 : memref<16384xi32, #tpu.memory_space<hbm>>) dst(%dma_wait3A_271 : memref<16384xi32, #tpu.memory_space<vmem>>)
          %scan3A_273 = arith.constant 0 : i32
          %scan3A_274 = arith.constant 256 : i32
          %scan3A_275 = arith.addi %scan3A_273, %scan3A_274 : i32
          %scan3A_276 = arith.constant 1 : i32
          scf.for %scan3A_278 = %scan3A_273 to %scan3A_275 step %scan3A_276  : i32 {
            %mul3A_279 = arith.constant 4 : i32
            %mul3A_280 = arith.muli %scan3A_278, %mul3A_279 : i32
            %add3A_281 = arith.constant 0 : i32
            %add3A_282 = arith.addi %mul3A_280, %add3A_281 : i32
            %mul3A_283 = arith.constant 16 : i32
            %mul3A_284 = arith.muli %add3A_282, %mul3A_283 : i32
            %get3A = arith.constant 1 : i32
            %get3A_285 = arith.index_cast %get3A : i32 to index
            %get3A_286 = arith.index_cast %mul3A_284 : i32 to index
            %get3A_287 = tpu.vector_load %arg5[%get3A_285, %get3A_286] {strides = array<i32>} : memref<2x16384xi32, #tpu.memory_space<vmem>>, vector<16xi32>,
            %shift_right_logical3A = arith.constant 18 : i32
            %shift_right_logical3A_288 = vector.broadcast %shift_right_logical3A : i32 to vector<16xi32>
            %shift_right_logical3A_289 = arith.shrui %get3A_287, %shift_right_logical3A_288 : vector<16xi32>
            %shift_right_logical3A_290 = arith.constant 9 : i32
            %shift_right_logical3A_291 = vector.broadcast %shift_right_logical3A_290 : i32 to vector<16xi32>
            %shift_right_logical3A_292 = arith.shrui %get3A_287, %shift_right_logical3A_291 : vector<16xi32>
            %and3A = arith.constant 511 : i32
            %and3A_293 = vector.broadcast %and3A : i32 to vector<16xi32>
            %and3A_294 = arith.andi %shift_right_logical3A_292, %and3A_293 : vector<16xi32>
            %eq3A_295 = vector.broadcast %scan3A_61#4 : i32 to vector<16xi32>
            %eq3A_296 = arith.cmpi eq, %shift_right_logical3A_289, %eq3A_295 : vector<16xi32>
            tpu.vector_store_idx %arg6[%and3A_294], %broadcast_in_dim3A_1 masked %eq3A_296 {add = true} : memref<16384xi32, #tpu.memory_space<vmem>>[vector<16xi32>], vector<16xi32>, vector<16xi1>
            %mul3A_297 = arith.constant 4 : i32
            %mul3A_298 = arith.muli %scan3A_278, %mul3A_297 : i32
            %add3A_299 = arith.constant 1 : i32
            %add3A_300 = arith.addi %mul3A_298, %add3A_299 : i32
            %mul3A_301 = arith.constant 16 : i32
            %mul3A_302 = arith.muli %add3A_300, %mul3A_301 : i32
            %get3A_303 = arith.constant 1 : i32
            %get3A_304 = arith.index_cast %get3A_303 : i32 to index
            %get3A_305 = arith.index_cast %mul3A_302 : i32 to index
            %get3A_306 = tpu.vector_load %arg5[%get3A_304, %get3A_305] {strides = array<i32>} : memref<2x16384xi32, #tpu.memory_space<vmem>>, vector<16xi32>,
            %shift_right_logical3A_307 = arith.constant 18 : i32
            %shift_right_logical3A_308 = vector.broadcast %shift_right_logical3A_307 : i32 to vector<16xi32>
            %shift_right_logical3A_309 = arith.shrui %get3A_306, %shift_right_logical3A_308 : vector<16xi32>
            %shift_right_logical3A_310 = arith.constant 9 : i32
            %shift_right_logical3A_311 = vector.broadcast %shift_right_logical3A_310 : i32 to vector<16xi32>
            %shift_right_logical3A_312 = arith.shrui %get3A_306, %shift_right_logical3A_311 : vector<16xi32>
            %and3A_313 = arith.constant 511 : i32
            %and3A_314 = vector.broadcast %and3A_313 : i32 to vector<16xi32>
            %and3A_315 = arith.andi %shift_right_logical3A_312, %and3A_314 : vector<16xi32>
            %eq3A_316 = vector.broadcast %scan3A_61#4 : i32 to vector<16xi32>
            %eq3A_317 = arith.cmpi eq, %shift_right_logical3A_309, %eq3A_316 : vector<16xi32>
            tpu.vector_store_idx %arg6[%and3A_315], %broadcast_in_dim3A_1 masked %eq3A_317 {add = true} : memref<16384xi32, #tpu.memory_space<vmem>>[vector<16xi32>], vector<16xi32>, vector<16xi1>
            %mul3A_318 = arith.constant 4 : i32
            %mul3A_319 = arith.muli %scan3A_278, %mul3A_318 : i32
            %add3A_320 = arith.constant 2 : i32
            %add3A_321 = arith.addi %mul3A_319, %add3A_320 : i32
            %mul3A_322 = arith.constant 16 : i32
            %mul3A_323 = arith.muli %add3A_321, %mul3A_322 : i32
            %get3A_324 = arith.constant 1 : i32
            %get3A_325 = arith.index_cast %get3A_324 : i32 to index
            %get3A_326 = arith.index_cast %mul3A_323 : i32 to index
            %get3A_327 = tpu.vector_load %arg5[%get3A_325, %get3A_326] {strides = array<i32>} : memref<2x16384xi32, #tpu.memory_space<vmem>>, vector<16xi32>,
            %shift_right_logical3A_328 = arith.constant 18 : i32
            %shift_right_logical3A_329 = vector.broadcast %shift_right_logical3A_328 : i32 to vector<16xi32>
            %shift_right_logical3A_330 = arith.shrui %get3A_327, %shift_right_logical3A_329 : vector<16xi32>
            %shift_right_logical3A_331 = arith.constant 9 : i32
            %shift_right_logical3A_332 = vector.broadcast %shift_right_logical3A_331 : i32 to vector<16xi32>
            %shift_right_logical3A_333 = arith.shrui %get3A_327, %shift_right_logical3A_332 : vector<16xi32>
            %and3A_334 = arith.constant 511 : i32
            %and3A_335 = vector.broadcast %and3A_334 : i32 to vector<16xi32>
            %and3A_336 = arith.andi %shift_right_logical3A_333, %and3A_335 : vector<16xi32>
            %eq3A_337 = vector.broadcast %scan3A_61#4 : i32 to vector<16xi32>
            %eq3A_338 = arith.cmpi eq, %shift_right_logical3A_330, %eq3A_337 : vector<16xi32>
            tpu.vector_store_idx %arg6[%and3A_336], %broadcast_in_dim3A_1 masked %eq3A_338 {add = true} : memref<16384xi32, #tpu.memory_space<vmem>>[vector<16xi32>], vector<16xi32>, vector<16xi1>
            %mul3A_339 = arith.constant 4 : i32
            %mul3A_340 = arith.muli %scan3A_278, %mul3A_339 : i32
            %add3A_341 = arith.constant 3 : i32
            %add3A_342 = arith.addi %mul3A_340, %add3A_341 : i32
            %mul3A_343 = arith.constant 16 : i32
            %mul3A_344 = arith.muli %add3A_342, %mul3A_343 : i32
            %get3A_345 = arith.constant 1 : i32
            %get3A_346 = arith.index_cast %get3A_345 : i32 to index
            %get3A_347 = arith.index_cast %mul3A_344 : i32 to index
            %get3A_348 = tpu.vector_load %arg5[%get3A_346, %get3A_347] {strides = array<i32>} : memref<2x16384xi32, #tpu.memory_space<vmem>>, vector<16xi32>,
            %shift_right_logical3A_349 = arith.constant 18 : i32
            %shift_right_logical3A_350 = vector.broadcast %shift_right_logical3A_349 : i32 to vector<16xi32>
            %shift_right_logical3A_351 = arith.shrui %get3A_348, %shift_right_logical3A_350 : vector<16xi32>
            %shift_right_logical3A_352 = arith.constant 9 : i32
            %shift_right_logical3A_353 = vector.broadcast %shift_right_logical3A_352 : i32 to vector<16xi32>
            %shift_right_logical3A_354 = arith.shrui %get3A_348, %shift_right_logical3A_353 : vector<16xi32>
            %and3A_355 = arith.constant 511 : i32
            %and3A_356 = vector.broadcast %and3A_355 : i32 to vector<16xi32>
            %and3A_357 = arith.andi %shift_right_logical3A_354, %and3A_356 : vector<16xi32>
            %eq3A_358 = vector.broadcast %scan3A_61#4 : i32 to vector<16xi32>
            %eq3A_359 = arith.cmpi eq, %shift_right_logical3A_351, %eq3A_358 : vector<16xi32>
            tpu.vector_store_idx %arg6[%and3A_357], %broadcast_in_dim3A_1 masked %eq3A_359 {add = true} : memref<16384xi32, #tpu.memory_space<vmem>>[vector<16xi32>], vector<16xi32>, vector<16xi1>
          }
          %scan3A_277 = arith.constant 256 : i32
        }
        %scan3A_148 = arith.constant 8 : i32
        %dma_wait3A_149 = arith.constant 0 : i32
        %dma_wait3A_150 = arith.constant 0 : i32
        %dma_wait3A_151 = tpu.memref_slice %arg5[%dma_wait3A_149, %dma_wait3A_150] : memref<2x16384xi32, #tpu.memory_space<vmem>> -> memref<1x16384xi32, #tpu.memory_space<vmem>>
        %dma_wait3A_152 = tpu.memref_squeeze %dma_wait3A_151 : memref<1x16384xi32, #tpu.memory_space<vmem>> -> memref<16384xi32, #tpu.memory_space<vmem>>
        %dma_wait3A_153 = tpu.memref_slice %arg3[%mul3A_14] : memref<25165824xi32, #tpu.memory_space<hbm>> -> memref<16384xi32, #tpu.memory_space<hbm>>
        %dma_wait3A_154 = arith.constant 0 : i32
        %dma_wait3A_155 = tpu.memref_slice %arg5[%dma_wait3A_149, %dma_wait3A_154] : memref<2x16384xi32, #tpu.memory_space<vmem>> -> memref<1x16384xi32, #tpu.memory_space<vmem>>
        %dma_wait3A_156 = tpu.memref_squeeze %dma_wait3A_155 : memref<1x16384xi32, #tpu.memory_space<vmem>> -> memref<16384xi32, #tpu.memory_space<vmem>>
        %dma_wait3A_157 = tpu.memref_slice %arg3[%mul3A_14] : memref<25165824xi32, #tpu.memory_space<hbm>> -> memref<16384xi32, #tpu.memory_space<hbm>>
        tpu.wait_dma2 semaphore(%arg10 : memref<!tpu.dma_semaphore, #tpu.memory_space<semaphore_mem>>) src(%dma_wait3A_157 : memref<16384xi32, #tpu.memory_space<hbm>>) dst(%dma_wait3A_156 : memref<16384xi32, #tpu.memory_space<vmem>>)
        %iota3A_158 = tpu.iota {dimensions = array<i32: 0>} : vector<16xi32>
        %scan3A_159 = arith.constant 0 : i32
        %scan3A_160 = arith.constant 0 : i32
        %scan3A_161 = arith.constant 0 : i32
        %scan3A_162 = arith.constant 0 : i32
        %scan3A_163 = arith.constant 32 : i32
        %scan3A_164 = arith.addi %scan3A_162, %scan3A_163 : i32
        %scan3A_165 = arith.constant 1 : i32
        %scan3A_166:3 = scf.for %scan3A_207 = %scan3A_162 to %scan3A_164 step %scan3A_165 iter_args(%scan3A_208 = %scan3A_159, %scan3A_209 = %scan3A_160, %scan3A_210 = %scan3A_161) -> (i32, i32, i32)  : i32 {
          %mul3A_211 = arith.constant 16 : i32
          %mul3A_212 = arith.muli %scan3A_207, %mul3A_211 : i32
          %add3A_213 = arith.constant 0 : i32
          %add3A_214 = arith.addi %add3A_213, %mul3A_212 : i32
          %get3A = arith.index_cast %add3A_214 : i32 to index
          %get3A_215 = tpu.vector_load %arg6[%get3A] {strides = array<i32>} : memref<16384xi32, #tpu.memory_space<vmem>>, vector<16xi32>,
          %broadcast_in_dim3A_216 = arith.constant true
          %broadcast_in_dim3A_217 = vector.broadcast %broadcast_in_dim3A_216 : i1 to vector<16xi1>
          %masked_cumsum3A = tpu.scan <sum>, %get3A_215 masked %broadcast_in_dim3A_217 : vector<16xi32>, vector<16xi1> -> vector<16xi32>
          %reduce_sum3A = arith.constant true
          %reduce_sum3A_218 = vector.broadcast %reduce_sum3A : i1 to vector<16xi1>
          %reduce_sum3A_219 = tpu.scan <sum>, %get3A_215 masked %reduce_sum3A_218 : vector<16xi32>, vector<16xi1> -> vector<16xi32>
          %reduce_sum3A_220 = vector.extract %reduce_sum3A_219[15] : i32 from vector<16xi32>
          %add3A_221 = vector.broadcast %scan3A_208 : i32 to vector<16xi32>
          %add3A_222 = arith.addi %add3A_221, %masked_cumsum3A : vector<16xi32>
          %sub3A = arith.subi %add3A_222, %get3A_215 : vector<16xi32>
          %add3A_223 = arith.addi %scan3A_208, %reduce_sum3A_220 : i32
          %le3A_224 = arith.cmpi sle, %scan3A_208, %scan3A_61#5 : i32
          %lt3A_225 = arith.cmpi slt, %scan3A_61#5, %add3A_223 : i32
          %and3A = arith.andi %le3A_224, %lt3A_225 : i1
          %le3A_226 = vector.broadcast %scan3A_61#5 : i32 to vector<16xi32>
          %le3A_227 = arith.cmpi sle, %sub3A, %le3A_226 : vector<16xi32>
          %add3A_228 = arith.addi %sub3A, %get3A_215 : vector<16xi32>
          %lt3A_229 = vector.broadcast %scan3A_61#5 : i32 to vector<16xi32>
          %lt3A_230 = arith.cmpi slt, %lt3A_229, %add3A_228 : vector<16xi32>
          %and3A_231 = arith.andi %le3A_227, %lt3A_230 : vector<16xi1>
          %jit3A_232 = arith.constant 0 : i32
          %broadcast_in_dim3A_233 = vector.broadcast %jit3A_232 : i32 to vector<16xi32>
          %select_n3A_234 = arith.select %and3A_231, %iota3A_158, %broadcast_in_dim3A_233 : vector<16xi1>, vector<16xi32>
          %reduce_sum3A_235 = arith.constant true
          %reduce_sum3A_236 = vector.broadcast %reduce_sum3A_235 : i1 to vector<16xi1>
          %reduce_sum3A_237 = tpu.scan <sum>, %select_n3A_234 masked %reduce_sum3A_236 : vector<16xi32>, vector<16xi1> -> vector<16xi32>
          %reduce_sum3A_238 = vector.extract %reduce_sum3A_237[15] : i32 from vector<16xi32>
          %sub3A_239 = vector.broadcast %scan3A_61#5 : i32 to vector<16xi32>
          %sub3A_240 = arith.subi %sub3A_239, %sub3A : vector<16xi32>
          %jit3A_241 = arith.constant 0 : i32
          %broadcast_in_dim3A_242 = vector.broadcast %jit3A_241 : i32 to vector<16xi32>
          %select_n3A_243 = arith.select %and3A_231, %sub3A_240, %broadcast_in_dim3A_242 : vector<16xi1>, vector<16xi32>
          %reduce_sum3A_244 = arith.constant true
          %reduce_sum3A_245 = vector.broadcast %reduce_sum3A_244 : i1 to vector<16xi1>
          %reduce_sum3A_246 = tpu.scan <sum>, %select_n3A_243 masked %reduce_sum3A_245 : vector<16xi32>, vector<16xi1> -> vector<16xi32>
          %reduce_sum3A_247 = vector.extract %reduce_sum3A_246[15] : i32 from vector<16xi32>
          %mul3A_248 = arith.constant 16 : i32
          %mul3A_249 = arith.muli %scan3A_207, %mul3A_248 : i32
          %add3A_250 = arith.addi %mul3A_249, %reduce_sum3A_238 : i32
          %select_n3A_251 = arith.select %and3A, %add3A_250, %scan3A_209 : i32
          %select_n3A_252 = arith.select %and3A, %reduce_sum3A_247, %scan3A_210 : i32
          scf.yield %add3A_223, %select_n3A_251, %select_n3A_252 : i32, i32, i32
        }
        %scan3A_167 = arith.constant 32 : i32
        %add3A_168 = arith.constant 0 : i32
        %add3A_169 = arith.addi %mul3A_14, %add3A_168 : i32
        %dma_start3A_170 = arith.constant 0 : i32
        %dma_start3A_171 = arith.constant 0 : i32
        %dma_start3A_172 = tpu.memref_slice %arg5[%dma_start3A_170, %dma_start3A_171] : memref<2x16384xi32, #tpu.memory_space<vmem>> -> memref<1x16384xi32, #tpu.memory_space<vmem>>
        %dma_start3A_173 = tpu.memref_squeeze %dma_start3A_172 : memref<1x16384xi32, #tpu.memory_space<vmem>> -> memref<16384xi32, #tpu.memory_space<vmem>>
        %dma_start3A_174 = tpu.memref_slice %arg3[%add3A_169] : memref<25165824xi32, #tpu.memory_space<hbm>> -> memref<16384xi32, #tpu.memory_space<hbm>>
        %dma_start3A_175 = arith.constant 0 : i32
        %dma_start3A_176 = tpu.memref_slice %arg5[%dma_start3A_170, %dma_start3A_175] : memref<2x16384xi32, #tpu.memory_space<vmem>> -> memref<1x16384xi32, #tpu.memory_space<vmem>>
        %dma_start3A_177 = tpu.memref_squeeze %dma_start3A_176 : memref<1x16384xi32, #tpu.memory_space<vmem>> -> memref<16384xi32, #tpu.memory_space<vmem>>
        %dma_start3A_178 = tpu.memref_slice %arg3[%add3A_169] : memref<25165824xi32, #tpu.memory_space<hbm>> -> memref<16384xi32, #tpu.memory_space<hbm>>
        tpu.enqueue_dma source(%dma_start3A_178 : memref<16384xi32, #tpu.memory_space<hbm>>) target(%dma_start3A_177 : memref<16384xi32, #tpu.memory_space<vmem>>) target_semaphore(%arg10 : memref<!tpu.dma_semaphore, #tpu.memory_space<semaphore_mem>>)
        %scan3A_179 = arith.constant 0 : i32
        %scan3A_180 = arith.constant 0 : i32
        %scan3A_181 = arith.constant 8 : i32
        %scan3A_182 = arith.addi %scan3A_180, %scan3A_181 : i32
        %scan3A_183 = arith.constant 1 : i32
        scf.for %scan3A_207 = %scan3A_180 to %scan3A_182 step %scan3A_183  : i32 {
          %mul3A_208 = arith.constant 2 : i32
          %mul3A_209 = arith.muli %scan3A_207, %mul3A_208 : i32
          %add3A_210 = arith.constant 0 : i32
          %add3A_211 = arith.addi %mul3A_209, %add3A_210 : i32
          %add3A_212 = arith.constant 2 : i32
          %add3A_213 = arith.addi %add3A_211, %add3A_212 : i32
          %sub3A = arith.constant 1 : i32
          %sub3A_214 = arith.subi %add3A_213, %sub3A : i32
          %min3A = arith.constant 15 : i32
          %min3A_215 = arith.minsi %sub3A_214, %min3A : i32
          %mul3A_216 = arith.constant 16384 : i32
          %mul3A_217 = arith.muli %min3A_215, %mul3A_216 : i32
          %add3A_218 = arith.addi %mul3A_14, %mul3A_217 : i32
          %dma_start3A_219 = arith.constant 1 : i32
          %dma_start3A_220 = arith.constant 0 : i32
          %dma_start3A_221 = tpu.memref_slice %arg5[%dma_start3A_219, %dma_start3A_220] : memref<2x16384xi32, #tpu.memory_space<vmem>> -> memref<1x16384xi32, #tpu.memory_space<vmem>>
          %dma_start3A_222 = tpu.memref_squeeze %dma_start3A_221 : memref<1x16384xi32, #tpu.memory_space<vmem>> -> memref<16384xi32, #tpu.memory_space<vmem>>
          %dma_start3A_223 = tpu.memref_slice %arg3[%add3A_218] : memref<25165824xi32, #tpu.memory_space<hbm>> -> memref<16384xi32, #tpu.memory_space<hbm>>
          %dma_start3A_224 = arith.constant 0 : i32
          %dma_start3A_225 = tpu.memref_slice %arg5[%dma_start3A_219, %dma_start3A_224] : memref<2x16384xi32, #tpu.memory_space<vmem>> -> memref<1x16384xi32, #tpu.memory_space<vmem>>
          %dma_start3A_226 = tpu.memref_squeeze %dma_start3A_225 : memref<1x16384xi32, #tpu.memory_space<vmem>> -> memref<16384xi32, #tpu.memory_space<vmem>>
          %dma_start3A_227 = tpu.memref_slice %arg3[%add3A_218] : memref<25165824xi32, #tpu.memory_space<hbm>> -> memref<16384xi32, #tpu.memory_space<hbm>>
          tpu.enqueue_dma source(%dma_start3A_227 : memref<16384xi32, #tpu.memory_space<hbm>>) target(%dma_start3A_226 : memref<16384xi32, #tpu.memory_space<vmem>>) target_semaphore(%arg11 : memref<!tpu.dma_semaphore, #tpu.memory_space<semaphore_mem>>)
          %dma_wait3A_228 = arith.constant 0 : i32
          %dma_wait3A_229 = arith.constant 0 : i32
          %dma_wait3A_230 = tpu.memref_slice %arg5[%dma_wait3A_228, %dma_wait3A_229] : memref<2x16384xi32, #tpu.memory_space<vmem>> -> memref<1x16384xi32, #tpu.memory_space<vmem>>
          %dma_wait3A_231 = tpu.memref_squeeze %dma_wait3A_230 : memref<1x16384xi32, #tpu.memory_space<vmem>> -> memref<16384xi32, #tpu.memory_space<vmem>>
          %dma_wait3A_232 = tpu.memref_slice %arg3[%mul3A_14] : memref<25165824xi32, #tpu.memory_space<hbm>> -> memref<16384xi32, #tpu.memory_space<hbm>>
          %dma_wait3A_233 = arith.constant 0 : i32
          %dma_wait3A_234 = tpu.memref_slice %arg5[%dma_wait3A_228, %dma_wait3A_233] : memref<2x16384xi32, #tpu.memory_space<vmem>> -> memref<1x16384xi32, #tpu.memory_space<vmem>>
          %dma_wait3A_235 = tpu.memref_squeeze %dma_wait3A_234 : memref<1x16384xi32, #tpu.memory_space<vmem>> -> memref<16384xi32, #tpu.memory_space<vmem>>
          %dma_wait3A_236 = tpu.memref_slice %arg3[%mul3A_14] : memref<25165824xi32, #tpu.memory_space<hbm>> -> memref<16384xi32, #tpu.memory_space<hbm>>
          tpu.wait_dma2 semaphore(%arg10 : memref<!tpu.dma_semaphore, #tpu.memory_space<semaphore_mem>>) src(%dma_wait3A_236 : memref<16384xi32, #tpu.memory_space<hbm>>) dst(%dma_wait3A_235 : memref<16384xi32, #tpu.memory_space<vmem>>)
          %scan3A_237 = arith.constant 0 : i32
          %scan3A_238 = arith.constant 256 : i32
          %scan3A_239 = arith.addi %scan3A_237, %scan3A_238 : i32
          %scan3A_240 = arith.constant 1 : i32
          scf.for %scan3A_278 = %scan3A_237 to %scan3A_239 step %scan3A_240  : i32 {
            %mul3A_279 = arith.constant 4 : i32
            %mul3A_280 = arith.muli %scan3A_278, %mul3A_279 : i32
            %add3A_281 = arith.constant 0 : i32
            %add3A_282 = arith.addi %mul3A_280, %add3A_281 : i32
            %mul3A_283 = arith.constant 16 : i32
            %mul3A_284 = arith.muli %add3A_282, %mul3A_283 : i32
            %get3A = arith.constant 0 : i32
            %get3A_285 = arith.index_cast %get3A : i32 to index
            %get3A_286 = arith.index_cast %mul3A_284 : i32 to index
            %get3A_287 = tpu.vector_load %arg5[%get3A_285, %get3A_286] {strides = array<i32>} : memref<2x16384xi32, #tpu.memory_space<vmem>>, vector<16xi32>,
            %shift_right_logical3A = arith.constant 18 : i32
            %shift_right_logical3A_288 = vector.broadcast %shift_right_logical3A : i32 to vector<16xi32>
            %shift_right_logical3A_289 = arith.shrui %get3A_287, %shift_right_logical3A_288 : vector<16xi32>
            %shift_right_logical3A_290 = arith.constant 9 : i32
            %shift_right_logical3A_291 = vector.broadcast %shift_right_logical3A_290 : i32 to vector<16xi32>
            %shift_right_logical3A_292 = arith.shrui %get3A_287, %shift_right_logical3A_291 : vector<16xi32>
            %and3A = arith.constant 511 : i32
            %and3A_293 = vector.broadcast %and3A : i32 to vector<16xi32>
            %and3A_294 = arith.andi %shift_right_logical3A_292, %and3A_293 : vector<16xi32>
            %and3A_295 = arith.constant 511 : i32
            %and3A_296 = vector.broadcast %and3A_295 : i32 to vector<16xi32>
            %and3A_297 = arith.andi %get3A_287, %and3A_296 : vector<16xi32>
            %add3A_298 = arith.constant 512 : i32
            %add3A_299 = vector.broadcast %add3A_298 : i32 to vector<16xi32>
            %add3A_300 = arith.addi %and3A_297, %add3A_299 : vector<16xi32>
            %eq3A_301 = vector.broadcast %scan3A_61#4 : i32 to vector<16xi32>
            %eq3A_302 = arith.cmpi eq, %shift_right_logical3A_289, %eq3A_301 : vector<16xi32>
            %eq3A_303 = vector.broadcast %scan3A_166#1 : i32 to vector<16xi32>
            %eq3A_304 = arith.cmpi eq, %and3A_294, %eq3A_303 : vector<16xi32>
            %and3A_305 = arith.andi %eq3A_302, %eq3A_304 : vector<16xi1>
            tpu.vector_store_idx %arg6[%add3A_300], %broadcast_in_dim3A_1 masked %and3A_305 {add = true} : memref<16384xi32, #tpu.memory_space<vmem>>[vector<16xi32>], vector<16xi32>, vector<16xi1>
            %mul3A_306 = arith.constant 4 : i32
            %mul3A_307 = arith.muli %scan3A_278, %mul3A_306 : i32
            %add3A_308 = arith.constant 1 : i32
            %add3A_309 = arith.addi %mul3A_307, %add3A_308 : i32
            %mul3A_310 = arith.constant 16 : i32
            %mul3A_311 = arith.muli %add3A_309, %mul3A_310 : i32
            %get3A_312 = arith.constant 0 : i32
            %get3A_313 = arith.index_cast %get3A_312 : i32 to index
            %get3A_314 = arith.index_cast %mul3A_311 : i32 to index
            %get3A_315 = tpu.vector_load %arg5[%get3A_313, %get3A_314] {strides = array<i32>} : memref<2x16384xi32, #tpu.memory_space<vmem>>, vector<16xi32>,
            %shift_right_logical3A_316 = arith.constant 18 : i32
            %shift_right_logical3A_317 = vector.broadcast %shift_right_logical3A_316 : i32 to vector<16xi32>
            %shift_right_logical3A_318 = arith.shrui %get3A_315, %shift_right_logical3A_317 : vector<16xi32>
            %shift_right_logical3A_319 = arith.constant 9 : i32
            %shift_right_logical3A_320 = vector.broadcast %shift_right_logical3A_319 : i32 to vector<16xi32>
            %shift_right_logical3A_321 = arith.shrui %get3A_315, %shift_right_logical3A_320 : vector<16xi32>
            %and3A_322 = arith.constant 511 : i32
            %and3A_323 = vector.broadcast %and3A_322 : i32 to vector<16xi32>
            %and3A_324 = arith.andi %shift_right_logical3A_321, %and3A_323 : vector<16xi32>
            %and3A_325 = arith.constant 511 : i32
            %and3A_326 = vector.broadcast %and3A_325 : i32 to vector<16xi32>
            %and3A_327 = arith.andi %get3A_315, %and3A_326 : vector<16xi32>
            %add3A_328 = arith.constant 512 : i32
            %add3A_329 = vector.broadcast %add3A_328 : i32 to vector<16xi32>
            %add3A_330 = arith.addi %and3A_327, %add3A_329 : vector<16xi32>
            %eq3A_331 = vector.broadcast %scan3A_61#4 : i32 to vector<16xi32>
            %eq3A_332 = arith.cmpi eq, %shift_right_logical3A_318, %eq3A_331 : vector<16xi32>
            %eq3A_333 = vector.broadcast %scan3A_166#1 : i32 to vector<16xi32>
            %eq3A_334 = arith.cmpi eq, %and3A_324, %eq3A_333 : vector<16xi32>
            %and3A_335 = arith.andi %eq3A_332, %eq3A_334 : vector<16xi1>
            tpu.vector_store_idx %arg6[%add3A_330], %broadcast_in_dim3A_1 masked %and3A_335 {add = true} : memref<16384xi32, #tpu.memory_space<vmem>>[vector<16xi32>], vector<16xi32>, vector<16xi1>
            %mul3A_336 = arith.constant 4 : i32
            %mul3A_337 = arith.muli %scan3A_278, %mul3A_336 : i32
            %add3A_338 = arith.constant 2 : i32
            %add3A_339 = arith.addi %mul3A_337, %add3A_338 : i32
            %mul3A_340 = arith.constant 16 : i32
            %mul3A_341 = arith.muli %add3A_339, %mul3A_340 : i32
            %get3A_342 = arith.constant 0 : i32
            %get3A_343 = arith.index_cast %get3A_342 : i32 to index
            %get3A_344 = arith.index_cast %mul3A_341 : i32 to index
            %get3A_345 = tpu.vector_load %arg5[%get3A_343, %get3A_344] {strides = array<i32>} : memref<2x16384xi32, #tpu.memory_space<vmem>>, vector<16xi32>,
            %shift_right_logical3A_346 = arith.constant 18 : i32
            %shift_right_logical3A_347 = vector.broadcast %shift_right_logical3A_346 : i32 to vector<16xi32>
            %shift_right_logical3A_348 = arith.shrui %get3A_345, %shift_right_logical3A_347 : vector<16xi32>
            %shift_right_logical3A_349 = arith.constant 9 : i32
            %shift_right_logical3A_350 = vector.broadcast %shift_right_logical3A_349 : i32 to vector<16xi32>
            %shift_right_logical3A_351 = arith.shrui %get3A_345, %shift_right_logical3A_350 : vector<16xi32>
            %and3A_352 = arith.constant 511 : i32
            %and3A_353 = vector.broadcast %and3A_352 : i32 to vector<16xi32>
            %and3A_354 = arith.andi %shift_right_logical3A_351, %and3A_353 : vector<16xi32>
            %and3A_355 = arith.constant 511 : i32
            %and3A_356 = vector.broadcast %and3A_355 : i32 to vector<16xi32>
            %and3A_357 = arith.andi %get3A_345, %and3A_356 : vector<16xi32>
            %add3A_358 = arith.constant 512 : i32
            %add3A_359 = vector.broadcast %add3A_358 : i32 to vector<16xi32>
            %add3A_360 = arith.addi %and3A_357, %add3A_359 : vector<16xi32>
            %eq3A_361 = vector.broadcast %scan3A_61#4 : i32 to vector<16xi32>
            %eq3A_362 = arith.cmpi eq, %shift_right_logical3A_348, %eq3A_361 : vector<16xi32>
            %eq3A_363 = vector.broadcast %scan3A_166#1 : i32 to vector<16xi32>
            %eq3A_364 = arith.cmpi eq, %and3A_354, %eq3A_363 : vector<16xi32>
            %and3A_365 = arith.andi %eq3A_362, %eq3A_364 : vector<16xi1>
            tpu.vector_store_idx %arg6[%add3A_360], %broadcast_in_dim3A_1 masked %and3A_365 {add = true} : memref<16384xi32, #tpu.memory_space<vmem>>[vector<16xi32>], vector<16xi32>, vector<16xi1>
            %mul3A_366 = arith.constant 4 : i32
            %mul3A_367 = arith.muli %scan3A_278, %mul3A_366 : i32
            %add3A_368 = arith.constant 3 : i32
            %add3A_369 = arith.addi %mul3A_367, %add3A_368 : i32
            %mul3A_370 = arith.constant 16 : i32
            %mul3A_371 = arith.muli %add3A_369, %mul3A_370 : i32
            %get3A_372 = arith.constant 0 : i32
            %get3A_373 = arith.index_cast %get3A_372 : i32 to index
            %get3A_374 = arith.index_cast %mul3A_371 : i32 to index
            %get3A_375 = tpu.vector_load %arg5[%get3A_373, %get3A_374] {strides = array<i32>} : memref<2x16384xi32, #tpu.memory_space<vmem>>, vector<16xi32>,
            %shift_right_logical3A_376 = arith.constant 18 : i32
            %shift_right_logical3A_377 = vector.broadcast %shift_right_logical3A_376 : i32 to vector<16xi32>
            %shift_right_logical3A_378 = arith.shrui %get3A_375, %shift_right_logical3A_377 : vector<16xi32>
            %shift_right_logical3A_379 = arith.constant 9 : i32
            %shift_right_logical3A_380 = vector.broadcast %shift_right_logical3A_379 : i32 to vector<16xi32>
            %shift_right_logical3A_381 = arith.shrui %get3A_375, %shift_right_logical3A_380 : vector<16xi32>
            %and3A_382 = arith.constant 511 : i32
            %and3A_383 = vector.broadcast %and3A_382 : i32 to vector<16xi32>
            %and3A_384 = arith.andi %shift_right_logical3A_381, %and3A_383 : vector<16xi32>
            %and3A_385 = arith.constant 511 : i32
            %and3A_386 = vector.broadcast %and3A_385 : i32 to vector<16xi32>
            %and3A_387 = arith.andi %get3A_375, %and3A_386 : vector<16xi32>
            %add3A_388 = arith.constant 512 : i32
            %add3A_389 = vector.broadcast %add3A_388 : i32 to vector<16xi32>
            %add3A_390 = arith.addi %and3A_387, %add3A_389 : vector<16xi32>
            %eq3A_391 = vector.broadcast %scan3A_61#4 : i32 to vector<16xi32>
            %eq3A_392 = arith.cmpi eq, %shift_right_logical3A_378, %eq3A_391 : vector<16xi32>
            %eq3A_393 = vector.broadcast %scan3A_166#1 : i32 to vector<16xi32>
            %eq3A_394 = arith.cmpi eq, %and3A_384, %eq3A_393 : vector<16xi32>
            %and3A_395 = arith.andi %eq3A_392, %eq3A_394 : vector<16xi1>
            tpu.vector_store_idx %arg6[%add3A_390], %broadcast_in_dim3A_1 masked %and3A_395 {add = true} : memref<16384xi32, #tpu.memory_space<vmem>>[vector<16xi32>], vector<16xi32>, vector<16xi1>
          }
          %scan3A_241 = arith.constant 256 : i32
          %mul3A_242 = arith.constant 2 : i32
          %mul3A_243 = arith.muli %scan3A_207, %mul3A_242 : i32
          %add3A_244 = arith.constant 1 : i32
          %add3A_245 = arith.addi %mul3A_243, %add3A_244 : i32
          %add3A_246 = arith.constant 2 : i32
          %add3A_247 = arith.addi %add3A_245, %add3A_246 : i32
          %sub3A_248 = arith.constant 1 : i32
          %sub3A_249 = arith.subi %add3A_247, %sub3A_248 : i32
          %min3A_250 = arith.constant 15 : i32
          %min3A_251 = arith.minsi %sub3A_249, %min3A_250 : i32
          %mul3A_252 = arith.constant 16384 : i32
          %mul3A_253 = arith.muli %min3A_251, %mul3A_252 : i32
          %add3A_254 = arith.addi %mul3A_14, %mul3A_253 : i32
          %dma_start3A_255 = arith.constant 0 : i32
          %dma_start3A_256 = arith.constant 0 : i32
          %dma_start3A_257 = tpu.memref_slice %arg5[%dma_start3A_255, %dma_start3A_256] : memref<2x16384xi32, #tpu.memory_space<vmem>> -> memref<1x16384xi32, #tpu.memory_space<vmem>>
          %dma_start3A_258 = tpu.memref_squeeze %dma_start3A_257 : memref<1x16384xi32, #tpu.memory_space<vmem>> -> memref<16384xi32, #tpu.memory_space<vmem>>
          %dma_start3A_259 = tpu.memref_slice %arg3[%add3A_254] : memref<25165824xi32, #tpu.memory_space<hbm>> -> memref<16384xi32, #tpu.memory_space<hbm>>
          %dma_start3A_260 = arith.constant 0 : i32
          %dma_start3A_261 = tpu.memref_slice %arg5[%dma_start3A_255, %dma_start3A_260] : memref<2x16384xi32, #tpu.memory_space<vmem>> -> memref<1x16384xi32, #tpu.memory_space<vmem>>
          %dma_start3A_262 = tpu.memref_squeeze %dma_start3A_261 : memref<1x16384xi32, #tpu.memory_space<vmem>> -> memref<16384xi32, #tpu.memory_space<vmem>>
          %dma_start3A_263 = tpu.memref_slice %arg3[%add3A_254] : memref<25165824xi32, #tpu.memory_space<hbm>> -> memref<16384xi32, #tpu.memory_space<hbm>>
          tpu.enqueue_dma source(%dma_start3A_263 : memref<16384xi32, #tpu.memory_space<hbm>>) target(%dma_start3A_262 : memref<16384xi32, #tpu.memory_space<vmem>>) target_semaphore(%arg10 : memref<!tpu.dma_semaphore, #tpu.memory_space<semaphore_mem>>)
          %dma_wait3A_264 = arith.constant 1 : i32
          %dma_wait3A_265 = arith.constant 0 : i32
          %dma_wait3A_266 = tpu.memref_slice %arg5[%dma_wait3A_264, %dma_wait3A_265] : memref<2x16384xi32, #tpu.memory_space<vmem>> -> memref<1x16384xi32, #tpu.memory_space<vmem>>
          %dma_wait3A_267 = tpu.memref_squeeze %dma_wait3A_266 : memref<1x16384xi32, #tpu.memory_space<vmem>> -> memref<16384xi32, #tpu.memory_space<vmem>>
          %dma_wait3A_268 = tpu.memref_slice %arg3[%mul3A_14] : memref<25165824xi32, #tpu.memory_space<hbm>> -> memref<16384xi32, #tpu.memory_space<hbm>>
          %dma_wait3A_269 = arith.constant 0 : i32
          %dma_wait3A_270 = tpu.memref_slice %arg5[%dma_wait3A_264, %dma_wait3A_269] : memref<2x16384xi32, #tpu.memory_space<vmem>> -> memref<1x16384xi32, #tpu.memory_space<vmem>>
          %dma_wait3A_271 = tpu.memref_squeeze %dma_wait3A_270 : memref<1x16384xi32, #tpu.memory_space<vmem>> -> memref<16384xi32, #tpu.memory_space<vmem>>
          %dma_wait3A_272 = tpu.memref_slice %arg3[%mul3A_14] : memref<25165824xi32, #tpu.memory_space<hbm>> -> memref<16384xi32, #tpu.memory_space<hbm>>
          tpu.wait_dma2 semaphore(%arg11 : memref<!tpu.dma_semaphore, #tpu.memory_space<semaphore_mem>>) src(%dma_wait3A_272 : memref<16384xi32, #tpu.memory_space<hbm>>) dst(%dma_wait3A_271 : memref<16384xi32, #tpu.memory_space<vmem>>)
          %scan3A_273 = arith.constant 0 : i32
          %scan3A_274 = arith.constant 256 : i32
          %scan3A_275 = arith.addi %scan3A_273, %scan3A_274 : i32
          %scan3A_276 = arith.constant 1 : i32
          scf.for %scan3A_278 = %scan3A_273 to %scan3A_275 step %scan3A_276  : i32 {
            %mul3A_279 = arith.constant 4 : i32
            %mul3A_280 = arith.muli %scan3A_278, %mul3A_279 : i32
            %add3A_281 = arith.constant 0 : i32
            %add3A_282 = arith.addi %mul3A_280, %add3A_281 : i32
            %mul3A_283 = arith.constant 16 : i32
            %mul3A_284 = arith.muli %add3A_282, %mul3A_283 : i32
            %get3A = arith.constant 1 : i32
            %get3A_285 = arith.index_cast %get3A : i32 to index
            %get3A_286 = arith.index_cast %mul3A_284 : i32 to index
            %get3A_287 = tpu.vector_load %arg5[%get3A_285, %get3A_286] {strides = array<i32>} : memref<2x16384xi32, #tpu.memory_space<vmem>>, vector<16xi32>,
            %shift_right_logical3A = arith.constant 18 : i32
            %shift_right_logical3A_288 = vector.broadcast %shift_right_logical3A : i32 to vector<16xi32>
            %shift_right_logical3A_289 = arith.shrui %get3A_287, %shift_right_logical3A_288 : vector<16xi32>
            %shift_right_logical3A_290 = arith.constant 9 : i32
            %shift_right_logical3A_291 = vector.broadcast %shift_right_logical3A_290 : i32 to vector<16xi32>
            %shift_right_logical3A_292 = arith.shrui %get3A_287, %shift_right_logical3A_291 : vector<16xi32>
            %and3A = arith.constant 511 : i32
            %and3A_293 = vector.broadcast %and3A : i32 to vector<16xi32>
            %and3A_294 = arith.andi %shift_right_logical3A_292, %and3A_293 : vector<16xi32>
            %and3A_295 = arith.constant 511 : i32
            %and3A_296 = vector.broadcast %and3A_295 : i32 to vector<16xi32>
            %and3A_297 = arith.andi %get3A_287, %and3A_296 : vector<16xi32>
            %add3A_298 = arith.constant 512 : i32
            %add3A_299 = vector.broadcast %add3A_298 : i32 to vector<16xi32>
            %add3A_300 = arith.addi %and3A_297, %add3A_299 : vector<16xi32>
            %eq3A_301 = vector.broadcast %scan3A_61#4 : i32 to vector<16xi32>
            %eq3A_302 = arith.cmpi eq, %shift_right_logical3A_289, %eq3A_301 : vector<16xi32>
            %eq3A_303 = vector.broadcast %scan3A_166#1 : i32 to vector<16xi32>
            %eq3A_304 = arith.cmpi eq, %and3A_294, %eq3A_303 : vector<16xi32>
            %and3A_305 = arith.andi %eq3A_302, %eq3A_304 : vector<16xi1>
            tpu.vector_store_idx %arg6[%add3A_300], %broadcast_in_dim3A_1 masked %and3A_305 {add = true} : memref<16384xi32, #tpu.memory_space<vmem>>[vector<16xi32>], vector<16xi32>, vector<16xi1>
            %mul3A_306 = arith.constant 4 : i32
            %mul3A_307 = arith.muli %scan3A_278, %mul3A_306 : i32
            %add3A_308 = arith.constant 1 : i32
            %add3A_309 = arith.addi %mul3A_307, %add3A_308 : i32
            %mul3A_310 = arith.constant 16 : i32
            %mul3A_311 = arith.muli %add3A_309, %mul3A_310 : i32
            %get3A_312 = arith.constant 1 : i32
            %get3A_313 = arith.index_cast %get3A_312 : i32 to index
            %get3A_314 = arith.index_cast %mul3A_311 : i32 to index
            %get3A_315 = tpu.vector_load %arg5[%get3A_313, %get3A_314] {strides = array<i32>} : memref<2x16384xi32, #tpu.memory_space<vmem>>, vector<16xi32>,
            %shift_right_logical3A_316 = arith.constant 18 : i32
            %shift_right_logical3A_317 = vector.broadcast %shift_right_logical3A_316 : i32 to vector<16xi32>
            %shift_right_logical3A_318 = arith.shrui %get3A_315, %shift_right_logical3A_317 : vector<16xi32>
            %shift_right_logical3A_319 = arith.constant 9 : i32
            %shift_right_logical3A_320 = vector.broadcast %shift_right_logical3A_319 : i32 to vector<16xi32>
            %shift_right_logical3A_321 = arith.shrui %get3A_315, %shift_right_logical3A_320 : vector<16xi32>
            %and3A_322 = arith.constant 511 : i32
            %and3A_323 = vector.broadcast %and3A_322 : i32 to vector<16xi32>
            %and3A_324 = arith.andi %shift_right_logical3A_321, %and3A_323 : vector<16xi32>
            %and3A_325 = arith.constant 511 : i32
            %and3A_326 = vector.broadcast %and3A_325 : i32 to vector<16xi32>
            %and3A_327 = arith.andi %get3A_315, %and3A_326 : vector<16xi32>
            %add3A_328 = arith.constant 512 : i32
            %add3A_329 = vector.broadcast %add3A_328 : i32 to vector<16xi32>
            %add3A_330 = arith.addi %and3A_327, %add3A_329 : vector<16xi32>
            %eq3A_331 = vector.broadcast %scan3A_61#4 : i32 to vector<16xi32>
            %eq3A_332 = arith.cmpi eq, %shift_right_logical3A_318, %eq3A_331 : vector<16xi32>
            %eq3A_333 = vector.broadcast %scan3A_166#1 : i32 to vector<16xi32>
            %eq3A_334 = arith.cmpi eq, %and3A_324, %eq3A_333 : vector<16xi32>
            %and3A_335 = arith.andi %eq3A_332, %eq3A_334 : vector<16xi1>
            tpu.vector_store_idx %arg6[%add3A_330], %broadcast_in_dim3A_1 masked %and3A_335 {add = true} : memref<16384xi32, #tpu.memory_space<vmem>>[vector<16xi32>], vector<16xi32>, vector<16xi1>
            %mul3A_336 = arith.constant 4 : i32
            %mul3A_337 = arith.muli %scan3A_278, %mul3A_336 : i32
            %add3A_338 = arith.constant 2 : i32
            %add3A_339 = arith.addi %mul3A_337, %add3A_338 : i32
            %mul3A_340 = arith.constant 16 : i32
            %mul3A_341 = arith.muli %add3A_339, %mul3A_340 : i32
            %get3A_342 = arith.constant 1 : i32
            %get3A_343 = arith.index_cast %get3A_342 : i32 to index
            %get3A_344 = arith.index_cast %mul3A_341 : i32 to index
            %get3A_345 = tpu.vector_load %arg5[%get3A_343, %get3A_344] {strides = array<i32>} : memref<2x16384xi32, #tpu.memory_space<vmem>>, vector<16xi32>,
            %shift_right_logical3A_346 = arith.constant 18 : i32
            %shift_right_logical3A_347 = vector.broadcast %shift_right_logical3A_346 : i32 to vector<16xi32>
            %shift_right_logical3A_348 = arith.shrui %get3A_345, %shift_right_logical3A_347 : vector<16xi32>
            %shift_right_logical3A_349 = arith.constant 9 : i32
            %shift_right_logical3A_350 = vector.broadcast %shift_right_logical3A_349 : i32 to vector<16xi32>
            %shift_right_logical3A_351 = arith.shrui %get3A_345, %shift_right_logical3A_350 : vector<16xi32>
            %and3A_352 = arith.constant 511 : i32
            %and3A_353 = vector.broadcast %and3A_352 : i32 to vector<16xi32>
            %and3A_354 = arith.andi %shift_right_logical3A_351, %and3A_353 : vector<16xi32>
            %and3A_355 = arith.constant 511 : i32
            %and3A_356 = vector.broadcast %and3A_355 : i32 to vector<16xi32>
            %and3A_357 = arith.andi %get3A_345, %and3A_356 : vector<16xi32>
            %add3A_358 = arith.constant 512 : i32
            %add3A_359 = vector.broadcast %add3A_358 : i32 to vector<16xi32>
            %add3A_360 = arith.addi %and3A_357, %add3A_359 : vector<16xi32>
            %eq3A_361 = vector.broadcast %scan3A_61#4 : i32 to vector<16xi32>
            %eq3A_362 = arith.cmpi eq, %shift_right_logical3A_348, %eq3A_361 : vector<16xi32>
            %eq3A_363 = vector.broadcast %scan3A_166#1 : i32 to vector<16xi32>
            %eq3A_364 = arith.cmpi eq, %and3A_354, %eq3A_363 : vector<16xi32>
            %and3A_365 = arith.andi %eq3A_362, %eq3A_364 : vector<16xi1>
            tpu.vector_store_idx %arg6[%add3A_360], %broadcast_in_dim3A_1 masked %and3A_365 {add = true} : memref<16384xi32, #tpu.memory_space<vmem>>[vector<16xi32>], vector<16xi32>, vector<16xi1>
            %mul3A_366 = arith.constant 4 : i32
            %mul3A_367 = arith.muli %scan3A_278, %mul3A_366 : i32
            %add3A_368 = arith.constant 3 : i32
            %add3A_369 = arith.addi %mul3A_367, %add3A_368 : i32
            %mul3A_370 = arith.constant 16 : i32
            %mul3A_371 = arith.muli %add3A_369, %mul3A_370 : i32
            %get3A_372 = arith.constant 1 : i32
            %get3A_373 = arith.index_cast %get3A_372 : i32 to index
            %get3A_374 = arith.index_cast %mul3A_371 : i32 to index
            %get3A_375 = tpu.vector_load %arg5[%get3A_373, %get3A_374] {strides = array<i32>} : memref<2x16384xi32, #tpu.memory_space<vmem>>, vector<16xi32>,
            %shift_right_logical3A_376 = arith.constant 18 : i32
            %shift_right_logical3A_377 = vector.broadcast %shift_right_logical3A_376 : i32 to vector<16xi32>
            %shift_right_logical3A_378 = arith.shrui %get3A_375, %shift_right_logical3A_377 : vector<16xi32>
            %shift_right_logical3A_379 = arith.constant 9 : i32
            %shift_right_logical3A_380 = vector.broadcast %shift_right_logical3A_379 : i32 to vector<16xi32>
            %shift_right_logical3A_381 = arith.shrui %get3A_375, %shift_right_logical3A_380 : vector<16xi32>
            %and3A_382 = arith.constant 511 : i32
            %and3A_383 = vector.broadcast %and3A_382 : i32 to vector<16xi32>
            %and3A_384 = arith.andi %shift_right_logical3A_381, %and3A_383 : vector<16xi32>
            %and3A_385 = arith.constant 511 : i32
            %and3A_386 = vector.broadcast %and3A_385 : i32 to vector<16xi32>
            %and3A_387 = arith.andi %get3A_375, %and3A_386 : vector<16xi32>
            %add3A_388 = arith.constant 512 : i32
            %add3A_389 = vector.broadcast %add3A_388 : i32 to vector<16xi32>
            %add3A_390 = arith.addi %and3A_387, %add3A_389 : vector<16xi32>
            %eq3A_391 = vector.broadcast %scan3A_61#4 : i32 to vector<16xi32>
            %eq3A_392 = arith.cmpi eq, %shift_right_logical3A_378, %eq3A_391 : vector<16xi32>
            %eq3A_393 = vector.broadcast %scan3A_166#1 : i32 to vector<16xi32>
            %eq3A_394 = arith.cmpi eq, %and3A_384, %eq3A_393 : vector<16xi32>
            %and3A_395 = arith.andi %eq3A_392, %eq3A_394 : vector<16xi1>
            tpu.vector_store_idx %arg6[%add3A_390], %broadcast_in_dim3A_1 masked %and3A_395 {add = true} : memref<16384xi32, #tpu.memory_space<vmem>>[vector<16xi32>], vector<16xi32>, vector<16xi1>
          }
          %scan3A_277 = arith.constant 256 : i32
        }
        %scan3A_184 = arith.constant 8 : i32
        %dma_wait3A_185 = arith.constant 0 : i32
        %dma_wait3A_186 = arith.constant 0 : i32
        %dma_wait3A_187 = tpu.memref_slice %arg5[%dma_wait3A_185, %dma_wait3A_186] : memref<2x16384xi32, #tpu.memory_space<vmem>> -> memref<1x16384xi32, #tpu.memory_space<vmem>>
        %dma_wait3A_188 = tpu.memref_squeeze %dma_wait3A_187 : memref<1x16384xi32, #tpu.memory_space<vmem>> -> memref<16384xi32, #tpu.memory_space<vmem>>
        %dma_wait3A_189 = tpu.memref_slice %arg3[%mul3A_14] : memref<25165824xi32, #tpu.memory_space<hbm>> -> memref<16384xi32, #tpu.memory_space<hbm>>
        %dma_wait3A_190 = arith.constant 0 : i32
        %dma_wait3A_191 = tpu.memref_slice %arg5[%dma_wait3A_185, %dma_wait3A_190] : memref<2x16384xi32, #tpu.memory_space<vmem>> -> memref<1x16384xi32, #tpu.memory_space<vmem>>
        %dma_wait3A_192 = tpu.memref_squeeze %dma_wait3A_191 : memref<1x16384xi32, #tpu.memory_space<vmem>> -> memref<16384xi32, #tpu.memory_space<vmem>>
        %dma_wait3A_193 = tpu.memref_slice %arg3[%mul3A_14] : memref<25165824xi32, #tpu.memory_space<hbm>> -> memref<16384xi32, #tpu.memory_space<hbm>>
        tpu.wait_dma2 semaphore(%arg10 : memref<!tpu.dma_semaphore, #tpu.memory_space<semaphore_mem>>) src(%dma_wait3A_193 : memref<16384xi32, #tpu.memory_space<hbm>>) dst(%dma_wait3A_192 : memref<16384xi32, #tpu.memory_space<vmem>>)
        %iota3A_194 = tpu.iota {dimensions = array<i32: 0>} : vector<16xi32>
        %scan3A_195 = arith.constant 0 : i32
        %scan3A_196 = arith.constant 0 : i32
        %scan3A_197 = arith.constant 0 : i32
        %scan3A_198 = arith.constant 0 : i32
        %scan3A_199 = arith.constant 32 : i32
        %scan3A_200 = arith.addi %scan3A_198, %scan3A_199 : i32
        %scan3A_201 = arith.constant 1 : i32
        %scan3A_202:3 = scf.for %scan3A_207 = %scan3A_198 to %scan3A_200 step %scan3A_201 iter_args(%scan3A_208 = %scan3A_195, %scan3A_209 = %scan3A_196, %scan3A_210 = %scan3A_197) -> (i32, i32, i32)  : i32 {
          %mul3A_211 = arith.constant 16 : i32
          %mul3A_212 = arith.muli %scan3A_207, %mul3A_211 : i32
          %add3A_213 = arith.constant 512 : i32
          %add3A_214 = arith.addi %add3A_213, %mul3A_212 : i32
          %get3A = arith.index_cast %add3A_214 : i32 to index
          %get3A_215 = tpu.vector_load %arg6[%get3A] {strides = array<i32>} : memref<16384xi32, #tpu.memory_space<vmem>>, vector<16xi32>,
          %broadcast_in_dim3A_216 = arith.constant true
          %broadcast_in_dim3A_217 = vector.broadcast %broadcast_in_dim3A_216 : i1 to vector<16xi1>
          %masked_cumsum3A = tpu.scan <sum>, %get3A_215 masked %broadcast_in_dim3A_217 : vector<16xi32>, vector<16xi1> -> vector<16xi32>
          %reduce_sum3A = arith.constant true
          %reduce_sum3A_218 = vector.broadcast %reduce_sum3A : i1 to vector<16xi1>
          %reduce_sum3A_219 = tpu.scan <sum>, %get3A_215 masked %reduce_sum3A_218 : vector<16xi32>, vector<16xi1> -> vector<16xi32>
          %reduce_sum3A_220 = vector.extract %reduce_sum3A_219[15] : i32 from vector<16xi32>
          %add3A_221 = vector.broadcast %scan3A_208 : i32 to vector<16xi32>
          %add3A_222 = arith.addi %add3A_221, %masked_cumsum3A : vector<16xi32>
          %sub3A = arith.subi %add3A_222, %get3A_215 : vector<16xi32>
          %add3A_223 = arith.addi %scan3A_208, %reduce_sum3A_220 : i32
          %le3A_224 = arith.cmpi sle, %scan3A_208, %scan3A_166#2 : i32
          %lt3A_225 = arith.cmpi slt, %scan3A_166#2, %add3A_223 : i32
          %and3A = arith.andi %le3A_224, %lt3A_225 : i1
          %le3A_226 = vector.broadcast %scan3A_166#2 : i32 to vector<16xi32>
          %le3A_227 = arith.cmpi sle, %sub3A, %le3A_226 : vector<16xi32>
          %add3A_228 = arith.addi %sub3A, %get3A_215 : vector<16xi32>
          %lt3A_229 = vector.broadcast %scan3A_166#2 : i32 to vector<16xi32>
          %lt3A_230 = arith.cmpi slt, %lt3A_229, %add3A_228 : vector<16xi32>
          %and3A_231 = arith.andi %le3A_227, %lt3A_230 : vector<16xi1>
          %jit3A_232 = arith.constant 0 : i32
          %broadcast_in_dim3A_233 = vector.broadcast %jit3A_232 : i32 to vector<16xi32>
          %select_n3A_234 = arith.select %and3A_231, %iota3A_194, %broadcast_in_dim3A_233 : vector<16xi1>, vector<16xi32>
          %reduce_sum3A_235 = arith.constant true
          %reduce_sum3A_236 = vector.broadcast %reduce_sum3A_235 : i1 to vector<16xi1>
          %reduce_sum3A_237 = tpu.scan <sum>, %select_n3A_234 masked %reduce_sum3A_236 : vector<16xi32>, vector<16xi1> -> vector<16xi32>
          %reduce_sum3A_238 = vector.extract %reduce_sum3A_237[15] : i32 from vector<16xi32>
          %sub3A_239 = vector.broadcast %scan3A_166#2 : i32 to vector<16xi32>
          %sub3A_240 = arith.subi %sub3A_239, %sub3A : vector<16xi32>
          %jit3A_241 = arith.constant 0 : i32
          %broadcast_in_dim3A_242 = vector.broadcast %jit3A_241 : i32 to vector<16xi32>
          %select_n3A_243 = arith.select %and3A_231, %sub3A_240, %broadcast_in_dim3A_242 : vector<16xi1>, vector<16xi32>
          %reduce_sum3A_244 = arith.constant true
          %reduce_sum3A_245 = vector.broadcast %reduce_sum3A_244 : i1 to vector<16xi1>
          %reduce_sum3A_246 = tpu.scan <sum>, %select_n3A_243 masked %reduce_sum3A_245 : vector<16xi32>, vector<16xi1> -> vector<16xi32>
          %reduce_sum3A_247 = vector.extract %reduce_sum3A_246[15] : i32 from vector<16xi32>
          %mul3A_248 = arith.constant 16 : i32
          %mul3A_249 = arith.muli %scan3A_207, %mul3A_248 : i32
          %add3A_250 = arith.addi %mul3A_249, %reduce_sum3A_238 : i32
          %select_n3A_251 = arith.select %and3A, %add3A_250, %scan3A_209 : i32
          %select_n3A_252 = arith.select %and3A, %reduce_sum3A_247, %scan3A_210 : i32
          scf.yield %add3A_223, %select_n3A_251, %select_n3A_252 : i32, i32, i32
        }
        %scan3A_203 = arith.constant 32 : i32
        %shift_left3A_204 = arith.constant 9 : i32
        %shift_left3A_205 = arith.shli %scan3A_166#1, %shift_left3A_204 : i32
        %or3A_206 = arith.ori %shift_left3A_205, %scan3A_202#1 : i32
        scf.yield %or3A_206 : i32
      }
      %shift_left3A = arith.constant 18 : i32
      %shift_left3A_102 = arith.shli %scan3A_61#1, %shift_left3A : i32
      %or3A = arith.ori %shift_left3A_102, %cond3A_94 : i32
      %shift_left3A_103 = arith.constant 18 : i32
      %shift_left3A_104 = arith.shli %scan3A_61#4, %shift_left3A_103 : i32
      %or3A_105 = arith.ori %shift_left3A_104, %cond3A_101 : i32
      %eq3A = arith.constant 0 : i32
      %eq3A_106 = vector.broadcast %eq3A : i32 to vector<16xi32>
      %eq3A_107 = arith.cmpi eq, %iota3A, %eq3A_106 : vector<16xi32>
      %eq3A_108 = arith.constant 1 : i32
      %eq3A_109 = vector.broadcast %eq3A_108 : i32 to vector<16xi32>
      %eq3A_110 = arith.cmpi eq, %iota3A, %eq3A_109 : vector<16xi32>
      %jit3A = arith.constant 0 : i32
      %broadcast_in_dim3A_111 = vector.broadcast %or3A_105 : i32 to vector<16xi32>
      %broadcast_in_dim3A_112 = vector.broadcast %jit3A : i32 to vector<16xi32>
      %select_n3A = arith.select %eq3A_110, %broadcast_in_dim3A_111, %broadcast_in_dim3A_112 : vector<16xi1>, vector<16xi32>
      %broadcast_in_dim3A_113 = vector.broadcast %or3A : i32 to vector<16xi32>
      %select_n3A_114 = arith.select %eq3A_107, %broadcast_in_dim3A_113, %select_n3A : vector<16xi1>, vector<16xi32>
      %lt3A = arith.constant 0 : i32
      %lt3A_115 = vector.broadcast %lt3A : i32 to vector<16xi32>
      %lt3A_116 = arith.cmpi slt, %select_n3A_114, %lt3A_115 : vector<16xi32>
      %xor3A = arith.constant -2147483648 : i32
      %xor3A_117 = vector.broadcast %xor3A : i32 to vector<16xi32>
      %xor3A_118 = arith.xori %select_n3A_114, %xor3A_117 : vector<16xi32>
      %not3A = arith.constant dense<-1> : vector<16xi32>
      %not3A_119 = arith.xori %select_n3A_114, %not3A : vector<16xi32>
      %select_n3A_120 = arith.select %lt3A_116, %xor3A_118, %not3A_119 : vector<16xi1>, vector<16xi32>
      %bitcast3A = vector.bitcast %select_n3A_120 : vector<16xi32> to vector<16xf32>
      %swap3A = arith.constant 0 : index
      %swap3A_121 = tpu.vector_load %arg9[%swap3A] {strides = array<i32>} : memref<16xf32, #tpu.memory_space<vmem>>, vector<16xf32>,
      tpu.vector_store %arg9[%swap3A], %bitcast3A {strides = array<i32>} : memref<16xf32, #tpu.memory_space<vmem>>, vector<16xf32>,
      %mul3A_122 = arith.constant 16 : i32
      %mul3A_123 = arith.muli %add3A_10, %mul3A_122 : i32
      "tpu.region"() ({
        %run_scoped3A = tpu.sem_alloc : memref<!tpu.dma_semaphore, #tpu.memory_space<semaphore_mem>>
        %dma_start3A_124 = tpu.memref_slice %arg4[%mul3A_123] : memref<1536xf32, #tpu.memory_space<hbm>> -> memref<16xf32, #tpu.memory_space<hbm>>
        %dma_start3A_125 = tpu.memref_slice %arg4[%mul3A_123] : memref<1536xf32, #tpu.memory_space<hbm>> -> memref<16xf32, #tpu.memory_space<hbm>>
        tpu.enqueue_dma source(%arg9 : memref<16xf32, #tpu.memory_space<vmem>>) target(%dma_start3A_125 : memref<16xf32, #tpu.memory_space<hbm>>) target_semaphore(%run_scoped3A : memref<!tpu.dma_semaphore, #tpu.memory_space<semaphore_mem>>)
        %dma_wait3A_126 = tpu.memref_slice %arg4[%mul3A_123] : memref<1536xf32, #tpu.memory_space<hbm>> -> memref<16xf32, #tpu.memory_space<hbm>>
        %dma_wait3A_127 = tpu.memref_slice %arg4[%mul3A_123] : memref<1536xf32, #tpu.memory_space<hbm>> -> memref<16xf32, #tpu.memory_space<hbm>>
        tpu.wait_dma2 semaphore(%run_scoped3A : memref<!tpu.dma_semaphore, #tpu.memory_space<semaphore_mem>>) src(%arg9 : memref<16xf32, #tpu.memory_space<vmem>>) dst(%dma_wait3A_127 : memref<16xf32, #tpu.memory_space<hbm>>)
        tpu.yield
      }) : () -> ()
    }
    %scan3A_6 = arith.constant 3 : i32
    return
  }
}

module attributes {stable_mosaic.version = 14 : i64} {
  func.func @_norm_body(%arg0: i32, %arg1: memref<96x128xf32, #tpu.memory_space<vmem>>, %arg2: memref<96x128xf32, #tpu.memory_space<vmem>>, %arg3: memref<1x512x512xf32, #tpu.memory_space<vmem>>, %arg4: memref<1x512x512xf32, #tpu.memory_space<vmem>>) attributes {dimension_semantics = [#tpu.dimension_semantics<arbitrary>], iteration_bounds = array<i64: 96>, scalar_prefetch = 0 : i64, scratch_operands = 0 : i64, tpu.core_type = #tpu.core_type<tc>, window_params = [{pipeline_mode = #tpu.pipeline_mode<synchronous>, transform_indices = @transform_0, window_bounds = array<i64: 96, 128>}, {pipeline_mode = #tpu.pipeline_mode<synchronous>, transform_indices = @transform_1, window_bounds = array<i64: 96, 128>}, {transform_indices = @transform_2, window_bounds = array<i64: 1, 512, 512>}, {transform_indices = @transform_3, window_bounds = array<i64: 1, 512, 512>}]} {
    %get3A = arith.constant 0 : index
    %get3A_0 = arith.constant 0 : index
    %get3A_1 = vector.load %arg1[%get3A, %get3A_0] : memref<96x128xf32, #tpu.memory_space<vmem>>, vector<96x128xf32>
    %get3A_2 = arith.constant 0 : index
    %get3A_3 = arith.constant 0 : index
    %get3A_4 = vector.load %arg2[%get3A_2, %get3A_3] : memref<96x128xf32, #tpu.memory_space<vmem>>, vector<96x128xf32>
    %slice3A = vector.extract_strided_slice %get3A_1 {offsets = [0, 0], sizes = [96, 1], strides = [1, 1]} : vector<96x128xf32> to vector<96x1xf32>
    %slice3A_5 = vector.extract_strided_slice %get3A_1 {offsets = [0, 1], sizes = [96, 1], strides = [1, 1]} : vector<96x128xf32> to vector<96x1xf32>
    %slice3A_6 = vector.extract_strided_slice %get3A_4 {offsets = [0, 0], sizes = [96, 1], strides = [1, 1]} : vector<96x128xf32> to vector<96x1xf32>
    %slice3A_7 = vector.extract_strided_slice %get3A_4 {offsets = [0, 1], sizes = [96, 1], strides = [1, 1]} : vector<96x128xf32> to vector<96x1xf32>
    %eq3A = arith.cmpf oeq, %slice3A_5, %slice3A : vector<96x1xf32>
    %select_n3A = arith.select %eq3A, %slice3A_7, %slice3A_5 : vector<96x1xi1>, vector<96x1xf32>
    %select_n3A_8 = arith.select %eq3A, %slice3A_6, %slice3A : vector<96x1xi1>, vector<96x1xf32>
    %eq3A_9 = arith.constant 0.000000e+00 : f32
    %eq3A_10 = vector.broadcast %eq3A_9 : f32 to vector<96x1xf32>
    %eq3A_11 = arith.cmpf oeq, %select_n3A, %eq3A_10 : vector<96x1xf32>
    %reduce_or3A = arith.constant 1.000000e+00 : f32
    %reduce_or3A_12 = arith.constant 0.000000e+00 : f32
    %reduce_or3A_13 = vector.broadcast %reduce_or3A : f32 to vector<96x1xf32>
    %reduce_or3A_14 = vector.broadcast %reduce_or3A_12 : f32 to vector<96x1xf32>
    %reduce_or3A_15 = arith.select %eq3A_11, %reduce_or3A_13, %reduce_or3A_14 : vector<96x1xi1>, vector<96x1xf32>
    %reduce_or3A_16 = vector.shape_cast %reduce_or3A_15 : vector<96x1xf32> to vector<1x96x1xf32>
    %reduce_or3A_17 = arith.constant dense<0xFF800000> : vector<1xf32>
    %reduce_or3A_18 = vector.multi_reduction <maximumf>, %reduce_or3A_16, %reduce_or3A_17 [1, 2] : vector<1x96x1xf32> to vector<1xf32>
    %reduce_or3A_19 = vector.shape_cast %reduce_or3A_18 : vector<1xf32> to vector<1x1x1xf32>
    %reduce_or3A_20 = vector.extract %reduce_or3A_19[0, 0, 0] : f32 from vector<1x1x1xf32>
    %reduce_or3A_21 = arith.constant 0.000000e+00 : f32
    %reduce_or3A_22 = arith.cmpf ogt, %reduce_or3A_20, %reduce_or3A_21 : f32
    %eq3A_23 = arith.cmpf oeq, %select_n3A, %select_n3A_8 : vector<96x1xf32>
    %reduce_or3A_24 = arith.constant 1.000000e+00 : f32
    %reduce_or3A_25 = arith.constant 0.000000e+00 : f32
    %reduce_or3A_26 = vector.broadcast %reduce_or3A_24 : f32 to vector<96x1xf32>
    %reduce_or3A_27 = vector.broadcast %reduce_or3A_25 : f32 to vector<96x1xf32>
    %reduce_or3A_28 = arith.select %eq3A_23, %reduce_or3A_26, %reduce_or3A_27 : vector<96x1xi1>, vector<96x1xf32>
    %reduce_or3A_29 = vector.shape_cast %reduce_or3A_28 : vector<96x1xf32> to vector<1x96x1xf32>
    %reduce_or3A_30 = arith.constant dense<0xFF800000> : vector<1xf32>
    %reduce_or3A_31 = vector.multi_reduction <maximumf>, %reduce_or3A_29, %reduce_or3A_30 [1, 2] : vector<1x96x1xf32> to vector<1xf32>
    %reduce_or3A_32 = vector.shape_cast %reduce_or3A_31 : vector<1xf32> to vector<1x1x1xf32>
    %reduce_or3A_33 = vector.extract %reduce_or3A_32[0, 0, 0] : f32 from vector<1x1x1xf32>
    %reduce_or3A_34 = arith.constant 0.000000e+00 : f32
    %reduce_or3A_35 = arith.cmpf ogt, %reduce_or3A_33, %reduce_or3A_34 : f32
    %jit3A = arith.constant 1.000000e+00 : f32
    %broadcast_in_dim3A = vector.broadcast %jit3A : f32 to vector<96x1xf32>
    %select_n3A_36 = arith.select %reduce_or3A_22, %broadcast_in_dim3A, %select_n3A : vector<96x1xf32>
    %not3A = arith.constant true
    %not3A_37 = arith.xori %reduce_or3A_22, %not3A : i1
    %and3A = arith.andi %not3A_37, %reduce_or3A_35 : i1
    %jit3A_38 = arith.constant 0.000000e+00 : f32
    %broadcast_in_dim3A_39 = vector.broadcast %jit3A_38 : f32 to vector<96x1xf32>
    %select_n3A_40 = arith.select %and3A, %broadcast_in_dim3A_39, %select_n3A_8 : vector<96x1xf32>
    %iota3A = tpu.iota {dimensions = array<i32: 0>} : vector<96x1xi32>
    %eq3A_41 = vector.broadcast %arg0 : i32 to vector<96x1xi32>
    %eq3A_42 = arith.cmpi eq, %iota3A, %eq3A_41 : vector<96x1xi32>
    %jit3A_43 = arith.constant 0.000000e+00 : f32
    %broadcast_in_dim3A_44 = vector.broadcast %jit3A_43 : f32 to vector<96x1xf32>
    %select_n3A_45 = arith.select %eq3A_42, %select_n3A_36, %broadcast_in_dim3A_44 : vector<96x1xi1>, vector<96x1xf32>
    %reduce_sum3A = vector.shape_cast %select_n3A_45 : vector<96x1xf32> to vector<1x96x1xf32>
    %reduce_sum3A_46 = arith.constant dense<0.000000e+00> : vector<1xf32>
    %reduce_sum3A_47 = vector.multi_reduction <add>, %reduce_sum3A, %reduce_sum3A_46 [1, 2] : vector<1x96x1xf32> to vector<1xf32>
    %reduce_sum3A_48 = vector.shape_cast %reduce_sum3A_47 : vector<1xf32> to vector<1x1x1xf32>
    %reduce_sum3A_49 = vector.extract %reduce_sum3A_48[0, 0, 0] : f32 from vector<1x1x1xf32>
    %jit3A_50 = arith.constant 0.000000e+00 : f32
    %broadcast_in_dim3A_51 = vector.broadcast %jit3A_50 : f32 to vector<96x1xf32>
    %select_n3A_52 = arith.select %eq3A_42, %select_n3A_40, %broadcast_in_dim3A_51 : vector<96x1xi1>, vector<96x1xf32>
    %reduce_sum3A_53 = vector.shape_cast %select_n3A_52 : vector<96x1xf32> to vector<1x96x1xf32>
    %reduce_sum3A_54 = arith.constant dense<0.000000e+00> : vector<1xf32>
    %reduce_sum3A_55 = vector.multi_reduction <add>, %reduce_sum3A_53, %reduce_sum3A_54 [1, 2] : vector<1x96x1xf32> to vector<1xf32>
    %reduce_sum3A_56 = vector.shape_cast %reduce_sum3A_55 : vector<1xf32> to vector<1x1x1xf32>
    %reduce_sum3A_57 = vector.extract %reduce_sum3A_56[0, 0, 0] : f32 from vector<1x1x1xf32>
    %get3A_58 = arith.constant 0 : index
    %get3A_59 = arith.constant 0 : index
    %get3A_60 = arith.constant 0 : index
    %get3A_61 = vector.load %arg3[%get3A_58, %get3A_59, %get3A_60] : memref<1x512x512xf32, #tpu.memory_space<vmem>>, vector<1x512x512xf32>
    %sub3A = vector.broadcast %reduce_sum3A_57 : f32 to vector<1x512x512xf32>
    %sub3A_62 = arith.subf %get3A_61, %sub3A : vector<1x512x512xf32>
    %sub3A_63 = arith.subf %reduce_sum3A_49, %reduce_sum3A_57 : f32
    %div3A = vector.broadcast %sub3A_63 : f32 to vector<1x512x512xf32>
    %div3A_64 = arith.divf %sub3A_62, %div3A : vector<1x512x512xf32>
    %jit3A_65 = arith.constant 0.000000e+00 : f32
    %jit3A_66 = arith.constant 1.000000e+00 : f32
    %max3A = vector.broadcast %jit3A_65 : f32 to vector<1x512x512xf32>
    %max3A_67 = arith.maximumf %max3A, %div3A_64 : vector<1x512x512xf32>
    %min3A = vector.broadcast %jit3A_66 : f32 to vector<1x512x512xf32>
    %min3A_68 = arith.minimumf %min3A, %max3A_67 : vector<1x512x512xf32>
    %swap3A = arith.constant 0 : index
    %swap3A_69 = arith.constant 0 : index
    %swap3A_70 = arith.constant 0 : index
    %swap3A_71 = vector.load %arg4[%swap3A, %swap3A_69, %swap3A_70] : memref<1x512x512xf32, #tpu.memory_space<vmem>>, vector<1x512x512xf32>
    tpu.vector_store %arg4[%swap3A, %swap3A_69, %swap3A_70], %min3A_68 {strides = array<i32>} : memref<1x512x512xf32, #tpu.memory_space<vmem>>, vector<1x512x512xf32>,
    return
  }
  func.func @transform_0(%arg0: i32) -> (i32, i32) {
    %c0_i32 = arith.constant 0 : i32
    %c0_i32_0 = arith.constant 0 : i32
    %c0_i32_1 = arith.constant 0 : i32
    return %c0_i32, %c0_i32_0 : i32, i32
  }
  func.func @transform_1(%arg0: i32) -> (i32, i32) {
    %c0_i32 = arith.constant 0 : i32
    %c0_i32_0 = arith.constant 0 : i32
    %c0_i32_1 = arith.constant 0 : i32
    return %c0_i32, %c0_i32_0 : i32, i32
  }
  func.func @transform_2(%arg0: i32) -> (i32, i32, i32) {
    %c0_i32 = arith.constant 0 : i32
    %c0_i32_0 = arith.constant 0 : i32
    %c0_i32_1 = arith.constant 0 : i32
    return %arg0, %c0_i32, %c0_i32_0 : i32, i32, i32
  }
  func.func @transform_3(%arg0: i32) -> (i32, i32, i32) {
    %c0_i32 = arith.constant 0 : i32
    %c0_i32_0 = arith.constant 0 : i32
    %c0_i32_1 = arith.constant 0 : i32
    return %arg0, %c0_i32, %c0_i32_0 : i32, i32, i32
  }
}

module attributes {stable_mosaic.version = 14 : i64} {
  func.func @_prep_body(%arg0: i32, %arg1: memref<1x512x512xf32, #tpu.memory_space<vmem>>, %arg2: memref<1x512x512xi32, #tpu.memory_space<vmem>>, %arg3: memref<1x256x512xi32, #tpu.memory_space<vmem>>, %arg4: memref<1x1x128xf32, #tpu.memory_space<vmem>>) attributes {dimension_semantics = [#tpu.dimension_semantics<arbitrary>], iteration_bounds = array<i64: 96>, scalar_prefetch = 0 : i64, scratch_operands = 0 : i64, tpu.core_type = #tpu.core_type<tc>, window_params = [{transform_indices = @transform_0, window_bounds = array<i64: 1, 512, 512>}, {transform_indices = @transform_1, window_bounds = array<i64: 1, 512, 512>}, {transform_indices = @transform_2, window_bounds = array<i64: 1, 256, 512>}, {transform_indices = @transform_3, window_bounds = array<i64: 1, 1, 128>}]} {
    %get3A = arith.constant 0 : index
    %get3A_0 = arith.constant 0 : index
    %get3A_1 = arith.constant 0 : index
    %get3A_2 = vector.load %arg1[%get3A, %get3A_0, %get3A_1] : memref<1x512x512xf32, #tpu.memory_space<vmem>>, vector<1x512x512xf32>
    %bitcast_convert_type3A = tpu.bitcast %get3A_2 : vector<1x512x512xf32> -> vector<1x512x512xi32>
    %shift_right_arithmetic3A = arith.constant 31 : i32
    %shift_right_arithmetic3A_3 = vector.broadcast %shift_right_arithmetic3A : i32 to vector<1x512x512xi32>
    %shift_right_arithmetic3A_4 = arith.shrsi %bitcast_convert_type3A, %shift_right_arithmetic3A_3 : vector<1x512x512xi32>
    %or3A = arith.constant -2147483648 : i32
    %or3A_5 = vector.broadcast %or3A : i32 to vector<1x512x512xi32>
    %or3A_6 = arith.ori %shift_right_arithmetic3A_4, %or3A_5 : vector<1x512x512xi32>
    %xor3A = arith.xori %bitcast_convert_type3A, %or3A_6 : vector<1x512x512xi32>
    %swap3A = arith.constant 0 : index
    %swap3A_7 = arith.constant 0 : index
    %swap3A_8 = arith.constant 0 : index
    %swap3A_9 = vector.load %arg2[%swap3A, %swap3A_7, %swap3A_8] : memref<1x512x512xi32, #tpu.memory_space<vmem>>, vector<1x512x512xi32>
    tpu.vector_store %arg2[%swap3A, %swap3A_7, %swap3A_8], %xor3A {strides = array<i32>} : memref<1x512x512xi32, #tpu.memory_space<vmem>>, vector<1x512x512xi32>,
    %slice3A = vector.extract_strided_slice %xor3A {offsets = [0, 0, 0], sizes = [1, 256, 512], strides = [1, 1, 1]} : vector<1x512x512xi32> to vector<1x256x512xi32>
    %shift_right_logical3A = arith.constant 18 : i32
    %shift_right_logical3A_10 = vector.broadcast %shift_right_logical3A : i32 to vector<1x256x512xi32>
    %shift_right_logical3A_11 = arith.shrui %slice3A, %shift_right_logical3A_10 : vector<1x256x512xi32>
    %slice3A_12 = vector.extract_strided_slice %xor3A {offsets = [0, 256, 0], sizes = [1, 256, 512], strides = [1, 1, 1]} : vector<1x512x512xi32> to vector<1x256x512xi32>
    %shift_right_logical3A_13 = arith.constant 18 : i32
    %shift_right_logical3A_14 = vector.broadcast %shift_right_logical3A_13 : i32 to vector<1x256x512xi32>
    %shift_right_logical3A_15 = arith.shrui %slice3A_12, %shift_right_logical3A_14 : vector<1x256x512xi32>
    %shift_left3A = arith.constant 16 : i32
    %shift_left3A_16 = vector.broadcast %shift_left3A : i32 to vector<1x256x512xi32>
    %shift_left3A_17 = arith.shli %shift_right_logical3A_15, %shift_left3A_16 : vector<1x256x512xi32>
    %or3A_18 = arith.ori %shift_right_logical3A_11, %shift_left3A_17 : vector<1x256x512xi32>
    %swap3A_19 = arith.constant 0 : index
    %swap3A_20 = arith.constant 0 : index
    %swap3A_21 = arith.constant 0 : index
    %swap3A_22 = vector.load %arg3[%swap3A_19, %swap3A_20, %swap3A_21] : memref<1x256x512xi32, #tpu.memory_space<vmem>>, vector<1x256x512xi32>
    tpu.vector_store %arg3[%swap3A_19, %swap3A_20, %swap3A_21], %or3A_18 {strides = array<i32>} : memref<1x256x512xi32, #tpu.memory_space<vmem>>, vector<1x256x512xi32>,
    %iota3A = tpu.iota {dimensions = array<i32: 2>} : vector<1x1x128xi32>
    %eq3A = arith.constant 0 : i32
    %eq3A_23 = vector.broadcast %eq3A : i32 to vector<1x1x128xi32>
    %eq3A_24 = arith.cmpi eq, %iota3A, %eq3A_23 : vector<1x1x128xi32>
    %reduce_min3A = vector.shape_cast %get3A_2 : vector<1x512x512xf32> to vector<1x1x512x512xf32>
    %reduce_min3A_25 = arith.constant dense<0x7F800000> : vector<1xf32>
    %reduce_min3A_26 = vector.multi_reduction <minimumf>, %reduce_min3A, %reduce_min3A_25 [1, 2, 3] : vector<1x1x512x512xf32> to vector<1xf32>
    %reduce_min3A_27 = vector.shape_cast %reduce_min3A_26 : vector<1xf32> to vector<1x1x1x1xf32>
    %reduce_min3A_28 = vector.extract %reduce_min3A_27[0, 0, 0, 0] : f32 from vector<1x1x1x1xf32>
    %eq3A_29 = arith.constant 1 : i32
    %eq3A_30 = vector.broadcast %eq3A_29 : i32 to vector<1x1x128xi32>
    %eq3A_31 = arith.cmpi eq, %iota3A, %eq3A_30 : vector<1x1x128xi32>
    %reduce_max3A = vector.shape_cast %get3A_2 : vector<1x512x512xf32> to vector<1x1x512x512xf32>
    %reduce_max3A_32 = arith.constant dense<0xFF800000> : vector<1xf32>
    %reduce_max3A_33 = vector.multi_reduction <maximumf>, %reduce_max3A, %reduce_max3A_32 [1, 2, 3] : vector<1x1x512x512xf32> to vector<1xf32>
    %reduce_max3A_34 = vector.shape_cast %reduce_max3A_33 : vector<1xf32> to vector<1x1x1x1xf32>
    %reduce_max3A_35 = vector.extract %reduce_max3A_34[0, 0, 0, 0] : f32 from vector<1x1x1x1xf32>
    %jit3A = arith.constant 0.000000e+00 : f32
    %broadcast_in_dim3A = vector.broadcast %reduce_max3A_35 : f32 to vector<1x1x128xf32>
    %broadcast_in_dim3A_36 = vector.broadcast %jit3A : f32 to vector<1x1x128xf32>
    %select_n3A = arith.select %eq3A_31, %broadcast_in_dim3A, %broadcast_in_dim3A_36 : vector<1x1x128xi1>, vector<1x1x128xf32>
    %broadcast_in_dim3A_37 = vector.broadcast %reduce_min3A_28 : f32 to vector<1x1x128xf32>
    %select_n3A_38 = arith.select %eq3A_24, %broadcast_in_dim3A_37, %select_n3A : vector<1x1x128xi1>, vector<1x1x128xf32>
    %swap3A_39 = arith.constant 0 : index
    %swap3A_40 = arith.constant 0 : index
    %swap3A_41 = arith.constant 0 : index
    %swap3A_42 = vector.load %arg4[%swap3A_39, %swap3A_40, %swap3A_41] : memref<1x1x128xf32, #tpu.memory_space<vmem>>, vector<1x1x128xf32>
    tpu.vector_store %arg4[%swap3A_39, %swap3A_40, %swap3A_41], %select_n3A_38 {strides = array<i32>} : memref<1x1x128xf32, #tpu.memory_space<vmem>>, vector<1x1x128xf32>,
    return
  }
  func.func @transform_0(%arg0: i32) -> (i32, i32, i32) {
    %c0_i32 = arith.constant 0 : i32
    %c0_i32_0 = arith.constant 0 : i32
    %c0_i32_1 = arith.constant 0 : i32
    return %arg0, %c0_i32, %c0_i32_0 : i32, i32, i32
  }
  func.func @transform_1(%arg0: i32) -> (i32, i32, i32) {
    %c0_i32 = arith.constant 0 : i32
    %c0_i32_0 = arith.constant 0 : i32
    %c0_i32_1 = arith.constant 0 : i32
    return %arg0, %c0_i32, %c0_i32_0 : i32, i32, i32
  }
  func.func @transform_2(%arg0: i32) -> (i32, i32, i32) {
    %c0_i32 = arith.constant 0 : i32
    %c0_i32_0 = arith.constant 0 : i32
    %c0_i32_1 = arith.constant 0 : i32
    return %arg0, %c0_i32, %c0_i32_0 : i32, i32, i32
  }
  func.func @transform_3(%arg0: i32) -> (i32, i32, i32) {
    %c0_i32 = arith.constant 0 : i32
    %c0_i32_0 = arith.constant 0 : i32
    %c0_i32_1 = arith.constant 0 : i32
    return %arg0, %c0_i32, %c0_i32_0 : i32, i32, i32
  }
}

</mosaic_0001>

<sc_bundles>
// kernel: kernel.5.cloned.1.call-start
scs
__scs_entry_jumppad:
0x0: {  	(pc) =	sbr.rel $0x88, $3  }
0x1: {  	(tag) =	ssettag $0x0;
	lr =	simm.s32 $0x1  }
0x2: {  	[smem:$0x3FA0] =	sst lr;
	_ =	strace $0xD0000000  }
0x3: {  	_ = 	snop  }
0x4: {  	_ = 	snop  }
0x5: {  	_ = 	snop  }
0x6: {  	_ = 	snop  }
0x7: {  	_ = 	snop  }
__scs_overlays_trampoline_lowered:
0x8: {  	[smem:$0x3FAF] =	sst s0  }
0x9: {  	[smem:$0x3FB0] =	sst s1  }
0xa: {  	[smem:$0x3FB1] =	sst s2  }
0xb: {  	[smem:$0x3FB2] =	sst s3  }
0xc: {  	[smem:$0x3FB3] =	sst s4  }
0xd: {  	[smem:$0x3FB4] =	sst s5  }
0xe: {  	[smem:$0x3FB5] =	sst s6  }
0xf: {  	[smem:$0x3FB6] =	sst s7  }
0x10: {  	[smem:$0x3FB7] =	sst s8  }
0x11: {  	[smem:$0x3FB8] =	sst s9;
	s0 =	simm.s32 @!p0 $0x0  }
0x12: {  	s1 =	sld [smem:$0x3F9E];
	s0 =	simm.s32 @p0 $0x1  }
0x13: {  	[smem:$0x3FB9] =	sst s0;
	s0 =	simm.s32 @!p1 $0x0  }
0x14: {  	s2 =	sld [smem:$0x3F9D];
	s0 =	simm.s32 @p1 $0x1  }
0x15: {  	[smem:$0x3FBA] =	sst s0;
	s0 =	simm.s32 @!p2 $0x0  }
0x16: {  	s3 =	sld [smem:$0x3FDB];
	s0 =	simm.s32 @p2 $0x1  }
0x17: {  	s4 =	simm.s32 $0x1BF5;
	[smem:$0x3FBC] =	sst s0  }
0x18: {  	s0 =	sld [smem:$0x3F9F];
	_ =	swait.ge [sflag:s4], $0x0  }
0x19: {  	s7 =	sld [smem:$0x3FA0]  }
0x1a: {  	s8 =	sadd.s32 $0xFFFFE003, lr  }
0x1b: {  	s9 =	sadd.s32 $0xFFFFFEF7, lr;
	s5 =	simm.s32 $0xFFFFFFFF;
	p2 =	slt.u32 s8, $0xFFFFF086  }
0x1c: {  	p1 =	slt.u32 s9, $0xF7A;
	s5 =	simm.s32 @!p2 $0x0  }
0x1d: {  	s5 =	simm.s32 @p1 $0x1;
	p0 =	seq.s32 s7, s2  }
0x1e: {  	s7 =	smul.u32 @!p0 $0xF7A, s2;
	p2 =	seq.s32 @!p0 s5, $0x0  }
0x1f: {  	s9 =	smul.u32 $0xF7A, s1;
	s8 =	simm.s32 @!p0 $0x1BF5;
	p2 =	por !p2, p0  }
0x20: {  	[sflag:s8] =	ssyncset.s32 @!p0 $0xFFFFF086;
	s6 =	sadd.s32 @!p0 s3, s7;
	s7 =	simm.s32 @!p0 $0x108  }
0x21: {  	s3 =	sadd.s32 s3, s9;
	s6 =	sadd.s32 @!p0 $0x88, s6;
	s7 =	simm.s32 @p2 $0x1082  }
0x22: {  	[simem:s7], [sflag:s8] =	dma.local @!p0 [hbm:s6], $0xF7A  }
0x23: {  	s9 =	sor.u32 $0xD0000000, s2;
	s6 =	simm.s32 $0x108;
	_ =	swait.ge @!p0 [sflag:s8], $0x0  }
0x24: {  	s3 =	sadd.s32 $0x88, s3;
	s6 =	simm.s32 @!p1 $0x1082;
	[sflag:s4] =	ssyncset.s32 $0xFFFFF086  }
0x25: {  	[simem:s6], [sflag:s4] =	dma.local [hbm:s3], $0xF7A  }
0x26: {  	[smem:$0x3FA0] =	sst s1;
	(tag) =	ssettag s2;
	_ =	strace s9  }
0x27: {  	s1 =	sld [smem:$0x3FB0]  }
0x28: {  	s2 =	sld [smem:$0x3FB1]  }
0x29: {  	s4 =	sld [smem:$0x3FB3]  }
0x2a: {  	p0 =	seq.s32 s5, $0x0;
	s5 =	sld [smem:$0x3FB4]  }
0x2b: {  	s6 =	sld [smem:$0x3FB5]  }
0x2c: {  	s7 =	sld [smem:$0x3FB6]  }
0x2d: {  	s3 =	simm.s32 $0x108;
	s8 =	sld [smem:$0x3FB7]  }
0x2e: {  	s3 =	simm.s32 @!p0 $0x1082;
	s9 =	sld [smem:$0x3FB8]  }
0x2f: {  	lr =	sadd.s32 s0, s3;
	s0 =	sld [smem:$0x3FAF]  }
0x30: {  	s3 =	sld [smem:$0x3FB2]  }
0x31: {  	[smem:$0x3FBB] =	sst s10  }
0x32: {  	s10 =	sld [smem:$0x3FB9];
	_ =	sdelay $0x3  }
0x33: {  	p0 =	seq.s32 s10, $0x1;
	s10 =	sld [smem:$0x3FBB];
	_ =	sdelay $0x3  }
0x34: {  	[smem:$0x3FBB] =	sst s10  }
0x35: {  	s10 =	sld [smem:$0x3FBA];
	_ =	sdelay $0x3  }
0x36: {  	p1 =	seq.s32 s10, $0x1;
	s10 =	sld [smem:$0x3FBB];
	_ =	sdelay $0x3  }
0x37: {  	[smem:$0x3FBB] =	sst s10  }
0x38: {  	s10 =	sld [smem:$0x3FBC]  }
0x39: {  	_ = 	snop;
	(pc) =	sbr.ind lr, $3  }
0x3a: {  	_ = 	snop  }
0x3b: {  	_ = 	snop  }
0x3c: {  	p2 =	seq.s32 s10, $0x1;
	s10 =	sld [smem:$0x3FBB]  }
0x3d: {  	_ =	shalt  }
0x3e: {  	_ =	shalt  }
0x3f: {  	_ =	shalt  }
0x40: {  	_ =	shalt  }
0x41: {  	_ =	shalt  }
0x42: {  	_ =	shalt  }
0x43: {  	_ =	shalt  }
0x44: {  	_ =	shalt  }
0x45: {  	_ =	shalt  }
0x46: {  	_ =	shalt  }
0x47: {  	_ =	shalt  }
0x48: {  	_ =	shalt  }
0x49: {  	_ =	shalt  }
0x4a: {  	_ =	shalt  }
0x4b: {  	_ =	shalt  }
0x4c: {  	_ =	shalt  }
0x4d: {  	_ =	shalt  }
0x4e: {  	_ =	shalt  }
0x4f: {  	_ =	shalt  }
0x50: {  	_ =	shalt  }
0x51: {  	_ =	shalt  }
0x52: {  	_ =	shalt  }
0x53: {  	_ =	shalt  }
0x54: {  	_ =	shalt  }
0x55: {  	_ =	shalt  }
0x56: {  	_ =	shalt  }
0x57: {  	_ =	shalt  }
0x58: {  	_ =	shalt  }
0x59: {  	_ =	shalt  }
0x5a: {  	_ =	shalt  }
0x5b: {  	_ =	shalt  }
0x5c: {  	_ =	shalt  }
0x5d: {  	_ =	shalt  }
0x5e: {  	_ =	shalt  }
0x5f: {  	_ =	shalt  }
0x60: {  	_ =	shalt  }
0x61: {  	_ =	shalt  }
0x62: {  	_ =	shalt  }
0x63: {  	_ =	shalt  }
0x64: {  	_ =	shalt  }
0x65: {  	_ =	shalt  }
0x66: {  	_ =	shalt  }
0x67: {  	_ =	shalt  }
0x68: {  	_ =	shalt  }
0x69: {  	_ =	shalt  }
0x6a: {  	_ =	shalt  }
0x6b: {  	_ =	shalt  }
0x6c: {  	_ =	shalt  }
0x6d: {  	_ =	shalt  }
0x6e: {  	_ =	shalt  }
0x6f: {  	_ =	shalt  }
0x70: {  	_ =	shalt  }
0x71: {  	_ =	shalt  }
0x72: {  	_ =	shalt  }
0x73: {  	_ =	shalt  }
0x74: {  	_ =	shalt  }
0x75: {  	_ =	shalt  }
0x76: {  	_ =	shalt  }
0x77: {  	_ =	shalt  }
0x78: {  	_ =	shalt  }
0x79: {  	_ =	shalt  }
0x7a: {  	_ =	shalt  }
0x7b: {  	_ =	shalt  }
0x7c: {  	_ =	shalt  }
0x7d: {  	_ =	shalt  }
0x7e: {  	_ =	shalt  }
0x7f: {  	_ =	shalt  }
0x80: {  	_ =	shalt  }
0x81: {  	_ =	shalt  }
0x82: {  	_ =	shalt  }
0x83: {  	_ =	shalt  }
0x84: {  	_ =	shalt  }
0x85: {  	_ =	shalt  }
0x86: {  	_ =	shalt  }
0x87: {  	_ =	shalt  }
.Lfunc_end0:
.L_simem_size_0:
called_computation.2_lowered:
.L_overlay_start_0:
0x88: {  	s2 =	sld [smem:$0x3FD9]  }
0x89: {  	s3 =	sld [smem:$0x3FFE];
	_ =	sdelay $0x1  }
0x8a: {  	s1 =	srdreg.scid  }
0x8b: {  	s0 =	sand.u32 $0x1, s1  }
0x8c: {  	s17 =	sshll.u32 s0, $0xA;
	s2 =	sadd.s32 s3, s2  }
0x8d: {  	s2 =	sadd.s32 s2, s17  }
0x8e: {  	[smem:$0x3FC7] =	sst s2  }
0x8f: {  	_ = 	snop  }
0x90: {  	s2 =	sld [smem:$0x3FD0];
	(tm) =	ssettm $0x1  }
0x91: {  	s18 =	sld [smem:$0x3FFB];
	_ =	sdelay $0x3  }
0x92: {  	_ =	strace s18  }
0x93: {  	s3 =	sld [smem:$0x3FFC];
	_ =	sdelay $0x3  }
0x94: {  	_ =	strace s3  }
0x95: {  	s3 =	sld [smem:$0x3FFD];
	_ =	sdelay $0x3  }
0x96: {  	_ =	strace s3  }
0x97: {  	_ =	strace $0x8FFFFFFF  }
0x98: {  	s19 =	sld [smem:$0x3FDB];
	_ =	sdelay $0x1  }
0x99: {  	s4 =	simm.s32 $_scs_section_size  }
0x9a: {  	s5 =	simm.s32 $_size__tile_overlayer_lowered;
	s6 =	simm.s32 $_tile_overlayer_lowered  }
0x9b: {  	s22 =	simm.s32 $0x1BFF;
	s21 =	sshll.u32 s6, $0x1;
	s3 =	sadd.s32 s4, s19  }
0x9c: {  	s7 =	simm.s32 $0x0;
	s20 =	sshll.u32 s5, $0x1;
	s5 =	sadd.s32 s21, s3  }
0x9d: {  	[timem:s7], [sflag:s22] =	dma.local [hbm:s5], s20  }
0x9e: {  	_ =	swait.ge [sflag:s22], s20  }
0x9f: {  	s4 =	ssub.s32 $0x0, s20;
	[sflag:s22] =	ssyncset.done $0x0  }
0xa0: {  	[sflag:s22] =	ssyncadd.s32 s4;
	_ =	sdelay $0x1  }
0xa1: {  	s23 =	simm.s32 $0x1B8B  }
0xa2: {  	_ =	swait.ge [sflag:s23], $0x1  }
0xa3: {  	[sflag:s23] =	ssyncset.done $0x0  }
0xa4: {  	s25 =	simm.s32 $0x1B8E;
	s24 =	sld [smem:$0x3FFE];
	[sflag:s23] =	ssyncadd.s32 $0xFFFFFFFF  }
0xa5: {  	s26 =	simm.s32 $execute0_lowered;
	[smem:$0x3FD2] =	sst s25  }
0xa6: {  	s5 =	sshll.u32 s26, $0x1;
	_ =	strace $0x8000004C;
	[dreg:$0x1] =	wrdreg $0xFFFFFFFF  }
0xa7: {  	s28 =	simm.s32 $_size_execute0_lowered;
	s3 =	sadd.s32 s3, s5;
	[dreg:$0x0] =	wrdreg $0x0  }
0xa8: {  	s5 =	sshll.u32 s28, $0x1;
	[dreg:$0x2] =	wrdreg s3  }
0xa9: {  	[dreg:$0x3] =	wrdreg s5  }
0xaa: {  	[dreg:$0x4] =	wrdreg $0xC0  }
0xab: {  	_ =	task [dreg:s7], $0x5FFFF  }
0xac: {  	[dreg:$0x1] =	wrdreg $0xFFFFFFFF  }
0xad: {  	[dreg:$0x0] =	wrdreg $0x60  }
0xae: {  	[dreg:$0x2] =	wrdreg s24  }
0xaf: {  	[dreg:$0x3] =	wrdreg s2  }
0xb0: {  	[dreg:$0x4] =	wrdreg $0x9  }
0xb1: {  	_ =	task.clear_ibuf [dreg:s7], $0x5FFFF;
	_ =	strace $0x9000004C  }
0xb2: {  	s29 =	simm.s32 $0x9;
	_ =	strace $0x8000004E  }
0xb3: {  	_ =	swait.ge [sflag:s29], $0x1  }
0xb4: {  	[sflag:s29] =	ssyncadd.s32 $0xFFFFFFFF  }
0xb5: {  	_ =	strace $0x9000004E  }
0xb6: {  	_ =	sfence  }
0xb7: {  	s30 =	sld [smem:$0x0];
	_ =	sdelay $0x2  }
0xb8: {  	s31 =	sshll.u32 s1, $0xD;
	s1 =	sshrl.u32 s1, $0x2  }
0xb9: {  	s3 =	sand.u32 $0x4000, s31;
	s1 =	sadd.s32 s1, s30  }
0xba: {  	s0 =	sor.u32 s3, s0;
	s1 =	sshll.u32 s1, $0x11  }
0xbb: {  	s0 =	sor.u32 s1, s0  }
0xbc: {  	s0 =	sadd.s32 $0x8F2B, s0  }
0xbd: {  	[sflag:s0] =	ssyncadd.remote.s32 $0x1  }
0xbe: {  	_ =	sfence.sel $0xFFFF  }
0xbf: {  	[dreg:$0x0] =	wrdreg $0xFFFFFFFF;
	(pc) =	sbr.abs _section_cstart, $3  }
0xc0: {  	[dreg:$0x1] =	wrdreg $0xFFFFFFFF  }
0xc1: {  	_ =	task.clear_ibuf [dreg:s7], $0x2FFFF;
	_ =	strace $0x9FFFFFFF  }
0xc2: {  	(tm) =	ssettm $0x7FFFFFFF  }
0xc3: {  	_ =	shalt  }
tec
execute0_lowered:
.L_overlay_start_1:
0x0: {  	(tag) =	ssettag $0x1  }
0x1: {  	s0 =	rddreg [dreg:$0x0];
	s1 =	srdreg.scid;
	s3 =	simm.s32 $0x0  }
0x2: {  	s4 =	stileid.u32;
	s8 =	simm.s32 $0x1;
	s9 =	simm.s32 $0x8000  }
0x3: {  	s1 =	sand.u32 $0x1, s1;
	[smem:$0x7FF] =	sst s3;
	s6 =	sshll.u32 s4, $0x1  }
.Ltmp0:
0x4: {  	s2 =	ssub.s32 $0x2, s1;
	s1 =	sor.u32 s1, s6;
	(pc) =	sbr.rel .LBB2_1-.Ltmp0, $4  }
0x5: {  	s4 =	sadd.s32 $0x181800, s0;
	s5 =	sshrl.u32 s2, $0x1;
	s30 =	smul.u32 $0x3, s1  }
0x6: {  	_ =	strace $0x8000004D;
	[dreg:$0x3] =	wrdreg s4;
	s2 =	ssub.s32 s2, s5  }
0x7: {  	v0 =	vimm.s32 $0x0;
	v1 =	vimm.s32 $0x1;
	s10 =	simm.s32 $0x2;
	v2 =	vlaneseq.u32;
	[dreg:$0x4] =	wrdreg s30;
	s31 =	smax.u32 s2, $0x1  }
0x8: {  	vm0 =	vcmask $0x300;
	vm1 =	vcmask $0x704;
	v3 =	vimm.s32 $0x80000000;
	s1 =	simm.s32 $0x0;
	s5 =	sadd.s32 $0x301800, s0;
	[dreg:$0x5] =	wrdreg s31  }
.LBB2_117:
0x9: {  	s1 =	rddreg [dreg:$0x6]  }
0xa: {  	s0 =	rddreg [dreg:$0x5];
	s1 =	sadd.s32 $0x1, s1  }
0xb: {  	p0 =	sne.s32 s1, s0  }
.Ltmp1:
0xc: {  	_ = 	snop;
	(pc) =	sbr.rel @!p0 .LBB2_118-.Ltmp1, $1  }
0xd: {  	_ =	sdelay $0x3  }
.LBB2_1:
.Ltmp2:
0xe: {  	(pc) =	sbr.rel .LBB2_2-.Ltmp2, $2  }
0xf: {  	_ =	sdelay $0x2  }
0x10: {  	[dreg:$0x6] =	wrdreg s1;
	s6 =	simm.s32 $0x0  }
.LBB2_116:
0x11: {  	s0 =	sshll.u32 s23, $0x9  }
0x12: {  	s1 =	sshll.u32 s16, $0x12;
	s0 =	sor.u32 s0, s24  }
0x13: {  	s2 =	sshll.u32 s22, $0x9;
	s0 =	sor.u32 s1, s0  }
0x14: {  	s25 =	sshll.u32 s17, $0x12;
	s24 =	sor.u32 s2, s18;
	v4 =	vmov s0  }
0x15: {  	s26 =	sor.u32 s25, s24;
	v4 =	vnsel vm0, $0x0, v4  }
0x16: {  	v4 =	vsel vm1, s26, v4  }
0x17: {  	vm2 =	vgt.s32 v4, $0xFFFFFFFF  }
0x18: {  	s28 =	rddreg [dreg:$0x8];
	v5 =	vsel vm2, $0xFFFFFFFF, v3  }
0x19: {  	s29 =	rddreg [dreg:$0x1];
	s0 =	sshll.u32 s28, $0x1;
	v4 =	vxor.u32 v4, v5  }
0x1a: {  	s30 =	simm.s32 $0x1C100;
	s31 =	simm.s32 $0x3;
	s0 =	sadd.s32 s29, s0;
	[tilespmem:$0x1C100] =	vst v4  }
0x1b: {  	[hbm4b:s0+s3] =	stream.linear.scatter [tilespmem:s30], [sflag:$0x3], $0x10, $0x38;
	[tilespmem:$0x1C180] =	vst v63  }
0x1c: {  	_ =	swait.ge [sflag:s31], $0x10  }
0x1d: {  	s6 =	rddreg [dreg:$0x7]  }
0x1e: {  	s6 =	sadd.s32 $0x1, s6  }
0x1f: {  	p0 =	sne.s32 s6, $0x3  }
.Ltmp3:
0x20: {  	_ = 	snop;
	(pc) =	sbr.rel @!p0 .LBB2_117-.Ltmp3, $3  }
0x21: {  	_ =	sdelay $0x1  }
0x22: {  	[sflag:s31] =	ssyncset.done $0x0  }
0x23: {  	s4 =	rddreg [dreg:$0x3];
	[sflag:s31] =	ssyncadd.s32 $0xFFFFFFF0  }
.LBB2_2:
0x24: {  	s1 =	simm.s32 $0x100;
	s0 =	simm.s32 $0x0  }
.LBB2_3:
0x25: {  	p0 =	sne.s32 s1, $0xFF00;
	[tilespmem:s0+$0x8030] =	vst v0;
	s2 =	smov.u32 s1;
	s1 =	sadd.s32 $0x100, s1  }
.Ltmp4:
0x26: {  	[tilespmem:s0+$0x8020] =	vst v0;
	(pc) =	sbr.rel @p0 .LBB2_3-.Ltmp4, $3  }
0x27: {  	[tilespmem:s0+$0x8000] =	vst v0  }
0x28: {  	[tilespmem:s0+$0x8010] =	vst v0;
	_ =	sdelay $0x1  }
0x29: {  	s0 =	sshra.s32 s2, $0x2  }
0x2a: {  	[tilespmem:s0+$0x8030] =	vst v0;
	s1 =	rddreg [dreg:$0x4]  }
0x2b: {  	[tilespmem:s0+$0x8020] =	vst v0;
	s15 =	sadd.s32 s1, s6  }
0x2c: {  	[tilespmem:s0+$0x8000] =	vst v0;
	s1 =	sshll.u32 s15, $0xE  }
0x2d: {  	[dreg:$0x7] =	wrdreg s6;
	[tilespmem:s0+$0x8010] =	vst v0;
	s2 =	simm.s32 $0x10;
	s0 =	sadd.s32 s4, s1  }
0x2e: {  	s6 =	simm.s32 $0x100;
	s1 =	simm.s32 $0x0;
	s7 =	sadd.s32 $0x0, s0  }
.LBB2_5:
0x2f: {  	[tilespmem:s1], [sflag:$0x1] =	stream.linear.gather [hbm4b:s7+s3], $0x80, $0x38;
	[tilespmem:$0x1C180] =	vst v63  }
0x30: {  	s7 =	smov.u32 s2;
	s1 =	smov.u32 s6;
	p0 =	seq.s32 s2, $0x7F0  }
.Ltmp5:
0x31: {  	s2 =	sadd.s32 $0x10, s2;
	(pc) =	sbr.rel @!p0 .LBB2_5-.Ltmp5, $2  }
0x32: {  	_ =	sdelay $0x2  }
0x33: {  	s6 =	sadd.s32 $0x100, s6;
	s7 =	sadd.s32 s7, s0  }
0x34: {  	[tilespmem:s1], [sflag:$0x1] =	stream.linear.gather [hbm4b:s7+s3], $0x80, $0x38;
	[tilespmem:$0x1C180] =	vst v63  }
0x35: {  	s31 =	sshll.u32 s15, $0x11  }
0x36: {  	s17 =	simm.s32 $0x0;
	s0 =	sor.u32 $0x4000, s31;
	s16 =	sor.u32 $0x8000, s31  }
.LBB2_7:
0x37: {  	s1 =	sshll.u32 s17, $0xF  }
0x38: {  	s1 =	sadd.s32 s0, s1  }
0x39: {  	s1 =	sshrl.u32 s1, $0x3  }
0x3a: {  	s2 =	simm.s32 $0x80;
	s1 =	sadd.s32 s4, s1  }
0x3b: {  	s6 =	simm.s32 $0x10;
	s7 =	simm.s32 $0x180;
	s11 =	sadd.s32 $0x0, s1  }
.LBB2_8:
0x3c: {  	[tilespmem:s2], [sflag:$0x2] =	stream.linear.gather [hbm4b:s11+s3], $0x80, $0x38;
	[tilespmem:$0x1C180] =	vst v63  }
0x3d: {  	s11 =	smov.u32 s6;
	s2 =	smov.u32 s7;
	p0 =	sne.s32 s6, $0x7F0  }
.Ltmp6:
0x3e: {  	s6 =	sadd.s32 $0x10, s6;
	(pc) =	sbr.rel @p0 .LBB2_8-.Ltmp6, $2  }
0x3f: {  	_ =	sdelay $0x2  }
0x40: {  	s7 =	sadd.s32 $0x100, s7;
	s11 =	sadd.s32 s11, s1  }
0x41: {  	[tilespmem:s2], [sflag:$0x2] =	stream.linear.gather [hbm4b:s11+s3], $0x80, $0x38;
	[tilespmem:$0x1C180] =	vst v63  }
0x42: {  	_ =	swait.ge [sflag:s8], $0x4000  }
0x43: {  	[sflag:s8] =	ssyncset.done $0x0  }
0x44: {  	s1 =	simm.s32 $0x0;
	s2 =	simm.s32 $0x0;
	[sflag:s8] =	ssyncadd.s32 $0xFFFFC000  }
.LBB2_10:
0x45: {  	s6 =	sand.u32 $0x40, s2;
	s7 =	sand.u32 $0x7F00, s1  }
0x46: {  	s6 =	sor.u32 s6, s7  }
0x47: {  	v4 =	vld [tilespmem:s6+$0x0];
	_ =	sdelay $0x4  }
0x48: {  	v5 =	vand.u32 $0xFFFF, v4  }
0x49: {  	v4 =	vshrl.u32 v4, $0x10;
	_ =	sdelay $0x3  }
0x4a: {  	[tilespmem:v5+s9+$0x0] =	vst.idx.add.s32.msk $0xffff, v1  }
0x4b: {  	[tilespmem:v4+s9+$0x0] =	vst.idx.add.s32.msk $0xffff, v1  }
0x4c: {  	v4 =	vld [tilespmem:s6+$0x10];
	_ =	sdelay $0x4  }
0x4d: {  	v5 =	vand.u32 $0xFFFF, v4  }
0x4e: {  	v4 =	vshrl.u32 v4, $0x10;
	_ =	sdelay $0x3  }
0x4f: {  	[tilespmem:v5+s9+$0x0] =	vst.idx.add.s32.msk $0xffff, v1  }
0x50: {  	[tilespmem:v4+s9+$0x0] =	vst.idx.add.s32.msk $0xffff, v1  }
0x51: {  	v4 =	vld [tilespmem:s6+$0x20];
	_ =	sdelay $0x4  }
0x52: {  	v5 =	vand.u32 $0xFFFF, v4  }
0x53: {  	v4 =	vshrl.u32 v4, $0x10;
	_ =	sdelay $0x3  }
0x54: {  	[tilespmem:v5+s9+$0x0] =	vst.idx.add.s32.msk $0xffff, v1  }
0x55: {  	[tilespmem:v4+s9+$0x0] =	vst.idx.add.s32.msk $0xffff, v1  }
0x56: {  	v4 =	vld [tilespmem:s6+$0x30];
	_ =	sdelay $0x4  }
0x57: {  	v5 =	vand.u32 $0xFFFF, v4  }
0x58: {  	p0 =	sne.s32 s2, $0x3FC0;
	v4 =	vshrl.u32 v4, $0x10  }
.Ltmp7:
0x59: {  	_ = 	snop;
	(pc) =	sbr.rel @p0 .LBB2_10-.Ltmp7, $3  }
0x5a: {  	_ =	sdelay $0x1  }
0x5b: {  	[tilespmem:v5+s9+$0x0] =	vst.idx.add.s32.msk $0xffff, v1  }
0x5c: {  	s1 =	sadd.s32 $0x80, s1;
	s2 =	sadd.s32 $0x40, s2;
	[tilespmem:v4+s9+$0x0] =	vst.idx.add.s32.msk $0xffff, v1  }
0x5d: {  	s1 =	sshll.u32 s17, $0x1  }
0x5e: {  	s1 =	smin.u32 s1, $0x5  }
0x5f: {  	s1 =	sshll.u32 s1, $0xE  }
0x60: {  	s1 =	sadd.s32 s1, s16  }
0x61: {  	s1 =	sshrl.u32 s1, $0x3  }
0x62: {  	s2 =	simm.s32 $0x0;
	s1 =	sadd.s32 s4, s1  }
0x63: {  	s6 =	simm.s32 $0x10;
	s7 =	simm.s32 $0x100;
	s11 =	sadd.s32 $0x0, s1  }
.LBB2_12:
0x64: {  	[tilespmem:s2], [sflag:$0x1] =	stream.linear.gather [hbm4b:s11+s3], $0x80, $0x38;
	[tilespmem:$0x1C180] =	vst v63  }
0x65: {  	s11 =	smov.u32 s6;
	s2 =	smov.u32 s7;
	p0 =	sne.s32 s6, $0x7F0  }
.Ltmp8:
0x66: {  	s6 =	sadd.s32 $0x10, s6;
	(pc) =	sbr.rel @p0 .LBB2_12-.Ltmp8, $2  }
0x67: {  	_ =	sdelay $0x2  }
0x68: {  	s7 =	sadd.s32 $0x100, s7;
	s11 =	sadd.s32 s11, s1  }
0x69: {  	[tilespmem:s2], [sflag:$0x1] =	stream.linear.gather [hbm4b:s11+s3], $0x80, $0x38;
	[tilespmem:$0x1C180] =	vst v63  }
0x6a: {  	_ =	swait.ge [sflag:s10], $0x4000  }
0x6b: {  	s1 =	simm.s32 $0x0;
	[sflag:s10] =	ssyncset.done $0x0  }
0x6c: {  	p0 =	por $0x0, $0x0;
	s2 =	simm.s32 $0x0;
	[sflag:s10] =	ssyncadd.s32 $0xFFFFC000  }
.LBB2_14:
0x6d: {  	s6 =	simm.s32 $0x1  }
0x6e: {  	s6 =	simm.s32 @!p0 $0x0  }
0x6f: {  	s6 =	sshll.u32 s6, $0x6  }
0x70: {  	s6 =	sadd.s32 s6, s1  }
0x71: {  	s7 =	sor.u32 $0x80, s6  }
0x72: {  	v4 =	vld [tilespmem:s7+$0x0];
	_ =	sdelay $0x4  }
0x73: {  	v5 =	vand.u32 $0xFFFF, v4  }
0x74: {  	v4 =	vshrl.u32 v4, $0x10;
	_ =	sdelay $0x3  }
0x75: {  	[tilespmem:v5+s9+$0x0] =	vst.idx.add.s32.msk $0xffff, v1  }
0x76: {  	s30 =	sor.u32 $0x90, s6;
	[tilespmem:v4+s9+$0x0] =	vst.idx.add.s32.msk $0xffff, v1  }
0x77: {  	v4 =	vld [tilespmem:s30+$0x0];
	_ =	sdelay $0x4  }
0x78: {  	v5 =	vand.u32 $0xFFFF, v4  }
0x79: {  	v4 =	vshrl.u32 v4, $0x10;
	_ =	sdelay $0x3  }
0x7a: {  	[tilespmem:v5+s9+$0x0] =	vst.idx.add.s32.msk $0xffff, v1  }
0x7b: {  	s31 =	sor.u32 $0xA0, s6;
	[tilespmem:v4+s9+$0x0] =	vst.idx.add.s32.msk $0xffff, v1  }
0x7c: {  	v4 =	vld [tilespmem:s31+$0x0];
	_ =	sdelay $0x4  }
0x7d: {  	v5 =	vand.u32 $0xFFFF, v4  }
0x7e: {  	v4 =	vshrl.u32 v4, $0x10;
	_ =	sdelay $0x3  }
0x7f: {  	[tilespmem:v5+s9+$0x0] =	vst.idx.add.s32.msk $0xffff, v1  }
0x80: {  	s6 =	sor.u32 $0xB0, s6;
	[tilespmem:v4+s9+$0x0] =	vst.idx.add.s32.msk $0xffff, v1  }
0x81: {  	v4 =	vld [tilespmem:s6+$0x0];
	_ =	sdelay $0x4  }
0x82: {  	v5 =	vand.u32 $0xFFFF, v4  }
0x83: {  	p1 =	sne.s32 s2, $0x3FC0;
	v4 =	vshrl.u32 v4, $0x10  }
.Ltmp9:
0x84: {  	_ = 	snop;
	(pc) =	sbr.rel @p1 .LBB2_14-.Ltmp9, $3  }
0x85: {  	_ =	sdelay $0x1  }
0x86: {  	[tilespmem:v5+s9+$0x0] =	vst.idx.add.s32.msk $0xffff, v1  }
0x87: {  	s2 =	sadd.s32 $0x40, s2;
	p0 =	por !p0, !p0;
	s1 =	sadd.s32 $0x80, s1;
	[tilespmem:v4+s9+$0x0] =	vst.idx.add.s32.msk $0xffff, v1  }
0x88: {  	s17 =	sadd.s32 $0x1, s17  }
0x89: {  	p0 =	sne.s32 s17, $0x4  }
.Ltmp10:
0x8a: {  	_ = 	snop;
	(pc) =	sbr.rel @p0 .LBB2_7-.Ltmp10, $1  }
0x8b: {  	_ =	sdelay $0x3  }
0x8c: {  	_ =	swait.ge [sflag:s8], $0x4000  }
0x8d: {  	[sflag:s8] =	ssyncset.done $0x0  }
0x8e: {  	s0 =	simm.s32 $0x8000;
	[sflag:s8] =	ssyncadd.s32 $0xFFFFC000  }
0x8f: {  	v5 =	vld [tilespmem:s0+$0x0];
	_ =	sdelay $0x3  }
0x90: {  	s26 =	simm.s32 $0x8010  }
0x91: {  	v7 =	vld [tilespmem:s26+$0x0];
	(xrf0) =	vadd.scan.msk.s32 $0xffff, v5;
	_ =	sdelay $0x4  }
0x92: {  	(xrf0) =	vadd.scan.msk.s32 $0xffff, v7  }
0x93: {  	v4, _, _ =	vpop (xrf0)  }
0x94: {  	(v2sf) =	vpush v4, $0xF;
	_ =	sdelay $0x3  }
0x95: {  	v8, _, _ =	vpop (xrf0)  }
0x96: {  	s29 =	simm.s32 $0x8020;
	(v2sf) =	vpush v8, $0xF  }
0x97: {  	v6 =	vld [tilespmem:s29+$0x0]  }
0x98: {  	s16 =	simm.s32 $0x0  }
0x99: {  	v4 =	vadd.s32 s16, v4  }
0x9a: {  	v9 =	vsub.s32 v4, v5  }
0x9b: {  	vm2 =	vgt.s32 v4, $0x147B;
	vm3 =	vlt.s32 v9, $0x147C  }
0x9c: {  	(xrf0) =	vadd.scan.msk.s32 $0xffff, v6;
	vm4 =	vgt.s32 v4, $0x3EB84;
	vm2 =	vmand vm2, vm3;
	vm3 =	vlt.s32 v9, $0x3EB85  }
0x9d: {  	v4 =	vnsel vm2, $0x0, v2;
	vm3 =	vmand vm4, vm3  }
0x9e: {  	v10 =	vnsel vm3, $0x0, v2;
	(xrf0) =	vadd.scan.msk.s32 $0xffff, v4;
	v4 =	vsub.s32 $0x3EB84, v9;
	v9 =	vsub.s32 $0x147B, v9  }
0x9f: {  	v11 =	vnsel vm2, $0x0, v5;
	(xrf0) =	vadd.scan.msk.s32 $0xffff, v10;
	v9 =	vnsel vm2, $0x0, v9  }
0xa0: {  	s1 =	simm.s32 $0x8030;
	v10 =	vnsel vm3, $0x0, v4;
	(xrf0) =	vadd.scan.msk.s32 $0xffff, v11;
	s30 =	spop (v2sf)  }
0xa1: {  	v4 =	vld [tilespmem:s1+$0x0];
	(xrf0) =	vadd.scan.msk.s32 $0xffff, v10;
	s0 =	sadd.s32 $0x0, s30  }
0xa2: {  	v5 =	vnsel vm3, $0x0, v5;
	(xrf0) =	vadd.scan.msk.s32 $0xffff, v9;
	v9, _, _ =	vpop (xrf0);
	v8 =	vadd.s32 s0, v8  }
0xa3: {  	(v2sf) =	vpush v9, $0xF;
	v10 =	vsub.s32 v8, v7  }
0xa4: {  	(xrf0) =	vadd.scan.msk.s32 $0xffff, v5;
	vm2 =	vgt.s32 v8, $0x147B;
	vm13 =	vlt.s32 v10, $0x147C  }
0xa5: {  	v5, _, _ =	vpop (xrf0);
	s31 =	spop (v2sf);
	vm3 =	vgt.s32 v8, $0x3EB84;
	vm14 =	vlt.s32 v10, $0x3EB85;
	vm2 =	vmand vm2, vm13  }
0xa6: {  	s26 =	sadd.s32 s0, s31;
	v8, _, _ =	vpop (xrf0);
	vm3 =	vmand vm3, vm14;
	(xrf0) =	vadd.scan.msk.s32 $0xffff, v4;
	v11 =	vnsel vm2, $0x0, v2  }
0xa7: {  	(v2sf) =	vpush v5, $0xF;
	v9 =	vadd.s32 s26, v9;
	v5, _, _ =	vpop (xrf0);
	v12 =	vnsel vm3, $0x0, v2;
	(xrf0) =	vadd.scan.msk.s32 $0xffff, v11  }
0xa8: {  	(v2sf) =	vpush v8, $0xF;
	v13 =	vnsel vm2, $0x0, v7;
	v8, _, _ =	vpop (xrf0);
	v11 =	vsub.s32 $0x3EB84, v10;
	(xrf0) =	vadd.scan.msk.s32 $0xffff, v12  }
0xa9: {  	s25 =	simm.s32 $0x10;
	s21 =	simm.s32 $0x20;
	(v2sf) =	vpush v5, $0xF;
	v5 =	vsub.s32 $0x147B, v10;
	v14, _, _ =	vpop (xrf0);
	v10 =	vnsel vm3, $0x0, v11;
	(xrf0) =	vadd.scan.msk.s32 $0xffff, v13  }
0xaa: {  	s19 =	simm.s32 $0x30;
	p0 =	por $0x1, $0x1;
	s28 =	simm.s32 $0x8040;
	(v2sf) =	vpush v8, $0xF;
	v11 =	vnsel vm2, $0x0, v5;
	vm2 =	vgt.s32 v9, $0x147B;
	v8, _, _ =	vpop (xrf0);
	(xrf0) =	vadd.scan.msk.s32 $0xffff, v10  }
0xab: {  	p1 =	por $0x1, $0x1;
	s20 =	simm.s32 $0x40;
	s2 =	simm.s32 $0x50;
	v5 =	vld [tilespmem:s28+$0x0];
	(v2sf) =	vpush v8, $0xF;
	v8 =	vnsel vm3, $0x0, v7;
	v10 =	vsub.s32 v9, v6;
	(xrf0) =	vadd.scan.msk.s32 $0xffff, v11  }
0xac: {  	s23 =	simm.s32 $0x0;
	s18 =	simm.s32 $0x0;
	s17 =	simm.s32 $0x0;
	vm3 =	vgt.s32 v9, $0x3EB84;
	(v2sf) =	vpush v14, $0xF;
	v7, _, _ =	vpop (xrf0);
	vm15 =	vlt.s32 v10, $0x147C  }
0xad: {  	s24 =	simm.s32 $0x0;
	s22 =	simm.s32 $0x0;
	p2 =	sgt.s32 s0, $0x147B;
	v11 =	vsub.s32 $0x147B, v10;
	(v2sf) =	vpush v7, $0xF;
	vm4 =	vmand vm2, vm15;
	v9, _, _ =	vpop (xrf0)  }
0xae: {  	p3 =	sgt.s32 s0, $0x3EB84;
	p5 =	slt.s32 s0, $0x3EB85;
	p0 =	por !p0, !p2;
	vm2 =	vlt.s32 v10, $0x3EB85;
	v10 =	vsub.s32 $0x3EB84, v10;
	v13, _, _ =	vpop (xrf0);
	(v2sf) =	vpush v9, $0xF  }
0xaf: {  	p1 =	por !p1, !p3;
	p2 =	slt.s32 s0, $0x147C;
	p3 =	sgt.s32 s26, $0x147B;
	(xrf0) =	vadd.scan.msk.s32 $0xffff, v8;
	v14 =	vnsel vm4, $0x0, v2;
	v15, _, _ =	vpop (xrf0);
	(v2sf) =	vpush v13, $0xF  }
0xb0: {  	p6 =	sgt.s32 s26, $0x3EB84;
	s0 =	simm.s32 $0x0;
	p4 =	por p0, p0;
	vm2 =	vmand vm3, vm2;
	(xrf0) =	vadd.scan.msk.s32 $0xffff, v5;
	v8 =	vnsel vm4, $0x0, v11;
	v13, _, _ =	vpop (xrf0);
	(v2sf) =	vpush v15, $0xF  }
0xb1: {  	p2 =	por !p2, !p3;
	p1 =	por p1, p1;
	p3 =	por !p5, !p6;
	v9 =	vnsel vm4, $0x0, v6;
	v12 =	vnsel vm2, $0x0, v2;
	v11 =	vnsel vm2, $0x0, v10;
	(xrf0) =	vadd.scan.msk.s32 $0xffff, v14;
	v10, _, _ =	vpop (xrf0)  }
.LBB2_17:
0xb2: {  	p0 =	sne.s32 s2, $0x3FF0;
	s6 =	spop (v2sf);
	p5 =	por !p1, !p1  }
0xb3: {  	s29 =	smov.u32 s19;
	s19 =	smov.u32 s20;
	p6 =	por p4, p4  }
0xb4: {  	p4 =	por p2, p2;
	p1 =	por p3, p3;
	s1 =	simm.s32 @!p0 $0x0  }
0xb5: {  	s28 =	sadd.s32 $0x10, s28;
	p2 =	slt.s32 s26, $0x147C;
	s1 =	simm.s32 @p0 $0x1  }
0xb6: {  	(xrf0) =	vadd.scan.msk.s32 $0xffff, v12;
	p3 =	slt.s32 s26, $0x3EB85;
	s26 =	sadd.s32 s26, s6;
	[smem:$0x7FD] =	sst s1  }
0xb7: {  	(v2sf) =	vpush v13, $0xF;
	p6 =	por !p6, !p6;
	s30 =	spop (v2sf);
	v12, _, _ =	vpop (xrf0);
	(xrf0) =	vadd.scan.msk.s32 $0xffff, v9;
	s31 =	sld [smem:$0x7FD]  }
0xb8: {  	v14 =	vnsel vm2, $0x0, v6;
	p0 =	sgt.s32 s26, $0x147B;
	s6 =	sadd.s32 s0, s30;
	s7 =	spop (v2sf);
	(v2sf) =	vpush v12, $0xF;
	(xrf0) =	vadd.scan.msk.s32 $0xffff, v11  }
0xb9: {  	v6 =	vmovc v4;
	v4 =	vmov v5;
	v5 =	vld [tilespmem:s28+$0x0];
	s16 =	smov.u32 @p6 s6;
	p2 =	por !p2, !p0;
	p0 =	sgt.s32 s26, $0x3EB84;
	v11 =	vadd.s32 s26, v7;
	(v2sf) =	vpush v10, $0xF;
	(xrf0) =	vadd.scan.msk.s32 $0xffff, v8  }
0xba: {  	s6 =	spop (v2sf);
	v7, _, _ =	vpop (xrf0);
	p3 =	por !p3, !p0;
	v12 =	vsub.s32 v11, v6;
	vm2 =	vgt.s32 v11, $0x147B;
	vm3 =	vgt.s32 v11, $0x3EB84;
	p0 =	seq.s32 s31, $0x1  }
.Ltmp11:
0xbb: {  	s23 =	smov.u32 @p6 s6;
	v9, _, _ =	vpop (xrf0);
	(v2sf) =	vpush v7, $0xF;
	vm4 =	vlt.s32 v12, $0x147C;
	v10 =	vsub.s32 $0x147B, v12;
	s6 =	spop (v2sf);
	(pc) =	sbr.rel @p0 .LBB2_17-.Ltmp11, $4  }
0xbc: {  	s0 =	sadd.s32 s0, s7;
	v11 =	vsub.s32 $0x3EB84, v12;
	v8, _, _ =	vpop (xrf0);
	vm4 =	vmand vm2, vm4;
	vm2 =	vlt.s32 v12, $0x3EB85;
	s18 =	smov.u32 @p5 s6;
	s6 =	spop (v2sf)  }
0xbd: {  	s20 =	smov.u32 s2;
	s17 =	smov.u32 @p5 s0;
	(xrf0) =	vadd.scan.msk.s32 $0xffff, v14;
	v14 =	vnsel vm4, $0x0, v2;
	vm2 =	vmand vm3, vm2;
	(v2sf) =	vpush v9, $0xF;
	v15, _, _ =	vpop (xrf0);
	s0 =	spop (v2sf)  }
0xbe: {  	s2 =	sadd.s32 $0x10, s2;
	(xrf0) =	vadd.scan.msk.s32 $0xffff, v5;
	v9 =	vnsel vm4, $0x0, v6;
	v12 =	vnsel vm2, $0x0, v2;
	(v2sf) =	vpush v8, $0xF;
	v13, _, _ =	vpop (xrf0);
	s22 =	smov.u32 @p5 s6;
	s24 =	smov.u32 @p6 s0  }
0xbf: {  	v11 =	vnsel vm2, $0x0, v11;
	v8 =	vnsel vm4, $0x0, v10;
	(xrf0) =	vadd.scan.msk.s32 $0xffff, v14;
	v10, _, _ =	vpop (xrf0);
	(v2sf) =	vpush v15, $0xF;
	s0 =	smov.u32 s25;
	s25 =	smov.u32 s21;
	s21 =	smov.u32 s29  }
0xc0: {  	_ =	sdelay $0x2  }
0xc1: {  	s1 =	spop (v2sf);
	(xrf0) =	vadd.scan.msk.s32 $0xffff, v12  }
0xc2: {  	(xrf0) =	vadd.scan.msk.s32 $0xffff, v9;
	s1 =	sadd.s32 s26, s1;
	s6 =	spop (v2sf)  }
0xc3: {  	(v2sf) =	vpush v13, $0xF;
	v6 =	vnsel vm2, $0x0, v6;
	(xrf0) =	vadd.scan.msk.s32 $0xffff, v11;
	v7 =	vadd.s32 s1, v7;
	s7 =	spop (v2sf)  }
0xc4: {  	v40, _, _ =	vpop (xrf0);
	(xrf0) =	vadd.scan.msk.s32 $0xffff, v8;
	v41 =	vsub.s32 v7, v4;
	s11 =	spop (v2sf);
	vm2 =	vgt.s32 v7, $0x147B;
	vm3 =	vgt.s32 v7, $0x3EB84  }
0xc5: {  	(v2sf) =	vpush v40, $0xF;
	v42, _, _ =	vpop (xrf0);
	(xrf0) =	vadd.scan.msk.s32 $0xffff, v6;
	vm4 =	vlt.s32 v41, $0x147C;
	v43 =	vsub.s32 $0x147B, v41;
	s12 =	spop (v2sf)  }
0xc6: {  	p0 =	por p4, p4;
	p5 =	slt.s32 s26, $0x147C;
	vm14 =	vlt.s32 v41, $0x3EB85;
	v8 =	vsub.s32 $0x3EB84, v41;
	(v2sf) =	vpush v10, $0xF;
	v44, _, _ =	vpop (xrf0);
	s13 =	spop (v2sf)  }
0xc7: {  	p4 =	slt.s32 s26, $0x3EB85;
	p1 =	por !p1, !p1;
	vm2 =	vmand vm2, vm4;
	vm3 =	vmand vm3, vm14;
	(v2sf) =	vpush v42, $0xF;
	v45, _, _ =	vpop (xrf0);
	s14 =	spop (v2sf)  }
0xc8: {  	p2 =	por p2, p2;
	p3 =	por p3, p3;
	v46 =	vnsel vm2, $0x0, v2;
	v48 =	vnsel vm2, $0x0, v4;
	(v2sf) =	vpush v44, $0xF;
	v47, _, _ =	vpop (xrf0);
	s2 =	spop (v2sf)  }
0xc9: {  	p0 =	por !p0, !p0;
	s6 =	sadd.s32 s0, s6;
	v49 =	vnsel vm3, $0x0, v2;
	v6 =	vnsel vm2, $0x0, v43;
	(xrf0) =	vadd.scan.msk.s32 $0xffff, v46;
	(v2sf) =	vpush v45, $0xF;
	v50, _, _ =	vpop (xrf0);
	s2 =	sadd.s32 s1, s2  }
0xca: {  	s31 =	sshll.u32 s15, $0xF;
	p6 =	sgt.s32 s1, $0x147B;
	s16 =	smov.u32 @p0 s6;
	v8 =	vnsel vm3, $0x0, v8;
	(xrf0) =	vadd.scan.msk.s32 $0xffff, v49;
	v51, _, _ =	vpop (xrf0);
	(v2sf) =	vpush v47, $0xF;
	v52 =	vadd.s32 s2, v42  }
0xcb: {  	s0 =	sadd.s32 s0, s7;
	p5 =	por !p5, !p6;
	p6 =	sgt.s32 s1, $0x3EB84;
	v4 =	vnsel vm3, $0x0, v4;
	(xrf0) =	vadd.scan.msk.s32 $0xffff, v48;
	(v2sf) =	vpush v50, $0xF;
	v53, _, _ =	vpop (xrf0);
	v54 =	vsub.s32 v52, v5  }
0xcc: {  	s23 =	smov.u32 @p0 s11;
	s17 =	smov.u32 @p1 s0;
	p4 =	por !p4, !p6;
	(xrf0) =	vadd.scan.msk.s32 $0xffff, v8;
	(v2sf) =	vpush v53, $0xF;
	vm2 =	vgt.s32 v52, $0x147B;
	vm3 =	vlt.s32 v54, $0x147C  }
0xcd: {  	p6 =	por p2, p2;
	p2 =	por p4, p4;
	p4 =	slt.s32 s1, $0x147C;
	(xrf0) =	vadd.scan.msk.s32 $0xffff, v6;
	vm15 =	vgt.s32 v52, $0x3EB84;
	vm2 =	vmand vm2, vm3;
	vm3 =	vlt.s32 v54, $0x3EB85  }
0xce: {  	p2 =	por !p2, !p2;
	s18 =	smov.u32 @p1 s12;
	s22 =	smov.u32 @p1 s13;
	(xrf0) =	vadd.scan.msk.s32 $0xffff, v4;
	v4 =	vnsel vm2, $0x0, v2;
	vm3 =	vmand vm15, vm3  }
0xcf: {  	p1 =	por p5, p5;
	p5 =	por !p6, !p6;
	s24 =	smov.u32 @p0 s14;
	v55, _, _ =	vpop (xrf0);
	v56 =	vnsel vm3, $0x0, v2;
	(xrf0) =	vadd.scan.msk.s32 $0xffff, v4;
	v4 =	vsub.s32 $0x3EB84, v54  }
0xd0: {  	p0 =	por !p3, !p3;
	p3 =	slt.s32 s1, $0x3EB85;
	(v2sf) =	vpush v51, $0xF;
	s11 =	spop (v2sf);
	v57, _, _ =	vpop (xrf0);
	v58 =	vnsel vm2, $0x0, v5;
	(xrf0) =	vadd.scan.msk.s32 $0xffff, v56;
	v4 =	vnsel vm3, $0x0, v4  }
0xd1: {  	p6 =	sgt.s32 s2, $0x147B;
	s0 =	sadd.s32 s25, s11;
	s12 =	spop (v2sf);
	v59 =	vsub.s32 $0x147B, v54;
	(v2sf) =	vpush v55, $0xF;
	v60, _, _ =	vpop (xrf0);
	(xrf0) =	vadd.scan.msk.s32 $0xffff, v58  }
0xd2: {  	p4 =	por !p4, !p6;
	p6 =	sgt.s32 s2, $0x3EB84;
	s16 =	smov.u32 @p5 s0;
	(v2sf) =	vpush v57, $0xF;
	v61, _, _ =	vpop (xrf0);
	v7 =	vnsel vm2, $0x0, v59;
	v5 =	vnsel vm3, $0x0, v5;
	(xrf0) =	vadd.scan.msk.s32 $0xffff, v4  }
0xd3: {  	s0 =	spop (v2sf);
	s1 =	sadd.s32 s25, s12;
	p3 =	por !p3, !p6;
	(v2sf) =	vpush v60, $0xF;
	v4, _, _ =	vpop (xrf0);
	(xrf0) =	vadd.scan.msk.s32 $0xffff, v7  }
0xd4: {  	p6 =	por p1, p1;
	s23 =	smov.u32 @p5 s0;
	s0 =	spop (v2sf);
	(v2sf) =	vpush v61, $0xF;
	v62, _, _ =	vpop (xrf0);
	(xrf0) =	vadd.scan.msk.s32 $0xffff, v5  }
0xd5: {  	p1 =	slt.s32 s2, $0x147C;
	s18 =	smov.u32 @p0 s0;
	s0 =	spop (v2sf);
	(v2sf) =	vpush v62, $0xF;
	v5, _, _ =	vpop (xrf0)  }
0xd6: {  	s17 =	smov.u32 @p0 s1;
	p3 =	por p3, p3;
	s1 =	spop (v2sf);
	(v2sf) =	vpush v4, $0xF;
	v4, _, _ =	vpop (xrf0)  }
0xd7: {  	p4 =	por p4, p4;
	p3 =	por !p3, !p3;
	s13 =	spop (v2sf);
	(v2sf) =	vpush v5, $0xF;
	v5, _, _ =	vpop (xrf0)  }
0xd8: {  	s22 =	smov.u32 @p0 s0;
	p0 =	slt.s32 s2, $0x3EB85;
	s14 =	spop (v2sf);
	(v2sf) =	vpush v4, $0xF;
	v4, _, _ =	vpop (xrf0)  }
0xd9: {  	s24 =	smov.u32 @p5 s1;
	p5 =	por !p6, !p6;
	s25 =	spop (v2sf);
	v63, _, _ =	vpop (xrf0);
	(v2sf) =	vpush v5, $0xF  }
0xda: {  	s1 =	sadd.s32 s2, s13;
	s0 =	sadd.s32 s21, s14;
	s2 =	spop (v2sf);
	(v2sf) =	vpush v4, $0xF;
	v4, _, _ =	vpop (xrf0)  }
0xdb: {  	p6 =	sgt.s32 s1, $0x147B;
	s16 =	smov.u32 @p5 s0;
	s7 =	spop (v2sf);
	(v2sf) =	vpush v4, $0xF  }
0xdc: {  	p1 =	por !p1, !p6;
	p6 =	sgt.s32 s1, $0x3EB84;
	s0 =	spop (v2sf);
	(v2sf) =	vpush v63, $0xF  }
0xdd: {  	s23 =	smov.u32 @p5 s2;
	s2 =	sadd.s32 s21, s25;
	p0 =	por !p0, !p6  }
0xde: {  	p1 =	por p1, p1;
	s21 =	sadd.s32 s5, s31;
	s18 =	smov.u32 @p2 s7  }
0xdf: {  	s17 =	smov.u32 @p2 s2;
	s6 =	spop (v2sf);
	s22 =	smov.u32 @p2 s0  }
0xe0: {  	s24 =	smov.u32 @p5 s6;
	p5 =	por p4, p4;
	s26 =	spop (v2sf)  }
0xe1: {  	p2 =	por !p5, !p5;
	s0 =	sadd.s32 s19, s26;
	s28 =	spop (v2sf)  }
0xe2: {  	p1 =	por p1, p1;
	s16 =	smov.u32 @p2 s0;
	s0 =	spop (v2sf)  }
0xe3: {  	p0 =	por p0, p0;
	s23 =	smov.u32 @p2 s0;
	s0 =	spop (v2sf)  }
0xe4: {  	s1 =	sadd.s32 s19, s28;
	s18 =	smov.u32 @p3 s0;
	s0 =	spop (v2sf)  }
0xe5: {  	p1 =	por !p1, !p1;
	s17 =	smov.u32 @p3 s1;
	s1 =	spop (v2sf)  }
0xe6: {  	p0 =	por !p0, !p0;
	s6 =	sadd.s32 $0x0, s21;
	s29 =	spop (v2sf)  }
0xe7: {  	s24 =	smov.u32 @p2 s1;
	s30 =	spop (v2sf);
	s1 =	sadd.s32 s20, s29  }
0xe8: {  	s22 =	smov.u32 @p3 s0;
	s2 =	spop (v2sf);
	s16 =	smov.u32 @p1 s1  }
0xe9: {  	s0 =	sadd.s32 s20, s30;
	s1 =	spop (v2sf);
	s23 =	smov.u32 @p1 s2  }
0xea: {  	s17 =	smov.u32 @p0 s0;
	s0 =	simm.s32 $0x0;
	s2 =	spop (v2sf)  }
0xeb: {  	s18 =	smov.u32 @p0 s1;
	s1 =	spop (v2sf);
	s22 =	smov.u32 @p0 s2  }
0xec: {  	s2 =	simm.s32 $0x100;
	s24 =	smov.u32 @p1 s1;
	s1 =	simm.s32 $0x10  }
.LBB2_19:
0xed: {  	[tilespmem:s0], [sflag:$0x1] =	stream.linear.gather [hbm4b:s6+s3], $0x80, $0x38;
	[tilespmem:$0x1C180] =	vst v63  }
0xee: {  	s6 =	smov.u32 s1;
	s0 =	smov.u32 s2;
	p0 =	seq.s32 s1, $0x7F0  }
.Ltmp12:
0xef: {  	s1 =	sadd.s32 $0x10, s1;
	(pc) =	sbr.rel @!p0 .LBB2_19-.Ltmp12, $2  }
0xf0: {  	_ =	sdelay $0x2  }
0xf1: {  	s2 =	sadd.s32 $0x100, s2;
	s6 =	sadd.s32 s6, s21  }
0xf2: {  	[tilespmem:s0], [sflag:$0x1] =	stream.linear.gather [hbm4b:s6+s3], $0x80, $0x38;
	[tilespmem:$0x1C180] =	vst v63  }
0xf3: {  	s31 =	sshll.u32 s15, $0x12;
	s0 =	simm.s32 $0x0;
	s1 =	simm.s32 $0x0  }
0xf4: {  	v5 =	vmov s16;
	v4 =	vmov s17;
	s25 =	simm.s32 $0x0;
	s19 =	sor.u32 $0x4000, s31;
	s20 =	sor.u32 $0x8000, s31  }
.LBB2_21:
0xf5: {  	s2 =	sshll.u32 s25, $0xF  }
0xf6: {  	s2 =	sadd.s32 s19, s2  }
0xf7: {  	s2 =	sshrl.u32 s2, $0x3  }
0xf8: {  	s6 =	simm.s32 $0x80;
	s2 =	sadd.s32 s5, s2  }
0xf9: {  	s7 =	simm.s32 $0x10;
	s11 =	simm.s32 $0x180;
	s12 =	sadd.s32 $0x0, s2  }
.LBB2_22:
0xfa: {  	[tilespmem:s6], [sflag:$0x2] =	stream.linear.gather [hbm4b:s12+s3], $0x80, $0x38;
	[tilespmem:$0x1C180] =	vst v63  }
0xfb: {  	s12 =	smov.u32 s7;
	s6 =	smov.u32 s11;
	p0 =	sne.s32 s7, $0x7F0  }
.Ltmp13:
0xfc: {  	s7 =	sadd.s32 $0x10, s7;
	(pc) =	sbr.rel @p0 .LBB2_22-.Ltmp13, $2  }
0xfd: {  	_ =	sdelay $0x2  }
0xfe: {  	s11 =	sadd.s32 $0x100, s11;
	s12 =	sadd.s32 s12, s2  }
0xff: {  	[tilespmem:s6], [sflag:$0x2] =	stream.linear.gather [hbm4b:s12+s3], $0x80, $0x38;
	[tilespmem:$0x1C180] =	vst v63  }
0x100: {  	s2 =	simm.s32 $0x0;
	_ =	swait.ge [sflag:s8], $0x4000  }
0x101: {  	s29 =	sand.u32 $0x40, s2;
	s2 =	sand.u32 $0x7F00, s2;
	[sflag:s8] =	ssyncset.done $0x0  }
0x102: {  	s2 =	sor.u32 s29, s2;
	[sflag:s8] =	ssyncadd.s32 $0xFFFFC000  }
0x103: {  	v6 =	vld [tilespmem:s2+$0x0];
	_ =	sdelay $0x4  }
0x104: {  	v7 =	vshrl.u32 v6, $0x12  }
0x105: {  	v6 =	vand.u32 $0x3FFFF, v6;
	vm2 =	veq.s32 v7, v5  }
0x106: {  	vm3 =	veq.s32 v7, v4;
	[tilespmem:s1+$0xC000] =	vst.msk vm2, v6;
	v7 =	vmpcnt.ones.xlane vm2  }
0x107: {  	[tilespmem:s0+$0x14080] =	vst.msk vm3, v6;
	v6 =	vmpcnt.ones.xlane vm3  }
0x108: {  	v8 =	vld [tilespmem:s2+$0x10];
	(v2sf) =	vpush v7, $0x0  }
0x109: {  	(v2sf) =	vpush v6, $0x0;
	_ =	sdelay $0x3  }
0x10a: {  	v6 =	vshrl.u32 v8, $0x12  }
0x10b: {  	vm2 =	veq.s32 v6, v5  }
0x10c: {  	vm3 =	veq.s32 v6, v4;
	v6 =	vmpcnt.ones.xlane vm2  }
0x10d: {  	v7 =	vmpcnt.ones.xlane vm3  }
0x10e: {  	(v2sf) =	vpush v6, $0x0  }
0x10f: {  	(v2sf) =	vpush v7, $0x0;
	_ =	sdelay $0x4  }
0x110: {  	s30 =	spop (v2sf)  }
0x111: {  	s1 =	sadd.s32 s1, s30;
	s31 =	spop (v2sf)  }
0x112: {  	p0 =	slt.s32 s1, $0x8000;
	s0 =	sadd.s32 s0, s31  }
0x113: {  	v6 =	vand.u32 $0x3FFFF, v8;
	s1 =	simm.s32 @!p0 $0x8000;
	p0 =	slt.s32 s0, $0x8000  }
0x114: {  	s0 =	simm.s32 @!p0 $0x8000;
	[tilespmem:s1+$0xC000] =	vst.msk vm2, v6  }
0x115: {  	[tilespmem:s0+$0x14080] =	vst.msk vm3, v6  }
0x116: {  	v6 =	vld [tilespmem:s2+$0x20];
	_ =	sdelay $0x2  }
0x117: {  	s4 =	spop (v2sf)  }
0x118: {  	s1 =	sadd.s32 s1, s4;
	s7 =	spop (v2sf)  }
0x119: {  	p0 =	slt.s32 s1, $0x8000;
	s0 =	sadd.s32 s0, s7;
	v7 =	vshrl.u32 v6, $0x12  }
0x11a: {  	v6 =	vand.u32 $0x3FFFF, v6;
	s1 =	simm.s32 @!p0 $0x8000;
	p0 =	slt.s32 s0, $0x8000;
	vm2 =	veq.s32 v7, v5  }
0x11b: {  	vm3 =	veq.s32 v7, v4;
	s0 =	simm.s32 @!p0 $0x8000;
	[tilespmem:s1+$0xC000] =	vst.msk vm2, v6;
	v7 =	vmpcnt.ones.xlane vm2  }
0x11c: {  	[tilespmem:s0+$0x14080] =	vst.msk vm3, v6;
	v6 =	vmpcnt.ones.xlane vm3  }
0x11d: {  	v8 =	vld [tilespmem:s2+$0x30];
	(v2sf) =	vpush v7, $0x0  }
0x11e: {  	(v2sf) =	vpush v6, $0x0;
	_ =	sdelay $0x3  }
0x11f: {  	v6 =	vshrl.u32 v8, $0x12  }
0x120: {  	vm2 =	veq.s32 v6, v5  }
0x121: {  	vm3 =	veq.s32 v6, v4;
	v6 =	vmpcnt.ones.xlane vm2  }
0x122: {  	v7 =	vmpcnt.ones.xlane vm3  }
0x123: {  	(v2sf) =	vpush v6, $0x0  }
0x124: {  	(v2sf) =	vpush v7, $0x0;
	_ =	sdelay $0x4  }
0x125: {  	s11 =	spop (v2sf)  }
0x126: {  	s1 =	sadd.s32 s1, s11;
	s12 =	spop (v2sf)  }
0x127: {  	s13 =	simm.s32 $0x40;
	p0 =	slt.s32 s1, $0x8000;
	s0 =	sadd.s32 s0, s12  }
0x128: {  	s26 =	simm.s32 $0x80;
	v6 =	vand.u32 $0x3FFFF, v8;
	s1 =	simm.s32 @!p0 $0x8000;
	p0 =	slt.s32 s0, $0x8000  }
0x129: {  	s14 =	sand.u32 $0x40, s13;
	s29 =	sand.u32 $0x7F00, s26;
	s0 =	simm.s32 @!p0 $0x8000;
	[tilespmem:s1+$0xC000] =	vst.msk vm2, v6  }
0x12a: {  	s28 =	sor.u32 s14, s29;
	[tilespmem:s0+$0x14080] =	vst.msk vm3, v6  }
0x12b: {  	v6 =	vld [tilespmem:s28+$0x0];
	_ =	sdelay $0x2  }
0x12c: {  	s30 =	spop (v2sf)  }
0x12d: {  	s1 =	sadd.s32 s1, s30;
	s31 =	spop (v2sf)  }
0x12e: {  	s6 =	simm.s32 $0x80;
	v7 =	vshrl.u32 v6, $0x12;
	v6 =	vand.u32 $0x3FFFF, v6;
	p1 =	slt.s32 s1, $0x8000;
	s2 =	sadd.s32 s0, s31  }
.LBB2_24:
0x12f: {  	s1 =	simm.s32 @!p1 $0x8000  }
0x130: {  	vm2 =	veq.s32 v7, v5;
	p1 =	slt.s32 s2, $0x8000;
	s29 =	smov.u32 s6;
	s0 =	sadd.s32 $0x40, s6  }
0x131: {  	p0 =	sne.s32 s6, $0x3FC0;
	vm3 =	veq.s32 v7, v4;
	[tilespmem:s1+$0xC000] =	vst.msk vm2, v6;
	v7 =	vmpcnt.ones.xlane vm2;
	s2 =	simm.s32 @!p1 $0x8000  }
0x132: {  	[tilespmem:s2+$0x14080] =	vst.msk vm3, v6;
	v6 =	vmpcnt.ones.xlane vm3  }
0x133: {  	v8 =	vld [tilespmem:s28+$0x10];
	(v2sf) =	vpush v7, $0x0  }
0x134: {  	(v2sf) =	vpush v6, $0x0;
	_ =	sdelay $0x3  }
0x135: {  	v6 =	vshrl.u32 v8, $0x12  }
0x136: {  	vm2 =	veq.s32 v6, v5  }
0x137: {  	vm3 =	veq.s32 v6, v4;
	v6 =	vmpcnt.ones.xlane vm2  }
0x138: {  	v7 =	vmpcnt.ones.xlane vm3  }
0x139: {  	(v2sf) =	vpush v6, $0x0  }
0x13a: {  	(v2sf) =	vpush v7, $0x0;
	_ =	sdelay $0x4  }
0x13b: {  	s6 =	spop (v2sf)  }
0x13c: {  	s1 =	sadd.s32 s1, s6;
	s6 =	spop (v2sf)  }
0x13d: {  	p1 =	slt.s32 s1, $0x8000;
	s2 =	sadd.s32 s2, s6  }
0x13e: {  	v6 =	vand.u32 $0x3FFFF, v8;
	s1 =	simm.s32 @!p1 $0x8000;
	p1 =	slt.s32 s2, $0x8000  }
0x13f: {  	s2 =	simm.s32 @!p1 $0x8000;
	[tilespmem:s1+$0xC000] =	vst.msk vm2, v6  }
0x140: {  	[tilespmem:s2+$0x14080] =	vst.msk vm3, v6  }
0x141: {  	v6 =	vld [tilespmem:s28+$0x20];
	_ =	sdelay $0x2  }
0x142: {  	s6 =	spop (v2sf)  }
0x143: {  	s1 =	sadd.s32 s1, s6;
	s6 =	spop (v2sf)  }
0x144: {  	p1 =	slt.s32 s1, $0x8000;
	s2 =	sadd.s32 s2, s6;
	v7 =	vshrl.u32 v6, $0x12  }
0x145: {  	v6 =	vand.u32 $0x3FFFF, v6;
	s1 =	simm.s32 @!p1 $0x8000;
	p1 =	slt.s32 s2, $0x8000;
	vm2 =	veq.s32 v7, v5  }
0x146: {  	vm3 =	veq.s32 v7, v4;
	s2 =	simm.s32 @!p1 $0x8000;
	[tilespmem:s1+$0xC000] =	vst.msk vm2, v6;
	v7 =	vmpcnt.ones.xlane vm2  }
0x147: {  	[tilespmem:s2+$0x14080] =	vst.msk vm3, v6;
	v6 =	vmpcnt.ones.xlane vm3  }
0x148: {  	v8 =	vld [tilespmem:s28+$0x30];
	(v2sf) =	vpush v7, $0x0  }
0x149: {  	(v2sf) =	vpush v6, $0x0;
	_ =	sdelay $0x3  }
0x14a: {  	v6 =	vshrl.u32 v8, $0x12  }
0x14b: {  	vm3 =	veq.s32 v6, v5;
	vm2 =	veq.s32 v6, v4  }
0x14c: {  	v6 =	vmpcnt.ones.xlane vm3;
	v7 =	vmpcnt.ones.xlane vm2;
	_ =	sdelay $0x1  }
0x14d: {  	(v2sf) =	vpush v6, $0x0  }
0x14e: {  	(v2sf) =	vpush v7, $0x0;
	_ =	sdelay $0x4  }
0x14f: {  	s6 =	spop (v2sf)  }
0x150: {  	s1 =	sadd.s32 s1, s6;
	s6 =	spop (v2sf)  }
0x151: {  	p1 =	slt.s32 s1, $0x8000;
	s2 =	sadd.s32 s2, s6  }
0x152: {  	s26 =	sadd.s32 $0x80, s26;
	v6 =	vand.u32 $0x3FFFF, v8;
	s1 =	simm.s32 @!p1 $0x8000;
	p1 =	slt.s32 s2, $0x8000  }
0x153: {  	s7 =	sand.u32 $0x7F00, s26;
	s6 =	sand.u32 $0x40, s29;
	s2 =	simm.s32 @!p1 $0x8000;
	[tilespmem:s1+$0xC000] =	vst.msk vm3, v6  }
0x154: {  	s28 =	sor.u32 s6, s7;
	[tilespmem:s2+$0x14080] =	vst.msk vm2, v6  }
0x155: {  	v6 =	vld [tilespmem:s28+$0x0]  }
.Ltmp14:
0x156: {  	(pc) =	sbr.rel @p0 .LBB2_24-.Ltmp14, $4  }
0x157: {  	_ = 	snop  }
0x158: {  	s6 =	spop (v2sf)  }
0x159: {  	s1 =	sadd.s32 s1, s6;
	s6 =	spop (v2sf)  }
0x15a: {  	v7 =	vshrl.u32 v6, $0x12;
	v6 =	vand.u32 $0x3FFFF, v6;
	p1 =	slt.s32 s1, $0x8000;
	s2 =	sadd.s32 s2, s6;
	s6 =	smov.u32 s0  }
0x15b: {  	vm2 =	veq.s32 v7, v5;
	s1 =	simm.s32 @!p1 $0x8000;
	p0 =	slt.s32 s2, $0x8000  }
0x15c: {  	vm3 =	veq.s32 v7, v4;
	[tilespmem:s1+$0xC000] =	vst.msk vm2, v6;
	v7 =	vmpcnt.ones.xlane vm2;
	s2 =	simm.s32 @!p0 $0x8000  }
0x15d: {  	[tilespmem:s2+$0x14080] =	vst.msk vm3, v6;
	v6 =	vmpcnt.ones.xlane vm3  }
0x15e: {  	v8 =	vld [tilespmem:s28+$0x10];
	(v2sf) =	vpush v7, $0x0  }
0x15f: {  	(v2sf) =	vpush v6, $0x0;
	_ =	sdelay $0x3  }
0x160: {  	v6 =	vshrl.u32 v8, $0x12  }
0x161: {  	vm2 =	veq.s32 v6, v5  }
0x162: {  	vm3 =	veq.s32 v6, v4;
	v6 =	vmpcnt.ones.xlane vm2  }
0x163: {  	v7 =	vmpcnt.ones.xlane vm3  }
0x164: {  	(v2sf) =	vpush v6, $0x0  }
0x165: {  	(v2sf) =	vpush v7, $0x0;
	_ =	sdelay $0x4  }
0x166: {  	s0 =	spop (v2sf)  }
0x167: {  	s0 =	sadd.s32 s1, s0;
	s12 =	spop (v2sf)  }
0x168: {  	p0 =	slt.s32 s0, $0x8000;
	s1 =	sadd.s32 s2, s12  }
0x169: {  	v6 =	vand.u32 $0x3FFFF, v8;
	s0 =	simm.s32 @!p0 $0x8000;
	p0 =	slt.s32 s1, $0x8000  }
0x16a: {  	s1 =	simm.s32 @!p0 $0x8000;
	[tilespmem:s0+$0xC000] =	vst.msk vm2, v6  }
0x16b: {  	[tilespmem:s1+$0x14080] =	vst.msk vm3, v6  }
0x16c: {  	v6 =	vld [tilespmem:s28+$0x20];
	_ =	sdelay $0x2  }
0x16d: {  	s13 =	spop (v2sf)  }
0x16e: {  	s0 =	sadd.s32 s0, s13;
	s14 =	spop (v2sf)  }
0x16f: {  	p0 =	slt.s32 s0, $0x8000;
	s1 =	sadd.s32 s1, s14;
	v7 =	vshrl.u32 v6, $0x12  }
0x170: {  	v6 =	vand.u32 $0x3FFFF, v6;
	s0 =	simm.s32 @!p0 $0x8000;
	p0 =	slt.s32 s1, $0x8000;
	vm2 =	veq.s32 v7, v5  }
0x171: {  	vm3 =	veq.s32 v7, v4;
	s1 =	simm.s32 @!p0 $0x8000;
	[tilespmem:s0+$0xC000] =	vst.msk vm2, v6  }
0x172: {  	[tilespmem:s1+$0x14080] =	vst.msk vm3, v6  }
0x173: {  	v6 =	vld [tilespmem:s28+$0x30];
	_ =	sdelay $0x2  }
0x174: {  	v7 =	vmpcnt.ones.xlane vm2;
	_ =	sdelay $0x1  }
0x175: {  	v62 =	vmpcnt.ones.xlane vm3;
	(v2sf) =	vpush v7, $0x0;
	v7 =	vshrl.u32 v6, $0x12  }
0x176: {  	vm2 =	veq.s32 v7, v5  }
0x177: {  	(v2sf) =	vpush v62, $0x0;
	vm3 =	veq.s32 v7, v4;
	v7 =	vmpcnt.ones.xlane vm2  }
0x178: {  	v63 =	vmpcnt.ones.xlane vm3  }
0x179: {  	(v2sf) =	vpush v7, $0x0  }
0x17a: {  	(v2sf) =	vpush v63, $0x0;
	_ =	sdelay $0x8  }
0x17b: {  	s29 =	sshll.u32 s25, $0x1  }
0x17c: {  	s6 =	smin.u32 s29, $0xD  }
0x17d: {  	s11 =	simm.s32 $0x100;
	s6 =	sshll.u32 s6, $0xE;
	s26 =	spop (v2sf)  }
0x17e: {  	s6 =	sadd.s32 s6, s20;
	s2 =	sadd.s32 s0, s26;
	s28 =	spop (v2sf)  }
0x17f: {  	s6 =	sshrl.u32 s6, $0x3;
	p0 =	slt.s32 s2, $0x8000;
	s7 =	sadd.s32 s1, s28  }
0x180: {  	s2 =	simm.s32 @!p0 $0x8000;
	p0 =	slt.s32 s7, $0x8000;
	s30 =	spop (v2sf)  }
0x181: {  	v6 =	vand.u32 $0x3FFFF, v6;
	s7 =	simm.s32 @!p0 $0x8000;
	s0 =	sadd.s32 s2, s30;
	s31 =	spop (v2sf)  }
0x182: {  	[tilespmem:s2+$0xC000] =	vst.msk vm2, v6;
	s2 =	sadd.s32 s5, s6;
	p0 =	slt.s32 s0, $0x8000;
	s1 =	sadd.s32 s7, s31  }
0x183: {  	s6 =	simm.s32 $0x0;
	s0 =	simm.s32 @!p0 $0x8000;
	p0 =	slt.s32 s1, $0x8000  }
0x184: {  	[tilespmem:s7+$0x14080] =	vst.msk vm3, v6;
	s7 =	simm.s32 $0x10;
	s12 =	sadd.s32 $0x0, s2;
	s1 =	simm.s32 @!p0 $0x8000  }
.LBB2_26:
0x185: {  	[tilespmem:s6], [sflag:$0x1] =	stream.linear.gather [hbm4b:s12+s3], $0x80, $0x38;
	[tilespmem:$0x1C180] =	vst v63  }
0x186: {  	s12 =	smov.u32 s7;
	s6 =	smov.u32 s11;
	p0 =	sne.s32 s7, $0x7F0  }
.Ltmp15:
0x187: {  	s7 =	sadd.s32 $0x10, s7;
	(pc) =	sbr.rel @p0 .LBB2_26-.Ltmp15, $2  }
0x188: {  	_ =	sdelay $0x2  }
0x189: {  	s11 =	sadd.s32 $0x100, s11;
	s12 =	sadd.s32 s12, s2  }
0x18a: {  	[tilespmem:s6], [sflag:$0x1] =	stream.linear.gather [hbm4b:s12+s3], $0x80, $0x38;
	[tilespmem:$0x1C180] =	vst v63  }
0x18b: {  	p0 =	por $0x0, $0x0;
	s2 =	simm.s32 $0x1  }
0x18c: {  	s2 =	simm.s32 @!p0 $0x0  }
0x18d: {  	_ =	swait.ge [sflag:s10], $0x4000;
	s2 =	sshll.u32 s2, $0x6  }
0x18e: {  	[sflag:s10] =	ssyncset.done $0x0;
	s2 =	sadd.s32 $0x0, s2  }
0x18f: {  	[sflag:s10] =	ssyncadd.s32 $0xFFFFC000;
	s26 =	sor.u32 $0x80, s2  }
0x190: {  	v6 =	vld [tilespmem:s26+$0x0];
	_ =	sdelay $0x4  }
0x191: {  	v7 =	vshrl.u32 v6, $0x12  }
0x192: {  	v6 =	vand.u32 $0x3FFFF, v6;
	vm2 =	veq.s32 v7, v5  }
0x193: {  	vm3 =	veq.s32 v7, v4;
	v7 =	vmpcnt.ones.xlane vm2;
	[tilespmem:s0+$0xC000] =	vst.msk vm2, v6  }
0x194: {  	s30 =	sor.u32 $0x90, s2;
	v8 =	vmpcnt.ones.xlane vm3;
	[tilespmem:s1+$0x14080] =	vst.msk vm3, v6  }
0x195: {  	(v2sf) =	vpush v7, $0x0;
	v6 =	vld [tilespmem:s30+$0x0]  }
0x196: {  	(v2sf) =	vpush v8, $0x0;
	_ =	sdelay $0x3  }
0x197: {  	v7 =	vshrl.u32 v6, $0x12  }
0x198: {  	vm2 =	veq.s32 v7, v5  }
0x199: {  	vm3 =	veq.s32 v7, v4;
	v7 =	vmpcnt.ones.xlane vm2  }
0x19a: {  	v8 =	vmpcnt.ones.xlane vm3  }
0x19b: {  	(v2sf) =	vpush v7, $0x0  }
0x19c: {  	(v2sf) =	vpush v8, $0x0;
	_ =	sdelay $0x4  }
0x19d: {  	s31 =	spop (v2sf)  }
0x19e: {  	s0 =	sadd.s32 s0, s31;
	s4 =	spop (v2sf)  }
0x19f: {  	p1 =	slt.s32 s0, $0x8000;
	s1 =	sadd.s32 s1, s4  }
0x1a0: {  	v6 =	vand.u32 $0x3FFFF, v6;
	s0 =	simm.s32 @!p1 $0x8000;
	p1 =	slt.s32 s1, $0x8000  }
0x1a1: {  	s1 =	simm.s32 @!p1 $0x8000;
	[tilespmem:s0+$0xC000] =	vst.msk vm2, v6  }
0x1a2: {  	s7 =	sor.u32 $0xA0, s2;
	[tilespmem:s1+$0x14080] =	vst.msk vm3, v6  }
0x1a3: {  	v6 =	vld [tilespmem:s7+$0x0];
	_ =	sdelay $0x2  }
0x1a4: {  	s11 =	spop (v2sf)  }
0x1a5: {  	s0 =	sadd.s32 s0, s11;
	s12 =	spop (v2sf)  }
0x1a6: {  	v7 =	vshrl.u32 v6, $0x12;
	p1 =	slt.s32 s0, $0x8000;
	s1 =	sadd.s32 s1, s12  }
0x1a7: {  	v6 =	vand.u32 $0x3FFFF, v6;
	vm2 =	veq.s32 v7, v5;
	s0 =	simm.s32 @!p1 $0x8000;
	p1 =	slt.s32 s1, $0x8000  }
0x1a8: {  	vm3 =	veq.s32 v7, v4;
	v8 =	vmpcnt.ones.xlane vm2;
	s1 =	simm.s32 @!p1 $0x8000;
	[tilespmem:s0+$0xC000] =	vst.msk vm2, v6  }
0x1a9: {  	s2 =	sor.u32 $0xB0, s2;
	[tilespmem:s1+$0x14080] =	vst.msk vm3, v6;
	v6 =	vmpcnt.ones.xlane vm3  }
0x1aa: {  	(v2sf) =	vpush v8, $0x0;
	v7 =	vld [tilespmem:s2+$0x0]  }
0x1ab: {  	(v2sf) =	vpush v6, $0x0;
	_ =	sdelay $0x3  }
0x1ac: {  	v6 =	vshrl.u32 v7, $0x12  }
0x1ad: {  	vm2 =	veq.s32 v6, v5  }
0x1ae: {  	vm3 =	veq.s32 v6, v4;
	v6 =	vmpcnt.ones.xlane vm2  }
0x1af: {  	v8 =	vmpcnt.ones.xlane vm3  }
0x1b0: {  	(v2sf) =	vpush v6, $0x0  }
0x1b1: {  	(v2sf) =	vpush v8, $0x0;
	_ =	sdelay $0x4  }
0x1b2: {  	s6 =	simm.s32 $0x1;
	s13 =	spop (v2sf)  }
0x1b3: {  	p0 =	por !p0, !p0;
	s0 =	sadd.s32 s0, s13;
	s14 =	spop (v2sf)  }
0x1b4: {  	s6 =	simm.s32 @!p0 $0x0;
	p1 =	slt.s32 s0, $0x8000;
	s1 =	sadd.s32 s1, s14  }
0x1b5: {  	s26 =	sshll.u32 s6, $0x6;
	v6 =	vand.u32 $0x3FFFF, v7;
	s0 =	simm.s32 @!p1 $0x8000;
	p1 =	slt.s32 s1, $0x8000  }
0x1b6: {  	s26 =	sadd.s32 $0x80, s26;
	s1 =	simm.s32 @!p1 $0x8000;
	[tilespmem:s0+$0xC000] =	vst.msk vm2, v6  }
0x1b7: {  	s2 =	sor.u32 $0x80, s26;
	[tilespmem:s1+$0x14080] =	vst.msk vm3, v6  }
0x1b8: {  	v6 =	vld [tilespmem:s2+$0x0];
	_ =	sdelay $0x2  }
0x1b9: {  	s30 =	spop (v2sf)  }
0x1ba: {  	s28 =	simm.s32 $0x80;
	s0 =	sadd.s32 s0, s30;
	s31 =	spop (v2sf)  }
0x1bb: {  	s29 =	simm.s32 $0x80;
	v7 =	vshrl.u32 v6, $0x12;
	v6 =	vand.u32 $0x3FFFF, v6;
	p2 =	slt.s32 s0, $0x8000;
	s1 =	sadd.s32 s1, s31  }
.LBB2_28:
0x1bc: {  	p1 =	sne.s32 s28, $0x3FC0;
	vm2 =	veq.s32 v7, v5;
	s0 =	simm.s32 @!p2 $0x8000;
	p2 =	slt.s32 s1, $0x8000  }
0x1bd: {  	s28 =	sadd.s32 $0x40, s28;
	vm3 =	veq.s32 v7, v4;
	[tilespmem:s0+$0xC000] =	vst.msk vm2, v6;
	v7 =	vmpcnt.ones.xlane vm2;
	s1 =	simm.s32 @!p2 $0x8000  }
0x1be: {  	s2 =	sor.u32 $0x90, s26;
	[tilespmem:s1+$0x14080] =	vst.msk vm3, v6;
	v6 =	vmpcnt.ones.xlane vm3  }
0x1bf: {  	v8 =	vld [tilespmem:s2+$0x0];
	(v2sf) =	vpush v7, $0x0  }
0x1c0: {  	(v2sf) =	vpush v6, $0x0;
	_ =	sdelay $0x3  }
0x1c1: {  	v6 =	vshrl.u32 v8, $0x12  }
0x1c2: {  	vm2 =	veq.s32 v6, v5  }
0x1c3: {  	vm3 =	veq.s32 v6, v4;
	v6 =	vmpcnt.ones.xlane vm2  }
0x1c4: {  	v7 =	vmpcnt.ones.xlane vm3  }
0x1c5: {  	(v2sf) =	vpush v6, $0x0  }
0x1c6: {  	(v2sf) =	vpush v7, $0x0;
	_ =	sdelay $0x4  }
0x1c7: {  	s2 =	spop (v2sf)  }
0x1c8: {  	s0 =	sadd.s32 s0, s2;
	s2 =	spop (v2sf)  }
0x1c9: {  	p2 =	slt.s32 s0, $0x8000;
	s1 =	sadd.s32 s1, s2  }
0x1ca: {  	v6 =	vand.u32 $0x3FFFF, v8;
	s0 =	simm.s32 @!p2 $0x8000;
	p2 =	slt.s32 s1, $0x8000  }
0x1cb: {  	s1 =	simm.s32 @!p2 $0x8000;
	[tilespmem:s0+$0xC000] =	vst.msk vm2, v6  }
0x1cc: {  	s2 =	sor.u32 $0xA0, s26;
	[tilespmem:s1+$0x14080] =	vst.msk vm3, v6  }
0x1cd: {  	v6 =	vld [tilespmem:s2+$0x0];
	_ =	sdelay $0x2  }
0x1ce: {  	s2 =	spop (v2sf)  }
0x1cf: {  	s0 =	sadd.s32 s0, s2;
	s2 =	spop (v2sf)  }
0x1d0: {  	p2 =	slt.s32 s0, $0x8000;
	s1 =	sadd.s32 s1, s2;
	v7 =	vshrl.u32 v6, $0x12  }
0x1d1: {  	v6 =	vand.u32 $0x3FFFF, v6;
	s0 =	simm.s32 @!p2 $0x8000;
	p2 =	slt.s32 s1, $0x8000;
	vm2 =	veq.s32 v7, v5  }
0x1d2: {  	vm3 =	veq.s32 v7, v4;
	s1 =	simm.s32 @!p2 $0x8000;
	[tilespmem:s0+$0xC000] =	vst.msk vm2, v6;
	v7 =	vmpcnt.ones.xlane vm2  }
0x1d3: {  	s2 =	sor.u32 $0xB0, s26;
	[tilespmem:s1+$0x14080] =	vst.msk vm3, v6;
	v6 =	vmpcnt.ones.xlane vm3  }
0x1d4: {  	v8 =	vld [tilespmem:s2+$0x0];
	(v2sf) =	vpush v7, $0x0  }
0x1d5: {  	(v2sf) =	vpush v6, $0x0;
	_ =	sdelay $0x3  }
0x1d6: {  	v6 =	vshrl.u32 v8, $0x12  }
0x1d7: {  	vm3 =	veq.s32 v6, v5;
	vm2 =	veq.s32 v6, v4  }
0x1d8: {  	v6 =	vmpcnt.ones.xlane vm3;
	v7 =	vmpcnt.ones.xlane vm2;
	_ =	sdelay $0x1  }
0x1d9: {  	(v2sf) =	vpush v6, $0x0  }
0x1da: {  	(v2sf) =	vpush v7, $0x0;
	_ =	sdelay $0x4  }
0x1db: {  	s29 =	sadd.s32 $0x80, s29;
	p0 =	por !p0, !p0;
	s2 =	spop (v2sf)  }
0x1dc: {  	s6 =	simm.s32 $0x1;
	s0 =	sadd.s32 s0, s2;
	s2 =	spop (v2sf)  }
0x1dd: {  	s6 =	simm.s32 @!p0 $0x0;
	p2 =	slt.s32 s0, $0x8000;
	s1 =	sadd.s32 s1, s2  }
0x1de: {  	v6 =	vand.u32 $0x3FFFF, v8;
	s2 =	sshll.u32 s6, $0x6;
	s0 =	simm.s32 @!p2 $0x8000;
	p2 =	slt.s32 s1, $0x8000  }
0x1df: {  	s26 =	sadd.s32 s2, s29;
	s1 =	simm.s32 @!p2 $0x8000;
	[tilespmem:s0+$0xC000] =	vst.msk vm3, v6  }
0x1e0: {  	s2 =	sor.u32 $0x80, s26;
	[tilespmem:s1+$0x14080] =	vst.msk vm2, v6  }
0x1e1: {  	v6 =	vld [tilespmem:s2+$0x0]  }
.Ltmp16:
0x1e2: {  	(pc) =	sbr.rel @p1 .LBB2_28-.Ltmp16, $4  }
0x1e3: {  	_ = 	snop  }
0x1e4: {  	s2 =	spop (v2sf)  }
0x1e5: {  	s0 =	sadd.s32 s0, s2;
	s2 =	spop (v2sf)  }
0x1e6: {  	v7 =	vshrl.u32 v6, $0x12;
	v6 =	vand.u32 $0x3FFFF, v6;
	p2 =	slt.s32 s0, $0x8000;
	s1 =	sadd.s32 s1, s2  }
0x1e7: {  	vm2 =	veq.s32 v7, v5;
	s0 =	simm.s32 @!p2 $0x8000;
	p0 =	slt.s32 s1, $0x8000  }
0x1e8: {  	vm3 =	veq.s32 v7, v4;
	[tilespmem:s0+$0xC000] =	vst.msk vm2, v6;
	v7 =	vmpcnt.ones.xlane vm2;
	s1 =	simm.s32 @!p0 $0x8000  }
0x1e9: {  	s2 =	sor.u32 $0x90, s26;
	[tilespmem:s1+$0x14080] =	vst.msk vm3, v6;
	v6 =	vmpcnt.ones.xlane vm3  }
0x1ea: {  	v8 =	vld [tilespmem:s2+$0x0];
	(v2sf) =	vpush v7, $0x0  }
0x1eb: {  	(v2sf) =	vpush v6, $0x0;
	_ =	sdelay $0x3  }
0x1ec: {  	v6 =	vshrl.u32 v8, $0x12  }
0x1ed: {  	vm2 =	veq.s32 v6, v5  }
0x1ee: {  	vm3 =	veq.s32 v6, v4;
	v6 =	vmpcnt.ones.xlane vm2  }
0x1ef: {  	v7 =	vmpcnt.ones.xlane vm3  }
0x1f0: {  	(v2sf) =	vpush v6, $0x0  }
0x1f1: {  	(v2sf) =	vpush v7, $0x0;
	_ =	sdelay $0x4  }
0x1f2: {  	s7 =	spop (v2sf)  }
0x1f3: {  	s0 =	sadd.s32 s0, s7;
	s11 =	spop (v2sf)  }
0x1f4: {  	p0 =	slt.s32 s0, $0x8000;
	s1 =	sadd.s32 s1, s11  }
0x1f5: {  	v6 =	vand.u32 $0x3FFFF, v8;
	s0 =	simm.s32 @!p0 $0x8000;
	p0 =	slt.s32 s1, $0x8000  }
0x1f6: {  	s1 =	simm.s32 @!p0 $0x8000;
	[tilespmem:s0+$0xC000] =	vst.msk vm2, v6  }
0x1f7: {  	s12 =	sor.u32 $0xA0, s26;
	[tilespmem:s1+$0x14080] =	vst.msk vm3, v6  }
0x1f8: {  	v6 =	vld [tilespmem:s12+$0x0];
	_ =	sdelay $0x2  }
0x1f9: {  	s13 =	spop (v2sf)  }
0x1fa: {  	s0 =	sadd.s32 s0, s13;
	s14 =	spop (v2sf)  }
0x1fb: {  	p0 =	slt.s32 s0, $0x8000;
	s1 =	sadd.s32 s1, s14;
	v7 =	vshrl.u32 v6, $0x12  }
0x1fc: {  	v6 =	vand.u32 $0x3FFFF, v6;
	s0 =	simm.s32 @!p0 $0x8000;
	p0 =	slt.s32 s1, $0x8000;
	vm2 =	veq.s32 v7, v5  }
0x1fd: {  	vm3 =	veq.s32 v7, v4;
	s1 =	simm.s32 @!p0 $0x8000;
	[tilespmem:s0+$0xC000] =	vst.msk vm2, v6  }
0x1fe: {  	s28 =	sor.u32 $0xB0, s26;
	[tilespmem:s1+$0x14080] =	vst.msk vm3, v6  }
0x1ff: {  	v6 =	vld [tilespmem:s28+$0x0];
	_ =	sdelay $0x2  }
0x200: {  	v7 =	vmpcnt.ones.xlane vm2;
	_ =	sdelay $0x1  }
0x201: {  	v62 =	vmpcnt.ones.xlane vm3;
	(v2sf) =	vpush v7, $0x0;
	v9 =	vshrl.u32 v6, $0x12  }
0x202: {  	vm2 =	veq.s32 v9, v5  }
0x203: {  	(v2sf) =	vpush v62, $0x0;
	vm3 =	veq.s32 v9, v4;
	v7 =	vmpcnt.ones.xlane vm2  }
0x204: {  	v63 =	vmpcnt.ones.xlane vm3  }
0x205: {  	(v2sf) =	vpush v7, $0x0  }
0x206: {  	(v2sf) =	vpush v63, $0x0;
	_ =	sdelay $0x9  }
0x207: {  	s29 =	spop (v2sf)  }
0x208: {  	s2 =	sadd.s32 s0, s29  }
0x209: {  	s25 =	sadd.s32 $0x1, s25;
	s30 =	spop (v2sf);
	p0 =	slt.s32 s2, $0x8000  }
0x20a: {  	p2 =	sne.s32 s25, $0x8;
	s6 =	sadd.s32 s1, s30;
	s2 =	simm.s32 @!p0 $0x8000  }
.Ltmp17:
0x20b: {  	p0 =	slt.s32 s6, $0x8000;
	s31 =	spop (v2sf);
	(pc) =	sbr.rel @p2 .LBB2_21-.Ltmp17, $4  }
0x20c: {  	s6 =	simm.s32 @!p0 $0x8000;
	s7 =	spop (v2sf)  }
0x20d: {  	v6 =	vand.u32 $0x3FFFF, v6;
	s1 =	sadd.s32 s2, s31;
	s0 =	sadd.s32 s6, s7  }
0x20e: {  	[tilespmem:s2+$0xC000] =	vst.msk vm2, v6;
	p0 =	slt.s32 s1, $0x8000;
	p1 =	slt.s32 s0, $0x8000  }
0x20f: {  	[tilespmem:s6+$0x14080] =	vst.msk vm3, v6;
	s1 =	simm.s32 @!p0 $0x8000;
	s0 =	simm.s32 @!p1 $0x8000  }
0x210: {  	p0 =	slt.s32 s23, $0x8001  }
.Ltmp18:
0x211: {  	_ = 	snop;
	(pc) =	sbr.rel @!p0 .LBB2_31-.Ltmp18, $4  }
0x212: {  	_ =	swait.ge [sflag:s8], $0x4000  }
0x213: {  	[sflag:s8] =	ssyncset.done $0x0  }
0x214: {  	[sflag:s8] =	ssyncadd.s32 $0xFFFFC000  }
0x215: {  	[dreg:$0x8] =	wrdreg s15;
	[tilespmem:$0x8000] =	vst v0  }
0x216: {  	[tilespmem:$0x8010] =	vst v0  }
0x217: {  	[tilespmem:$0x8020] =	vst v0  }
0x218: {  	[tilespmem:$0x8030] =	vst v0  }
0x219: {  	[tilespmem:$0x8040] =	vst v0  }
0x21a: {  	[tilespmem:$0x8050] =	vst v0  }
0x21b: {  	[tilespmem:$0x8060] =	vst v0  }
0x21c: {  	[tilespmem:$0x8070] =	vst v0  }
0x21d: {  	[tilespmem:$0x8080] =	vst v0  }
0x21e: {  	[tilespmem:$0x8090] =	vst v0  }
0x21f: {  	[tilespmem:$0x80A0] =	vst v0  }
0x220: {  	[tilespmem:$0x80B0] =	vst v0  }
0x221: {  	[tilespmem:$0x80C0] =	vst v0  }
0x222: {  	[tilespmem:$0x80D0] =	vst v0  }
0x223: {  	[tilespmem:$0x80E0] =	vst v0  }
0x224: {  	[tilespmem:$0x80F0] =	vst v0  }
0x225: {  	[tilespmem:$0x8100] =	vst v0  }
0x226: {  	[tilespmem:$0x8110] =	vst v0  }
0x227: {  	[tilespmem:$0x8120] =	vst v0  }
0x228: {  	[tilespmem:$0x8130] =	vst v0  }
0x229: {  	[tilespmem:$0x8140] =	vst v0  }
0x22a: {  	[tilespmem:$0x8150] =	vst v0  }
0x22b: {  	[tilespmem:$0x8160] =	vst v0  }
0x22c: {  	[tilespmem:$0x8170] =	vst v0  }
0x22d: {  	[tilespmem:$0x8180] =	vst v0  }
0x22e: {  	[tilespmem:$0x8190] =	vst v0  }
0x22f: {  	[tilespmem:$0x81A0] =	vst v0  }
0x230: {  	[tilespmem:$0x81B0] =	vst v0  }
0x231: {  	[tilespmem:$0x81C0] =	vst v0  }
0x232: {  	[tilespmem:$0x81D0] =	vst v0  }
0x233: {  	[tilespmem:$0x81E0] =	vst v0  }
0x234: {  	[tilespmem:$0x81F0] =	vst v0  }
0x235: {  	[tilespmem:$0x8200] =	vst v0  }
0x236: {  	[tilespmem:$0x8210] =	vst v0  }
0x237: {  	[tilespmem:$0x8220] =	vst v0  }
0x238: {  	[tilespmem:$0x8230] =	vst v0  }
0x239: {  	[tilespmem:$0x8240] =	vst v0  }
0x23a: {  	[tilespmem:$0x8250] =	vst v0  }
0x23b: {  	[tilespmem:$0x8260] =	vst v0  }
0x23c: {  	[tilespmem:$0x8270] =	vst v0  }
0x23d: {  	[tilespmem:$0x8280] =	vst v0  }
0x23e: {  	[tilespmem:$0x8290] =	vst v0  }
0x23f: {  	[tilespmem:$0x82A0] =	vst v0  }
0x240: {  	[tilespmem:$0x82B0] =	vst v0  }
0x241: {  	[tilespmem:$0x82C0] =	vst v0  }
0x242: {  	[tilespmem:$0x82D0] =	vst v0  }
0x243: {  	[tilespmem:$0x82E0] =	vst v0  }
0x244: {  	[tilespmem:$0x82F0] =	vst v0  }
0x245: {  	[tilespmem:$0x8300] =	vst v0  }
0x246: {  	[tilespmem:$0x8310] =	vst v0  }
0x247: {  	[tilespmem:$0x8320] =	vst v0  }
0x248: {  	[tilespmem:$0x8330] =	vst v0  }
0x249: {  	[tilespmem:$0x8340] =	vst v0  }
0x24a: {  	[tilespmem:$0x8350] =	vst v0  }
0x24b: {  	[tilespmem:$0x8360] =	vst v0  }
0x24c: {  	[tilespmem:$0x8370] =	vst v0  }
0x24d: {  	[tilespmem:$0x8380] =	vst v0  }
0x24e: {  	[tilespmem:$0x8390] =	vst v0;
	s0 =	sadd.s32 $0xF, s23  }
0x24f: {  	[tilespmem:$0x83A0] =	vst v0;
	p0 =	slt.s32 s23, $0x1;
	s1 =	sshra.s32 s0, $0x1F  }
.Ltmp19:
0x250: {  	[tilespmem:$0x83B0] =	vst v0;
	s1 =	sshrl.u32 s1, $0x1C;
	(pc) =	sbr.rel @p0 .LBB2_64-.Ltmp19, $4  }
0x251: {  	[tilespmem:$0x83C0] =	vst v0;
	s0 =	sadd.s32 s1, s0  }
0x252: {  	[tilespmem:$0x83D0] =	vst v0;
	s26 =	sshra.s32 s0, $0x4  }
0x253: {  	[tilespmem:$0x83E0] =	vst v0;
	p1 =	sgt.s32 s26, $0x1  }
0x254: {  	[tilespmem:$0x83F0] =	vst v0;
	v5 =	vmov s23;
	s26 =	simm.s32 @!p1 $0x1  }
0x255: {  	s0 =	sshll.u32 s26, $0x4;
	s1 =	simm.s32 $0xC000  }
0x256: {  	v6 =	vld [tilespmem:s1+$0x0];
	p1 =	seq.s32 s0, $0x10  }
.Ltmp20:
0x257: {  	_ = 	snop;
	(pc) =	sbr.rel @p1 .LBB2_63-.Ltmp20, $4  }
0x258: {  	s2 =	simm.s32 $0x0  }
0x259: {  	v7 =	vor.u32 s2, v2  }
0x25a: {  	vm2 =	vlt.s32 v7, v5  }
0x25b: {  	s2 =	simm.s32 $0x10;
	v6 =	vshrl.u32 v6, $0x9  }
.LBB2_62:
0x25c: {  	_ =	sdelay $0x3  }
0x25d: {  	[tilespmem:v6+s9+$0x0] =	vst.idx.add.s32.msk vm2, v1;
	s1 =	sadd.s32 $0x10, s1;
	s6 =	smov.u32 s2;
	s2 =	sadd.s32 $0x10, s2  }
0x25e: {  	v6 =	vld [tilespmem:s1+$0x0];
	p1 =	seq.s32 s0, s2  }
.Ltmp21:
0x25f: {  	(pc) =	sbr.rel @!p1 .LBB2_62-.Ltmp21, $4  }
0x260: {  	_ = 	snop  }
0x261: {  	v7 =	vor.u32 s6, v2  }
0x262: {  	vm2 =	vlt.s32 v7, v5  }
0x263: {  	v6 =	vshrl.u32 v6, $0x9  }
.LBB2_63:
0x264: {  	_ =	sdelay $0x4  }
0x265: {  	[tilespmem:v6+s9+$0x0] =	vst.idx.add.s32.msk vm2, v1  }
.LBB2_64:
0x266: {  	s0 =	simm.s32 $0x8000  }
0x267: {  	v7 =	vld [tilespmem:s0+$0x0];
	_ =	sdelay $0x4  }
0x268: {  	(xrf0) =	vadd.scan.msk.s32 $0xffff, v7;
	_ =	sdelay $0x3  }
0x269: {  	s12 =	simm.s32 $0x8010  }
0x26a: {  	v8 =	vld [tilespmem:s12+$0x0]  }
0x26b: {  	v9, _, _ =	vpop (xrf0)  }
0x26c: {  	(v2sf) =	vpush v9, $0xF;
	_ =	sdelay $0x2  }
0x26d: {  	(xrf0) =	vadd.scan.msk.s32 $0xffff, v8;
	_ =	sdelay $0x5  }
0x26e: {  	v10, _, _ =	vpop (xrf0)  }
0x26f: {  	(v2sf) =	vpush v10, $0xF;
	_ =	sdelay $0x1  }
0x270: {  	s13 =	simm.s32 $0x8020  }
0x271: {  	s23 =	simm.s32 $0x0;
	v11 =	vld [tilespmem:s13+$0x0]  }
0x272: {  	v9 =	vadd.s32 s23, v9  }
0x273: {  	v6 =	vmov s24;
	v12 =	vsub.s32 v9, v7;
	s1 =	spop (v2sf)  }
0x274: {  	vm3 =	vlt.s32 v6, v9;
	vm2 =	vge.s32 v6, v12;
	s29 =	sadd.s32 $0x0, s1  }
0x275: {  	s14 =	simm.s32 $0x8030;
	vm2 =	vmand vm3, vm2;
	v9 =	vadd.s32 s29, v10  }
0x276: {  	(xrf0) =	vadd.scan.msk.s32 $0xffff, v11;
	v7 =	vld [tilespmem:s14+$0x0];
	v62 =	vnsel vm2, $0x0, v2;
	v10 =	vsub.s32 v6, v12;
	v8 =	vsub.s32 v9, v8  }
0x277: {  	v10 =	vnsel vm2, $0x0, v10;
	vm3 =	vlt.s32 v6, v9;
	vm2 =	vge.s32 v6, v8  }
0x278: {  	(xrf0) =	vadd.scan.msk.s32 $0xffff, v62;
	vm2 =	vmand vm3, vm2  }
0x279: {  	(xrf0) =	vadd.scan.msk.s32 $0xffff, v10;
	v9 =	vnsel vm2, $0x0, v2;
	_ =	sdelay $0x1  }
0x27a: {  	(xrf0) =	vadd.scan.msk.s32 $0xffff, v7  }
0x27b: {  	v8 =	vsub.s32 v6, v8;
	(xrf0) =	vadd.scan.msk.s32 $0xffff, v9;
	v9, _, _ =	vpop (xrf0)  }
0x27c: {  	s25 =	spop (v2sf);
	v8 =	vnsel vm2, $0x0, v8;
	(v2sf) =	vpush v9, $0xF  }
0x27d: {  	s1 =	sadd.s32 s29, s25;
	(xrf0) =	vadd.scan.msk.s32 $0xffff, v8;
	v12, _, _ =	vpop (xrf0)  }
0x27e: {  	v10 =	vadd.s32 s1, v9;
	v9, _, _ =	vpop (xrf0);
	(v2sf) =	vpush v12, $0xF  }
0x27f: {  	v11 =	vsub.s32 v10, v11;
	(v2sf) =	vpush v9, $0xF;
	_ =	sdelay $0x1  }
0x280: {  	s15 =	simm.s32 $0x8040;
	vm3 =	vlt.s32 v6, v10;
	v9, _, _ =	vpop (xrf0)  }
0x281: {  	v8 =	vld [tilespmem:s15+$0x0];
	vm2 =	vge.s32 v6, v11;
	v10 =	vsub.s32 v6, v11;
	(v2sf) =	vpush v9, $0xF;
	v11, _, _ =	vpop (xrf0)  }
0x282: {  	(v2sf) =	vpush v11, $0xF;
	v11, _, _ =	vpop (xrf0)  }
0x283: {  	(v2sf) =	vpush v11, $0xF;
	_ =	sdelay $0x2  }
0x284: {  	s31 =	simm.s32 $0x10;
	s30 =	simm.s32 $0x30;
	s28 =	simm.s32 $0x40;
	vm2 =	vmand vm3, vm2;
	(xrf0) =	vadd.scan.msk.s32 $0xffff, v8  }
0x285: {  	s6 =	simm.s32 $0x0;
	s0 =	simm.s32 $0x20;
	s13 =	simm.s32 $0x8050;
	v63 =	vnsel vm2, $0x0, v2  }
0x286: {  	s12 =	simm.s32 $0x0;
	s14 =	simm.s32 $0x50;
	s25 =	simm.s32 $0x0;
	v10 =	vnsel vm2, $0x0, v10;
	(xrf0) =	vadd.scan.msk.s32 $0xffff, v63  }
0x287: {  	s7 =	smov.u32 s29;
	s11 =	smov.u32 s1;
	s2 =	smov.u32 s1;
	(xrf0) =	vadd.scan.msk.s32 $0xffff, v10  }
.LBB2_65:
0x288: {  	v10 =	vld [tilespmem:s13+$0x0];
	p1 =	seq.s32 s14, $0x1F0;
	s15 =	spop (v2sf)  }
0x289: {  	p2 =	sle.s32 s12, s24;
	p3 =	slt.s32 s24, s29;
	s1 =	sadd.s32 s1, s15  }
0x28a: {  	s29 =	smov.u32 s11;
	p2 =	por !p2, !p3;
	v11 =	vadd.s32 s1, v9;
	v9, _, _ =	vpop (xrf0);
	s12 =	spop (v2sf)  }
0x28b: {  	p2 =	por !p2, !p2;
	(v2sf) =	vpush v9, $0xF;
	v13 =	vsub.s32 v11, v7;
	s6 =	sadd.s32 s6, s12;
	s11 =	spop (v2sf);
	v7 =	vmov v8  }
.Ltmp22:
0x28c: {  	vm3 =	vlt.s32 v6, v11;
	vm2 =	vge.s32 v6, v13;
	v11 =	vsub.s32 v6, v13;
	v8, _, _ =	vpop (xrf0);
	s23 =	smov.u32 @p2 s6;
	s25 =	smov.u32 @p2 s11;
	(pc) =	sbr.rel @!p1 .LBB2_65-.Ltmp22, $4  }
0x28d: {  	s12 =	smov.u32 s7;
	s7 =	smov.u32 s2;
	s11 =	smov.u32 s1;
	(xrf0) =	vadd.scan.msk.s32 $0xffff, v10;
	vm2 =	vmand vm3, vm2;
	(v2sf) =	vpush v8, $0xF;
	v12, _, _ =	vpop (xrf0);
	v8 =	vmov v10  }
0x28e: {  	s2 =	smov.u32 s1;
	s6 =	smov.u32 s31;
	s31 =	smov.u32 s0;
	v10 =	vnsel vm2, $0x0, v2;
	v11 =	vnsel vm2, $0x0, v11;
	(v2sf) =	vpush v12, $0xF  }
0x28f: {  	s0 =	smov.u32 s30;
	s30 =	smov.u32 s28;
	s28 =	smov.u32 s14;
	(xrf0) =	vadd.scan.msk.s32 $0xffff, v10  }
0x290: {  	s13 =	sadd.s32 $0x10, s13;
	s14 =	sadd.s32 $0x10, s14;
	(xrf0) =	vadd.scan.msk.s32 $0xffff, v11  }
0x291: {  	_ =	sdelay $0x5  }
0x292: {  	s13 =	spop (v2sf)  }
0x293: {  	s13 =	sadd.s32 s1, s13;
	s14 =	spop (v2sf)  }
0x294: {  	v9 =	vadd.s32 s13, v9;
	s15 =	spop (v2sf)  }
0x295: {  	v7 =	vsub.s32 v9, v7;
	s4 =	spop (v2sf)  }
0x296: {  	v10, _, _ =	vpop (xrf0);
	vm3 =	vlt.s32 v6, v9;
	vm2 =	vge.s32 v6, v7;
	s1 =	sadd.s32 s13, s4  }
0x297: {  	vm2 =	vmand vm3, vm2;
	v61 =	vadd.s32 s1, v10  }
0x298: {  	v7 =	vsub.s32 v6, v7;
	v62 =	vnsel vm2, $0x0, v2;
	v8 =	vsub.s32 v61, v8  }
0x299: {  	v7 =	vnsel vm2, $0x0, v7;
	vm3 =	vlt.s32 v6, v61;
	vm2 =	vge.s32 v6, v8  }
0x29a: {  	(xrf0) =	vadd.scan.msk.s32 $0xffff, v62;
	vm2 =	vmand vm3, vm2  }
0x29b: {  	(xrf0) =	vadd.scan.msk.s32 $0xffff, v7;
	v7 =	vnsel vm2, $0x0, v2  }
0x29c: {  	v6 =	vsub.s32 v6, v8  }
0x29d: {  	v63, _, _ =	vpop (xrf0);
	v6 =	vnsel vm2, $0x0, v6;
	(xrf0) =	vadd.scan.msk.s32 $0xffff, v7  }
0x29e: {  	(v2sf) =	vpush v10, $0xF;
	v7, _, _ =	vpop (xrf0);
	(xrf0) =	vadd.scan.msk.s32 $0xffff, v6  }
0x29f: {  	(v2sf) =	vpush v63, $0xF;
	_ =	sdelay $0x1  }
0x2a0: {  	(v2sf) =	vpush v7, $0xF;
	v6, _, _ =	vpop (xrf0)  }
0x2a1: {  	(v2sf) =	vpush v6, $0xF;
	v6, _, _ =	vpop (xrf0)  }
0x2a2: {  	(v2sf) =	vpush v6, $0xF;
	v6, _, _ =	vpop (xrf0)  }
0x2a3: {  	(v2sf) =	vpush v6, $0xF;
	v6, _, _ =	vpop (xrf0)  }
0x2a4: {  	(v2sf) =	vpush v6, $0xF  }
0x2a5: {  	p1 =	sle.s32 s12, s24;
	p2 =	slt.s32 s24, s29  }
0x2a6: {  	p3 =	sle.s32 s7, s24;
	p6 =	slt.s32 s24, s11;
	p1 =	por !p1, !p2  }
0x2a7: {  	p2 =	por !p3, !p6;
	p3 =	sle.s32 s2, s24;
	s6 =	sadd.s32 s6, s14  }
0x2a8: {  	p1 =	por !p1, !p1;
	p2 =	por !p2, !p2;
	p4 =	slt.s32 s24, s13  }
0x2a9: {  	s23 =	smov.u32 @p1 s6;
	s25 =	smov.u32 @p1 s15;
	p1 =	por !p3, !p4  }
0x2aa: {  	p5 =	sle.s32 s13, s24;
	p1 =	por !p1, !p1;
	s29 =	spop (v2sf)  }
0x2ab: {  	p6 =	slt.s32 s24, s1;
	p4 =	sle.s32 s1, s24;
	s7 =	spop (v2sf)  }
0x2ac: {  	s6 =	sadd.s32 s31, s29;
	p3 =	por !p5, !p6;
	s4 =	spop (v2sf)  }
0x2ad: {  	s23 =	smov.u32 @p2 s6;
	s14 =	sadd.s32 s1, s4;
	s15 =	spop (v2sf)  }
0x2ae: {  	s25 =	smov.u32 @p2 s7;
	p5 =	slt.s32 s24, s14;
	s0 =	sadd.s32 s0, s15  }
0x2af: {  	p6 =	por !p4, !p5;
	s23 =	smov.u32 @p1 s0;
	s6 =	spop (v2sf)  }
.Ltmp23:
0x2b0: {  	s25 =	smov.u32 @p1 s6;
	s29 =	spop (v2sf);
	(pc) =	sbr.rel @p0 .LBB2_70-.Ltmp23, $4  }
0x2b1: {  	p1 =	por !p3, !p3;
	s0 =	sadd.s32 s30, s29;
	s6 =	spop (v2sf)  }
0x2b2: {  	s23 =	smov.u32 @p1 s0;
	s25 =	smov.u32 @p1 s6;
	s31 =	spop (v2sf)  }
0x2b3: {  	p1 =	por !p6, !p6;
	s0 =	sadd.s32 s28, s31;
	s1 =	spop (v2sf)  }
0x2b4: {  	s23 =	smov.u32 @p1 s0;
	s25 =	smov.u32 @p1 s1  }
0x2b5: {  	s1 =	simm.s32 $0xC000  }
0x2b6: {  	v7 =	vld [tilespmem:s1+$0x0];
	_ =	sdelay $0x1  }
0x2b7: {  	s0 =	sshll.u32 s26, $0x4  }
0x2b8: {  	p0 =	seq.s32 s0, $0x10  }
.Ltmp24:
0x2b9: {  	s2 =	simm.s32 $0x0;
	(pc) =	sbr.rel @p0 .LBB2_69-.Ltmp24, $4  }
0x2ba: {  	v6 =	vmov s23;
	v8 =	vor.u32 s2, v2;
	v9 =	vshrl.u32 v7, $0x9  }
0x2bb: {  	vm2 =	vlt.s32 v8, v5;
	vm3 =	veq.s32 v9, v6  }
0x2bc: {  	v7 =	vand.u32 $0x1FF, v7;
	vm2 =	vmand vm2, vm3  }
0x2bd: {  	s2 =	simm.s32 $0x10;
	v7 =	vor.u32 $0x200, v7  }
.LBB2_68:
0x2be: {  	_ =	sdelay $0x3  }
0x2bf: {  	[tilespmem:v7+s9+$0x0] =	vst.idx.add.s32.msk vm2, v1;
	s1 =	sadd.s32 $0x10, s1;
	s6 =	smov.u32 s2;
	s2 =	sadd.s32 $0x10, s2  }
0x2c0: {  	v7 =	vld [tilespmem:s1+$0x0];
	p0 =	seq.s32 s0, s2;
	_ =	sdelay $0x3  }
.Ltmp25:
0x2c1: {  	(pc) =	sbr.rel @!p0 .LBB2_68-.Ltmp25, $4  }
0x2c2: {  	v8 =	vor.u32 s6, v2;
	v9 =	vshrl.u32 v7, $0x9;
	v7 =	vand.u32 $0x1FF, v7  }
0x2c3: {  	vm2 =	vlt.s32 v8, v5;
	vm3 =	veq.s32 v9, v6  }
0x2c4: {  	vm2 =	vmand vm2, vm3  }
0x2c5: {  	v7 =	vor.u32 $0x200, v7  }
.LBB2_69:
0x2c6: {  	_ =	sdelay $0x4  }
0x2c7: {  	[tilespmem:v7+s9+$0x0] =	vst.idx.add.s32.msk vm2, v1  }
.LBB2_70:
0x2c8: {  	s24 =	simm.s32 $0x0  }
0x2c9: {  	s0 =	sand.u32 $0x1F0, s24  }
0x2ca: {  	v6 =	vld [tilespmem:s0+$0x8200];
	_ =	sdelay $0x4  }
0x2cb: {  	(xrf0) =	vadd.scan.msk.s32 $0xffff, v6;
	_ =	sdelay $0x1  }
0x2cc: {  	s28 =	simm.s32 $0x10  }
0x2cd: {  	s26 =	sand.u32 $0x1F0, s28  }
0x2ce: {  	v7 =	vld [tilespmem:s26+$0x8200];
	_ =	sdelay $0x1  }
0x2cf: {  	v8, _, _ =	vpop (xrf0)  }
0x2d0: {  	(v2sf) =	vpush v8, $0xF;
	_ =	sdelay $0x1  }
0x2d1: {  	(xrf0) =	vadd.scan.msk.s32 $0xffff, v7;
	_ =	sdelay $0x5  }
0x2d2: {  	v9, _, _ =	vpop (xrf0)  }
0x2d3: {  	s26 =	simm.s32 $0x20;
	(v2sf) =	vpush v9, $0xF  }
0x2d4: {  	s30 =	sand.u32 $0x1F0, s26  }
0x2d5: {  	v10 =	vld [tilespmem:s30+$0x8200];
	_ =	sdelay $0x1  }
0x2d6: {  	v8 =	vadd.s32 s24, v8  }
0x2d7: {  	v5 =	vmov s25;
	v11 =	vsub.s32 v8, v6  }
0x2d8: {  	s0 =	simm.s32 $0x30;
	vm3 =	vlt.s32 v5, v8;
	vm2 =	vle.s32 v11, v5;
	s2 =	spop (v2sf)  }
0x2d9: {  	s1 =	sand.u32 $0x1F0, s0;
	(xrf0) =	vadd.scan.msk.s32 $0xffff, v10;
	vm2 =	vmand vm3, vm2;
	s2 =	sadd.s32 $0x0, s2  }
0x2da: {  	v6 =	vld [tilespmem:s1+$0x8200];
	v8 =	vadd.s32 s2, v9;
	v9 =	vnsel vm2, $0x0, v2  }
0x2db: {  	(xrf0) =	vadd.scan.msk.s32 $0xffff, v9  }
0x2dc: {  	v7 =	vsub.s32 v8, v7  }
0x2dd: {  	vm3 =	vlt.s32 v5, v8;
	vm2 =	vle.s32 v7, v5  }
0x2de: {  	vm2 =	vmand vm3, vm2  }
0x2df: {  	(xrf0) =	vadd.scan.msk.s32 $0xffff, v6;
	v8, _, _ =	vpop (xrf0);
	v7 =	vnsel vm2, $0x0, v2  }
0x2e0: {  	(v2sf) =	vpush v8, $0xF;
	(xrf0) =	vadd.scan.msk.s32 $0xffff, v7  }
0x2e1: {  	s6 =	spop (v2sf);
	v11, _, _ =	vpop (xrf0)  }
0x2e2: {  	s12 =	sadd.s32 s2, s6;
	(v2sf) =	vpush v11, $0xF  }
0x2e3: {  	v9 =	vadd.s32 s12, v8  }
0x2e4: {  	s29 =	simm.s32 $0x40  }
0x2e5: {  	s31 =	sand.u32 $0x1F0, s29;
	v8, _, _ =	vpop (xrf0)  }
0x2e6: {  	v7 =	vld [tilespmem:s31+$0x8200];
	v10 =	vsub.s32 v9, v10;
	vm3 =	vlt.s32 v5, v9;
	(v2sf) =	vpush v8, $0xF;
	v9, _, _ =	vpop (xrf0)  }
0x2e7: {  	(v2sf) =	vpush v9, $0xF;
	_ =	sdelay $0x2  }
0x2e8: {  	vm2 =	vle.s32 v10, v5  }
0x2e9: {  	vm2 =	vmand vm3, vm2;
	(xrf0) =	vadd.scan.msk.s32 $0xffff, v7  }
0x2ea: {  	s14 =	simm.s32 $0x50;
	s13 =	simm.s32 $0x0;
	s11 =	simm.s32 $0x0;
	v10 =	vnsel vm2, $0x0, v2  }
0x2eb: {  	s7 =	smov.u32 s2;
	s6 =	smov.u32 s12;
	s1 =	smov.u32 s12;
	(xrf0) =	vadd.scan.msk.s32 $0xffff, v10  }
.LBB2_71:
0x2ec: {  	s15 =	sand.u32 $0x1F0, s14;
	p0 =	seq.s32 s14, $0x1F0;
	s30 =	smov.u32 s0  }
0x2ed: {  	s0 =	smov.u32 s29;
	s29 =	smov.u32 s14;
	v9 =	vld [tilespmem:s15+$0x8200];
	s15 =	spop (v2sf)  }
0x2ee: {  	s12 =	sadd.s32 s12, s15  }
0x2ef: {  	p1 =	slt.s32 s25, s2;
	p2 =	sle.s32 s11, s25;
	v10 =	vadd.s32 s12, v8;
	v8, _, _ =	vpop (xrf0);
	s15 =	spop (v2sf)  }
.Ltmp26:
0x2f0: {  	s11 =	smov.u32 s24;
	(v2sf) =	vpush v8, $0xF;
	v11 =	vsub.s32 v10, v6;
	s2 =	sadd.s32 s13, s15;
	v6 =	vmov v7;
	(pc) =	sbr.rel @!p0 .LBB2_71-.Ltmp26, $4  }
0x2f1: {  	vm3 =	vlt.s32 v5, v10;
	vm2 =	vle.s32 v11, v5;
	v7, _, _ =	vpop (xrf0);
	s11 =	smov.u32 @p1 s2;
	s2 =	smov.u32 s6  }
0x2f2: {  	s6 =	smov.u32 s12;
	(xrf0) =	vadd.scan.msk.s32 $0xffff, v9;
	vm2 =	vmand vm3, vm2;
	(v2sf) =	vpush v7, $0xF;
	s24 =	smov.u32 @p2 s11;
	v7 =	vmov v9;
	s11 =	smov.u32 s7  }
0x2f3: {  	s13 =	smov.u32 s28;
	s7 =	smov.u32 s1;
	s1 =	smov.u32 s12;
	v9 =	vnsel vm2, $0x0, v2  }
0x2f4: {  	s14 =	sadd.s32 $0x10, s14;
	s28 =	smov.u32 s26;
	s26 =	smov.u32 s30;
	(xrf0) =	vadd.scan.msk.s32 $0xffff, v9  }
0x2f5: {  	_ =	sdelay $0x6  }
0x2f6: {  	s14 =	spop (v2sf)  }
0x2f7: {  	s12 =	sadd.s32 s12, s14  }
0x2f8: {  	s4 =	spop (v2sf);
	v8 =	vadd.s32 s12, v8  }
0x2f9: {  	v6 =	vsub.s32 v8, v6;
	s15 =	spop (v2sf)  }
0x2fa: {  	v9, _, _ =	vpop (xrf0);
	vm3 =	vlt.s32 v5, v8;
	vm2 =	vle.s32 v6, v5;
	s15 =	sadd.s32 s12, s15  }
0x2fb: {  	vm2 =	vmand vm3, vm2;
	v6 =	vadd.s32 s15, v9  }
0x2fc: {  	v63 =	vnsel vm2, $0x0, v2;
	v7 =	vsub.s32 v6, v7  }
0x2fd: {  	(xrf0) =	vadd.scan.msk.s32 $0xffff, v63;
	vm3 =	vlt.s32 v5, v6;
	vm2 =	vle.s32 v7, v5  }
0x2fe: {  	vm2 =	vmand vm3, vm2  }
0x2ff: {  	v5 =	vnsel vm2, $0x0, v2  }
0x300: {  	(v2sf) =	vpush v9, $0xF;
	v6, _, _ =	vpop (xrf0);
	(xrf0) =	vadd.scan.msk.s32 $0xffff, v5  }
0x301: {  	(v2sf) =	vpush v6, $0xF;
	_ =	sdelay $0x1  }
0x302: {  	v5, _, _ =	vpop (xrf0)  }
0x303: {  	(v2sf) =	vpush v5, $0xF;
	_ =	sdelay $0x1  }
0x304: {  	v5, _, _ =	vpop (xrf0)  }
0x305: {  	(v2sf) =	vpush v5, $0xF;
	_ =	sdelay $0x3  }
0x306: {  	p0 =	slt.s32 s25, s2;
	s2 =	sadd.s32 s13, s4;
	s13 =	smov.u32 s24  }
0x307: {  	p1 =	sle.s32 s11, s25;
	s13 =	smov.u32 @p0 s2  }
0x308: {  	s24 =	smov.u32 @p1 s13;
	s11 =	spop (v2sf)  }
0x309: {  	p0 =	slt.s32 s25, s6;
	s6 =	smov.u32 s24;
	s2 =	sadd.s32 s28, s11  }
0x30a: {  	p1 =	sle.s32 s7, s25;
	s6 =	smov.u32 @p0 s2;
	s13 =	spop (v2sf)  }
0x30b: {  	s24 =	smov.u32 @p1 s6;
	s14 =	spop (v2sf)  }
0x30c: {  	p0 =	slt.s32 s25, s12;
	s7 =	smov.u32 s24;
	s6 =	sadd.s32 s26, s14  }
0x30d: {  	p1 =	sle.s32 s1, s25;
	s7 =	smov.u32 @p0 s6  }
0x30e: {  	s24 =	smov.u32 @p1 s7;
	s28 =	spop (v2sf)  }
0x30f: {  	p0 =	slt.s32 s25, s15;
	s1 =	smov.u32 s24;
	s0 =	sadd.s32 s0, s28  }
.Ltmp27:
0x310: {  	p1 =	sle.s32 s12, s25;
	s1 =	smov.u32 @p0 s0;
	(pc) =	sbr.rel .LBB2_73-.Ltmp27, $4  }
0x311: {  	s30 =	sadd.s32 s15, s13;
	s24 =	smov.u32 @p1 s1;
	s31 =	spop (v2sf)  }
0x312: {  	p0 =	slt.s32 s25, s30;
	s1 =	smov.u32 s24;
	s0 =	sadd.s32 s29, s31  }
0x313: {  	p1 =	sle.s32 s15, s25;
	s1 =	smov.u32 @p0 s0  }
0x314: {  	s24 =	smov.u32 @p1 s1  }
.LBB2_31:
0x315: {  	[tilespmem:$0x8010] =	vst v0  }
0x316: {  	[tilespmem:$0x8020] =	vst v0  }
0x317: {  	[tilespmem:$0x8030] =	vst v0  }
0x318: {  	[tilespmem:$0x8040] =	vst v0  }
0x319: {  	[tilespmem:$0x8050] =	vst v0  }
0x31a: {  	[tilespmem:$0x8060] =	vst v0  }
0x31b: {  	[tilespmem:$0x8070] =	vst v0  }
0x31c: {  	[tilespmem:$0x8080] =	vst v0  }
0x31d: {  	[tilespmem:$0x8090] =	vst v0  }
0x31e: {  	[tilespmem:$0x80A0] =	vst v0  }
0x31f: {  	[tilespmem:$0x80B0] =	vst v0  }
0x320: {  	[tilespmem:$0x80C0] =	vst v0  }
0x321: {  	[tilespmem:$0x80D0] =	vst v0  }
0x322: {  	[tilespmem:$0x80E0] =	vst v0  }
0x323: {  	[tilespmem:$0x80F0] =	vst v0  }
0x324: {  	[tilespmem:$0x8100] =	vst v0  }
0x325: {  	[tilespmem:$0x8110] =	vst v0  }
0x326: {  	[tilespmem:$0x8120] =	vst v0  }
0x327: {  	[tilespmem:$0x8130] =	vst v0  }
0x328: {  	[tilespmem:$0x8140] =	vst v0  }
0x329: {  	[tilespmem:$0x8150] =	vst v0  }
0x32a: {  	[tilespmem:$0x8160] =	vst v0  }
0x32b: {  	[tilespmem:$0x8170] =	vst v0  }
0x32c: {  	[tilespmem:$0x8180] =	vst v0  }
0x32d: {  	[tilespmem:$0x8190] =	vst v0  }
0x32e: {  	[tilespmem:$0x81A0] =	vst v0  }
0x32f: {  	[tilespmem:$0x81B0] =	vst v0  }
0x330: {  	[tilespmem:$0x81C0] =	vst v0  }
0x331: {  	[tilespmem:$0x81D0] =	vst v0  }
0x332: {  	[tilespmem:$0x81E0] =	vst v0  }
0x333: {  	[tilespmem:$0x81F0] =	vst v0  }
0x334: {  	[tilespmem:$0x8200] =	vst v0  }
0x335: {  	[tilespmem:$0x8210] =	vst v0  }
0x336: {  	[tilespmem:$0x8220] =	vst v0  }
0x337: {  	[tilespmem:$0x8230] =	vst v0  }
0x338: {  	[tilespmem:$0x8240] =	vst v0  }
0x339: {  	[tilespmem:$0x8250] =	vst v0  }
0x33a: {  	[tilespmem:$0x8260] =	vst v0  }
0x33b: {  	[tilespmem:$0x8270] =	vst v0  }
0x33c: {  	[tilespmem:$0x8280] =	vst v0  }
0x33d: {  	[tilespmem:$0x8290] =	vst v0  }
0x33e: {  	[tilespmem:$0x82A0] =	vst v0  }
0x33f: {  	[tilespmem:$0x82B0] =	vst v0  }
0x340: {  	[tilespmem:$0x82C0] =	vst v0  }
0x341: {  	[tilespmem:$0x82D0] =	vst v0  }
0x342: {  	[tilespmem:$0x82E0] =	vst v0  }
0x343: {  	[tilespmem:$0x82F0] =	vst v0  }
0x344: {  	[tilespmem:$0x8300] =	vst v0  }
0x345: {  	[tilespmem:$0x8310] =	vst v0  }
0x346: {  	[tilespmem:$0x8320] =	vst v0  }
0x347: {  	[tilespmem:$0x8330] =	vst v0  }
0x348: {  	[tilespmem:$0x8340] =	vst v0  }
0x349: {  	[tilespmem:$0x8350] =	vst v0  }
0x34a: {  	[tilespmem:$0x8360] =	vst v0  }
0x34b: {  	[tilespmem:$0x8370] =	vst v0  }
0x34c: {  	[tilespmem:$0x8380] =	vst v0  }
0x34d: {  	[tilespmem:$0x8390] =	vst v0  }
0x34e: {  	[tilespmem:$0x83A0] =	vst v0  }
0x34f: {  	[tilespmem:$0x83B0] =	vst v0  }
0x350: {  	[tilespmem:$0x83C0] =	vst v0  }
0x351: {  	[tilespmem:$0x83D0] =	vst v0  }
0x352: {  	[tilespmem:$0x83E0] =	vst v0;
	s23 =	simm.s32 $0x0;
	s0 =	simm.s32 $0x10  }
0x353: {  	[tilespmem:$0x83F0] =	vst v0;
	s6 =	sadd.s32 $0x0, s21;
	s1 =	simm.s32 $0x100;
	s2 =	simm.s32 $0x0  }
.LBB2_32:
0x354: {  	[tilespmem:s2], [sflag:$0x1] =	stream.linear.gather [hbm4b:s6+s23], $0x80, $0x38;
	[tilespmem:$0x1C180] =	vst v63  }
0x355: {  	s6 =	smov.u32 s0;
	s2 =	smov.u32 s1;
	p0 =	sne.s32 s0, $0x7F0  }
.Ltmp28:
0x356: {  	s0 =	sadd.s32 $0x10, s0;
	(pc) =	sbr.rel @p0 .LBB2_32-.Ltmp28, $2  }
0x357: {  	_ =	sdelay $0x2  }
0x358: {  	s1 =	sadd.s32 $0x100, s1;
	s6 =	sadd.s32 s6, s21  }
0x359: {  	[tilespmem:s2], [sflag:$0x1] =	stream.linear.gather [hbm4b:s6+s23], $0x80, $0x38;
	[tilespmem:$0x1C180] =	vst v63  }
.LBB2_34:
0x35a: {  	s0 =	sshll.u32 s23, $0xF  }
0x35b: {  	s0 =	sadd.s32 s19, s0  }
0x35c: {  	s0 =	sshrl.u32 s0, $0x3  }
0x35d: {  	s1 =	simm.s32 $0x80;
	s0 =	sadd.s32 s5, s0  }
0x35e: {  	s2 =	simm.s32 $0x10;
	s6 =	simm.s32 $0x180;
	s7 =	sadd.s32 $0x0, s0  }
.LBB2_35:
0x35f: {  	[tilespmem:s1], [sflag:$0x2] =	stream.linear.gather [hbm4b:s7+s3], $0x80, $0x38;
	[tilespmem:$0x1C180] =	vst v63  }
0x360: {  	s7 =	smov.u32 s2;
	s1 =	smov.u32 s6;
	p0 =	sne.s32 s2, $0x7F0  }
.Ltmp29:
0x361: {  	s2 =	sadd.s32 $0x10, s2;
	(pc) =	sbr.rel @p0 .LBB2_35-.Ltmp29, $2  }
0x362: {  	_ =	sdelay $0x2  }
0x363: {  	s6 =	sadd.s32 $0x100, s6;
	s7 =	sadd.s32 s7, s0  }
0x364: {  	[tilespmem:s1], [sflag:$0x2] =	stream.linear.gather [hbm4b:s7+s3], $0x80, $0x38;
	[tilespmem:$0x1C180] =	vst v63  }
0x365: {  	_ =	swait.ge [sflag:s8], $0x4000  }
0x366: {  	[sflag:s8] =	ssyncset.done $0x0  }
0x367: {  	s0 =	simm.s32 $0x0;
	s1 =	simm.s32 $0x0;
	[sflag:s8] =	ssyncadd.s32 $0xFFFFC000  }
.LBB2_37:
0x368: {  	s2 =	sand.u32 $0x40, s1;
	s6 =	sand.u32 $0x7F00, s0  }
0x369: {  	s2 =	sor.u32 s2, s6  }
0x36a: {  	v6 =	vld [tilespmem:s2+$0x0];
	_ =	sdelay $0x4  }
0x36b: {  	v7 =	vshrl.u32 v6, $0x12  }
0x36c: {  	v6 =	vshrl.u32 v6, $0x9;
	vm2 =	veq.s32 v7, v5  }
0x36d: {  	v6 =	vand.u32 $0x1FF, v6;
	_ =	sdelay $0x4  }
0x36e: {  	[tilespmem:v6+s9+$0x0] =	vst.idx.add.s32.msk vm2, v1  }
0x36f: {  	v6 =	vld [tilespmem:s2+$0x10];
	_ =	sdelay $0x4  }
0x370: {  	v7 =	vshrl.u32 v6, $0x12  }
0x371: {  	v6 =	vshrl.u32 v6, $0x9;
	vm2 =	veq.s32 v7, v5  }
0x372: {  	v6 =	vand.u32 $0x1FF, v6;
	_ =	sdelay $0x4  }
0x373: {  	[tilespmem:v6+s9+$0x0] =	vst.idx.add.s32.msk vm2, v1  }
0x374: {  	v6 =	vld [tilespmem:s2+$0x20];
	_ =	sdelay $0x4  }
0x375: {  	v7 =	vshrl.u32 v6, $0x12  }
0x376: {  	v6 =	vshrl.u32 v6, $0x9;
	vm2 =	veq.s32 v7, v5  }
0x377: {  	v6 =	vand.u32 $0x1FF, v6;
	_ =	sdelay $0x4  }
0x378: {  	[tilespmem:v6+s9+$0x0] =	vst.idx.add.s32.msk vm2, v1  }
0x379: {  	v6 =	vld [tilespmem:s2+$0x30];
	_ =	sdelay $0x4  }
0x37a: {  	v7 =	vshrl.u32 v6, $0x12  }
0x37b: {  	v6 =	vshrl.u32 v6, $0x9;
	vm2 =	veq.s32 v7, v5  }
0x37c: {  	p0 =	sne.s32 s1, $0x3FC0;
	v6 =	vand.u32 $0x1FF, v6  }
.Ltmp30:
0x37d: {  	_ = 	snop;
	(pc) =	sbr.rel @p0 .LBB2_37-.Ltmp30, $2  }
0x37e: {  	_ =	sdelay $0x2  }
0x37f: {  	s0 =	sadd.s32 $0x80, s0;
	s1 =	sadd.s32 $0x40, s1;
	[tilespmem:v6+s9+$0x0] =	vst.idx.add.s32.msk vm2, v1  }
0x380: {  	s0 =	sshll.u32 s23, $0x1  }
0x381: {  	s0 =	smin.u32 s0, $0xD  }
0x382: {  	s0 =	sshll.u32 s0, $0xE  }
0x383: {  	s0 =	sadd.s32 s0, s20  }
0x384: {  	s0 =	sshrl.u32 s0, $0x3  }
0x385: {  	s1 =	simm.s32 $0x0;
	s0 =	sadd.s32 s5, s0  }
0x386: {  	s2 =	simm.s32 $0x10;
	s6 =	simm.s32 $0x100;
	s7 =	sadd.s32 $0x0, s0  }
.LBB2_39:
0x387: {  	[tilespmem:s1], [sflag:$0x1] =	stream.linear.gather [hbm4b:s7+s3], $0x80, $0x38;
	[tilespmem:$0x1C180] =	vst v63  }
0x388: {  	s7 =	smov.u32 s2;
	s1 =	smov.u32 s6;
	p0 =	sne.s32 s2, $0x7F0  }
.Ltmp31:
0x389: {  	s2 =	sadd.s32 $0x10, s2;
	(pc) =	sbr.rel @p0 .LBB2_39-.Ltmp31, $2  }
0x38a: {  	_ =	sdelay $0x2  }
0x38b: {  	s6 =	sadd.s32 $0x100, s6;
	s7 =	sadd.s32 s7, s0  }
0x38c: {  	[tilespmem:s1], [sflag:$0x1] =	stream.linear.gather [hbm4b:s7+s3], $0x80, $0x38;
	[tilespmem:$0x1C180] =	vst v63  }
0x38d: {  	_ =	swait.ge [sflag:s10], $0x4000  }
0x38e: {  	s0 =	simm.s32 $0x0;
	[sflag:s10] =	ssyncset.done $0x0  }
0x38f: {  	p0 =	por $0x0, $0x0;
	s1 =	simm.s32 $0x0;
	[sflag:s10] =	ssyncadd.s32 $0xFFFFC000  }
.LBB2_41:
0x390: {  	s2 =	simm.s32 $0x1  }
0x391: {  	s2 =	simm.s32 @!p0 $0x0  }
0x392: {  	s2 =	sshll.u32 s2, $0x6  }
0x393: {  	s2 =	sadd.s32 s2, s0  }
0x394: {  	s6 =	sor.u32 $0x80, s2  }
0x395: {  	v6 =	vld [tilespmem:s6+$0x0];
	_ =	sdelay $0x4  }
0x396: {  	v7 =	vshrl.u32 v6, $0x12  }
0x397: {  	v6 =	vshrl.u32 v6, $0x9;
	vm2 =	veq.s32 v7, v5  }
0x398: {  	v6 =	vand.u32 $0x1FF, v6;
	_ =	sdelay $0x4  }
0x399: {  	s30 =	sor.u32 $0x90, s2;
	[tilespmem:v6+s9+$0x0] =	vst.idx.add.s32.msk vm2, v1  }
0x39a: {  	v6 =	vld [tilespmem:s30+$0x0];
	_ =	sdelay $0x4  }
0x39b: {  	v7 =	vshrl.u32 v6, $0x12  }
0x39c: {  	v6 =	vshrl.u32 v6, $0x9;
	vm2 =	veq.s32 v7, v5  }
0x39d: {  	v6 =	vand.u32 $0x1FF, v6;
	_ =	sdelay $0x4  }
0x39e: {  	s31 =	sor.u32 $0xA0, s2;
	[tilespmem:v6+s9+$0x0] =	vst.idx.add.s32.msk vm2, v1  }
0x39f: {  	v6 =	vld [tilespmem:s31+$0x0];
	_ =	sdelay $0x4  }
0x3a0: {  	v7 =	vshrl.u32 v6, $0x12  }
0x3a1: {  	v6 =	vshrl.u32 v6, $0x9;
	vm2 =	veq.s32 v7, v5  }
0x3a2: {  	v6 =	vand.u32 $0x1FF, v6;
	_ =	sdelay $0x4  }
0x3a3: {  	s2 =	sor.u32 $0xB0, s2;
	[tilespmem:v6+s9+$0x0] =	vst.idx.add.s32.msk vm2, v1  }
0x3a4: {  	v6 =	vld [tilespmem:s2+$0x0];
	_ =	sdelay $0x4  }
0x3a5: {  	v7 =	vshrl.u32 v6, $0x12  }
0x3a6: {  	v6 =	vshrl.u32 v6, $0x9;
	vm2 =	veq.s32 v7, v5  }
0x3a7: {  	p1 =	sne.s32 s1, $0x3FC0;
	v6 =	vand.u32 $0x1FF, v6  }
.Ltmp32:
0x3a8: {  	_ = 	snop;
	(pc) =	sbr.rel @p1 .LBB2_41-.Ltmp32, $2  }
0x3a9: {  	_ =	sdelay $0x2  }
0x3aa: {  	s1 =	sadd.s32 $0x40, s1;
	p0 =	por !p0, !p0;
	s0 =	sadd.s32 $0x80, s0;
	[tilespmem:v6+s9+$0x0] =	vst.idx.add.s32.msk vm2, v1  }
0x3ab: {  	s23 =	sadd.s32 $0x1, s23  }
0x3ac: {  	p0 =	sne.s32 s23, $0x8  }
.Ltmp33:
0x3ad: {  	_ = 	snop;
	(pc) =	sbr.rel @p0 .LBB2_34-.Ltmp33, $1  }
0x3ae: {  	_ =	sdelay $0x3  }
0x3af: {  	_ =	swait.ge [sflag:s8], $0x4000  }
0x3b0: {  	[sflag:s8] =	ssyncset.done $0x0  }
0x3b1: {  	s0 =	simm.s32 $0x8000;
	[sflag:s8] =	ssyncadd.s32 $0xFFFFC000  }
0x3b2: {  	v7 =	vld [tilespmem:s0+$0x0];
	_ =	sdelay $0x4  }
0x3b3: {  	(xrf0) =	vadd.scan.msk.s32 $0xffff, v7;
	_ =	sdelay $0x3  }
0x3b4: {  	s13 =	simm.s32 $0x8010  }
0x3b5: {  	v8 =	vld [tilespmem:s13+$0x0]  }
0x3b6: {  	v6, _, _ =	vpop (xrf0)  }
0x3b7: {  	(v2sf) =	vpush v6, $0xF;
	_ =	sdelay $0x2  }
0x3b8: {  	(xrf0) =	vadd.scan.msk.s32 $0xffff, v8;
	_ =	sdelay $0x5  }
0x3b9: {  	v9, _, _ =	vpop (xrf0)  }
0x3ba: {  	(v2sf) =	vpush v9, $0xF;
	_ =	sdelay $0x1  }
0x3bb: {  	s14 =	simm.s32 $0x8020  }
0x3bc: {  	s26 =	simm.s32 $0x0;
	v10 =	vld [tilespmem:s14+$0x0]  }
0x3bd: {  	v11 =	vadd.s32 s26, v6  }
0x3be: {  	v6 =	vmov s24;
	v12 =	vsub.s32 v11, v7;
	s1 =	spop (v2sf)  }
0x3bf: {  	vm3 =	vlt.s32 v6, v11;
	vm2 =	vge.s32 v6, v12;
	s13 =	sadd.s32 $0x0, s1  }
0x3c0: {  	s15 =	simm.s32 $0x8030;
	vm2 =	vmand vm3, vm2;
	v9 =	vadd.s32 s13, v9  }
0x3c1: {  	(xrf0) =	vadd.scan.msk.s32 $0xffff, v10;
	v7 =	vld [tilespmem:s15+$0x0];
	v11 =	vsub.s32 v6, v12;
	v62 =	vnsel vm2, $0x0, v2;
	v8 =	vsub.s32 v9, v8  }
0x3c2: {  	v11 =	vnsel vm2, $0x0, v11;
	vm3 =	vlt.s32 v6, v9;
	vm2 =	vge.s32 v6, v8  }
0x3c3: {  	(xrf0) =	vadd.scan.msk.s32 $0xffff, v62;
	vm2 =	vmand vm3, vm2  }
0x3c4: {  	(xrf0) =	vadd.scan.msk.s32 $0xffff, v11;
	v9 =	vnsel vm2, $0x0, v2;
	_ =	sdelay $0x1  }
0x3c5: {  	(xrf0) =	vadd.scan.msk.s32 $0xffff, v7  }
0x3c6: {  	v8 =	vsub.s32 v6, v8;
	(xrf0) =	vadd.scan.msk.s32 $0xffff, v9;
	v9, _, _ =	vpop (xrf0)  }
0x3c7: {  	s25 =	spop (v2sf);
	v8 =	vnsel vm2, $0x0, v8;
	(v2sf) =	vpush v9, $0xF  }
0x3c8: {  	s2 =	sadd.s32 s13, s25;
	(xrf0) =	vadd.scan.msk.s32 $0xffff, v8;
	v12, _, _ =	vpop (xrf0)  }
0x3c9: {  	v11 =	vadd.s32 s2, v9;
	v9, _, _ =	vpop (xrf0);
	(v2sf) =	vpush v12, $0xF  }
0x3ca: {  	(v2sf) =	vpush v9, $0xF;
	_ =	sdelay $0x1  }
0x3cb: {  	s23 =	simm.s32 $0x8040;
	v9, _, _ =	vpop (xrf0)  }
0x3cc: {  	v8 =	vld [tilespmem:s23+$0x0];
	v10 =	vsub.s32 v11, v10;
	vm3 =	vlt.s32 v6, v11;
	(v2sf) =	vpush v9, $0xF;
	v11, _, _ =	vpop (xrf0)  }
0x3cd: {  	(v2sf) =	vpush v11, $0xF;
	v11, _, _ =	vpop (xrf0)  }
0x3ce: {  	(v2sf) =	vpush v11, $0xF;
	_ =	sdelay $0x1  }
0x3cf: {  	s28 =	simm.s32 $0x10;
	s31 =	simm.s32 $0x30;
	vm2 =	vge.s32 v6, v10  }
0x3d0: {  	s29 =	simm.s32 $0x40;
	s12 =	simm.s32 $0x0;
	s6 =	simm.s32 $0x0;
	vm2 =	vmand vm3, vm2;
	(xrf0) =	vadd.scan.msk.s32 $0xffff, v8  }
0x3d1: {  	s7 =	simm.s32 $0x10;
	s0 =	simm.s32 $0x20;
	s14 =	simm.s32 $0x50;
	v10 =	vsub.s32 v6, v10;
	v63 =	vnsel vm2, $0x0, v2  }
0x3d2: {  	s15 =	simm.s32 $0x8050;
	s25 =	simm.s32 $0x0;
	s30 =	smov.u32 s13;
	v10 =	vnsel vm2, $0x0, v10;
	(xrf0) =	vadd.scan.msk.s32 $0xffff, v63  }
0x3d3: {  	s11 =	smov.u32 s2;
	s1 =	smov.u32 s2;
	s23 =	simm.s32 $0x0;
	(xrf0) =	vadd.scan.msk.s32 $0xffff, v10  }
.LBB2_44:
0x3d4: {  	v10 =	vld [tilespmem:s15+$0x0];
	p0 =	seq.s32 s14, $0x1F0;
	s4 =	spop (v2sf)  }
0x3d5: {  	p1 =	sle.s32 s12, s24;
	p2 =	slt.s32 s24, s13;
	s2 =	sadd.s32 s2, s4  }
0x3d6: {  	s13 =	smov.u32 s11;
	p1 =	por !p1, !p2;
	v11 =	vadd.s32 s2, v9;
	v9, _, _ =	vpop (xrf0);
	s4 =	spop (v2sf)  }
0x3d7: {  	p1 =	por !p1, !p1;
	(v2sf) =	vpush v9, $0xF;
	v13 =	vsub.s32 v11, v7;
	s4 =	sadd.s32 s6, s4;
	s6 =	spop (v2sf);
	v7 =	vmov v8  }
.Ltmp34:
0x3d8: {  	vm3 =	vlt.s32 v6, v11;
	vm2 =	vge.s32 v6, v13;
	v11 =	vsub.s32 v6, v13;
	v8, _, _ =	vpop (xrf0);
	s23 =	smov.u32 @p1 s4;
	s25 =	smov.u32 @p1 s6;
	(pc) =	sbr.rel @!p0 .LBB2_44-.Ltmp34, $4  }
0x3d9: {  	s12 =	smov.u32 s30;
	s30 =	smov.u32 s1;
	s11 =	smov.u32 s2;
	(xrf0) =	vadd.scan.msk.s32 $0xffff, v10;
	vm2 =	vmand vm3, vm2;
	(v2sf) =	vpush v8, $0xF;
	v12, _, _ =	vpop (xrf0);
	v8 =	vmov v10  }
0x3da: {  	s1 =	smov.u32 s2;
	s6 =	smov.u32 s7;
	s7 =	smov.u32 s0;
	v10 =	vnsel vm2, $0x0, v2;
	v11 =	vnsel vm2, $0x0, v11;
	(v2sf) =	vpush v12, $0xF  }
0x3db: {  	s0 =	smov.u32 s31;
	s31 =	smov.u32 s29;
	s29 =	smov.u32 s14;
	(xrf0) =	vadd.scan.msk.s32 $0xffff, v10  }
0x3dc: {  	s15 =	sadd.s32 $0x10, s15;
	s14 =	sadd.s32 $0x10, s14;
	(xrf0) =	vadd.scan.msk.s32 $0xffff, v11  }
0x3dd: {  	_ =	sdelay $0x5  }
0x3de: {  	s4 =	spop (v2sf)  }
0x3df: {  	s14 =	sadd.s32 s2, s4;
	s4 =	spop (v2sf)  }
0x3e0: {  	v9 =	vadd.s32 s14, v9;
	s15 =	spop (v2sf)  }
0x3e1: {  	v7 =	vsub.s32 v9, v7;
	s2 =	spop (v2sf)  }
0x3e2: {  	v10, _, _ =	vpop (xrf0);
	vm3 =	vlt.s32 v6, v9;
	vm2 =	vge.s32 v6, v7;
	s2 =	sadd.s32 s14, s2  }
0x3e3: {  	vm2 =	vmand vm3, vm2;
	v61 =	vadd.s32 s2, v10  }
0x3e4: {  	v7 =	vsub.s32 v6, v7;
	v62 =	vnsel vm2, $0x0, v2;
	v8 =	vsub.s32 v61, v8  }
0x3e5: {  	v7 =	vnsel vm2, $0x0, v7;
	vm3 =	vlt.s32 v6, v61;
	vm2 =	vge.s32 v6, v8  }
0x3e6: {  	(xrf0) =	vadd.scan.msk.s32 $0xffff, v62;
	vm2 =	vmand vm3, vm2  }
0x3e7: {  	(xrf0) =	vadd.scan.msk.s32 $0xffff, v7;
	v7 =	vnsel vm2, $0x0, v2  }
0x3e8: {  	v63, _, _ =	vpop (xrf0);
	v6 =	vsub.s32 v6, v8;
	(xrf0) =	vadd.scan.msk.s32 $0xffff, v7  }
0x3e9: {  	v6 =	vnsel vm2, $0x0, v6  }
0x3ea: {  	(v2sf) =	vpush v10, $0xF;
	v7, _, _ =	vpop (xrf0);
	(xrf0) =	vadd.scan.msk.s32 $0xffff, v6  }
0x3eb: {  	(v2sf) =	vpush v63, $0xF  }
0x3ec: {  	(v2sf) =	vpush v7, $0xF;
	v6, _, _ =	vpop (xrf0)  }
0x3ed: {  	(v2sf) =	vpush v6, $0xF;
	v6, _, _ =	vpop (xrf0)  }
0x3ee: {  	(v2sf) =	vpush v6, $0xF;
	v6, _, _ =	vpop (xrf0)  }
0x3ef: {  	(v2sf) =	vpush v6, $0xF  }
0x3f0: {  	v6, _, _ =	vpop (xrf0)  }
0x3f1: {  	(v2sf) =	vpush v6, $0xF  }
0x3f2: {  	p0 =	sle.s32 s12, s24;
	p1 =	slt.s32 s24, s13;
	p2 =	sle.s32 s30, s24  }
0x3f3: {  	p6 =	slt.s32 s24, s11;
	p3 =	sle.s32 s1, s24;
	p0 =	por !p0, !p1  }
0x3f4: {  	p1 =	por !p2, !p6;
	s4 =	sadd.s32 s6, s4;
	p0 =	por !p0, !p0  }
0x3f5: {  	p1 =	por !p1, !p1;
	p4 =	slt.s32 s24, s14;
	p5 =	sle.s32 s14, s24  }
0x3f6: {  	s23 =	smov.u32 @p0 s4;
	s25 =	smov.u32 @p0 s15;
	p0 =	por !p3, !p4  }
0x3f7: {  	p0 =	por !p0, !p0;
	s13 =	spop (v2sf);
	p6 =	slt.s32 s24, s2  }
0x3f8: {  	p4 =	sle.s32 s2, s24;
	s12 =	spop (v2sf);
	s4 =	sadd.s32 s7, s13  }
0x3f9: {  	p3 =	por !p5, !p6;
	s23 =	smov.u32 @p1 s4;
	s30 =	spop (v2sf)  }
0x3fa: {  	s25 =	smov.u32 @p1 s12;
	s13 =	sadd.s32 s2, s30;
	s15 =	spop (v2sf)  }
0x3fb: {  	p5 =	slt.s32 s24, s13;
	s0 =	sadd.s32 s0, s15;
	s4 =	spop (v2sf)  }
0x3fc: {  	s23 =	smov.u32 @p0 s0;
	s25 =	smov.u32 @p0 s4;
	s30 =	spop (v2sf)  }
0x3fd: {  	p0 =	por !p3, !p3;
	s0 =	sadd.s32 s31, s30;
	s4 =	spop (v2sf)  }
0x3fe: {  	p6 =	por !p4, !p5;
	s23 =	smov.u32 @p0 s0;
	s31 =	spop (v2sf)  }
0x3ff: {  	s25 =	smov.u32 @p0 s4;
	p0 =	por !p6, !p6;
	s0 =	sadd.s32 s29, s31  }
0x400: {  	s1 =	spop (v2sf);
	s23 =	smov.u32 @p0 s0  }
0x401: {  	s0 =	simm.s32 $0x100;
	s25 =	smov.u32 @p0 s1;
	s1 =	sadd.s32 $0x0, s21  }
.LBB2_46:
0x402: {  	[tilespmem:s26], [sflag:$0x1] =	stream.linear.gather [hbm4b:s1+s3], $0x80, $0x38;
	[tilespmem:$0x1C180] =	vst v63  }
0x403: {  	s1 =	smov.u32 s28;
	s26 =	smov.u32 s0;
	p0 =	seq.s32 s28, $0x7F0  }
.Ltmp35:
0x404: {  	s28 =	sadd.s32 $0x10, s28;
	(pc) =	sbr.rel @!p0 .LBB2_46-.Ltmp35, $2  }
0x405: {  	_ =	sdelay $0x2  }
0x406: {  	s0 =	sadd.s32 $0x100, s0;
	s1 =	sadd.s32 s1, s21  }
0x407: {  	[tilespmem:s26], [sflag:$0x1] =	stream.linear.gather [hbm4b:s1+s3], $0x80, $0x38;
	[tilespmem:$0x1C180] =	vst v63  }
0x408: {  	v6 =	vmov s23;
	s24 =	simm.s32 $0x0  }
.LBB2_48:
0x409: {  	s0 =	sshll.u32 s24, $0xF  }
0x40a: {  	s0 =	sadd.s32 s19, s0  }
0x40b: {  	s0 =	sshrl.u32 s0, $0x3  }
0x40c: {  	s1 =	simm.s32 $0x80;
	s0 =	sadd.s32 s5, s0  }
0x40d: {  	s2 =	simm.s32 $0x10;
	s6 =	simm.s32 $0x180;
	s7 =	sadd.s32 $0x0, s0  }
.LBB2_49:
0x40e: {  	[tilespmem:s1], [sflag:$0x2] =	stream.linear.gather [hbm4b:s7+s3], $0x80, $0x38;
	[tilespmem:$0x1C180] =	vst v63  }
0x40f: {  	s4 =	smov.u32 s2;
	s1 =	smov.u32 s6;
	p0 =	sne.s32 s2, $0x7F0  }
.Ltmp36:
0x410: {  	s2 =	sadd.s32 $0x10, s2;
	(pc) =	sbr.rel @p0 .LBB2_49-.Ltmp36, $2  }
0x411: {  	_ =	sdelay $0x2  }
0x412: {  	s6 =	sadd.s32 $0x100, s6;
	s7 =	sadd.s32 s4, s0  }
0x413: {  	[tilespmem:s1], [sflag:$0x2] =	stream.linear.gather [hbm4b:s7+s3], $0x80, $0x38;
	[tilespmem:$0x1C180] =	vst v63  }
0x414: {  	_ =	swait.ge [sflag:s8], $0x4000  }
0x415: {  	[sflag:s8] =	ssyncset.done $0x0  }
0x416: {  	s0 =	simm.s32 $0x0;
	s1 =	simm.s32 $0x0;
	[sflag:s8] =	ssyncadd.s32 $0xFFFFC000  }
.LBB2_51:
0x417: {  	s2 =	sand.u32 $0x40, s1;
	s4 =	sand.u32 $0x7F00, s0  }
0x418: {  	s2 =	sor.u32 s2, s4  }
0x419: {  	v7 =	vld [tilespmem:s2+$0x0];
	_ =	sdelay $0x4  }
0x41a: {  	v8 =	vshrl.u32 v7, $0x9  }
0x41b: {  	v9 =	vshrl.u32 v7, $0x12;
	v8 =	vand.u32 $0x1FF, v8  }
0x41c: {  	vm2 =	veq.s32 v9, v5;
	vm3 =	veq.s32 v8, v6  }
0x41d: {  	v7 =	vand.u32 $0x1FF, v7;
	vm2 =	vmand vm2, vm3  }
0x41e: {  	v7 =	vor.u32 $0x200, v7;
	_ =	sdelay $0x4  }
0x41f: {  	[tilespmem:v7+s9+$0x0] =	vst.idx.add.s32.msk vm2, v1  }
0x420: {  	v7 =	vld [tilespmem:s2+$0x10];
	_ =	sdelay $0x4  }
0x421: {  	v8 =	vshrl.u32 v7, $0x9  }
0x422: {  	v61 =	vshrl.u32 v7, $0x12;
	v8 =	vand.u32 $0x1FF, v8  }
0x423: {  	vm2 =	veq.s32 v61, v5;
	vm3 =	veq.s32 v8, v6  }
0x424: {  	v7 =	vand.u32 $0x1FF, v7;
	vm2 =	vmand vm2, vm3  }
0x425: {  	v7 =	vor.u32 $0x200, v7;
	_ =	sdelay $0x4  }
0x426: {  	[tilespmem:v7+s9+$0x0] =	vst.idx.add.s32.msk vm2, v1  }
0x427: {  	v7 =	vld [tilespmem:s2+$0x20];
	_ =	sdelay $0x4  }
0x428: {  	v8 =	vshrl.u32 v7, $0x9  }
0x429: {  	v62 =	vshrl.u32 v7, $0x12;
	v8 =	vand.u32 $0x1FF, v8  }
0x42a: {  	vm2 =	veq.s32 v62, v5;
	vm3 =	veq.s32 v8, v6  }
0x42b: {  	v7 =	vand.u32 $0x1FF, v7;
	vm2 =	vmand vm2, vm3  }
0x42c: {  	v7 =	vor.u32 $0x200, v7;
	_ =	sdelay $0x4  }
0x42d: {  	[tilespmem:v7+s9+$0x0] =	vst.idx.add.s32.msk vm2, v1  }
0x42e: {  	v7 =	vld [tilespmem:s2+$0x30];
	_ =	sdelay $0x4  }
0x42f: {  	v8 =	vshrl.u32 v7, $0x9  }
0x430: {  	v63 =	vshrl.u32 v7, $0x12;
	v8 =	vand.u32 $0x1FF, v8  }
0x431: {  	vm2 =	veq.s32 v63, v5;
	vm3 =	veq.s32 v8, v6  }
0x432: {  	v7 =	vand.u32 $0x1FF, v7;
	vm2 =	vmand vm2, vm3  }
0x433: {  	p0 =	sne.s32 s1, $0x3FC0;
	v7 =	vor.u32 $0x200, v7  }
.Ltmp37:
0x434: {  	_ = 	snop;
	(pc) =	sbr.rel @p0 .LBB2_51-.Ltmp37, $2  }
0x435: {  	_ =	sdelay $0x2  }
0x436: {  	s0 =	sadd.s32 $0x80, s0;
	s1 =	sadd.s32 $0x40, s1;
	[tilespmem:v7+s9+$0x0] =	vst.idx.add.s32.msk vm2, v1  }
0x437: {  	s0 =	sshll.u32 s24, $0x1  }
0x438: {  	s0 =	smin.u32 s0, $0xD  }
0x439: {  	s0 =	sshll.u32 s0, $0xE  }
0x43a: {  	s0 =	sadd.s32 s0, s20  }
0x43b: {  	s0 =	sshrl.u32 s0, $0x3  }
0x43c: {  	s1 =	simm.s32 $0x0;
	s0 =	sadd.s32 s5, s0  }
0x43d: {  	s2 =	simm.s32 $0x10;
	s6 =	simm.s32 $0x100;
	s7 =	sadd.s32 $0x0, s0  }
.LBB2_53:
0x43e: {  	[tilespmem:s1], [sflag:$0x1] =	stream.linear.gather [hbm4b:s7+s3], $0x80, $0x38;
	[tilespmem:$0x1C180] =	vst v63  }
0x43f: {  	s4 =	smov.u32 s2;
	s1 =	smov.u32 s6;
	p0 =	sne.s32 s2, $0x7F0  }
.Ltmp38:
0x440: {  	s2 =	sadd.s32 $0x10, s2;
	(pc) =	sbr.rel @p0 .LBB2_53-.Ltmp38, $2  }
0x441: {  	_ =	sdelay $0x2  }
0x442: {  	s6 =	sadd.s32 $0x100, s6;
	s7 =	sadd.s32 s4, s0  }
0x443: {  	[tilespmem:s1], [sflag:$0x1] =	stream.linear.gather [hbm4b:s7+s3], $0x80, $0x38;
	[tilespmem:$0x1C180] =	vst v63  }
0x444: {  	_ =	swait.ge [sflag:s10], $0x4000  }
0x445: {  	s0 =	simm.s32 $0x0;
	[sflag:s10] =	ssyncset.done $0x0  }
0x446: {  	p0 =	por $0x0, $0x0;
	s1 =	simm.s32 $0x0;
	[sflag:s10] =	ssyncadd.s32 $0xFFFFC000  }
.LBB2_55:
0x447: {  	s2 =	simm.s32 $0x1  }
0x448: {  	s2 =	simm.s32 @!p0 $0x0  }
0x449: {  	s2 =	sshll.u32 s2, $0x6  }
0x44a: {  	s2 =	sadd.s32 s2, s0  }
0x44b: {  	s4 =	sor.u32 $0x80, s2  }
0x44c: {  	v7 =	vld [tilespmem:s4+$0x0];
	_ =	sdelay $0x4  }
0x44d: {  	v8 =	vshrl.u32 v7, $0x9  }
0x44e: {  	v9 =	vshrl.u32 v7, $0x12;
	v8 =	vand.u32 $0x1FF, v8  }
0x44f: {  	vm2 =	veq.s32 v9, v5;
	vm3 =	veq.s32 v8, v6  }
0x450: {  	v7 =	vand.u32 $0x1FF, v7;
	vm2 =	vmand vm2, vm3  }
0x451: {  	v7 =	vor.u32 $0x200, v7;
	_ =	sdelay $0x4  }
0x452: {  	s30 =	sor.u32 $0x90, s2;
	[tilespmem:v7+s9+$0x0] =	vst.idx.add.s32.msk vm2, v1  }
0x453: {  	v7 =	vld [tilespmem:s30+$0x0];
	_ =	sdelay $0x4  }
0x454: {  	v8 =	vshrl.u32 v7, $0x9  }
0x455: {  	v61 =	vshrl.u32 v7, $0x12;
	v8 =	vand.u32 $0x1FF, v8  }
0x456: {  	vm2 =	veq.s32 v61, v5;
	vm3 =	veq.s32 v8, v6  }
0x457: {  	v7 =	vand.u32 $0x1FF, v7;
	vm2 =	vmand vm2, vm3  }
0x458: {  	v7 =	vor.u32 $0x200, v7;
	_ =	sdelay $0x4  }
0x459: {  	s31 =	sor.u32 $0xA0, s2;
	[tilespmem:v7+s9+$0x0] =	vst.idx.add.s32.msk vm2, v1  }
0x45a: {  	v7 =	vld [tilespmem:s31+$0x0];
	_ =	sdelay $0x4  }
0x45b: {  	v8 =	vshrl.u32 v7, $0x9  }
0x45c: {  	v62 =	vshrl.u32 v7, $0x12;
	v8 =	vand.u32 $0x1FF, v8  }
0x45d: {  	vm2 =	veq.s32 v62, v5;
	vm3 =	veq.s32 v8, v6  }
0x45e: {  	v7 =	vand.u32 $0x1FF, v7;
	vm2 =	vmand vm2, vm3  }
0x45f: {  	v7 =	vor.u32 $0x200, v7;
	_ =	sdelay $0x4  }
0x460: {  	s2 =	sor.u32 $0xB0, s2;
	[tilespmem:v7+s9+$0x0] =	vst.idx.add.s32.msk vm2, v1  }
0x461: {  	v7 =	vld [tilespmem:s2+$0x0];
	_ =	sdelay $0x4  }
0x462: {  	v8 =	vshrl.u32 v7, $0x9  }
0x463: {  	v63 =	vshrl.u32 v7, $0x12;
	v8 =	vand.u32 $0x1FF, v8  }
0x464: {  	vm2 =	veq.s32 v63, v5;
	vm3 =	veq.s32 v8, v6  }
0x465: {  	v7 =	vand.u32 $0x1FF, v7;
	vm2 =	vmand vm2, vm3  }
0x466: {  	p1 =	sne.s32 s1, $0x3FC0;
	v7 =	vor.u32 $0x200, v7  }
.Ltmp39:
0x467: {  	_ = 	snop;
	(pc) =	sbr.rel @p1 .LBB2_55-.Ltmp39, $2  }
0x468: {  	_ =	sdelay $0x2  }
0x469: {  	s1 =	sadd.s32 $0x40, s1;
	p0 =	por !p0, !p0;
	s0 =	sadd.s32 $0x80, s0;
	[tilespmem:v7+s9+$0x0] =	vst.idx.add.s32.msk vm2, v1  }
0x46a: {  	s24 =	sadd.s32 $0x1, s24  }
0x46b: {  	p0 =	sne.s32 s24, $0x8  }
.Ltmp40:
0x46c: {  	_ = 	snop;
	(pc) =	sbr.rel @p0 .LBB2_48-.Ltmp40, $1  }
0x46d: {  	_ =	sdelay $0x3  }
0x46e: {  	_ =	swait.ge [sflag:s8], $0x4000  }
0x46f: {  	s24 =	simm.s32 $0x0;
	[sflag:s8] =	ssyncset.done $0x0  }
0x470: {  	s0 =	sand.u32 $0x1F0, s24;
	[sflag:s8] =	ssyncadd.s32 $0xFFFFC000  }
0x471: {  	v6 =	vld [tilespmem:s0+$0x8200];
	_ =	sdelay $0x4  }
0x472: {  	s28 =	simm.s32 $0x10;
	(xrf0) =	vadd.scan.msk.s32 $0xffff, v6  }
0x473: {  	s26 =	sand.u32 $0x1F0, s28  }
0x474: {  	v7 =	vld [tilespmem:s26+$0x8200];
	_ =	sdelay $0x3  }
0x475: {  	v5, _, _ =	vpop (xrf0)  }
0x476: {  	(xrf0) =	vadd.scan.msk.s32 $0xffff, v7;
	(v2sf) =	vpush v5, $0xF;
	_ =	sdelay $0x5  }
0x477: {  	v8, _, _ =	vpop (xrf0)  }
0x478: {  	(v2sf) =	vpush v8, $0xF  }
0x479: {  	s26 =	simm.s32 $0x20  }
0x47a: {  	s30 =	sand.u32 $0x1F0, s26  }
0x47b: {  	v9 =	vld [tilespmem:s30+$0x8200];
	_ =	sdelay $0x1  }
0x47c: {  	v10 =	vadd.s32 s24, v5  }
0x47d: {  	v5 =	vmov s25;
	v11 =	vsub.s32 v10, v6  }
0x47e: {  	s0 =	simm.s32 $0x30;
	vm3 =	vlt.s32 v5, v10;
	vm2 =	vle.s32 v11, v5  }
0x47f: {  	s1 =	sand.u32 $0x1F0, s0;
	(xrf0) =	vadd.scan.msk.s32 $0xffff, v9;
	vm2 =	vmand vm3, vm2;
	s2 =	spop (v2sf)  }
0x480: {  	v6 =	vld [tilespmem:s1+$0x8200];
	v10 =	vnsel vm2, $0x0, v2;
	s2 =	sadd.s32 $0x0, s2  }
0x481: {  	(xrf0) =	vadd.scan.msk.s32 $0xffff, v10;
	v8 =	vadd.s32 s2, v8  }
0x482: {  	v7 =	vsub.s32 v8, v7  }
0x483: {  	vm3 =	vlt.s32 v5, v8;
	vm2 =	vle.s32 v7, v5  }
0x484: {  	vm2 =	vmand vm3, vm2  }
0x485: {  	(xrf0) =	vadd.scan.msk.s32 $0xffff, v6;
	v8, _, _ =	vpop (xrf0);
	v7 =	vnsel vm2, $0x0, v2  }
0x486: {  	s4 =	spop (v2sf);
	(v2sf) =	vpush v8, $0xF;
	(xrf0) =	vadd.scan.msk.s32 $0xffff, v7  }
0x487: {  	s12 =	sadd.s32 s2, s4;
	v11, _, _ =	vpop (xrf0)  }
0x488: {  	v10 =	vadd.s32 s12, v8;
	(v2sf) =	vpush v11, $0xF  }
0x489: {  	v9 =	vsub.s32 v10, v9  }
0x48a: {  	s29 =	simm.s32 $0x40  }
0x48b: {  	s31 =	sand.u32 $0x1F0, s29;
	v8, _, _ =	vpop (xrf0)  }
0x48c: {  	v7 =	vld [tilespmem:s31+$0x8200];
	vm2 =	vle.s32 v9, v5;
	(v2sf) =	vpush v8, $0xF;
	v9, _, _ =	vpop (xrf0)  }
0x48d: {  	(v2sf) =	vpush v9, $0xF;
	_ =	sdelay $0x2  }
0x48e: {  	vm3 =	vlt.s32 v5, v10  }
0x48f: {  	vm2 =	vmand vm3, vm2;
	(xrf0) =	vadd.scan.msk.s32 $0xffff, v7  }
0x490: {  	s14 =	simm.s32 $0x50;
	s13 =	simm.s32 $0x0;
	s11 =	simm.s32 $0x0;
	v10 =	vnsel vm2, $0x0, v2  }
0x491: {  	s7 =	smov.u32 s2;
	s6 =	smov.u32 s12;
	s1 =	smov.u32 s12;
	(xrf0) =	vadd.scan.msk.s32 $0xffff, v10  }
.LBB2_58:
0x492: {  	s4 =	sand.u32 $0x1F0, s14;
	p0 =	sne.s32 s14, $0x1F0;
	s15 =	smov.u32 s0  }
0x493: {  	s0 =	smov.u32 s29;
	s29 =	smov.u32 s14;
	v9 =	vld [tilespmem:s4+$0x8200];
	s4 =	spop (v2sf)  }
0x494: {  	s12 =	sadd.s32 s12, s4  }
0x495: {  	p1 =	slt.s32 s25, s2;
	v10 =	vadd.s32 s12, v8;
	v8, _, _ =	vpop (xrf0);
	s4 =	spop (v2sf)  }
.Ltmp41:
0x496: {  	(v2sf) =	vpush v8, $0xF;
	v11 =	vsub.s32 v10, v6;
	s2 =	sadd.s32 s13, s4;
	v6 =	vmov v7;
	s4 =	smov.u32 s24;
	(pc) =	sbr.rel @p0 .LBB2_58-.Ltmp41, $4  }
0x497: {  	p2 =	sle.s32 s11, s25;
	vm3 =	vlt.s32 v5, v10;
	vm2 =	vle.s32 v11, v5;
	v7, _, _ =	vpop (xrf0);
	s4 =	smov.u32 @p1 s2;
	s2 =	smov.u32 s6  }
0x498: {  	s11 =	smov.u32 s7;
	s6 =	smov.u32 s12;
	(xrf0) =	vadd.scan.msk.s32 $0xffff, v9;
	vm2 =	vmand vm3, vm2;
	(v2sf) =	vpush v7, $0xF;
	s24 =	smov.u32 @p2 s4;
	v7 =	vmov v9  }
0x499: {  	s7 =	smov.u32 s1;
	s1 =	smov.u32 s12;
	s13 =	smov.u32 s28;
	v9 =	vnsel vm2, $0x0, v2  }
0x49a: {  	s14 =	sadd.s32 $0x10, s14;
	s28 =	smov.u32 s26;
	s26 =	smov.u32 s15;
	(xrf0) =	vadd.scan.msk.s32 $0xffff, v9  }
0x49b: {  	_ =	sdelay $0x6  }
0x49c: {  	s4 =	spop (v2sf)  }
0x49d: {  	s4 =	sadd.s32 s12, s4  }
0x49e: {  	s31 =	spop (v2sf);
	v8 =	vadd.s32 s4, v8  }
0x49f: {  	v6 =	vsub.s32 v8, v6;
	s14 =	spop (v2sf)  }
0x4a0: {  	v9, _, _ =	vpop (xrf0);
	vm3 =	vlt.s32 v5, v8;
	vm2 =	vle.s32 v6, v5;
	s14 =	sadd.s32 s4, s14  }
0x4a1: {  	vm2 =	vmand vm3, vm2;
	v6 =	vadd.s32 s14, v9  }
0x4a2: {  	v63 =	vnsel vm2, $0x0, v2;
	v7 =	vsub.s32 v6, v7  }
0x4a3: {  	(xrf0) =	vadd.scan.msk.s32 $0xffff, v63;
	vm3 =	vlt.s32 v5, v6;
	vm2 =	vle.s32 v7, v5  }
0x4a4: {  	vm2 =	vmand vm3, vm2  }
0x4a5: {  	v5 =	vnsel vm2, $0x0, v2  }
0x4a6: {  	(v2sf) =	vpush v9, $0xF;
	v6, _, _ =	vpop (xrf0);
	(xrf0) =	vadd.scan.msk.s32 $0xffff, v5  }
0x4a7: {  	(v2sf) =	vpush v6, $0xF;
	_ =	sdelay $0x1  }
0x4a8: {  	v5, _, _ =	vpop (xrf0)  }
0x4a9: {  	(v2sf) =	vpush v5, $0xF;
	_ =	sdelay $0x1  }
0x4aa: {  	v5, _, _ =	vpop (xrf0)  }
0x4ab: {  	(v2sf) =	vpush v5, $0xF;
	_ =	sdelay $0x3  }
0x4ac: {  	p0 =	slt.s32 s25, s2;
	s12 =	smov.u32 s24;
	s2 =	sadd.s32 s13, s31  }
0x4ad: {  	p1 =	sle.s32 s11, s25;
	s12 =	smov.u32 @p0 s2  }
0x4ae: {  	s24 =	smov.u32 @p1 s12;
	s11 =	spop (v2sf)  }
0x4af: {  	p0 =	slt.s32 s25, s6;
	s6 =	smov.u32 s24;
	s2 =	sadd.s32 s28, s11  }
0x4b0: {  	p1 =	sle.s32 s7, s25;
	s6 =	smov.u32 @p0 s2;
	s13 =	spop (v2sf)  }
0x4b1: {  	s24 =	smov.u32 @p1 s6;
	s15 =	spop (v2sf)  }
0x4b2: {  	p0 =	slt.s32 s25, s4;
	s7 =	smov.u32 s24;
	s6 =	sadd.s32 s26, s15  }
0x4b3: {  	p1 =	sle.s32 s1, s25;
	s7 =	smov.u32 @p0 s6  }
0x4b4: {  	s24 =	smov.u32 @p1 s7;
	s28 =	spop (v2sf)  }
0x4b5: {  	p0 =	slt.s32 s25, s14;
	s1 =	smov.u32 s24;
	s0 =	sadd.s32 s0, s28  }
0x4b6: {  	p1 =	sle.s32 s4, s25;
	s1 =	smov.u32 @p0 s0  }
0x4b7: {  	s30 =	sadd.s32 s14, s13;
	s24 =	smov.u32 @p1 s1;
	s31 =	spop (v2sf)  }
0x4b8: {  	p0 =	slt.s32 s25, s30;
	s1 =	smov.u32 s24;
	s0 =	sadd.s32 s29, s31  }
0x4b9: {  	p1 =	sle.s32 s14, s25;
	s1 =	smov.u32 @p0 s0  }
0x4ba: {  	s24 =	smov.u32 @p1 s1  }
.LBB2_73:
0x4bb: {  	p0 =	slt.s32 s22, $0x8001  }
.Ltmp42:
0x4bc: {  	_ = 	snop;
	(pc) =	sbr.rel @!p0 .LBB2_74-.Ltmp42, $2  }
0x4bd: {  	_ =	sdelay $0x2  }
0x4be: {  	[tilespmem:$0x8000] =	vst v0  }
0x4bf: {  	[tilespmem:$0x8010] =	vst v0  }
0x4c0: {  	[tilespmem:$0x8020] =	vst v0  }
0x4c1: {  	[tilespmem:$0x8030] =	vst v0  }
0x4c2: {  	[tilespmem:$0x8040] =	vst v0  }
0x4c3: {  	[tilespmem:$0x8050] =	vst v0  }
0x4c4: {  	[tilespmem:$0x8060] =	vst v0  }
0x4c5: {  	[tilespmem:$0x8070] =	vst v0  }
0x4c6: {  	[tilespmem:$0x8080] =	vst v0  }
0x4c7: {  	[tilespmem:$0x8090] =	vst v0  }
0x4c8: {  	[tilespmem:$0x80A0] =	vst v0  }
0x4c9: {  	[tilespmem:$0x80B0] =	vst v0  }
0x4ca: {  	[tilespmem:$0x80C0] =	vst v0  }
0x4cb: {  	[tilespmem:$0x80D0] =	vst v0  }
0x4cc: {  	[tilespmem:$0x80E0] =	vst v0  }
0x4cd: {  	[tilespmem:$0x80F0] =	vst v0  }
0x4ce: {  	[tilespmem:$0x8100] =	vst v0  }
0x4cf: {  	[tilespmem:$0x8110] =	vst v0  }
0x4d0: {  	[tilespmem:$0x8120] =	vst v0  }
0x4d1: {  	[tilespmem:$0x8130] =	vst v0  }
0x4d2: {  	[tilespmem:$0x8140] =	vst v0  }
0x4d3: {  	[tilespmem:$0x8150] =	vst v0  }
0x4d4: {  	[tilespmem:$0x8160] =	vst v0  }
0x4d5: {  	[tilespmem:$0x8170] =	vst v0  }
0x4d6: {  	[tilespmem:$0x8180] =	vst v0  }
0x4d7: {  	[tilespmem:$0x8190] =	vst v0  }
0x4d8: {  	[tilespmem:$0x81A0] =	vst v0  }
0x4d9: {  	[tilespmem:$0x81B0] =	vst v0  }
0x4da: {  	[tilespmem:$0x81C0] =	vst v0  }
0x4db: {  	[tilespmem:$0x81D0] =	vst v0  }
0x4dc: {  	[tilespmem:$0x81E0] =	vst v0  }
0x4dd: {  	[tilespmem:$0x81F0] =	vst v0  }
0x4de: {  	[tilespmem:$0x8200] =	vst v0  }
0x4df: {  	[tilespmem:$0x8210] =	vst v0  }
0x4e0: {  	[tilespmem:$0x8220] =	vst v0  }
0x4e1: {  	[tilespmem:$0x8230] =	vst v0  }
0x4e2: {  	[tilespmem:$0x8240] =	vst v0  }
0x4e3: {  	[tilespmem:$0x8250] =	vst v0  }
0x4e4: {  	[tilespmem:$0x8260] =	vst v0  }
0x4e5: {  	[tilespmem:$0x8270] =	vst v0  }
0x4e6: {  	[tilespmem:$0x8280] =	vst v0  }
0x4e7: {  	[tilespmem:$0x8290] =	vst v0  }
0x4e8: {  	[tilespmem:$0x82A0] =	vst v0  }
0x4e9: {  	[tilespmem:$0x82B0] =	vst v0  }
0x4ea: {  	[tilespmem:$0x82C0] =	vst v0  }
0x4eb: {  	[tilespmem:$0x82D0] =	vst v0  }
0x4ec: {  	[tilespmem:$0x82E0] =	vst v0  }
0x4ed: {  	[tilespmem:$0x82F0] =	vst v0  }
0x4ee: {  	[tilespmem:$0x8300] =	vst v0  }
0x4ef: {  	[tilespmem:$0x8310] =	vst v0  }
0x4f0: {  	[tilespmem:$0x8320] =	vst v0  }
0x4f1: {  	[tilespmem:$0x8330] =	vst v0  }
0x4f2: {  	[tilespmem:$0x8340] =	vst v0  }
0x4f3: {  	[tilespmem:$0x8350] =	vst v0  }
0x4f4: {  	[tilespmem:$0x8360] =	vst v0  }
0x4f5: {  	[tilespmem:$0x8370] =	vst v0  }
0x4f6: {  	[tilespmem:$0x8380] =	vst v0  }
0x4f7: {  	[tilespmem:$0x8390] =	vst v0;
	s0 =	sadd.s32 $0xF, s22  }
0x4f8: {  	[tilespmem:$0x83A0] =	vst v0;
	p0 =	slt.s32 s22, $0x1;
	s1 =	sshra.s32 s0, $0x1F  }
.Ltmp43:
0x4f9: {  	[tilespmem:$0x83B0] =	vst v0;
	s1 =	sshrl.u32 s1, $0x1C;
	(pc) =	sbr.rel @p0 .LBB2_107-.Ltmp43, $4  }
0x4fa: {  	[tilespmem:$0x83C0] =	vst v0;
	s0 =	sadd.s32 s1, s0  }
0x4fb: {  	[tilespmem:$0x83D0] =	vst v0;
	s20 =	sshra.s32 s0, $0x4  }
0x4fc: {  	[tilespmem:$0x83E0] =	vst v0;
	p1 =	sgt.s32 s20, $0x1  }
0x4fd: {  	[tilespmem:$0x83F0] =	vst v0;
	v4 =	vmov s22;
	s20 =	simm.s32 @!p1 $0x1  }
0x4fe: {  	s0 =	sshll.u32 s20, $0x4;
	s1 =	simm.s32 $0x14080  }
0x4ff: {  	v5 =	vld [tilespmem:s1+$0x0];
	p1 =	seq.s32 s0, $0x10  }
.Ltmp44:
0x500: {  	_ = 	snop;
	(pc) =	sbr.rel @p1 .LBB2_106-.Ltmp44, $4  }
0x501: {  	s2 =	simm.s32 $0x0  }
0x502: {  	v6 =	vor.u32 s2, v2  }
0x503: {  	vm2 =	vlt.s32 v6, v4  }
0x504: {  	s2 =	simm.s32 $0x10;
	v5 =	vshrl.u32 v5, $0x9  }
.LBB2_105:
0x505: {  	_ =	sdelay $0x3  }
0x506: {  	[tilespmem:v5+s9+$0x0] =	vst.idx.add.s32.msk vm2, v1;
	s1 =	sadd.s32 $0x10, s1;
	s4 =	smov.u32 s2;
	s2 =	sadd.s32 $0x10, s2  }
0x507: {  	v5 =	vld [tilespmem:s1+$0x0];
	p1 =	seq.s32 s0, s2  }
.Ltmp45:
0x508: {  	(pc) =	sbr.rel @!p1 .LBB2_105-.Ltmp45, $4  }
0x509: {  	_ = 	snop  }
0x50a: {  	v6 =	vor.u32 s4, v2  }
0x50b: {  	vm2 =	vlt.s32 v6, v4  }
0x50c: {  	v5 =	vshrl.u32 v5, $0x9  }
.LBB2_106:
0x50d: {  	_ =	sdelay $0x4  }
0x50e: {  	[tilespmem:v5+s9+$0x0] =	vst.idx.add.s32.msk vm2, v1  }
.LBB2_107:
0x50f: {  	s0 =	simm.s32 $0x8000  }
0x510: {  	v6 =	vld [tilespmem:s0+$0x0];
	_ =	sdelay $0x4  }
0x511: {  	(xrf0) =	vadd.scan.msk.s32 $0xffff, v6;
	_ =	sdelay $0x3  }
0x512: {  	s25 =	simm.s32 $0x8010  }
0x513: {  	v7 =	vld [tilespmem:s25+$0x0]  }
0x514: {  	v8, _, _ =	vpop (xrf0)  }
0x515: {  	(v2sf) =	vpush v8, $0xF;
	_ =	sdelay $0x2  }
0x516: {  	(xrf0) =	vadd.scan.msk.s32 $0xffff, v7;
	_ =	sdelay $0x5  }
0x517: {  	v9, _, _ =	vpop (xrf0)  }
0x518: {  	(v2sf) =	vpush v9, $0xF;
	_ =	sdelay $0x1  }
0x519: {  	s26 =	simm.s32 $0x8020  }
0x51a: {  	s22 =	simm.s32 $0x0;
	v10 =	vld [tilespmem:s26+$0x0]  }
0x51b: {  	v8 =	vadd.s32 s22, v8  }
0x51c: {  	v5 =	vmov s18;
	v11 =	vsub.s32 v8, v6;
	s1 =	spop (v2sf)  }
0x51d: {  	vm3 =	vlt.s32 v5, v8;
	vm2 =	vge.s32 v5, v11;
	s25 =	sadd.s32 $0x0, s1  }
0x51e: {  	s29 =	simm.s32 $0x8030;
	vm2 =	vmand vm3, vm2;
	v8 =	vadd.s32 s25, v9  }
0x51f: {  	(xrf0) =	vadd.scan.msk.s32 $0xffff, v10;
	v6 =	vld [tilespmem:s29+$0x0];
	v9 =	vsub.s32 v5, v11;
	v11 =	vnsel vm2, $0x0, v2;
	v7 =	vsub.s32 v8, v7  }
0x520: {  	v9 =	vnsel vm2, $0x0, v9;
	vm3 =	vlt.s32 v5, v8;
	vm2 =	vge.s32 v5, v7  }
0x521: {  	(xrf0) =	vadd.scan.msk.s32 $0xffff, v11;
	vm2 =	vmand vm3, vm2  }
0x522: {  	(xrf0) =	vadd.scan.msk.s32 $0xffff, v9;
	v8 =	vnsel vm2, $0x0, v2;
	_ =	sdelay $0x1  }
0x523: {  	(xrf0) =	vadd.scan.msk.s32 $0xffff, v6  }
0x524: {  	v7 =	vsub.s32 v5, v7;
	(xrf0) =	vadd.scan.msk.s32 $0xffff, v8;
	v8, _, _ =	vpop (xrf0)  }
0x525: {  	s31 =	spop (v2sf);
	v7 =	vnsel vm2, $0x0, v7;
	(v2sf) =	vpush v8, $0xF  }
0x526: {  	s1 =	sadd.s32 s25, s31;
	(xrf0) =	vadd.scan.msk.s32 $0xffff, v7;
	v11, _, _ =	vpop (xrf0)  }
0x527: {  	v9 =	vadd.s32 s1, v8;
	v8, _, _ =	vpop (xrf0);
	(v2sf) =	vpush v11, $0xF  }
0x528: {  	v10 =	vsub.s32 v9, v10;
	(v2sf) =	vpush v8, $0xF;
	_ =	sdelay $0x1  }
0x529: {  	s30 =	simm.s32 $0x8040;
	vm3 =	vlt.s32 v5, v9;
	v8, _, _ =	vpop (xrf0)  }
0x52a: {  	v7 =	vld [tilespmem:s30+$0x0];
	vm2 =	vge.s32 v5, v10;
	v9 =	vsub.s32 v5, v10;
	(v2sf) =	vpush v8, $0xF;
	v10, _, _ =	vpop (xrf0)  }
0x52b: {  	(v2sf) =	vpush v10, $0xF;
	v10, _, _ =	vpop (xrf0)  }
0x52c: {  	(v2sf) =	vpush v10, $0xF;
	_ =	sdelay $0x2  }
0x52d: {  	s28 =	simm.s32 $0x10;
	s21 =	simm.s32 $0x40;
	s13 =	simm.s32 $0x8050;
	vm2 =	vmand vm3, vm2;
	(xrf0) =	vadd.scan.msk.s32 $0xffff, v7  }
0x52e: {  	s14 =	simm.s32 $0x50;
	s12 =	simm.s32 $0x0;
	s6 =	simm.s32 $0x0;
	v11 =	vnsel vm2, $0x0, v2  }
0x52f: {  	s19 =	simm.s32 $0x0;
	s0 =	simm.s32 $0x20;
	s26 =	simm.s32 $0x30;
	v9 =	vnsel vm2, $0x0, v9;
	(xrf0) =	vadd.scan.msk.s32 $0xffff, v11  }
0x530: {  	s7 =	smov.u32 s25;
	s11 =	smov.u32 s1;
	s2 =	smov.u32 s1;
	(xrf0) =	vadd.scan.msk.s32 $0xffff, v9  }
.LBB2_108:
0x531: {  	v9 =	vld [tilespmem:s13+$0x0];
	p1 =	seq.s32 s14, $0x1F0;
	s4 =	spop (v2sf)  }
0x532: {  	p2 =	sle.s32 s12, s18;
	p3 =	slt.s32 s18, s25;
	s1 =	sadd.s32 s1, s4  }
0x533: {  	s25 =	smov.u32 s11;
	p2 =	por !p2, !p3;
	v10 =	vadd.s32 s1, v8;
	v8, _, _ =	vpop (xrf0);
	s4 =	spop (v2sf)  }
0x534: {  	p2 =	por !p2, !p2;
	(v2sf) =	vpush v8, $0xF;
	v12 =	vsub.s32 v10, v6;
	s4 =	sadd.s32 s6, s4;
	s6 =	spop (v2sf);
	v6 =	vmov v7  }
.Ltmp46:
0x535: {  	vm3 =	vlt.s32 v5, v10;
	vm2 =	vge.s32 v5, v12;
	v10 =	vsub.s32 v5, v12;
	v7, _, _ =	vpop (xrf0);
	s22 =	smov.u32 @p2 s4;
	s19 =	smov.u32 @p2 s6;
	(pc) =	sbr.rel @!p1 .LBB2_108-.Ltmp46, $4  }
0x536: {  	s12 =	smov.u32 s7;
	s7 =	smov.u32 s2;
	s11 =	smov.u32 s1;
	(xrf0) =	vadd.scan.msk.s32 $0xffff, v9;
	vm2 =	vmand vm3, vm2;
	(v2sf) =	vpush v7, $0xF;
	v11, _, _ =	vpop (xrf0);
	v7 =	vmov v9  }
0x537: {  	s2 =	smov.u32 s1;
	s6 =	smov.u32 s28;
	s28 =	smov.u32 s0;
	v9 =	vnsel vm2, $0x0, v2;
	v10 =	vnsel vm2, $0x0, v10;
	(v2sf) =	vpush v11, $0xF  }
0x538: {  	s0 =	smov.u32 s26;
	s26 =	smov.u32 s21;
	s21 =	smov.u32 s14;
	(xrf0) =	vadd.scan.msk.s32 $0xffff, v9  }
0x539: {  	s13 =	sadd.s32 $0x10, s13;
	s14 =	sadd.s32 $0x10, s14;
	(xrf0) =	vadd.scan.msk.s32 $0xffff, v10  }
0x53a: {  	_ =	sdelay $0x5  }
0x53b: {  	s4 =	spop (v2sf)  }
0x53c: {  	s13 =	sadd.s32 s1, s4;
	s30 =	spop (v2sf)  }
0x53d: {  	v8 =	vadd.s32 s13, v8;
	s14 =	spop (v2sf)  }
0x53e: {  	v6 =	vsub.s32 v8, v6;
	s31 =	spop (v2sf)  }
0x53f: {  	v9, _, _ =	vpop (xrf0);
	vm3 =	vlt.s32 v5, v8;
	vm2 =	vge.s32 v5, v6;
	s1 =	sadd.s32 s13, s31  }
0x540: {  	vm2 =	vmand vm3, vm2;
	v62 =	vadd.s32 s1, v9  }
0x541: {  	v6 =	vsub.s32 v5, v6;
	v63 =	vnsel vm2, $0x0, v2;
	v7 =	vsub.s32 v62, v7  }
0x542: {  	v6 =	vnsel vm2, $0x0, v6;
	vm3 =	vlt.s32 v5, v62;
	vm2 =	vge.s32 v5, v7  }
0x543: {  	(xrf0) =	vadd.scan.msk.s32 $0xffff, v63;
	vm2 =	vmand vm3, vm2  }
0x544: {  	(xrf0) =	vadd.scan.msk.s32 $0xffff, v6;
	v6 =	vnsel vm2, $0x0, v2  }
0x545: {  	v5 =	vsub.s32 v5, v7  }
0x546: {  	v7, _, _ =	vpop (xrf0);
	v5 =	vnsel vm2, $0x0, v5;
	(xrf0) =	vadd.scan.msk.s32 $0xffff, v6  }
0x547: {  	(v2sf) =	vpush v9, $0xF;
	v6, _, _ =	vpop (xrf0);
	(xrf0) =	vadd.scan.msk.s32 $0xffff, v5  }
0x548: {  	(v2sf) =	vpush v7, $0xF;
	_ =	sdelay $0x1  }
0x549: {  	(v2sf) =	vpush v6, $0xF;
	v5, _, _ =	vpop (xrf0)  }
0x54a: {  	(v2sf) =	vpush v5, $0xF;
	v5, _, _ =	vpop (xrf0)  }
0x54b: {  	(v2sf) =	vpush v5, $0xF;
	v5, _, _ =	vpop (xrf0)  }
0x54c: {  	(v2sf) =	vpush v5, $0xF;
	v5, _, _ =	vpop (xrf0)  }
0x54d: {  	(v2sf) =	vpush v5, $0xF  }
0x54e: {  	p1 =	sle.s32 s12, s18;
	p2 =	slt.s32 s18, s25  }
0x54f: {  	p3 =	sle.s32 s7, s18;
	p6 =	slt.s32 s18, s11;
	p1 =	por !p1, !p2  }
0x550: {  	p2 =	por !p3, !p6;
	p3 =	sle.s32 s2, s18;
	s4 =	sadd.s32 s6, s30  }
0x551: {  	p1 =	por !p1, !p1;
	p2 =	por !p2, !p2;
	p4 =	slt.s32 s18, s13  }
0x552: {  	s22 =	smov.u32 @p1 s4;
	s19 =	smov.u32 @p1 s14;
	p1 =	por !p3, !p4  }
0x553: {  	p5 =	sle.s32 s13, s18;
	p1 =	por !p1, !p1;
	s15 =	spop (v2sf)  }
0x554: {  	p6 =	slt.s32 s18, s1;
	p4 =	sle.s32 s1, s18;
	s7 =	spop (v2sf)  }
0x555: {  	s4 =	sadd.s32 s28, s15;
	p3 =	por !p5, !p6;
	s25 =	spop (v2sf)  }
0x556: {  	s22 =	smov.u32 @p2 s4;
	s28 =	sadd.s32 s1, s25;
	s29 =	spop (v2sf)  }
0x557: {  	s19 =	smov.u32 @p2 s7;
	p5 =	slt.s32 s18, s28;
	s0 =	sadd.s32 s0, s29  }
0x558: {  	p6 =	por !p4, !p5;
	s22 =	smov.u32 @p1 s0;
	s4 =	spop (v2sf)  }
.Ltmp47:
0x559: {  	s19 =	smov.u32 @p1 s4;
	s30 =	spop (v2sf);
	(pc) =	sbr.rel @p0 .LBB2_113-.Ltmp47, $4  }
0x55a: {  	p1 =	por !p3, !p3;
	s0 =	sadd.s32 s26, s30;
	s4 =	spop (v2sf)  }
0x55b: {  	s22 =	smov.u32 @p1 s0;
	s19 =	smov.u32 @p1 s4;
	s31 =	spop (v2sf)  }
0x55c: {  	p1 =	por !p6, !p6;
	s0 =	sadd.s32 s21, s31;
	s1 =	spop (v2sf)  }
0x55d: {  	s22 =	smov.u32 @p1 s0;
	s19 =	smov.u32 @p1 s1  }
0x55e: {  	s1 =	simm.s32 $0x14080  }
0x55f: {  	v6 =	vld [tilespmem:s1+$0x0];
	_ =	sdelay $0x1  }
0x560: {  	s0 =	sshll.u32 s20, $0x4  }
0x561: {  	p0 =	seq.s32 s0, $0x10  }
.Ltmp48:
0x562: {  	s2 =	simm.s32 $0x0;
	(pc) =	sbr.rel @p0 .LBB2_112-.Ltmp48, $4  }
0x563: {  	v5 =	vmov s22;
	v7 =	vor.u32 s2, v2;
	v8 =	vshrl.u32 v6, $0x9  }
0x564: {  	vm2 =	vlt.s32 v7, v4;
	vm3 =	veq.s32 v8, v5  }
0x565: {  	v6 =	vand.u32 $0x1FF, v6;
	vm2 =	vmand vm2, vm3  }
0x566: {  	s2 =	simm.s32 $0x10;
	v6 =	vor.u32 $0x200, v6  }
.LBB2_111:
0x567: {  	_ =	sdelay $0x3  }
0x568: {  	[tilespmem:v6+s9+$0x0] =	vst.idx.add.s32.msk vm2, v1;
	s1 =	sadd.s32 $0x10, s1;
	s4 =	smov.u32 s2;
	s2 =	sadd.s32 $0x10, s2  }
0x569: {  	v6 =	vld [tilespmem:s1+$0x0];
	p0 =	seq.s32 s0, s2;
	_ =	sdelay $0x3  }
.Ltmp49:
0x56a: {  	(pc) =	sbr.rel @!p0 .LBB2_111-.Ltmp49, $4  }
0x56b: {  	v7 =	vor.u32 s4, v2;
	v8 =	vshrl.u32 v6, $0x9;
	v6 =	vand.u32 $0x1FF, v6  }
0x56c: {  	vm2 =	vlt.s32 v7, v4;
	vm3 =	veq.s32 v8, v5  }
0x56d: {  	vm2 =	vmand vm2, vm3  }
0x56e: {  	v6 =	vor.u32 $0x200, v6  }
.LBB2_112:
0x56f: {  	_ =	sdelay $0x4  }
0x570: {  	[tilespmem:v6+s9+$0x0] =	vst.idx.add.s32.msk vm2, v1  }
.LBB2_113:
0x571: {  	s18 =	simm.s32 $0x0  }
0x572: {  	s0 =	sand.u32 $0x1F0, s18  }
0x573: {  	v5 =	vld [tilespmem:s0+$0x8200];
	_ =	sdelay $0x4  }
0x574: {  	(xrf0) =	vadd.scan.msk.s32 $0xffff, v5;
	_ =	sdelay $0x1  }
0x575: {  	s21 =	simm.s32 $0x10  }
0x576: {  	s29 =	sand.u32 $0x1F0, s21  }
0x577: {  	v6 =	vld [tilespmem:s29+$0x8200];
	_ =	sdelay $0x1  }
0x578: {  	v7, _, _ =	vpop (xrf0)  }
0x579: {  	(v2sf) =	vpush v7, $0xF;
	_ =	sdelay $0x1  }
0x57a: {  	(xrf0) =	vadd.scan.msk.s32 $0xffff, v6;
	_ =	sdelay $0x5  }
0x57b: {  	v8, _, _ =	vpop (xrf0)  }
0x57c: {  	s20 =	simm.s32 $0x20;
	(v2sf) =	vpush v8, $0xF  }
0x57d: {  	s30 =	sand.u32 $0x1F0, s20  }
0x57e: {  	v9 =	vld [tilespmem:s30+$0x8200];
	_ =	sdelay $0x1  }
0x57f: {  	v7 =	vadd.s32 s18, v7  }
0x580: {  	v4 =	vmov s19;
	v10 =	vsub.s32 v7, v5  }
0x581: {  	s0 =	simm.s32 $0x30;
	vm3 =	vlt.s32 v4, v7;
	vm2 =	vle.s32 v10, v4;
	s2 =	spop (v2sf)  }
0x582: {  	s1 =	sand.u32 $0x1F0, s0;
	(xrf0) =	vadd.scan.msk.s32 $0xffff, v9;
	vm2 =	vmand vm3, vm2;
	s2 =	sadd.s32 $0x0, s2  }
0x583: {  	v5 =	vld [tilespmem:s1+$0x8200];
	v7 =	vadd.s32 s2, v8;
	v8 =	vnsel vm2, $0x0, v2  }
0x584: {  	(xrf0) =	vadd.scan.msk.s32 $0xffff, v8  }
0x585: {  	v6 =	vsub.s32 v7, v6  }
0x586: {  	vm3 =	vlt.s32 v4, v7;
	vm2 =	vle.s32 v6, v4  }
0x587: {  	vm2 =	vmand vm3, vm2  }
0x588: {  	(xrf0) =	vadd.scan.msk.s32 $0xffff, v5;
	v7, _, _ =	vpop (xrf0);
	v6 =	vnsel vm2, $0x0, v2  }
0x589: {  	(v2sf) =	vpush v7, $0xF;
	(xrf0) =	vadd.scan.msk.s32 $0xffff, v6  }
0x58a: {  	s4 =	spop (v2sf);
	v62, _, _ =	vpop (xrf0)  }
0x58b: {  	s12 =	sadd.s32 s2, s4;
	(v2sf) =	vpush v62, $0xF  }
0x58c: {  	v8 =	vadd.s32 s12, v7  }
0x58d: {  	s25 =	simm.s32 $0x40  }
0x58e: {  	s31 =	sand.u32 $0x1F0, s25;
	v7, _, _ =	vpop (xrf0)  }
0x58f: {  	v6 =	vld [tilespmem:s31+$0x8200];
	v9 =	vsub.s32 v8, v9;
	vm3 =	vlt.s32 v4, v8;
	(v2sf) =	vpush v7, $0xF;
	v8, _, _ =	vpop (xrf0)  }
0x590: {  	(v2sf) =	vpush v8, $0xF;
	_ =	sdelay $0x2  }
0x591: {  	vm2 =	vle.s32 v9, v4  }
0x592: {  	vm2 =	vmand vm3, vm2;
	(xrf0) =	vadd.scan.msk.s32 $0xffff, v6  }
0x593: {  	s14 =	simm.s32 $0x50;
	s13 =	simm.s32 $0x0;
	s11 =	simm.s32 $0x0;
	v63 =	vnsel vm2, $0x0, v2  }
0x594: {  	s7 =	smov.u32 s2;
	s6 =	smov.u32 s12;
	s1 =	smov.u32 s12;
	(xrf0) =	vadd.scan.msk.s32 $0xffff, v63  }
.LBB2_114:
0x595: {  	s4 =	sand.u32 $0x1F0, s14;
	p0 =	seq.s32 s14, $0x1F0;
	s15 =	smov.u32 s0  }
0x596: {  	s0 =	smov.u32 s25;
	s25 =	smov.u32 s14;
	v8 =	vld [tilespmem:s4+$0x8200];
	s4 =	spop (v2sf)  }
0x597: {  	s12 =	sadd.s32 s12, s4  }
0x598: {  	p1 =	slt.s32 s19, s2;
	v9 =	vadd.s32 s12, v7;
	v7, _, _ =	vpop (xrf0);
	s4 =	spop (v2sf)  }
.Ltmp50:
0x599: {  	(v2sf) =	vpush v7, $0xF;
	v10 =	vsub.s32 v9, v5;
	s2 =	sadd.s32 s13, s4;
	v5 =	vmov v6;
	s4 =	smov.u32 s18;
	(pc) =	sbr.rel @!p0 .LBB2_114-.Ltmp50, $4  }
0x59a: {  	p2 =	sle.s32 s11, s19;
	vm3 =	vlt.s32 v4, v9;
	vm2 =	vle.s32 v10, v4;
	v6, _, _ =	vpop (xrf0);
	s4 =	smov.u32 @p1 s2;
	s2 =	smov.u32 s6  }
0x59b: {  	s11 =	smov.u32 s7;
	s6 =	smov.u32 s12;
	(xrf0) =	vadd.scan.msk.s32 $0xffff, v8;
	vm2 =	vmand vm3, vm2;
	(v2sf) =	vpush v6, $0xF;
	s18 =	smov.u32 @p2 s4;
	v6 =	vmov v8  }
0x59c: {  	s7 =	smov.u32 s1;
	s1 =	smov.u32 s12;
	s13 =	smov.u32 s21;
	v8 =	vnsel vm2, $0x0, v2  }
0x59d: {  	s14 =	sadd.s32 $0x10, s14;
	s21 =	smov.u32 s20;
	s20 =	smov.u32 s15;
	(xrf0) =	vadd.scan.msk.s32 $0xffff, v8  }
0x59e: {  	_ =	sdelay $0x6  }
0x59f: {  	s4 =	spop (v2sf)  }
0x5a0: {  	s4 =	sadd.s32 s12, s4  }
0x5a1: {  	s31 =	spop (v2sf);
	v7 =	vadd.s32 s4, v7  }
0x5a2: {  	v5 =	vsub.s32 v7, v5;
	s14 =	spop (v2sf)  }
0x5a3: {  	v8, _, _ =	vpop (xrf0);
	vm3 =	vlt.s32 v4, v7;
	vm2 =	vle.s32 v5, v4;
	s14 =	sadd.s32 s4, s14  }
0x5a4: {  	vm2 =	vmand vm3, vm2;
	v5 =	vadd.s32 s14, v8  }
0x5a5: {  	v63 =	vnsel vm2, $0x0, v2;
	v6 =	vsub.s32 v5, v6  }
0x5a6: {  	(xrf0) =	vadd.scan.msk.s32 $0xffff, v63;
	vm3 =	vlt.s32 v4, v5;
	vm2 =	vle.s32 v6, v4  }
0x5a7: {  	vm2 =	vmand vm3, vm2  }
0x5a8: {  	v4 =	vnsel vm2, $0x0, v2  }
0x5a9: {  	(v2sf) =	vpush v8, $0xF;
	v5, _, _ =	vpop (xrf0);
	(xrf0) =	vadd.scan.msk.s32 $0xffff, v4  }
0x5aa: {  	(v2sf) =	vpush v5, $0xF;
	_ =	sdelay $0x1  }
0x5ab: {  	v4, _, _ =	vpop (xrf0)  }
0x5ac: {  	(v2sf) =	vpush v4, $0xF;
	_ =	sdelay $0x1  }
0x5ad: {  	v4, _, _ =	vpop (xrf0)  }
0x5ae: {  	(v2sf) =	vpush v4, $0xF;
	_ =	sdelay $0x3  }
0x5af: {  	p0 =	slt.s32 s19, s2;
	s12 =	smov.u32 s18;
	s2 =	sadd.s32 s13, s31  }
0x5b0: {  	p1 =	sle.s32 s11, s19;
	s12 =	smov.u32 @p0 s2  }
0x5b1: {  	s18 =	smov.u32 @p1 s12;
	s15 =	spop (v2sf)  }
0x5b2: {  	p0 =	slt.s32 s19, s6;
	s6 =	smov.u32 s18;
	s2 =	sadd.s32 s21, s15  }
0x5b3: {  	p1 =	sle.s32 s7, s19;
	s6 =	smov.u32 @p0 s2;
	s26 =	spop (v2sf)  }
0x5b4: {  	s18 =	smov.u32 @p1 s6;
	s28 =	spop (v2sf)  }
0x5b5: {  	p0 =	slt.s32 s19, s4;
	s7 =	smov.u32 s18;
	s6 =	sadd.s32 s20, s28  }
0x5b6: {  	p1 =	sle.s32 s1, s19;
	s7 =	smov.u32 @p0 s6  }
0x5b7: {  	s18 =	smov.u32 @p1 s7;
	s29 =	spop (v2sf)  }
0x5b8: {  	p0 =	slt.s32 s19, s14;
	s1 =	smov.u32 s18;
	s0 =	sadd.s32 s0, s29  }
.Ltmp51:
0x5b9: {  	p1 =	sle.s32 s4, s19;
	s1 =	smov.u32 @p0 s0;
	(pc) =	sbr.rel .LBB2_116-.Ltmp51, $4  }
0x5ba: {  	s30 =	sadd.s32 s14, s26;
	s18 =	smov.u32 @p1 s1;
	s31 =	spop (v2sf)  }
0x5bb: {  	p0 =	slt.s32 s19, s30;
	s1 =	smov.u32 s18;
	s0 =	sadd.s32 s25, s31  }
0x5bc: {  	p1 =	sle.s32 s14, s19;
	s1 =	smov.u32 @p0 s0  }
0x5bd: {  	s18 =	smov.u32 @p1 s1  }
.LBB2_74:
0x5be: {  	[tilespmem:$0x8010] =	vst v0  }
0x5bf: {  	[tilespmem:$0x8020] =	vst v0  }
0x5c0: {  	[tilespmem:$0x8030] =	vst v0  }
0x5c1: {  	[tilespmem:$0x8040] =	vst v0  }
0x5c2: {  	[tilespmem:$0x8050] =	vst v0  }
0x5c3: {  	[tilespmem:$0x8060] =	vst v0  }
0x5c4: {  	[tilespmem:$0x8070] =	vst v0  }
0x5c5: {  	[tilespmem:$0x8080] =	vst v0  }
0x5c6: {  	[tilespmem:$0x8090] =	vst v0  }
0x5c7: {  	[tilespmem:$0x80A0] =	vst v0  }
0x5c8: {  	[tilespmem:$0x80B0] =	vst v0  }
0x5c9: {  	[tilespmem:$0x80C0] =	vst v0  }
0x5ca: {  	[tilespmem:$0x80D0] =	vst v0  }
0x5cb: {  	[tilespmem:$0x80E0] =	vst v0  }
0x5cc: {  	[tilespmem:$0x80F0] =	vst v0  }
0x5cd: {  	[tilespmem:$0x8100] =	vst v0  }
0x5ce: {  	[tilespmem:$0x8110] =	vst v0  }
0x5cf: {  	[tilespmem:$0x8120] =	vst v0  }
0x5d0: {  	[tilespmem:$0x8130] =	vst v0  }
0x5d1: {  	[tilespmem:$0x8140] =	vst v0  }
0x5d2: {  	[tilespmem:$0x8150] =	vst v0  }
0x5d3: {  	[tilespmem:$0x8160] =	vst v0  }
0x5d4: {  	[tilespmem:$0x8170] =	vst v0  }
0x5d5: {  	[tilespmem:$0x8180] =	vst v0  }
0x5d6: {  	[tilespmem:$0x8190] =	vst v0  }
0x5d7: {  	[tilespmem:$0x81A0] =	vst v0  }
0x5d8: {  	[tilespmem:$0x81B0] =	vst v0  }
0x5d9: {  	[tilespmem:$0x81C0] =	vst v0  }
0x5da: {  	[tilespmem:$0x81D0] =	vst v0  }
0x5db: {  	[tilespmem:$0x81E0] =	vst v0  }
0x5dc: {  	[tilespmem:$0x81F0] =	vst v0  }
0x5dd: {  	[tilespmem:$0x8200] =	vst v0  }
0x5de: {  	[tilespmem:$0x8210] =	vst v0  }
0x5df: {  	[tilespmem:$0x8220] =	vst v0  }
0x5e0: {  	[tilespmem:$0x8230] =	vst v0  }
0x5e1: {  	[tilespmem:$0x8240] =	vst v0  }
0x5e2: {  	[tilespmem:$0x8250] =	vst v0  }
0x5e3: {  	[tilespmem:$0x8260] =	vst v0  }
0x5e4: {  	[tilespmem:$0x8270] =	vst v0  }
0x5e5: {  	[tilespmem:$0x8280] =	vst v0  }
0x5e6: {  	[tilespmem:$0x8290] =	vst v0  }
0x5e7: {  	[tilespmem:$0x82A0] =	vst v0  }
0x5e8: {  	[tilespmem:$0x82B0] =	vst v0  }
0x5e9: {  	[tilespmem:$0x82C0] =	vst v0  }
0x5ea: {  	[tilespmem:$0x82D0] =	vst v0  }
0x5eb: {  	[tilespmem:$0x82E0] =	vst v0  }
0x5ec: {  	[tilespmem:$0x82F0] =	vst v0  }
0x5ed: {  	[tilespmem:$0x8300] =	vst v0  }
0x5ee: {  	[tilespmem:$0x8310] =	vst v0  }
0x5ef: {  	[tilespmem:$0x8320] =	vst v0  }
0x5f0: {  	[tilespmem:$0x8330] =	vst v0  }
0x5f1: {  	[tilespmem:$0x8340] =	vst v0  }
0x5f2: {  	[tilespmem:$0x8350] =	vst v0  }
0x5f3: {  	[tilespmem:$0x8360] =	vst v0  }
0x5f4: {  	[tilespmem:$0x8370] =	vst v0  }
0x5f5: {  	[tilespmem:$0x8380] =	vst v0  }
0x5f6: {  	[tilespmem:$0x8390] =	vst v0  }
0x5f7: {  	[tilespmem:$0x83A0] =	vst v0  }
0x5f8: {  	[tilespmem:$0x83B0] =	vst v0  }
0x5f9: {  	[tilespmem:$0x83C0] =	vst v0  }
0x5fa: {  	[tilespmem:$0x83D0] =	vst v0  }
0x5fb: {  	[tilespmem:$0x83E0] =	vst v0;
	s22 =	simm.s32 $0x0;
	s0 =	simm.s32 $0x10  }
0x5fc: {  	[tilespmem:$0x83F0] =	vst v0;
	s6 =	sadd.s32 $0x0, s21;
	s1 =	simm.s32 $0x100;
	s2 =	simm.s32 $0x0  }
.LBB2_75:
0x5fd: {  	[tilespmem:s2], [sflag:$0x1] =	stream.linear.gather [hbm4b:s6+s22], $0x80, $0x38;
	[tilespmem:$0x1C180] =	vst v63  }
0x5fe: {  	s4 =	smov.u32 s0;
	s2 =	smov.u32 s1;
	p0 =	sne.s32 s0, $0x7F0  }
.Ltmp52:
0x5ff: {  	s0 =	sadd.s32 $0x10, s0;
	(pc) =	sbr.rel @p0 .LBB2_75-.Ltmp52, $2  }
0x600: {  	_ =	sdelay $0x2  }
0x601: {  	s1 =	sadd.s32 $0x100, s1;
	s6 =	sadd.s32 s4, s21  }
0x602: {  	[tilespmem:s2], [sflag:$0x1] =	stream.linear.gather [hbm4b:s6+s22], $0x80, $0x38;
	[tilespmem:$0x1C180] =	vst v63  }
.LBB2_77:
0x603: {  	s0 =	sshll.u32 s22, $0xF  }
0x604: {  	s0 =	sadd.s32 s19, s0  }
0x605: {  	s0 =	sshrl.u32 s0, $0x3  }
0x606: {  	s1 =	simm.s32 $0x80;
	s0 =	sadd.s32 s5, s0  }
0x607: {  	s2 =	simm.s32 $0x10;
	s6 =	simm.s32 $0x180;
	s7 =	sadd.s32 $0x0, s0  }
.LBB2_78:
0x608: {  	[tilespmem:s1], [sflag:$0x2] =	stream.linear.gather [hbm4b:s7+s3], $0x80, $0x38;
	[tilespmem:$0x1C180] =	vst v63  }
0x609: {  	s4 =	smov.u32 s2;
	s1 =	smov.u32 s6;
	p0 =	sne.s32 s2, $0x7F0  }
.Ltmp53:
0x60a: {  	s2 =	sadd.s32 $0x10, s2;
	(pc) =	sbr.rel @p0 .LBB2_78-.Ltmp53, $2  }
0x60b: {  	_ =	sdelay $0x2  }
0x60c: {  	s6 =	sadd.s32 $0x100, s6;
	s7 =	sadd.s32 s4, s0  }
0x60d: {  	[tilespmem:s1], [sflag:$0x2] =	stream.linear.gather [hbm4b:s7+s3], $0x80, $0x38;
	[tilespmem:$0x1C180] =	vst v63  }
0x60e: {  	_ =	swait.ge [sflag:s8], $0x4000  }
0x60f: {  	[sflag:s8] =	ssyncset.done $0x0  }
0x610: {  	s0 =	simm.s32 $0x0;
	s1 =	simm.s32 $0x0;
	[sflag:s8] =	ssyncadd.s32 $0xFFFFC000  }
.LBB2_80:
0x611: {  	s2 =	sand.u32 $0x40, s1;
	s4 =	sand.u32 $0x7F00, s0  }
0x612: {  	s2 =	sor.u32 s2, s4  }
0x613: {  	v5 =	vld [tilespmem:s2+$0x0];
	_ =	sdelay $0x4  }
0x614: {  	v6 =	vshrl.u32 v5, $0x12  }
0x615: {  	v5 =	vshrl.u32 v5, $0x9;
	vm2 =	veq.s32 v6, v4  }
0x616: {  	v5 =	vand.u32 $0x1FF, v5;
	_ =	sdelay $0x4  }
0x617: {  	[tilespmem:v5+s9+$0x0] =	vst.idx.add.s32.msk vm2, v1  }
0x618: {  	v5 =	vld [tilespmem:s2+$0x10];
	_ =	sdelay $0x4  }
0x619: {  	v6 =	vshrl.u32 v5, $0x12  }
0x61a: {  	v5 =	vshrl.u32 v5, $0x9;
	vm2 =	veq.s32 v6, v4  }
0x61b: {  	v5 =	vand.u32 $0x1FF, v5;
	_ =	sdelay $0x4  }
0x61c: {  	[tilespmem:v5+s9+$0x0] =	vst.idx.add.s32.msk vm2, v1  }
0x61d: {  	v5 =	vld [tilespmem:s2+$0x20];
	_ =	sdelay $0x4  }
0x61e: {  	v6 =	vshrl.u32 v5, $0x12  }
0x61f: {  	v5 =	vshrl.u32 v5, $0x9;
	vm2 =	veq.s32 v6, v4  }
0x620: {  	v5 =	vand.u32 $0x1FF, v5;
	_ =	sdelay $0x4  }
0x621: {  	[tilespmem:v5+s9+$0x0] =	vst.idx.add.s32.msk vm2, v1  }
0x622: {  	v5 =	vld [tilespmem:s2+$0x30];
	_ =	sdelay $0x4  }
0x623: {  	v6 =	vshrl.u32 v5, $0x12  }
0x624: {  	v5 =	vshrl.u32 v5, $0x9;
	vm2 =	veq.s32 v6, v4  }
0x625: {  	p0 =	sne.s32 s1, $0x3FC0;
	v5 =	vand.u32 $0x1FF, v5  }
.Ltmp54:
0x626: {  	_ = 	snop;
	(pc) =	sbr.rel @p0 .LBB2_80-.Ltmp54, $2  }
0x627: {  	_ =	sdelay $0x2  }
0x628: {  	s0 =	sadd.s32 $0x80, s0;
	s1 =	sadd.s32 $0x40, s1;
	[tilespmem:v5+s9+$0x0] =	vst.idx.add.s32.msk vm2, v1  }
0x629: {  	s0 =	sshll.u32 s22, $0x1  }
0x62a: {  	s0 =	smin.u32 s0, $0xD  }
0x62b: {  	s0 =	sshll.u32 s0, $0xE  }
0x62c: {  	s0 =	sadd.s32 s0, s20  }
0x62d: {  	s0 =	sshrl.u32 s0, $0x3  }
0x62e: {  	s1 =	simm.s32 $0x0;
	s0 =	sadd.s32 s5, s0  }
0x62f: {  	s2 =	simm.s32 $0x10;
	s6 =	simm.s32 $0x100;
	s7 =	sadd.s32 $0x0, s0  }
.LBB2_82:
0x630: {  	[tilespmem:s1], [sflag:$0x1] =	stream.linear.gather [hbm4b:s7+s3], $0x80, $0x38;
	[tilespmem:$0x1C180] =	vst v63  }
0x631: {  	s4 =	smov.u32 s2;
	s1 =	smov.u32 s6;
	p0 =	sne.s32 s2, $0x7F0  }
.Ltmp55:
0x632: {  	s2 =	sadd.s32 $0x10, s2;
	(pc) =	sbr.rel @p0 .LBB2_82-.Ltmp55, $2  }
0x633: {  	_ =	sdelay $0x2  }
0x634: {  	s6 =	sadd.s32 $0x100, s6;
	s7 =	sadd.s32 s4, s0  }
0x635: {  	[tilespmem:s1], [sflag:$0x1] =	stream.linear.gather [hbm4b:s7+s3], $0x80, $0x38;
	[tilespmem:$0x1C180] =	vst v63  }
0x636: {  	_ =	swait.ge [sflag:s10], $0x4000  }
0x637: {  	s0 =	simm.s32 $0x0;
	[sflag:s10] =	ssyncset.done $0x0  }
0x638: {  	p0 =	por $0x0, $0x0;
	s1 =	simm.s32 $0x0;
	[sflag:s10] =	ssyncadd.s32 $0xFFFFC000  }
.LBB2_84:
0x639: {  	s2 =	simm.s32 $0x1  }
0x63a: {  	s2 =	simm.s32 @!p0 $0x0  }
0x63b: {  	s2 =	sshll.u32 s2, $0x6  }
0x63c: {  	s2 =	sadd.s32 s2, s0  }
0x63d: {  	s4 =	sor.u32 $0x80, s2  }
0x63e: {  	v5 =	vld [tilespmem:s4+$0x0];
	_ =	sdelay $0x4  }
0x63f: {  	v6 =	vshrl.u32 v5, $0x12  }
0x640: {  	v5 =	vshrl.u32 v5, $0x9;
	vm2 =	veq.s32 v6, v4  }
0x641: {  	v5 =	vand.u32 $0x1FF, v5;
	_ =	sdelay $0x4  }
0x642: {  	s30 =	sor.u32 $0x90, s2;
	[tilespmem:v5+s9+$0x0] =	vst.idx.add.s32.msk vm2, v1  }
0x643: {  	v5 =	vld [tilespmem:s30+$0x0];
	_ =	sdelay $0x4  }
0x644: {  	v6 =	vshrl.u32 v5, $0x12  }
0x645: {  	v5 =	vshrl.u32 v5, $0x9;
	vm2 =	veq.s32 v6, v4  }
0x646: {  	v5 =	vand.u32 $0x1FF, v5;
	_ =	sdelay $0x4  }
0x647: {  	s31 =	sor.u32 $0xA0, s2;
	[tilespmem:v5+s9+$0x0] =	vst.idx.add.s32.msk vm2, v1  }
0x648: {  	v5 =	vld [tilespmem:s31+$0x0];
	_ =	sdelay $0x4  }
0x649: {  	v6 =	vshrl.u32 v5, $0x12  }
0x64a: {  	v5 =	vshrl.u32 v5, $0x9;
	vm2 =	veq.s32 v6, v4  }
0x64b: {  	v5 =	vand.u32 $0x1FF, v5;
	_ =	sdelay $0x4  }
0x64c: {  	s2 =	sor.u32 $0xB0, s2;
	[tilespmem:v5+s9+$0x0] =	vst.idx.add.s32.msk vm2, v1  }
0x64d: {  	v5 =	vld [tilespmem:s2+$0x0];
	_ =	sdelay $0x4  }
0x64e: {  	v6 =	vshrl.u32 v5, $0x12  }
0x64f: {  	v5 =	vshrl.u32 v5, $0x9;
	vm2 =	veq.s32 v6, v4  }
0x650: {  	p1 =	sne.s32 s1, $0x3FC0;
	v5 =	vand.u32 $0x1FF, v5  }
.Ltmp56:
0x651: {  	_ = 	snop;
	(pc) =	sbr.rel @p1 .LBB2_84-.Ltmp56, $2  }
0x652: {  	_ =	sdelay $0x2  }
0x653: {  	s1 =	sadd.s32 $0x40, s1;
	p0 =	por !p0, !p0;
	s0 =	sadd.s32 $0x80, s0;
	[tilespmem:v5+s9+$0x0] =	vst.idx.add.s32.msk vm2, v1  }
0x654: {  	s22 =	sadd.s32 $0x1, s22  }
0x655: {  	p0 =	sne.s32 s22, $0x8  }
.Ltmp57:
0x656: {  	_ = 	snop;
	(pc) =	sbr.rel @p0 .LBB2_77-.Ltmp57, $1  }
0x657: {  	_ =	sdelay $0x3  }
0x658: {  	_ =	swait.ge [sflag:s8], $0x4000  }
0x659: {  	[sflag:s8] =	ssyncset.done $0x0  }
0x65a: {  	s0 =	simm.s32 $0x8000;
	[sflag:s8] =	ssyncadd.s32 $0xFFFFC000  }
0x65b: {  	v6 =	vld [tilespmem:s0+$0x0];
	_ =	sdelay $0x4  }
0x65c: {  	(xrf0) =	vadd.scan.msk.s32 $0xffff, v6;
	_ =	sdelay $0x3  }
0x65d: {  	s13 =	simm.s32 $0x8010  }
0x65e: {  	v7 =	vld [tilespmem:s13+$0x0]  }
0x65f: {  	v5, _, _ =	vpop (xrf0)  }
0x660: {  	(v2sf) =	vpush v5, $0xF;
	_ =	sdelay $0x2  }
0x661: {  	(xrf0) =	vadd.scan.msk.s32 $0xffff, v7;
	_ =	sdelay $0x5  }
0x662: {  	v8, _, _ =	vpop (xrf0)  }
0x663: {  	(v2sf) =	vpush v8, $0xF;
	_ =	sdelay $0x1  }
0x664: {  	s14 =	simm.s32 $0x8020  }
0x665: {  	s26 =	simm.s32 $0x0;
	v9 =	vld [tilespmem:s14+$0x0]  }
0x666: {  	v10 =	vadd.s32 s26, v5  }
0x667: {  	v5 =	vmov s18;
	v11 =	vsub.s32 v10, v6;
	s1 =	spop (v2sf)  }
0x668: {  	vm3 =	vlt.s32 v5, v10;
	vm2 =	vge.s32 v5, v11;
	s30 =	sadd.s32 $0x0, s1  }
0x669: {  	s15 =	simm.s32 $0x8030;
	vm2 =	vmand vm3, vm2;
	v8 =	vadd.s32 s30, v8  }
0x66a: {  	(xrf0) =	vadd.scan.msk.s32 $0xffff, v9;
	v6 =	vld [tilespmem:s15+$0x0];
	v10 =	vsub.s32 v5, v11;
	v11 =	vnsel vm2, $0x0, v2;
	v7 =	vsub.s32 v8, v7  }
0x66b: {  	v10 =	vnsel vm2, $0x0, v10;
	vm3 =	vlt.s32 v5, v8;
	vm2 =	vge.s32 v5, v7  }
0x66c: {  	(xrf0) =	vadd.scan.msk.s32 $0xffff, v11;
	vm2 =	vmand vm3, vm2  }
0x66d: {  	(xrf0) =	vadd.scan.msk.s32 $0xffff, v10;
	v8 =	vnsel vm2, $0x0, v2;
	_ =	sdelay $0x1  }
0x66e: {  	(xrf0) =	vadd.scan.msk.s32 $0xffff, v6  }
0x66f: {  	v7 =	vsub.s32 v5, v7;
	(xrf0) =	vadd.scan.msk.s32 $0xffff, v8;
	v8, _, _ =	vpop (xrf0)  }
0x670: {  	s25 =	spop (v2sf);
	v7 =	vnsel vm2, $0x0, v7;
	(v2sf) =	vpush v8, $0xF  }
0x671: {  	s1 =	sadd.s32 s30, s25;
	(xrf0) =	vadd.scan.msk.s32 $0xffff, v7;
	v11, _, _ =	vpop (xrf0)  }
0x672: {  	v10 =	vadd.s32 s1, v8;
	v8, _, _ =	vpop (xrf0);
	(v2sf) =	vpush v11, $0xF  }
0x673: {  	(v2sf) =	vpush v8, $0xF;
	_ =	sdelay $0x1  }
0x674: {  	s22 =	simm.s32 $0x8040;
	v8, _, _ =	vpop (xrf0)  }
0x675: {  	v7 =	vld [tilespmem:s22+$0x0];
	v9 =	vsub.s32 v10, v9;
	vm3 =	vlt.s32 v5, v10;
	(v2sf) =	vpush v8, $0xF;
	v10, _, _ =	vpop (xrf0)  }
0x676: {  	(v2sf) =	vpush v10, $0xF;
	v10, _, _ =	vpop (xrf0)  }
0x677: {  	(v2sf) =	vpush v10, $0xF;
	_ =	sdelay $0x1  }
0x678: {  	s28 =	simm.s32 $0x10;
	s31 =	simm.s32 $0x30;
	vm2 =	vge.s32 v5, v9  }
0x679: {  	s29 =	simm.s32 $0x40;
	s12 =	simm.s32 $0x0;
	s6 =	simm.s32 $0x0;
	vm2 =	vmand vm3, vm2;
	(xrf0) =	vadd.scan.msk.s32 $0xffff, v7  }
0x67a: {  	s7 =	simm.s32 $0x10;
	s0 =	simm.s32 $0x20;
	s14 =	simm.s32 $0x50;
	v9 =	vsub.s32 v5, v9;
	v11 =	vnsel vm2, $0x0, v2  }
0x67b: {  	s15 =	simm.s32 $0x8050;
	s25 =	simm.s32 $0x0;
	s13 =	smov.u32 s30;
	v9 =	vnsel vm2, $0x0, v9;
	(xrf0) =	vadd.scan.msk.s32 $0xffff, v11  }
0x67c: {  	s11 =	smov.u32 s1;
	s2 =	smov.u32 s1;
	s22 =	simm.s32 $0x0;
	(xrf0) =	vadd.scan.msk.s32 $0xffff, v9  }
.LBB2_87:
0x67d: {  	v9 =	vld [tilespmem:s15+$0x0];
	p0 =	seq.s32 s14, $0x1F0;
	s4 =	spop (v2sf)  }
0x67e: {  	p1 =	sle.s32 s12, s18;
	p2 =	slt.s32 s18, s30;
	s1 =	sadd.s32 s1, s4  }
0x67f: {  	s30 =	smov.u32 s11;
	p1 =	por !p1, !p2;
	v10 =	vadd.s32 s1, v8;
	v8, _, _ =	vpop (xrf0);
	s4 =	spop (v2sf)  }
0x680: {  	p1 =	por !p1, !p1;
	(v2sf) =	vpush v8, $0xF;
	v12 =	vsub.s32 v10, v6;
	s4 =	sadd.s32 s6, s4;
	s6 =	spop (v2sf);
	v6 =	vmov v7  }
.Ltmp58:
0x681: {  	vm3 =	vlt.s32 v5, v10;
	vm2 =	vge.s32 v5, v12;
	v10 =	vsub.s32 v5, v12;
	v7, _, _ =	vpop (xrf0);
	s22 =	smov.u32 @p1 s4;
	s25 =	smov.u32 @p1 s6;
	(pc) =	sbr.rel @!p0 .LBB2_87-.Ltmp58, $4  }
0x682: {  	s12 =	smov.u32 s13;
	s13 =	smov.u32 s2;
	s11 =	smov.u32 s1;
	(xrf0) =	vadd.scan.msk.s32 $0xffff, v9;
	vm2 =	vmand vm3, vm2;
	(v2sf) =	vpush v7, $0xF;
	v11, _, _ =	vpop (xrf0);
	v7 =	vmov v9  }
0x683: {  	s2 =	smov.u32 s1;
	s6 =	smov.u32 s7;
	s7 =	smov.u32 s0;
	v9 =	vnsel vm2, $0x0, v2;
	v10 =	vnsel vm2, $0x0, v10;
	(v2sf) =	vpush v11, $0xF  }
0x684: {  	s0 =	smov.u32 s31;
	s31 =	smov.u32 s29;
	s29 =	smov.u32 s14;
	(xrf0) =	vadd.scan.msk.s32 $0xffff, v9  }
0x685: {  	s15 =	sadd.s32 $0x10, s15;
	s14 =	sadd.s32 $0x10, s14;
	(xrf0) =	vadd.scan.msk.s32 $0xffff, v10  }
0x686: {  	_ =	sdelay $0x5  }
0x687: {  	s4 =	spop (v2sf)  }
0x688: {  	s14 =	sadd.s32 s1, s4;
	s4 =	spop (v2sf)  }
0x689: {  	v8 =	vadd.s32 s14, v8;
	s15 =	spop (v2sf)  }
0x68a: {  	v6 =	vsub.s32 v8, v6;
	s1 =	spop (v2sf)  }
0x68b: {  	v9, _, _ =	vpop (xrf0);
	vm3 =	vlt.s32 v5, v8;
	vm2 =	vge.s32 v5, v6;
	s1 =	sadd.s32 s14, s1  }
0x68c: {  	vm2 =	vmand vm3, vm2;
	v62 =	vadd.s32 s1, v9  }
0x68d: {  	v6 =	vsub.s32 v5, v6;
	v63 =	vnsel vm2, $0x0, v2;
	v7 =	vsub.s32 v62, v7  }
0x68e: {  	v6 =	vnsel vm2, $0x0, v6;
	vm3 =	vlt.s32 v5, v62;
	vm2 =	vge.s32 v5, v7  }
0x68f: {  	(xrf0) =	vadd.scan.msk.s32 $0xffff, v63;
	vm2 =	vmand vm3, vm2  }
0x690: {  	(xrf0) =	vadd.scan.msk.s32 $0xffff, v6;
	v6 =	vnsel vm2, $0x0, v2  }
0x691: {  	v5 =	vsub.s32 v5, v7;
	v7, _, _ =	vpop (xrf0);
	(xrf0) =	vadd.scan.msk.s32 $0xffff, v6  }
0x692: {  	v5 =	vnsel vm2, $0x0, v5  }
0x693: {  	(v2sf) =	vpush v9, $0xF;
	v6, _, _ =	vpop (xrf0);
	(xrf0) =	vadd.scan.msk.s32 $0xffff, v5  }
0x694: {  	(v2sf) =	vpush v7, $0xF  }
0x695: {  	(v2sf) =	vpush v6, $0xF;
	v5, _, _ =	vpop (xrf0)  }
0x696: {  	(v2sf) =	vpush v5, $0xF;
	v5, _, _ =	vpop (xrf0)  }
0x697: {  	(v2sf) =	vpush v5, $0xF;
	v5, _, _ =	vpop (xrf0)  }
0x698: {  	(v2sf) =	vpush v5, $0xF  }
0x699: {  	v5, _, _ =	vpop (xrf0)  }
0x69a: {  	(v2sf) =	vpush v5, $0xF  }
0x69b: {  	p0 =	sle.s32 s12, s18;
	p1 =	slt.s32 s18, s30;
	p2 =	sle.s32 s13, s18  }
0x69c: {  	p6 =	slt.s32 s18, s11;
	p3 =	sle.s32 s2, s18;
	p0 =	por !p0, !p1  }
0x69d: {  	p1 =	por !p2, !p6;
	s4 =	sadd.s32 s6, s4;
	p0 =	por !p0, !p0  }
0x69e: {  	p1 =	por !p1, !p1;
	p4 =	slt.s32 s18, s14;
	p5 =	sle.s32 s14, s18  }
0x69f: {  	s22 =	smov.u32 @p0 s4;
	s25 =	smov.u32 @p0 s15;
	p0 =	por !p3, !p4  }
0x6a0: {  	p0 =	por !p0, !p0;
	s6 =	spop (v2sf);
	p6 =	slt.s32 s18, s1  }
0x6a1: {  	p4 =	sle.s32 s1, s18;
	s12 =	spop (v2sf);
	s4 =	sadd.s32 s7, s6  }
0x6a2: {  	p3 =	por !p5, !p6;
	s22 =	smov.u32 @p1 s4;
	s30 =	spop (v2sf)  }
0x6a3: {  	s25 =	smov.u32 @p1 s12;
	s13 =	sadd.s32 s1, s30;
	s15 =	spop (v2sf)  }
0x6a4: {  	p5 =	slt.s32 s18, s13;
	s0 =	sadd.s32 s0, s15;
	s4 =	spop (v2sf)  }
0x6a5: {  	s22 =	smov.u32 @p0 s0;
	s25 =	smov.u32 @p0 s4;
	s30 =	spop (v2sf)  }
0x6a6: {  	p0 =	por !p3, !p3;
	s0 =	sadd.s32 s31, s30;
	s4 =	spop (v2sf)  }
0x6a7: {  	p6 =	por !p4, !p5;
	s22 =	smov.u32 @p0 s0;
	s31 =	spop (v2sf)  }
0x6a8: {  	s25 =	smov.u32 @p0 s4;
	p0 =	por !p6, !p6;
	s0 =	sadd.s32 s29, s31  }
0x6a9: {  	s1 =	spop (v2sf);
	s22 =	smov.u32 @p0 s0  }
0x6aa: {  	s0 =	simm.s32 $0x100;
	s25 =	smov.u32 @p0 s1;
	s1 =	sadd.s32 $0x0, s21  }
.LBB2_89:
0x6ab: {  	[tilespmem:s26], [sflag:$0x1] =	stream.linear.gather [hbm4b:s1+s3], $0x80, $0x38;
	[tilespmem:$0x1C180] =	vst v63  }
0x6ac: {  	s1 =	smov.u32 s28;
	s26 =	smov.u32 s0;
	p0 =	seq.s32 s28, $0x7F0  }
.Ltmp59:
0x6ad: {  	s28 =	sadd.s32 $0x10, s28;
	(pc) =	sbr.rel @!p0 .LBB2_89-.Ltmp59, $2  }
0x6ae: {  	_ =	sdelay $0x2  }
0x6af: {  	s0 =	sadd.s32 $0x100, s0;
	s1 =	sadd.s32 s1, s21  }
0x6b0: {  	[tilespmem:s26], [sflag:$0x1] =	stream.linear.gather [hbm4b:s1+s3], $0x80, $0x38;
	[tilespmem:$0x1C180] =	vst v63  }
0x6b1: {  	v5 =	vmov s22;
	s18 =	simm.s32 $0x0  }
.LBB2_91:
0x6b2: {  	s0 =	sshll.u32 s18, $0xF  }
0x6b3: {  	s0 =	sadd.s32 s19, s0  }
0x6b4: {  	s0 =	sshrl.u32 s0, $0x3  }
0x6b5: {  	s1 =	simm.s32 $0x80;
	s0 =	sadd.s32 s5, s0  }
0x6b6: {  	s2 =	simm.s32 $0x10;
	s6 =	simm.s32 $0x180;
	s7 =	sadd.s32 $0x0, s0  }
.LBB2_92:
0x6b7: {  	[tilespmem:s1], [sflag:$0x2] =	stream.linear.gather [hbm4b:s7+s3], $0x80, $0x38;
	[tilespmem:$0x1C180] =	vst v63  }
0x6b8: {  	s4 =	smov.u32 s2;
	s1 =	smov.u32 s6;
	p0 =	sne.s32 s2, $0x7F0  }
.Ltmp60:
0x6b9: {  	s2 =	sadd.s32 $0x10, s2;
	(pc) =	sbr.rel @p0 .LBB2_92-.Ltmp60, $2  }
0x6ba: {  	_ =	sdelay $0x2  }
0x6bb: {  	s6 =	sadd.s32 $0x100, s6;
	s7 =	sadd.s32 s4, s0  }
0x6bc: {  	[tilespmem:s1], [sflag:$0x2] =	stream.linear.gather [hbm4b:s7+s3], $0x80, $0x38;
	[tilespmem:$0x1C180] =	vst v63  }
0x6bd: {  	_ =	swait.ge [sflag:s8], $0x4000  }
0x6be: {  	[sflag:s8] =	ssyncset.done $0x0  }
0x6bf: {  	s0 =	simm.s32 $0x0;
	s1 =	simm.s32 $0x0;
	[sflag:s8] =	ssyncadd.s32 $0xFFFFC000  }
.LBB2_94:
0x6c0: {  	s2 =	sand.u32 $0x40, s1;
	s4 =	sand.u32 $0x7F00, s0  }
0x6c1: {  	s2 =	sor.u32 s2, s4  }
0x6c2: {  	v6 =	vld [tilespmem:s2+$0x0];
	_ =	sdelay $0x4  }
0x6c3: {  	v7 =	vshrl.u32 v6, $0x9  }
0x6c4: {  	v8 =	vshrl.u32 v6, $0x12;
	v7 =	vand.u32 $0x1FF, v7  }
0x6c5: {  	vm2 =	veq.s32 v8, v4;
	vm3 =	veq.s32 v7, v5  }
0x6c6: {  	v6 =	vand.u32 $0x1FF, v6;
	vm2 =	vmand vm2, vm3  }
0x6c7: {  	v6 =	vor.u32 $0x200, v6;
	_ =	sdelay $0x4  }
0x6c8: {  	[tilespmem:v6+s9+$0x0] =	vst.idx.add.s32.msk vm2, v1  }
0x6c9: {  	v6 =	vld [tilespmem:s2+$0x10];
	_ =	sdelay $0x4  }
0x6ca: {  	v7 =	vshrl.u32 v6, $0x9  }
0x6cb: {  	v61 =	vshrl.u32 v6, $0x12;
	v7 =	vand.u32 $0x1FF, v7  }
0x6cc: {  	vm2 =	veq.s32 v61, v4;
	vm3 =	veq.s32 v7, v5  }
0x6cd: {  	v6 =	vand.u32 $0x1FF, v6;
	vm2 =	vmand vm2, vm3  }
0x6ce: {  	v6 =	vor.u32 $0x200, v6;
	_ =	sdelay $0x4  }
0x6cf: {  	[tilespmem:v6+s9+$0x0] =	vst.idx.add.s32.msk vm2, v1  }
0x6d0: {  	v6 =	vld [tilespmem:s2+$0x20];
	_ =	sdelay $0x4  }
0x6d1: {  	v7 =	vshrl.u32 v6, $0x9  }
0x6d2: {  	v62 =	vshrl.u32 v6, $0x12;
	v7 =	vand.u32 $0x1FF, v7  }
0x6d3: {  	vm2 =	veq.s32 v62, v4;
	vm3 =	veq.s32 v7, v5  }
0x6d4: {  	v6 =	vand.u32 $0x1FF, v6;
	vm2 =	vmand vm2, vm3  }
0x6d5: {  	v6 =	vor.u32 $0x200, v6;
	_ =	sdelay $0x4  }
0x6d6: {  	[tilespmem:v6+s9+$0x0] =	vst.idx.add.s32.msk vm2, v1  }
0x6d7: {  	v6 =	vld [tilespmem:s2+$0x30];
	_ =	sdelay $0x4  }
0x6d8: {  	v7 =	vshrl.u32 v6, $0x9  }
0x6d9: {  	v63 =	vshrl.u32 v6, $0x12;
	v7 =	vand.u32 $0x1FF, v7  }
0x6da: {  	vm2 =	veq.s32 v63, v4;
	vm3 =	veq.s32 v7, v5  }
0x6db: {  	v6 =	vand.u32 $0x1FF, v6;
	vm2 =	vmand vm2, vm3  }
0x6dc: {  	p0 =	sne.s32 s1, $0x3FC0;
	v6 =	vor.u32 $0x200, v6  }
.Ltmp61:
0x6dd: {  	_ = 	snop;
	(pc) =	sbr.rel @p0 .LBB2_94-.Ltmp61, $2  }
0x6de: {  	_ =	sdelay $0x2  }
0x6df: {  	s0 =	sadd.s32 $0x80, s0;
	s1 =	sadd.s32 $0x40, s1;
	[tilespmem:v6+s9+$0x0] =	vst.idx.add.s32.msk vm2, v1  }
0x6e0: {  	s0 =	sshll.u32 s18, $0x1  }
0x6e1: {  	s0 =	smin.u32 s0, $0xD  }
0x6e2: {  	s0 =	sshll.u32 s0, $0xE  }
0x6e3: {  	s0 =	sadd.s32 s0, s20  }
0x6e4: {  	s0 =	sshrl.u32 s0, $0x3  }
0x6e5: {  	s1 =	simm.s32 $0x0;
	s0 =	sadd.s32 s5, s0  }
0x6e6: {  	s2 =	simm.s32 $0x10;
	s6 =	simm.s32 $0x100;
	s7 =	sadd.s32 $0x0, s0  }
.LBB2_96:
0x6e7: {  	[tilespmem:s1], [sflag:$0x1] =	stream.linear.gather [hbm4b:s7+s3], $0x80, $0x38;
	[tilespmem:$0x1C180] =	vst v63  }
0x6e8: {  	s4 =	smov.u32 s2;
	s1 =	smov.u32 s6;
	p0 =	sne.s32 s2, $0x7F0  }
.Ltmp62:
0x6e9: {  	s2 =	sadd.s32 $0x10, s2;
	(pc) =	sbr.rel @p0 .LBB2_96-.Ltmp62, $2  }
0x6ea: {  	_ =	sdelay $0x2  }
0x6eb: {  	s6 =	sadd.s32 $0x100, s6;
	s7 =	sadd.s32 s4, s0  }
0x6ec: {  	[tilespmem:s1], [sflag:$0x1] =	stream.linear.gather [hbm4b:s7+s3], $0x80, $0x38;
	[tilespmem:$0x1C180] =	vst v63  }
0x6ed: {  	_ =	swait.ge [sflag:s10], $0x4000  }
0x6ee: {  	s0 =	simm.s32 $0x0;
	[sflag:s10] =	ssyncset.done $0x0  }
0x6ef: {  	p0 =	por $0x0, $0x0;
	s1 =	simm.s32 $0x0;
	[sflag:s10] =	ssyncadd.s32 $0xFFFFC000  }
.LBB2_98:
0x6f0: {  	s2 =	simm.s32 $0x1  }
0x6f1: {  	s2 =	simm.s32 @!p0 $0x0  }
0x6f2: {  	s2 =	sshll.u32 s2, $0x6  }
0x6f3: {  	s2 =	sadd.s32 s2, s0  }
0x6f4: {  	s4 =	sor.u32 $0x80, s2  }
0x6f5: {  	v6 =	vld [tilespmem:s4+$0x0];
	_ =	sdelay $0x4  }
0x6f6: {  	v7 =	vshrl.u32 v6, $0x9  }
0x6f7: {  	v8 =	vshrl.u32 v6, $0x12;
	v7 =	vand.u32 $0x1FF, v7  }
0x6f8: {  	vm2 =	veq.s32 v8, v4;
	vm3 =	veq.s32 v7, v5  }
0x6f9: {  	v6 =	vand.u32 $0x1FF, v6;
	vm2 =	vmand vm2, vm3  }
0x6fa: {  	v6 =	vor.u32 $0x200, v6;
	_ =	sdelay $0x4  }
0x6fb: {  	s30 =	sor.u32 $0x90, s2;
	[tilespmem:v6+s9+$0x0] =	vst.idx.add.s32.msk vm2, v1  }
0x6fc: {  	v6 =	vld [tilespmem:s30+$0x0];
	_ =	sdelay $0x4  }
0x6fd: {  	v7 =	vshrl.u32 v6, $0x9  }
0x6fe: {  	v61 =	vshrl.u32 v6, $0x12;
	v7 =	vand.u32 $0x1FF, v7  }
0x6ff: {  	vm2 =	veq.s32 v61, v4;
	vm3 =	veq.s32 v7, v5  }
0x700: {  	v6 =	vand.u32 $0x1FF, v6;
	vm2 =	vmand vm2, vm3  }
0x701: {  	v6 =	vor.u32 $0x200, v6;
	_ =	sdelay $0x4  }
0x702: {  	s31 =	sor.u32 $0xA0, s2;
	[tilespmem:v6+s9+$0x0] =	vst.idx.add.s32.msk vm2, v1  }
0x703: {  	v6 =	vld [tilespmem:s31+$0x0];
	_ =	sdelay $0x4  }
0x704: {  	v7 =	vshrl.u32 v6, $0x9  }
0x705: {  	v62 =	vshrl.u32 v6, $0x12;
	v7 =	vand.u32 $0x1FF, v7  }
0x706: {  	vm2 =	veq.s32 v62, v4;
	vm3 =	veq.s32 v7, v5  }
0x707: {  	v6 =	vand.u32 $0x1FF, v6;
	vm2 =	vmand vm2, vm3  }
0x708: {  	v6 =	vor.u32 $0x200, v6;
	_ =	sdelay $0x4  }
0x709: {  	s2 =	sor.u32 $0xB0, s2;
	[tilespmem:v6+s9+$0x0] =	vst.idx.add.s32.msk vm2, v1  }
0x70a: {  	v6 =	vld [tilespmem:s2+$0x0];
	_ =	sdelay $0x4  }
0x70b: {  	v7 =	vshrl.u32 v6, $0x9  }
0x70c: {  	v63 =	vshrl.u32 v6, $0x12;
	v7 =	vand.u32 $0x1FF, v7  }
0x70d: {  	vm2 =	veq.s32 v63, v4;
	vm3 =	veq.s32 v7, v5  }
0x70e: {  	v6 =	vand.u32 $0x1FF, v6;
	vm2 =	vmand vm2, vm3  }
0x70f: {  	p1 =	sne.s32 s1, $0x3FC0;
	v6 =	vor.u32 $0x200, v6  }
.Ltmp63:
0x710: {  	_ = 	snop;
	(pc) =	sbr.rel @p1 .LBB2_98-.Ltmp63, $2  }
0x711: {  	_ =	sdelay $0x2  }
0x712: {  	s1 =	sadd.s32 $0x40, s1;
	p0 =	por !p0, !p0;
	s0 =	sadd.s32 $0x80, s0;
	[tilespmem:v6+s9+$0x0] =	vst.idx.add.s32.msk vm2, v1  }
0x713: {  	s18 =	sadd.s32 $0x1, s18  }
0x714: {  	p0 =	sne.s32 s18, $0x8  }
.Ltmp64:
0x715: {  	_ = 	snop;
	(pc) =	sbr.rel @p0 .LBB2_91-.Ltmp64, $1  }
0x716: {  	_ =	sdelay $0x3  }
0x717: {  	_ =	swait.ge [sflag:s8], $0x4000  }
0x718: {  	s18 =	simm.s32 $0x0;
	[sflag:s8] =	ssyncset.done $0x0  }
0x719: {  	s0 =	sand.u32 $0x1F0, s18;
	[sflag:s8] =	ssyncadd.s32 $0xFFFFC000  }
0x71a: {  	v5 =	vld [tilespmem:s0+$0x8200];
	_ =	sdelay $0x4  }
0x71b: {  	s20 =	simm.s32 $0x10;
	(xrf0) =	vadd.scan.msk.s32 $0xffff, v5  }
0x71c: {  	s29 =	sand.u32 $0x1F0, s20  }
0x71d: {  	v6 =	vld [tilespmem:s29+$0x8200];
	_ =	sdelay $0x3  }
0x71e: {  	v4, _, _ =	vpop (xrf0)  }
0x71f: {  	(xrf0) =	vadd.scan.msk.s32 $0xffff, v6;
	(v2sf) =	vpush v4, $0xF;
	_ =	sdelay $0x5  }
0x720: {  	v7, _, _ =	vpop (xrf0)  }
0x721: {  	(v2sf) =	vpush v7, $0xF  }
0x722: {  	s19 =	simm.s32 $0x20  }
0x723: {  	s30 =	sand.u32 $0x1F0, s19  }
0x724: {  	v8 =	vld [tilespmem:s30+$0x8200];
	_ =	sdelay $0x1  }
0x725: {  	v9 =	vadd.s32 s18, v4  }
0x726: {  	v4 =	vmov s25;
	v10 =	vsub.s32 v9, v5  }
0x727: {  	s0 =	simm.s32 $0x30;
	vm3 =	vlt.s32 v4, v9;
	vm2 =	vle.s32 v10, v4  }
0x728: {  	s1 =	sand.u32 $0x1F0, s0;
	(xrf0) =	vadd.scan.msk.s32 $0xffff, v8;
	vm2 =	vmand vm3, vm2;
	s2 =	spop (v2sf)  }
0x729: {  	v5 =	vld [tilespmem:s1+$0x8200];
	v60 =	vnsel vm2, $0x0, v2;
	s2 =	sadd.s32 $0x0, s2  }
0x72a: {  	(xrf0) =	vadd.scan.msk.s32 $0xffff, v60;
	v7 =	vadd.s32 s2, v7  }
0x72b: {  	v6 =	vsub.s32 v7, v6  }
0x72c: {  	vm3 =	vlt.s32 v4, v7;
	vm2 =	vle.s32 v6, v4  }
0x72d: {  	vm2 =	vmand vm3, vm2  }
0x72e: {  	(xrf0) =	vadd.scan.msk.s32 $0xffff, v5;
	v7, _, _ =	vpop (xrf0);
	v6 =	vnsel vm2, $0x0, v2  }
0x72f: {  	s4 =	spop (v2sf);
	(v2sf) =	vpush v7, $0xF;
	(xrf0) =	vadd.scan.msk.s32 $0xffff, v6  }
0x730: {  	s12 =	sadd.s32 s2, s4;
	v62, _, _ =	vpop (xrf0)  }
0x731: {  	v61 =	vadd.s32 s12, v7;
	(v2sf) =	vpush v62, $0xF  }
0x732: {  	v8 =	vsub.s32 v61, v8  }
0x733: {  	s21 =	simm.s32 $0x40  }
0x734: {  	s31 =	sand.u32 $0x1F0, s21;
	v7, _, _ =	vpop (xrf0)  }
0x735: {  	v6 =	vld [tilespmem:s31+$0x8200];
	vm2 =	vle.s32 v8, v4;
	(v2sf) =	vpush v7, $0xF;
	v8, _, _ =	vpop (xrf0)  }
0x736: {  	(v2sf) =	vpush v8, $0xF;
	_ =	sdelay $0x2  }
0x737: {  	vm3 =	vlt.s32 v4, v61  }
0x738: {  	vm2 =	vmand vm3, vm2;
	(xrf0) =	vadd.scan.msk.s32 $0xffff, v6  }
0x739: {  	s14 =	simm.s32 $0x50;
	s13 =	simm.s32 $0x0;
	s11 =	simm.s32 $0x0;
	v63 =	vnsel vm2, $0x0, v2  }
0x73a: {  	s7 =	smov.u32 s2;
	s6 =	smov.u32 s12;
	s1 =	smov.u32 s12;
	(xrf0) =	vadd.scan.msk.s32 $0xffff, v63  }
.LBB2_101:
0x73b: {  	s4 =	sand.u32 $0x1F0, s14;
	p0 =	sne.s32 s14, $0x1F0;
	s15 =	smov.u32 s0  }
0x73c: {  	s0 =	smov.u32 s21;
	s21 =	smov.u32 s14;
	v8 =	vld [tilespmem:s4+$0x8200];
	s4 =	spop (v2sf)  }
0x73d: {  	s12 =	sadd.s32 s12, s4  }
0x73e: {  	p1 =	slt.s32 s25, s2;
	v9 =	vadd.s32 s12, v7;
	v7, _, _ =	vpop (xrf0);
	s4 =	spop (v2sf)  }
.Ltmp65:
0x73f: {  	(v2sf) =	vpush v7, $0xF;
	v10 =	vsub.s32 v9, v5;
	s2 =	sadd.s32 s13, s4;
	v5 =	vmov v6;
	s4 =	smov.u32 s18;
	(pc) =	sbr.rel @p0 .LBB2_101-.Ltmp65, $4  }
0x740: {  	p2 =	sle.s32 s11, s25;
	vm3 =	vlt.s32 v4, v9;
	vm2 =	vle.s32 v10, v4;
	v6, _, _ =	vpop (xrf0);
	s4 =	smov.u32 @p1 s2;
	s2 =	smov.u32 s6  }
0x741: {  	s11 =	smov.u32 s7;
	s6 =	smov.u32 s12;
	(xrf0) =	vadd.scan.msk.s32 $0xffff, v8;
	vm2 =	vmand vm3, vm2;
	(v2sf) =	vpush v6, $0xF;
	s18 =	smov.u32 @p2 s4;
	v6 =	vmov v8  }
0x742: {  	s7 =	smov.u32 s1;
	s1 =	smov.u32 s12;
	s13 =	smov.u32 s20;
	v8 =	vnsel vm2, $0x0, v2  }
0x743: {  	s14 =	sadd.s32 $0x10, s14;
	s20 =	smov.u32 s19;
	s19 =	smov.u32 s15;
	(xrf0) =	vadd.scan.msk.s32 $0xffff, v8  }
0x744: {  	_ =	sdelay $0x6  }
0x745: {  	s4 =	spop (v2sf)  }
0x746: {  	s4 =	sadd.s32 s12, s4  }
0x747: {  	s31 =	spop (v2sf);
	v7 =	vadd.s32 s4, v7  }
0x748: {  	v5 =	vsub.s32 v7, v5;
	s14 =	spop (v2sf)  }
0x749: {  	v8, _, _ =	vpop (xrf0);
	vm3 =	vlt.s32 v4, v7;
	vm2 =	vle.s32 v5, v4;
	s14 =	sadd.s32 s4, s14  }
0x74a: {  	vm2 =	vmand vm3, vm2;
	v5 =	vadd.s32 s14, v8  }
0x74b: {  	v63 =	vnsel vm2, $0x0, v2;
	v6 =	vsub.s32 v5, v6  }
0x74c: {  	(xrf0) =	vadd.scan.msk.s32 $0xffff, v63;
	vm3 =	vlt.s32 v4, v5;
	vm2 =	vle.s32 v6, v4  }
0x74d: {  	vm2 =	vmand vm3, vm2  }
0x74e: {  	v4 =	vnsel vm2, $0x0, v2  }
0x74f: {  	(v2sf) =	vpush v8, $0xF;
	v5, _, _ =	vpop (xrf0);
	(xrf0) =	vadd.scan.msk.s32 $0xffff, v4  }
0x750: {  	(v2sf) =	vpush v5, $0xF;
	_ =	sdelay $0x1  }
0x751: {  	v4, _, _ =	vpop (xrf0)  }
0x752: {  	(v2sf) =	vpush v4, $0xF;
	_ =	sdelay $0x1  }
0x753: {  	v4, _, _ =	vpop (xrf0)  }
0x754: {  	(v2sf) =	vpush v4, $0xF;
	_ =	sdelay $0x3  }
0x755: {  	p0 =	slt.s32 s25, s2;
	s12 =	smov.u32 s18;
	s2 =	sadd.s32 s13, s31  }
0x756: {  	p1 =	sle.s32 s11, s25;
	s12 =	smov.u32 @p0 s2  }
0x757: {  	s18 =	smov.u32 @p1 s12;
	s15 =	spop (v2sf)  }
0x758: {  	p0 =	slt.s32 s25, s6;
	s6 =	smov.u32 s18;
	s2 =	sadd.s32 s20, s15  }
0x759: {  	p1 =	sle.s32 s7, s25;
	s6 =	smov.u32 @p0 s2;
	s26 =	spop (v2sf)  }
0x75a: {  	s18 =	smov.u32 @p1 s6;
	s28 =	spop (v2sf)  }
0x75b: {  	p0 =	slt.s32 s25, s4;
	s7 =	smov.u32 s18;
	s6 =	sadd.s32 s19, s28  }
0x75c: {  	p1 =	sle.s32 s1, s25;
	s7 =	smov.u32 @p0 s6  }
0x75d: {  	s18 =	smov.u32 @p1 s7;
	s29 =	spop (v2sf)  }
0x75e: {  	p0 =	slt.s32 s25, s14;
	s1 =	smov.u32 s18;
	s0 =	sadd.s32 s0, s29  }
.Ltmp66:
0x75f: {  	p1 =	sle.s32 s4, s25;
	s1 =	smov.u32 @p0 s0;
	(pc) =	sbr.rel .LBB2_116-.Ltmp66, $4  }
0x760: {  	s30 =	sadd.s32 s14, s26;
	s18 =	smov.u32 @p1 s1;
	s31 =	spop (v2sf)  }
0x761: {  	p0 =	slt.s32 s25, s30;
	s1 =	smov.u32 s18;
	s0 =	sadd.s32 s21, s31  }
0x762: {  	p1 =	sle.s32 s14, s25;
	s1 =	smov.u32 @p0 s0  }
0x763: {  	s18 =	smov.u32 @p1 s1  }
.LBB2_118:
0x764: {  	_ =	sfence.sel $0x180000  }
0x765: {  	[bflag:$0x0] =	sbarrier.arrive $0xFFFF  }
0x766: {  	_ =	strace $0x9000004D  }
0x767: {  	s0 =	stileid.u32;
	[bflag:$0x2] =	sbarrier.arrive $0xFFFF  }
0x768: {  	p0 =	sne.s32 s0, $0x0;
	s0 =	rddreg [dreg:$0x2]  }
0x769: {  	s0 =	sadd.s32 @!p0 $0x100000, s0  }
0x76a: {  	[sflag:s0] =	ssyncadd.tile.s32 @!p0 $0x1;
	_ =	shalt  }
.Lfunc_end2:
_tile_overlayer_lowered:
.L_overlay_start_2:
0x76b: {  	(tag) =	ssettag $0x2  }
0x76c: {  	s0 =	rddreg [dreg:$0x0];
	s2 =	stileid.u32  }
0x76d: {  	s1 =	rddreg [dreg:$0x1];
	p0 =	sne.s32 s2, $0x0  }
0x76e: {  	s3 =	rddreg [dreg:$0x2];
	[bflag:$0x3] =	sbarrier.arrive $0xFFFF;
	s2 =	simm.s32 @!p0 $0x1C03  }
0x76f: {  	[timem:s3], [sflag:s2] =	dma.local @!p0 [hbm:s0], s1  }
0x770: {  	s0 =	simm.s32 @!p0 $0x3  }
0x771: {  	_ =	swait.ge @!p0 [sflag:s0], s1  }
0x772: {  	s1 =	ssub.s32 @!p0 $0x0, s1;
	[sflag:s0] =	ssyncset.done @!p0 $0x0  }
0x773: {  	[sflag:s0] =	ssyncadd.s32 @!p0 s1  }
0x774: {  	[bflag:$0x3] =	sbarrier.arrive $0xFFFF  }
0x775: {  	_ =	shalt  }

// kernel: sparse-core-data-format-call.1.cloned.1.call-start
scs
called_computation.1_lowered:
.L_overlay_start_0:
0x0: {  	s1 =	sld [smem:$0x3FD9]  }
0x1: {  	s2 =	sld [smem:$0x3FFE];
	_ =	sdelay $0x1  }
0x2: {  	s3 =	srdreg.scid  }
0x3: {  	s0 =	sand.u32 $0x1, s3  }
0x4: {  	s17 =	sshll.u32 s0, $0xA;
	s1 =	sadd.s32 s2, s1  }
0x5: {  	s1 =	sadd.s32 s1, s17  }
0x6: {  	[smem:$0x3FC7] =	sst s1  }
0x7: {  	_ = 	snop  }
0x8: {  	(tm) =	ssettm $0x1  }
0x9: {  	s18 =	sld [smem:$0x3FFB];
	_ =	sdelay $0x3  }
0xa: {  	_ =	strace s18  }
0xb: {  	s1 =	sld [smem:$0x3FFC];
	_ =	sdelay $0x3  }
0xc: {  	_ =	strace s1  }
0xd: {  	s1 =	sld [smem:$0x3FFD];
	_ =	sdelay $0x3  }
0xe: {  	_ =	strace s1  }
0xf: {  	_ =	strace $0x8FFFFFFF  }
0x10: {  	s19 =	sld [smem:$0x3FDB];
	_ =	sdelay $0x1  }
0x11: {  	s20 =	simm.s32 $_scs_section_size  }
0x12: {  	s4 =	simm.s32 $_size__tile_overlayer_lowered;
	s5 =	simm.s32 $_tile_overlayer_lowered  }
0x13: {  	s23 =	simm.s32 $0x1BFF;
	s22 =	sshll.u32 s5, $0x1;
	s1 =	sadd.s32 s20, s19  }
0x14: {  	s6 =	simm.s32 $0x0;
	s21 =	sshll.u32 s4, $0x1;
	s4 =	sadd.s32 s22, s1  }
0x15: {  	[timem:s6], [sflag:s23] =	dma.local [hbm:s4], s21  }
0x16: {  	_ =	swait.ge [sflag:s23], s21  }
0x17: {  	s2 =	ssub.s32 $0x0, s21;
	[sflag:s23] =	ssyncset.done $0x0  }
0x18: {  	[sflag:s23] =	ssyncadd.s32 s2;
	_ =	sdelay $0x1  }
0x19: {  	s24 =	simm.s32 $0x1B8B  }
0x1a: {  	_ =	swait.ge [sflag:s24], $0x1  }
0x1b: {  	[sflag:s24] =	ssyncset.done $0x0  }
0x1c: {  	s26 =	simm.s32 $0x1B8E;
	s25 =	sld [smem:$0x3FFE];
	[sflag:s24] =	ssyncadd.s32 $0xFFFFFFFF  }
0x1d: {  	s27 =	simm.s32 $execute0_lowered;
	[smem:$0x3FD2] =	sst s26  }
0x1e: {  	s4 =	sshll.u32 s27, $0x1;
	_ =	strace $0x80000046;
	[dreg:$0x1] =	wrdreg $0xFFFFFFFF  }
0x1f: {  	s28 =	simm.s32 $_size_execute0_lowered;
	s1 =	sadd.s32 s1, s4;
	[dreg:$0x0] =	wrdreg $0x0  }
0x20: {  	s4 =	sshll.u32 s28, $0x1;
	[dreg:$0x2] =	wrdreg s1  }
0x21: {  	[dreg:$0x3] =	wrdreg s4  }
0x22: {  	[dreg:$0x4] =	wrdreg $0xC0  }
0x23: {  	_ =	task [dreg:s6], $0x5FFFF  }
0x24: {  	[dreg:$0x1] =	wrdreg $0xFFFFFFFF  }
0x25: {  	[dreg:$0x0] =	wrdreg $0x60  }
0x26: {  	[dreg:$0x2] =	wrdreg s25  }
0x27: {  	[dreg:$0x3] =	wrdreg $0xA  }
0x28: {  	_ =	task.clear_ibuf [dreg:s6], $0x4FFFF;
	_ =	strace $0x90000046  }
0x29: {  	s29 =	simm.s32 $0xA;
	_ =	strace $0x80000048  }
0x2a: {  	_ =	swait.ge [sflag:s29], $0x1  }
0x2b: {  	[sflag:s29] =	ssyncadd.s32 $0xFFFFFFFF  }
0x2c: {  	_ =	strace $0x90000048  }
0x2d: {  	_ =	sfence  }
0x2e: {  	s30 =	sld [smem:$0x0];
	_ =	sdelay $0x2  }
0x2f: {  	s31 =	sshll.u32 s3, $0xD;
	s3 =	sshrl.u32 s3, $0x2  }
0x30: {  	s2 =	sand.u32 $0x4000, s31;
	s1 =	sadd.s32 s3, s30  }
0x31: {  	s0 =	sor.u32 s2, s0;
	s1 =	sshll.u32 s1, $0x11  }
0x32: {  	s0 =	sor.u32 s1, s0  }
0x33: {  	s0 =	sadd.s32 $0x8F2B, s0  }
0x34: {  	[sflag:s0] =	ssyncadd.remote.s32 $0x1  }
0x35: {  	_ =	sfence.sel $0xFFFF  }
0x36: {  	[dreg:$0x0] =	wrdreg $0xFFFFFFFF;
	(pc) =	sbr.abs _section_cstart, $3  }
0x37: {  	[dreg:$0x1] =	wrdreg $0xFFFFFFFF  }
0x38: {  	_ =	task.clear_ibuf [dreg:s6], $0x2FFFF;
	_ =	strace $0x9FFFFFFF  }
0x39: {  	(tm) =	ssettm $0x7FFFFFFF  }
tec
execute0_lowered:
.L_overlay_start_1:
0x0: {  	(tag) =	ssettag $0x1  }
0x1: {  	s0 =	srdreg.scid  }
0x2: {  	s1 =	sshll.u32 s0, $0x4  }
0x3: {  	s4 =	rddreg [dreg:$0x0];
	s0 =	stileid.u32;
	s1 =	sand.u32 $0x10, s1  }
0x4: {  	s7 =	simm.s32 $0x1;
	s8 =	simm.s32 $0x2;
	s1 =	sor.u32 s0, s1  }
0x5: {  	s9 =	simm.s32 $0x0;
	s12 =	simm.s32 $0x0;
	s2 =	sshll.u32 s1, $0x2  }
0x6: {  	s11 =	simm.s32 $0x0;
	s3 =	sadd.s32 $0x1200, s4;
	s6 =	ssub.s32 $0xC00, s2  }
.Ltmp0:
0x7: {  	s4 =	sadd.s32 $0x181800, s4;
	s5 =	sand.u32 $0x7C, s6;
	(pc) =	sbr.rel .LBB1_1-.Ltmp0, $4  }
0x8: {  	s1 =	rddreg [dreg:$0x1];
	_ =	strace $0x80000047;
	p0 =	sne.s32 s5, $0x0  }
0x9: {  	s6 =	sshrl.u32 s6, $0x7;
	s5 =	simm.s32 $0x1;
	s7 =	simm.s32 @!p0 $0x0  }
0xa: {  	s10 =	smov.u32 s2;
	[sflag:s5] =	ssyncpa.u1 $0x0;
	s6 =	sadd.s32 s7, s6  }
0xb: {  	[sflag:s8] =	ssyncpa.u1 $0x0;
	s8 =	simm.s32 $0x0;
	s7 =	sadd.s32 $0x1, s6  }
.LBB1_9:
0xc: {  	s14 =	sadd.s32 $0x80, s10  }
0xd: {  	p1 =	sgt.s32 s14, $0xBFF  }
0xe: {  	s14 =	smov.u32 @p1 s2;
	p1 =	sne.s32 s11, s7  }
.Ltmp1:
0xf: {  	p0 =	slt.u32 s11, $0x2;
	(pc) =	sbr.rel @!p1 .LBB1_10-.Ltmp1, $4  }
0x10: {  	s13 =	simm.s32 @!p0 $0x2  }
0x11: {  	s15 =	sadd.s32 $0x1, s11;
	_ =	swait.ge @!p0 [sflag:s13], $0x4000  }
0x12: {  	s12 =	smov.u32 s10;
	s9 =	sadd.s32 $0x4000, s9;
	[sflag:s13] =	ssyncset.done @!p0 $0x0  }
0x13: {  	s11 =	smov.u32 s15;
	s10 =	smov.u32 s14;
	[sflag:s13] =	ssyncadd.s32 @!p0 $0xFFFFC000  }
.LBB1_1:
0x14: {  	p0 =	sge.u32 s11, s6  }
0x15: {  	s13 =	sxor.u32 @!p0 $0xFFFFFFFF, s11  }
0x16: {  	s31 =	sadd.s32 $0xFFFFFFFF, s11;
	s14 =	sshll.u32 @!p0 s10, $0x9;
	s13 =	sshll.u32 @!p0 s13, $0xE  }
0x17: {  	s15 =	simm.s32 @!p0 $0x0;
	s14 =	sadd.s32 @!p0 s3, s14;
	s13 =	sand.u32 @!p0 $0x4000, s13  }
0x18: {  	[tilespmem:s13], [sflag:$0x1] =	stream.linear.gather @!p0 [hbm4b:s14+s15], $0x4000, $0x38;
	[tilespmem:$0x10000] =	vst v63  }
0x19: {  	p0 =	sge.u32 s31, s6  }
.Ltmp2:
0x1a: {  	_ = 	snop;
	(pc) =	sbr.rel @p0 .LBB1_9-.Ltmp2, $1  }
0x1b: {  	_ =	sdelay $0x3  }
0x1c: {  	s14 =	sand.u32 $0x4000, s9  }
0x1d: {  	_ =	swait.ge [sflag:s5], $0x4000;
	s15 =	sshll.u32 s11, $0xE;
	s16 =	simm.s32 $0x0  }
0x1e: {  	s13 =	sor.u32 $0x40, s14;
	[sflag:s5] =	ssyncset.done $0x0;
	s15 =	sand.u32 $0x4000, s15  }
0x1f: {  	s14 =	sor.u32 $0x8040, s14;
	[sflag:s5] =	ssyncadd.s32 $0xFFFFC000;
	s15 =	sor.u32 $0x8000, s15  }
.LBB1_3:
0x20: {  	s17 =	smov.u32 s14;
	s18 =	smov.u32 s13;
	s19 =	simm.s32 $0x0  }
.LBB1_4:
0x21: {  	v0 =	vmov s17;
	v2 =	vld [tilespmem:s18+$0x30]  }
0x22: {  	v4 =	vld [tilespmem:s18+$0xFFFFFFD0]  }
0x23: {  	v6 =	vld [tilespmem:s18+$0xFFFFFFE0]  }
0x24: {  	v7 =	vld [tilespmem:s18+$0xFFFFFFF0]  }
0x25: {  	s20 =	simm.s32 $0x0;
	v1 =	vld [tilespmem:s18+$0x0]  }
0x26: {  	v3 =	vld [tilespmem:s18+$0x10];
	[tilespmem:v0+s20+$0x30 ss:$0x1] =	vst.idx.msk $0xffff, v2  }
0x27: {  	v5 =	vld [tilespmem:s18+$0x20];
	[tilespmem:v0+s20+$0xFFFFFFD0 ss:$0x1] =	vst.idx.msk $0xffff, v4  }
0x28: {  	s21 =	sadd.s32 $0x80, s18;
	v2 =	vld [tilespmem:s18+$0xFFFFFFC0];
	[tilespmem:v0+s20+$0xFFFFFFE0 ss:$0x1] =	vst.idx.msk $0xffff, v6  }
0x29: {  	s22 =	simm.s32 $0x800;
	s23 =	simm.s32 $0x1000;
	v4 =	vld [tilespmem:s21+$0x30];
	[tilespmem:v0+s20+$0xFFFFFFF0 ss:$0x1] =	vst.idx.msk $0xffff, v7  }
.LBB1_5:
0x2a: {  	p0 =	sne.s32 s23, $0x3800;
	v6 =	vld [tilespmem:s21+$0xFFFFFFD0];
	[tilespmem:v0+s20+$0x0 ss:$0x1] =	vst.idx.msk $0xffff, v1  }
0x2b: {  	v7 =	vld [tilespmem:s21+$0xFFFFFFE0];
	[tilespmem:v0+s20+$0x10 ss:$0x1] =	vst.idx.msk $0xffff, v3  }
0x2c: {  	v8 =	vld [tilespmem:s21+$0xFFFFFFF0];
	[tilespmem:v0+s20+$0x20 ss:$0x1] =	vst.idx.msk $0xffff, v5  }
.Ltmp3:
0x2d: {  	v1 =	vld [tilespmem:s21+$0x0];
	[tilespmem:v0+s20+$0xFFFFFFC0 ss:$0x1] =	vst.idx.msk $0xffff, v2;
	s20 =	sshra.s32 s22, $0x2;
	s22 =	smov.u32 s23;
	(pc) =	sbr.rel @p0 .LBB1_5-.Ltmp3, $4  }
0x2e: {  	v3 =	vld [tilespmem:s21+$0x10];
	[tilespmem:v0+s20+$0x30 ss:$0x1] =	vst.idx.msk $0xffff, v4  }
0x2f: {  	[tilespmem:v0+s20+$0xFFFFFFD0 ss:$0x1] =	vst.idx.msk $0xffff, v6;
	v5 =	vld [tilespmem:s21+$0x20]  }
0x30: {  	v2 =	vld [tilespmem:s21+$0xFFFFFFC0];
	[tilespmem:v0+s20+$0xFFFFFFE0 ss:$0x1] =	vst.idx.msk $0xffff, v7;
	s21 =	sadd.s32 $0x80, s21  }
0x31: {  	s23 =	sadd.s32 $0x800, s23;
	v4 =	vld [tilespmem:s21+$0x30];
	[tilespmem:v0+s20+$0xFFFFFFF0 ss:$0x1] =	vst.idx.msk $0xffff, v8  }
0x32: {  	_ =	sdelay $0x3  }
0x33: {  	v6 =	vld [tilespmem:s21+$0xFFFFFFD0];
	[tilespmem:v0+s20+$0x0 ss:$0x1] =	vst.idx.msk $0xffff, v1  }
0x34: {  	v58 =	vld [tilespmem:s21+$0xFFFFFFE0];
	[tilespmem:v0+s20+$0x10 ss:$0x1] =	vst.idx.msk $0xffff, v3  }
0x35: {  	v59 =	vld [tilespmem:s21+$0xFFFFFFF0];
	[tilespmem:v0+s20+$0x20 ss:$0x1] =	vst.idx.msk $0xffff, v5  }
0x36: {  	s22 =	sshra.s32 s22, $0x2;
	v60 =	vld [tilespmem:s21+$0x0];
	[tilespmem:v0+s20+$0xFFFFFFC0 ss:$0x1] =	vst.idx.msk $0xffff, v2  }
0x37: {  	v61 =	vld [tilespmem:s21+$0x10];
	[tilespmem:v0+s22+$0x30 ss:$0x1] =	vst.idx.msk $0xffff, v4  }
0x38: {  	v62 =	vld [tilespmem:s21+$0x20];
	s19 =	sadd.s32 $0x1, s19;
	[tilespmem:v0+s22+$0xFFFFFFD0 ss:$0x1] =	vst.idx.msk $0xffff, v6  }
0x39: {  	v63 =	vld [tilespmem:s21+$0xFFFFFFC0];
	p0 =	sne.s32 s19, $0x4;
	[tilespmem:v0+s22+$0xFFFFFFE0 ss:$0x1] =	vst.idx.msk $0xffff, v58  }
.Ltmp4:
0x3a: {  	[tilespmem:v0+s22+$0xFFFFFFF0 ss:$0x1] =	vst.idx.msk $0xffff, v59;
	(pc) =	sbr.rel @p0 .LBB1_4-.Ltmp4, $4  }
0x3b: {  	[tilespmem:v0+s22+$0x0 ss:$0x1] =	vst.idx.msk $0xffff, v60  }
0x3c: {  	[tilespmem:v0+s22+$0x10 ss:$0x1] =	vst.idx.msk $0xffff, v61  }
0x3d: {  	[tilespmem:v0+s22+$0x20 ss:$0x1] =	vst.idx.msk $0xffff, v62  }
0x3e: {  	s18 =	sadd.s32 $0x400, s18;
	s17 =	sadd.s32 $0x80, s17;
	[tilespmem:v0+s22+$0xFFFFFFC0 ss:$0x1] =	vst.idx.msk $0xffff, v63  }
0x3f: {  	s16 =	sadd.s32 $0x1, s16  }
0x40: {  	p0 =	sne.s32 s16, $0x4  }
.Ltmp5:
0x41: {  	_ = 	snop;
	(pc) =	sbr.rel @p0 .LBB1_3-.Ltmp5, $2  }
0x42: {  	_ =	sdelay $0x2  }
0x43: {  	s13 =	sadd.s32 $0x1000, s13;
	s14 =	sadd.s32 $0x1000, s14  }
.Ltmp6:
0x44: {  	(pc) =	sbr.rel .LBB1_9-.Ltmp6, $4  }
0x45: {  	_ = 	snop  }
0x46: {  	s12 =	sshll.u32 s12, $0x9  }
0x47: {  	s12 =	sadd.s32 s4, s12  }
0x48: {  	[hbm4b:s12+s8] =	stream.linear.scatter [tilespmem:s15], [sflag:$0x2], $0x4000, $0x38;
	[tilespmem:$0x10000] =	vst v63  }
.LBB1_10:
0x49: {  	_ =	sfence.sel $0x180000  }
0x4a: {  	s2 =	simm.s32 $0x1;
	[bflag:$0x0] =	sbarrier.arrive $0xFFFF  }
0x4b: {  	s31 =	simm.s32 $0x2;
	[sflag:s2] =	ssyncpa.u1 $0x1  }
0x4c: {  	[sflag:s31] =	ssyncpa.u1 $0x1  }
0x4d: {  	p0 =	sne.s32 s0, $0x0;
	_ =	strace $0x90000047  }
0x4e: {  	s0 =	sadd.s32 @!p0 $0x100000, s1;
	[bflag:$0x2] =	sbarrier.arrive $0xFFFF  }
0x4f: {  	[sflag:s0] =	ssyncadd.tile.s32 @!p0 $0x1;
	_ =	shalt  }
.Lfunc_end1:
_tile_overlayer_lowered:
.L_overlay_start_2:
0x50: {  	(tag) =	ssettag $0x2  }
0x51: {  	s0 =	rddreg [dreg:$0x0];
	s2 =	stileid.u32  }
0x52: {  	s1 =	rddreg [dreg:$0x1];
	p0 =	sne.s32 s2, $0x0  }
0x53: {  	s3 =	rddreg [dreg:$0x2];
	[bflag:$0x3] =	sbarrier.arrive $0xFFFF;
	s2 =	simm.s32 @!p0 $0x1C01  }
0x54: {  	[timem:s3], [sflag:s2] =	dma.local @!p0 [hbm:s0], s1  }
0x55: {  	s0 =	simm.s32 @!p0 $0x1  }
0x56: {  	_ =	swait.ge @!p0 [sflag:s0], s1  }
0x57: {  	s1 =	ssub.s32 @!p0 $0x0, s1;
	[sflag:s0] =	ssyncset.done @!p0 $0x0  }
0x58: {  	[sflag:s0] =	ssyncadd.s32 @!p0 s1  }
0x59: {  	[bflag:$0x3] =	sbarrier.arrive $0xFFFF  }
0x5a: {  	_ =	shalt  }

// kernel: sparse-core-data-format-call.cloned.1.call-start
scs
called_computation_lowered:
.L_overlay_start_0:
0x0: {  	s2 =	sld [smem:$0x3FD9]  }
0x1: {  	s3 =	sld [smem:$0x3FFE];
	_ =	sdelay $0x1  }
0x2: {  	s1 =	srdreg.scid  }
0x3: {  	s0 =	sand.u32 $0x1, s1  }
0x4: {  	s18 =	sshll.u32 s0, $0xA;
	s2 =	sadd.s32 s3, s2  }
0x5: {  	s2 =	sadd.s32 s2, s18  }
0x6: {  	[smem:$0x3FC7] =	sst s2  }
0x7: {  	_ = 	snop  }
0x8: {  	s19 =	sld [smem:$0x3FD0];
	(tm) =	ssettm $0x1  }
0x9: {  	s20 =	sld [smem:$0x3FFB];
	_ =	sdelay $0x3  }
0xa: {  	_ =	strace s20  }
0xb: {  	s2 =	sld [smem:$0x3FFC];
	_ =	sdelay $0x3  }
0xc: {  	_ =	strace s2  }
0xd: {  	s2 =	sld [smem:$0x3FFD];
	_ =	sdelay $0x3  }
0xe: {  	_ =	strace s2  }
0xf: {  	_ =	strace $0x8FFFFFFF  }
0x10: {  	s21 =	sld [smem:$0x3FDB];
	_ =	sdelay $0x1  }
0x11: {  	s4 =	simm.s32 $_scs_section_size  }
0x12: {  	s5 =	simm.s32 $_size__tile_overlayer_lowered;
	s6 =	simm.s32 $_tile_overlayer_lowered  }
0x13: {  	s7 =	simm.s32 $0x1BFF;
	s22 =	sshll.u32 s6, $0x1;
	s4 =	sadd.s32 s4, s21  }
0x14: {  	s23 =	simm.s32 $0x0;
	s5 =	sshll.u32 s5, $0x1;
	s6 =	sadd.s32 s22, s4  }
0x15: {  	[timem:s23], [sflag:s7] =	dma.local [hbm:s6], s5  }
0x16: {  	_ =	swait.ge [sflag:s7], s5  }
0x17: {  	s5 =	ssub.s32 $0x0, s5;
	[sflag:s7] =	ssyncset.done $0x0  }
0x18: {  	[sflag:s7] =	ssyncadd.s32 s5;
	_ =	sdelay $0x1  }
0x19: {  	s24 =	simm.s32 $0x1B8B  }
0x1a: {  	_ =	swait.ge [sflag:s24], $0x1  }
0x1b: {  	[sflag:s24] =	ssyncset.done $0x0  }
0x1c: {  	[sflag:s24] =	ssyncadd.s32 $0xFFFFFFFF  }
0x1d: {  	s5 =	sld [smem:$0x0]  }
0x1e: {  	s6 =	sand.u32 $0xFFFFFFFE, s1  }
0x1f: {  	p0 =	sne.s32 s1, s6  }
0x20: {  	s6 =	sshll.u32 @p0 s6, $0xE  }
0x21: {  	s6 =	sadd.s32 @p0 $0x11B8D, s6;
	s7 =	sshll.u32 @p0 s5, $0x11  }
0x22: {  	s6 =	sor.u32 @p0 s7, s6  }
0x23: {  	[sflag:s6] =	ssyncadd.remote.s32 @p0 $0x1;
	_ =	sdelay $0x1  }
0x24: {  	s6 =	simm.s32 @p0 $0x1B8D  }
0x25: {  	_ =	swait.eq @p0 [sflag:s6], $0x1  }
0x26: {  	[sflag:s6] =	ssyncadd.s32 @p0 $0xFFFFFFFF  }
0x27: {  	s7 =	sshll.u32 @!p0 s1, $0xE  }
0x28: {  	s7 =	sor.u32 @!p0 $0x4000, s7;
	s6 =	simm.s32 @!p0 $0x1B8D  }
0x29: {  	s5 =	sshll.u32 @!p0 s5, $0x11;
	s7 =	sadd.s32 @!p0 $0x11B8D, s7;
	_ =	swait.eq @!p0 [sflag:s6], $0x1  }
0x2a: {  	s5 =	sor.u32 @!p0 s5, s7;
	[sflag:s6] =	ssyncadd.s32 @!p0 $0xFFFFFFFF  }
0x2b: {  	s26 =	simm.s32 $0x1B8E;
	s25 =	sld [smem:$0x3FFE];
	[sflag:s5] =	ssyncadd.remote.s32 @!p0 $0x1  }
0x2c: {  	s27 =	simm.s32 $execute0_lowered;
	[smem:$0x3FD2] =	sst s26  }
0x2d: {  	s6 =	sshll.u32 s27, $0x1;
	_ =	strace $0x80000049;
	[dreg:$0x1] =	wrdreg $0xFFFFFFFF  }
0x2e: {  	s28 =	simm.s32 $_size_execute0_lowered;
	s4 =	sadd.s32 s4, s6;
	[dreg:$0x0] =	wrdreg $0x0  }
0x2f: {  	s6 =	sshll.u32 s28, $0x1;
	[dreg:$0x2] =	wrdreg s4  }
0x30: {  	[dreg:$0x3] =	wrdreg s6  }
0x31: {  	[dreg:$0x4] =	wrdreg $0xC0  }
0x32: {  	_ =	task [dreg:s23], $0x5FFFF  }
0x33: {  	[dreg:$0x1] =	wrdreg $0xFFFFFFFF  }
0x34: {  	[dreg:$0x0] =	wrdreg $0x60  }
0x35: {  	[dreg:$0x2] =	wrdreg s19  }
0x36: {  	[dreg:$0x3] =	wrdreg s25  }
0x37: {  	[dreg:$0x4] =	wrdreg $0x9  }
0x38: {  	_ =	task.clear_ibuf [dreg:s23], $0x5FFFF;
	_ =	strace $0x90000049  }
0x39: {  	s29 =	simm.s32 $0x9;
	_ =	strace $0x8000004B  }
0x3a: {  	_ =	swait.ge [sflag:s29], $0x1  }
0x3b: {  	[sflag:s29] =	ssyncadd.s32 $0xFFFFFFFF  }
0x3c: {  	_ =	strace $0x9000004B  }
0x3d: {  	_ =	sfence  }
0x3e: {  	s30 =	sld [smem:$0x0];
	_ =	sdelay $0x2  }
0x3f: {  	s31 =	sshll.u32 s1, $0xD;
	s1 =	sshrl.u32 s1, $0x2  }
0x40: {  	s4 =	sand.u32 $0x4000, s31;
	s1 =	sadd.s32 s1, s30  }
0x41: {  	s0 =	sor.u32 s4, s0;
	s1 =	sshll.u32 s1, $0x11  }
0x42: {  	s0 =	sor.u32 s1, s0  }
0x43: {  	s0 =	sadd.s32 $0x8F2B, s0  }
0x44: {  	[sflag:s0] =	ssyncadd.remote.s32 $0x1  }
0x45: {  	_ =	sfence.sel $0xFFFF  }
0x46: {  	[dreg:$0x0] =	wrdreg $0xFFFFFFFF;
	(pc) =	sbr.abs _section_cstart, $3  }
0x47: {  	[dreg:$0x1] =	wrdreg $0xFFFFFFFF  }
0x48: {  	_ =	task.clear_ibuf [dreg:s23], $0x2FFFF;
	_ =	strace $0x9FFFFFFF  }
0x49: {  	(tm) =	ssettm $0x7FFFFFFF  }
tec
execute0_lowered:
.L_overlay_start_1:
0x0: {  	(tag) =	ssettag $0x1  }
0x1: {  	s0 =	srdreg.scid  }
0x2: {  	s1 =	sshll.u32 s0, $0x4  }
0x3: {  	s2 =	rddreg [dreg:$0x0];
	s0 =	stileid.u32;
	s1 =	sand.u32 $0x10, s1  }
0x4: {  	s4 =	rddreg [dreg:$0x1];
	s7 =	simm.s32 $0x1;
	s1 =	sor.u32 s0, s1  }
0x5: {  	s8 =	simm.s32 $0x2;
	s9 =	simm.s32 $0x0;
	s3 =	sshll.u32 s1, $0x2  }
0x6: {  	s12 =	simm.s32 $0x0;
	s11 =	simm.s32 $0x0;
	s6 =	ssub.s32 $0x1800, s3  }
.Ltmp0:
0x7: {  	s4 =	sadd.s32 $0x301800, s4;
	s5 =	sand.u32 $0x7C, s6;
	(pc) =	sbr.rel .LBB1_1-.Ltmp0, $4  }
0x8: {  	s1 =	rddreg [dreg:$0x2];
	_ =	strace $0x8000004A;
	p0 =	sne.s32 s5, $0x0  }
0x9: {  	s6 =	sshrl.u32 s6, $0x7;
	s5 =	simm.s32 $0x1;
	s7 =	simm.s32 @!p0 $0x0  }
0xa: {  	s10 =	smov.u32 s3;
	[sflag:s5] =	ssyncpa.u1 $0x0;
	s6 =	sadd.s32 s7, s6  }
0xb: {  	[sflag:s8] =	ssyncpa.u1 $0x0;
	s8 =	simm.s32 $0x0;
	s7 =	sadd.s32 $0x1, s6  }
.LBB1_9:
0xc: {  	s14 =	sadd.s32 $0x80, s10  }
0xd: {  	p1 =	sgt.s32 s14, $0x17FF  }
0xe: {  	s14 =	smov.u32 @p1 s3;
	p1 =	sne.s32 s11, s7  }
.Ltmp1:
0xf: {  	p0 =	slt.u32 s11, $0x2;
	(pc) =	sbr.rel @!p1 .LBB1_10-.Ltmp1, $4  }
0x10: {  	s13 =	simm.s32 @!p0 $0x2  }
0x11: {  	s15 =	sadd.s32 $0x1, s11;
	_ =	swait.ge @!p0 [sflag:s13], $0x4000  }
0x12: {  	s12 =	smov.u32 s10;
	s9 =	sadd.s32 $0x4000, s9;
	[sflag:s13] =	ssyncset.done @!p0 $0x0  }
0x13: {  	s11 =	smov.u32 s15;
	s10 =	smov.u32 s14;
	[sflag:s13] =	ssyncadd.s32 @!p0 $0xFFFFC000  }
.LBB1_1:
0x14: {  	p0 =	sge.u32 s11, s6  }
0x15: {  	s13 =	sxor.u32 @!p0 $0xFFFFFFFF, s11  }
0x16: {  	s31 =	sadd.s32 $0xFFFFFFFF, s11;
	s14 =	sshll.u32 @!p0 s10, $0x9;
	s13 =	sshll.u32 @!p0 s13, $0xE  }
0x17: {  	s15 =	simm.s32 @!p0 $0x0;
	s14 =	sadd.s32 @!p0 s2, s14;
	s13 =	sand.u32 @!p0 $0x4000, s13  }
0x18: {  	[tilespmem:s13], [sflag:$0x1] =	stream.linear.gather @!p0 [hbm4b:s14+s15], $0x4000, $0x38;
	[tilespmem:$0x10000] =	vst v63  }
0x19: {  	p0 =	sge.u32 s31, s6  }
.Ltmp2:
0x1a: {  	_ = 	snop;
	(pc) =	sbr.rel @p0 .LBB1_9-.Ltmp2, $1  }
0x1b: {  	_ =	sdelay $0x3  }
0x1c: {  	s14 =	sand.u32 $0x4000, s9  }
0x1d: {  	_ =	swait.ge [sflag:s5], $0x4000;
	s15 =	sshll.u32 s11, $0xE;
	s16 =	simm.s32 $0x0  }
0x1e: {  	s13 =	sor.u32 $0x40, s14;
	[sflag:s5] =	ssyncset.done $0x0;
	s15 =	sand.u32 $0x4000, s15  }
0x1f: {  	s14 =	sor.u32 $0x8040, s14;
	[sflag:s5] =	ssyncadd.s32 $0xFFFFC000;
	s15 =	sor.u32 $0x8000, s15  }
.LBB1_3:
0x20: {  	s17 =	smov.u32 s14;
	s18 =	smov.u32 s13;
	s19 =	simm.s32 $0x0  }
.LBB1_4:
0x21: {  	v0 =	vmov s17;
	v2 =	vld [tilespmem:s18+$0x30]  }
0x22: {  	v4 =	vld [tilespmem:s18+$0xFFFFFFD0]  }
0x23: {  	v6 =	vld [tilespmem:s18+$0xFFFFFFE0]  }
0x24: {  	v7 =	vld [tilespmem:s18+$0xFFFFFFF0]  }
0x25: {  	s20 =	simm.s32 $0x0;
	v1 =	vld [tilespmem:s18+$0x0]  }
0x26: {  	v3 =	vld [tilespmem:s18+$0x10];
	[tilespmem:v0+s20+$0x30 ss:$0x1] =	vst.idx.msk $0xffff, v2  }
0x27: {  	v5 =	vld [tilespmem:s18+$0x20];
	[tilespmem:v0+s20+$0xFFFFFFD0 ss:$0x1] =	vst.idx.msk $0xffff, v4  }
0x28: {  	s21 =	sadd.s32 $0x80, s18;
	v2 =	vld [tilespmem:s18+$0xFFFFFFC0];
	[tilespmem:v0+s20+$0xFFFFFFE0 ss:$0x1] =	vst.idx.msk $0xffff, v6  }
0x29: {  	s22 =	simm.s32 $0x800;
	s23 =	simm.s32 $0x1000;
	v4 =	vld [tilespmem:s21+$0x30];
	[tilespmem:v0+s20+$0xFFFFFFF0 ss:$0x1] =	vst.idx.msk $0xffff, v7  }
.LBB1_5:
0x2a: {  	p0 =	sne.s32 s23, $0x3800;
	v6 =	vld [tilespmem:s21+$0xFFFFFFD0];
	[tilespmem:v0+s20+$0x0 ss:$0x1] =	vst.idx.msk $0xffff, v1  }
0x2b: {  	v7 =	vld [tilespmem:s21+$0xFFFFFFE0];
	[tilespmem:v0+s20+$0x10 ss:$0x1] =	vst.idx.msk $0xffff, v3  }
0x2c: {  	v8 =	vld [tilespmem:s21+$0xFFFFFFF0];
	[tilespmem:v0+s20+$0x20 ss:$0x1] =	vst.idx.msk $0xffff, v5  }
.Ltmp3:
0x2d: {  	v1 =	vld [tilespmem:s21+$0x0];
	[tilespmem:v0+s20+$0xFFFFFFC0 ss:$0x1] =	vst.idx.msk $0xffff, v2;
	s20 =	sshra.s32 s22, $0x2;
	s22 =	smov.u32 s23;
	(pc) =	sbr.rel @p0 .LBB1_5-.Ltmp3, $4  }
0x2e: {  	v3 =	vld [tilespmem:s21+$0x10];
	[tilespmem:v0+s20+$0x30 ss:$0x1] =	vst.idx.msk $0xffff, v4  }
0x2f: {  	[tilespmem:v0+s20+$0xFFFFFFD0 ss:$0x1] =	vst.idx.msk $0xffff, v6;
	v5 =	vld [tilespmem:s21+$0x20]  }
0x30: {  	v2 =	vld [tilespmem:s21+$0xFFFFFFC0];
	[tilespmem:v0+s20+$0xFFFFFFE0 ss:$0x1] =	vst.idx.msk $0xffff, v7;
	s21 =	sadd.s32 $0x80, s21  }
0x31: {  	s23 =	sadd.s32 $0x800, s23;
	v4 =	vld [tilespmem:s21+$0x30];
	[tilespmem:v0+s20+$0xFFFFFFF0 ss:$0x1] =	vst.idx.msk $0xffff, v8  }
0x32: {  	_ =	sdelay $0x3  }
0x33: {  	v6 =	vld [tilespmem:s21+$0xFFFFFFD0];
	[tilespmem:v0+s20+$0x0 ss:$0x1] =	vst.idx.msk $0xffff, v1  }
0x34: {  	v58 =	vld [tilespmem:s21+$0xFFFFFFE0];
	[tilespmem:v0+s20+$0x10 ss:$0x1] =	vst.idx.msk $0xffff, v3  }
0x35: {  	v59 =	vld [tilespmem:s21+$0xFFFFFFF0];
	[tilespmem:v0+s20+$0x20 ss:$0x1] =	vst.idx.msk $0xffff, v5  }
0x36: {  	s22 =	sshra.s32 s22, $0x2;
	v60 =	vld [tilespmem:s21+$0x0];
	[tilespmem:v0+s20+$0xFFFFFFC0 ss:$0x1] =	vst.idx.msk $0xffff, v2  }
0x37: {  	v61 =	vld [tilespmem:s21+$0x10];
	[tilespmem:v0+s22+$0x30 ss:$0x1] =	vst.idx.msk $0xffff, v4  }
0x38: {  	v62 =	vld [tilespmem:s21+$0x20];
	s19 =	sadd.s32 $0x1, s19;
	[tilespmem:v0+s22+$0xFFFFFFD0 ss:$0x1] =	vst.idx.msk $0xffff, v6  }
0x39: {  	v63 =	vld [tilespmem:s21+$0xFFFFFFC0];
	p0 =	sne.s32 s19, $0x4;
	[tilespmem:v0+s22+$0xFFFFFFE0 ss:$0x1] =	vst.idx.msk $0xffff, v58  }
.Ltmp4:
0x3a: {  	[tilespmem:v0+s22+$0xFFFFFFF0 ss:$0x1] =	vst.idx.msk $0xffff, v59;
	(pc) =	sbr.rel @p0 .LBB1_4-.Ltmp4, $4  }
0x3b: {  	[tilespmem:v0+s22+$0x0 ss:$0x1] =	vst.idx.msk $0xffff, v60  }
0x3c: {  	[tilespmem:v0+s22+$0x10 ss:$0x1] =	vst.idx.msk $0xffff, v61  }
0x3d: {  	[tilespmem:v0+s22+$0x20 ss:$0x1] =	vst.idx.msk $0xffff, v62  }
0x3e: {  	s18 =	sadd.s32 $0x400, s18;
	s17 =	sadd.s32 $0x80, s17;
	[tilespmem:v0+s22+$0xFFFFFFC0 ss:$0x1] =	vst.idx.msk $0xffff, v63  }
0x3f: {  	s16 =	sadd.s32 $0x1, s16  }
0x40: {  	p0 =	sne.s32 s16, $0x4  }
.Ltmp5:
0x41: {  	_ = 	snop;
	(pc) =	sbr.rel @p0 .LBB1_3-.Ltmp5, $2  }
0x42: {  	_ =	sdelay $0x2  }
0x43: {  	s13 =	sadd.s32 $0x1000, s13;
	s14 =	sadd.s32 $0x1000, s14  }
.Ltmp6:
0x44: {  	(pc) =	sbr.rel .LBB1_9-.Ltmp6, $4  }
0x45: {  	_ = 	snop  }
0x46: {  	s12 =	sshll.u32 s12, $0x9  }
0x47: {  	s12 =	sadd.s32 s4, s12  }
0x48: {  	[hbm4b:s12+s8] =	stream.linear.scatter [tilespmem:s15], [sflag:$0x2], $0x4000, $0x38;
	[tilespmem:$0x10000] =	vst v63  }
.LBB1_10:
0x49: {  	_ =	sfence.sel $0x180000  }
0x4a: {  	s2 =	simm.s32 $0x1;
	[bflag:$0x0] =	sbarrier.arrive $0xFFFF  }
0x4b: {  	s31 =	simm.s32 $0x2;
	[sflag:s2] =	ssyncpa.u1 $0x1  }
0x4c: {  	[sflag:s31] =	ssyncpa.u1 $0x1  }
0x4d: {  	p0 =	sne.s32 s0, $0x0;
	_ =	strace $0x9000004A  }
0x4e: {  	s0 =	sadd.s32 @!p0 $0x100000, s1;
	[bflag:$0x2] =	sbarrier.arrive $0xFFFF  }
0x4f: {  	[sflag:s0] =	ssyncadd.tile.s32 @!p0 $0x1;
	_ =	shalt  }
.Lfunc_end1:
_tile_overlayer_lowered:
.L_overlay_start_2:
0x50: {  	(tag) =	ssettag $0x2  }
0x51: {  	s0 =	rddreg [dreg:$0x0];
	s2 =	stileid.u32  }
0x52: {  	s1 =	rddreg [dreg:$0x1];
	p0 =	sne.s32 s2, $0x0  }
0x53: {  	s3 =	rddreg [dreg:$0x2];
	[bflag:$0x3] =	sbarrier.arrive $0xFFFF;
	s2 =	simm.s32 @!p0 $0x1C01  }
0x54: {  	[timem:s3], [sflag:s2] =	dma.local @!p0 [hbm:s0], s1  }
0x55: {  	s0 =	simm.s32 @!p0 $0x1  }
0x56: {  	_ =	swait.ge @!p0 [sflag:s0], s1  }
0x57: {  	s1 =	ssub.s32 @!p0 $0x0, s1;
	[sflag:s0] =	ssyncset.done @!p0 $0x0  }
0x58: {  	[sflag:s0] =	ssyncadd.s32 @!p0 s1  }
0x59: {  	[bflag:$0x3] =	sbarrier.arrive $0xFFFF  }
0x5a: {  	_ =	shalt  }

</sc_bundles>
